<compile_context>
chip_gen: v7x
topology: tpu7x:2x2x1
jax: 0.10.2.dev20260603
libtpu: 0.0.44.dev20260713+nightly
codegen_flags: <defaults>
</compile_context>

<pallas_src>
import functools

import jax
import jax.numpy as jnp
from jax import lax
from jax.experimental import pallas as pl
from jax.experimental.pallas import tpu as pltpu
from jax.experimental.pallas import tpu_sc as plsc

N = 10000
E = 320000
D = 128
H = 64

B_N = 1000

NC = 2
NS = 16
E1 = 163840
E2 = E - E1
KB = 80
KD = 160
B_E = 2560
RPT = 632
RPT_LAST = N - 15 * RPT

_f32 = jnp.float32


def _stage_a_body(x_ref, pos_ref, win_ref, bin_ref, wlin_ref, wsrc_ref,
                  wdst_ref, wa1_ref, drec_ref, srec_ref):
    x = x_ref[...]
    h = jnp.maximum(jnp.dot(x, win_ref[...].T, preferred_element_type=_f32)
                    + bin_ref[...], 0.0)
    wda = jnp.dot(wa1_ref[...], wdst_ref[...], preferred_element_type=_f32)
    wsa = jnp.dot(wa1_ref[...], wsrc_ref[...], preferred_element_type=_f32)
    p = jnp.dot(h, wda.T, preferred_element_type=_f32)
    q = jnp.dot(h, wsa.T, preferred_element_type=_f32)
    v = jnp.dot(h, wlin_ref[...].T, preferred_element_type=_f32)
    pospad = jnp.concatenate(
        [pos_ref[...], jnp.zeros((B_N, H - 3), _f32)], axis=1)
    drec_ref[...] = jnp.concatenate([p, pospad], axis=1)
    srec_ref[...] = jnp.concatenate([-q, -pospad, v], axis=1)


def _stage_a(x, pos, W_in, b_in2, W_lin, W_src, W_dst, Wa1):
    nblk = N // B_N
    full = pl.BlockSpec((D, D), lambda i: (0, 0))
    fullH = pl.BlockSpec((H, D), lambda i: (0, 0))
    bias = pl.BlockSpec((1, D), lambda i: (0, 0))
    return pl.pallas_call(
        _stage_a_body,
        grid=(nblk,),
        in_specs=[
            pl.BlockSpec((B_N, D), lambda i: (i, 0)),
            pl.BlockSpec((B_N, 3), lambda i: (i, 0)),
            full, bias, full, full, full, fullH,
        ],
        out_specs=[
            pl.BlockSpec((B_N, D), lambda i: (i, 0)),
            pl.BlockSpec((B_N, 2 * D), lambda i: (i, 0)),
        ],
        out_shape=[
            jax.ShapeDtypeStruct((N, D), _f32),
            jax.ShapeDtypeStruct((N, 2 * D), _f32),
        ],
    )(x, pos, W_in, b_in2, W_lin, W_src, W_dst, Wa1)


def _make_gather_body(ept, kb):
    nchunks_s = ept // kb
    KB = kb

    def _gather_body(drec, srec, src_h, dst_h, out,
                     idxs0, idxd0, bufd0, bufs0,
                     idxs1, idxd1, bufd1, bufs1,
                     semg0, semg1, semw0, semw1):
        c = lax.axis_index("c")
        s = lax.axis_index("s")
        wid = s * NC + c
        base = wid * ept
        nchunks = nchunks_s

        slots = ((idxs0, idxd0, bufd0, bufs0, semg0, semw0),
                 (idxs1, idxd1, bufd1, bufs1, semg1, semw1))

        def issue_gathers(slot, ci):
            idxs, idxd, bufd, bufs, semg, _ = slots[slot]
            e0 = base + ci * KB
            pltpu.sync_copy(dst_h.at[pl.ds(e0, KB)], idxd)
            pltpu.sync_copy(src_h.at[pl.ds(e0, KB)], idxs)
            pltpu.async_copy(drec.at[idxd], bufd, semg)
            pltpu.async_copy(srec.at[idxs], bufs, semg)

        def wait_gathers(slot):
            idxs, idxd, bufd, bufs, semg, _ = slots[slot]
            pltpu.make_async_copy(drec.at[idxd], bufd, semg).wait()
            pltpu.make_async_copy(srec.at[idxs], bufs, semg).wait()

        def add_rows(slot):
            _, _, bufd, bufs, _, _ = slots[slot]

            def addrow(r, carry2):
                for cc in range(D // 16):
                    sl = pl.ds(cc * 16, 16)
                    bufs[r, sl] = bufs[r, sl] + bufd[r, sl]
                return carry2

            lax.fori_loop(0, KB, addrow, 0)

        def issue_write(slot, ci):
            _, _, _, bufs, _, semw = slots[slot]
            e0 = base + ci * KB
            pltpu.async_copy(bufs, out.at[pl.ds(e0, KB)], semw)

        def wait_write(slot):
            _, _, _, bufs, _, semw = slots[slot]
            pltpu.make_async_copy(bufs, out.at[pl.ds(base, KB)], semw).wait()

        issue_gathers(0, 0)

        def pair(i, carry):
            c0 = 2 * i
            c1 = c0 + 1

            @pl.when(i > 0)
            def _():
                wait_write(1)

            issue_gathers(1, c1)
            wait_gathers(0)
            add_rows(0)
            issue_write(0, c0)
            wait_write(0)

            @pl.when(c0 + 2 < nchunks)
            def _():
                issue_gathers(0, c0 + 2)

            wait_gathers(1)
            add_rows(1)
            issue_write(1, c1)
            return carry

        lax.fori_loop(0, nchunks // 2, pair, 0)
        wait_write(1)
        if nchunks % 2 == 1:
            wait_gathers(0)
            add_rows(0)
            pltpu.sync_copy(bufs0,
                            out.at[pl.ds(base + (nchunks - 1) * KB, KB)])

    return _gather_body


def _make_gather_kernel(eh, kb):
    return functools.partial(
        pl.kernel,
        mesh=plsc.VectorSubcoreMesh(core_axis_name="c", subcore_axis_name="s"),
        out_type=jax.ShapeDtypeStruct((eh, 2 * D), _f32),
        scratch_types=[
            pltpu.VMEM((kb,), jnp.int32),
            pltpu.VMEM((kb,), jnp.int32),
            pltpu.VMEM((kb, D), _f32),
            pltpu.VMEM((kb, 2 * D), _f32),
            pltpu.VMEM((kb,), jnp.int32),
            pltpu.VMEM((kb,), jnp.int32),
            pltpu.VMEM((kb, D), _f32),
            pltpu.VMEM((kb, 2 * D), _f32),
            pltpu.SemaphoreType.DMA,
            pltpu.SemaphoreType.DMA,
            pltpu.SemaphoreType.DMA,
            pltpu.SemaphoreType.DMA,
        ],
    )(_make_gather_body(eh // (NC * NS), kb))


_gather_kernel_1 = _make_gather_kernel(E1, 160)
_gather_kernel_2 = _make_gather_kernel(E2, KB)


def _stage_c_body(g_ref, wp1p_ref, bp1_ref, wp2_ref, bp2_ref,
                  wa1_ref, ba1_ref, wa2_ref, ba2_ref, cat_ref):
    g = g_ref[...]
    u0 = g[:, 0:H]
    dp = g[:, H:2 * H]
    vv = g[:, D:2 * D]
    t = jnp.maximum(jnp.dot(dp, wp1p_ref[...].T, preferred_element_type=_f32)
                    + bp1_ref[...], 0.0)
    delta = jnp.maximum(jnp.dot(t, wp2_ref[...].T, preferred_element_type=_f32)
                        + bp2_ref[...], 0.0)
    u = jnp.maximum(u0 + jnp.dot(delta, wa1_ref[...].T,
                                 preferred_element_type=_f32)
                    + ba1_ref[...], 0.0)
    alpha = jnp.maximum(jnp.dot(u, wa2_ref[...].T, preferred_element_type=_f32)
                        + ba2_ref[...], 0.0)
    ex = jnp.exp(alpha)
    exm = ex * (vv + delta)
    cat_ref[0] = jnp.concatenate([exm[:, 0:H], ex[:, 0:H]], axis=1)
    cat_ref[1] = jnp.concatenate([exm[:, H:D], ex[:, H:D]], axis=1)


def _stage_c(g, Wp1p, bp1_2, Wp2, bp2_2, Wa1, ba1_2, Wa2, ba2_2):
    eh = g.shape[0]
    nblk = eh // B_E
    wHH = pl.BlockSpec((H, H), lambda i: (0, 0))
    wDH = pl.BlockSpec((D, H), lambda i: (0, 0))
    wHD = pl.BlockSpec((H, D), lambda i: (0, 0))
    bH = pl.BlockSpec((1, H), lambda i: (0, 0))
    bD = pl.BlockSpec((1, D), lambda i: (0, 0))
    return pl.pallas_call(
        _stage_c_body,
        grid=(nblk,),
        in_specs=[
            pl.BlockSpec((B_E, 2 * D), lambda i: (i, 0)),
            wHH, bH, wDH, bD, wHD, bH, wDH, bD,
        ],
        out_specs=pl.BlockSpec((2, B_E, D), lambda i: (0, i, 0)),
        out_shape=jax.ShapeDtypeStruct((2, eh, D), _f32),
    )(g, Wp1p, bp1_2, Wp2, bp2_2, Wa1, ba1_2, Wa2, ba2_2)


def _make_scatter_body(ept):
    nchunks_s = ept // KD

    def _scatter_body(cat_h, dst_h, zeros_h, acc_out, idxd0, catb0, idxd1,
                      catb1, acc, seml0, seml1):
        c = lax.axis_index("c")
        s = lax.axis_index("s")
        r0 = s * RPT

        @pl.when(s < NS - 1)
        def _():
            pltpu.sync_copy(zeros_h.at[pl.ds(r0, RPT)],
                            acc.at[pl.ds(r0, RPT)])

        @pl.when(s == NS - 1)
        def _():
            pltpu.sync_copy(zeros_h.at[pl.ds(r0, RPT_LAST)],
                            acc.at[pl.ds(r0, RPT_LAST)])

        plsc.subcore_barrier()

        nchunks = nchunks_s
        slots = ((idxd0, catb0, seml0), (idxd1, catb1, seml1))

        def issue_load(slot, ci):
            idxd, catb, seml = slots[slot]
            e0 = s * ept + ci * KD
            pltpu.sync_copy(dst_h.at[pl.ds(e0, KD)], idxd)
            pltpu.async_copy(cat_h.at[c, pl.ds(e0, KD)], catb, seml)

        def wait_load(slot):
            idxd, catb, seml = slots[slot]
            pltpu.make_async_copy(cat_h.at[c, pl.ds(0, KD)], catb,
                                  seml).wait()

        def scatter(slot):
            idxd, catb, _ = slots[slot]
            pltpu.sync_copy(catb, acc.at[idxd], add=True)

        issue_load(0, 0)

        def pair(i, carry):
            c0 = 2 * i
            issue_load(1, c0 + 1)
            wait_load(0)
            scatter(0)

            @pl.when(c0 + 2 < nchunks)
            def _():
                issue_load(0, c0 + 2)

            wait_load(1)
            scatter(1)
            return carry

        lax.fori_loop(0, nchunks // 2, pair, 0)
        if nchunks % 2 == 1:
            wait_load(0)
            scatter(0)
        plsc.subcore_barrier()

        @pl.when(s < NS - 1)
        def _():
            pltpu.sync_copy(acc.at[pl.ds(r0, RPT)],
                            acc_out.at[c, pl.ds(r0, RPT)])

        @pl.when(s == NS - 1)
        def _():
            pltpu.sync_copy(acc.at[pl.ds(r0, RPT_LAST)],
                            acc_out.at[c, pl.ds(r0, RPT_LAST)])

    return _scatter_body


def _make_scatter_kernel(eh):
    return functools.partial(
        pl.kernel,
        mesh=plsc.VectorSubcoreMesh(core_axis_name="c", subcore_axis_name="s"),
        out_type=jax.ShapeDtypeStruct((NC, N, D), _f32),
        scratch_types=[
            pltpu.VMEM((KD,), jnp.int32),
            pltpu.VMEM((KD, D), _f32),
            pltpu.VMEM((KD,), jnp.int32),
            pltpu.VMEM((KD, D), _f32),
            pltpu.VMEM_SHARED((N, D), _f32),
            pltpu.SemaphoreType.DMA,
            pltpu.SemaphoreType.DMA,
        ],
    )(_make_scatter_body(eh // NS))


_scatter_kernel_1 = _make_scatter_kernel(E1)
_scatter_kernel_2 = _make_scatter_kernel(E2)


def _stage_e_body(al_ref, ar_ref, bl_ref, br_ref, wout_ref, bout_ref, o_ref):
    al = al_ref[0] + bl_ref[0]
    ar = ar_ref[0] + br_ref[0]
    rl = al[:, 0:H] / (al[:, H:D] + 1e-16)
    rr = ar[:, 0:H] / (ar[:, H:D] + 1e-16)
    w = wout_ref[...]
    o = (jnp.dot(rl, w[:, 0:H].T, preferred_element_type=_f32)
         + jnp.dot(rr, w[:, H:D].T, preferred_element_type=_f32)
         + bout_ref[...])
    o_ref[...] = jnp.maximum(o, 0.0)


def _stage_e(acc_a, acc_b, W_out, b_out2):
    nblk = N // B_N
    left = pl.BlockSpec((1, B_N, D), lambda i: (0, i, 0))
    right = pl.BlockSpec((1, B_N, D), lambda i: (1, i, 0))
    return pl.pallas_call(
        _stage_e_body,
        grid=(nblk,),
        in_specs=[
            left, right, left, right,
            pl.BlockSpec((D, D), lambda i: (0, 0)),
            pl.BlockSpec((1, D), lambda i: (0, 0)),
        ],
        out_specs=pl.BlockSpec((B_N, D), lambda i: (i, 0)),
        out_shape=jax.ShapeDtypeStruct((N, D), _f32),
    )(acc_a, acc_a, acc_b, acc_b, W_out, b_out2)


def kernel(x, pos, edge_index, W_in, b_in, W_lin, W_src, W_dst, Wp1, bp1,
           Wp2, bp2, Wa1, ba1, Wa2, ba2, W_out, b_out):
    src = edge_index[0]
    dst = edge_index[1]
    Wp1p = jnp.concatenate([Wp1, jnp.zeros((H, H - 3), _f32)], axis=1)
    b_in2 = b_in.reshape(1, D)
    bp1_2 = bp1.reshape(1, H)
    bp2_2 = bp2.reshape(1, D)
    ba1_2 = ba1.reshape(1, H)
    ba2_2 = ba2.reshape(1, D)
    b_out2 = b_out.reshape(1, D)

    drec, srec = _stage_a(x, pos, W_in, b_in2, W_lin, W_src, W_dst, Wa1)
    src1, src2 = src[:E1], src[E1:]
    dst1, dst2 = dst[:E1], dst[E1:]
    zeros_n = jnp.zeros((N, D), _f32)
    g1 = _gather_kernel_1(drec, srec, src1, dst1)
    g2 = _gather_kernel_2(drec, srec, src2, dst2)
    cat1 = _stage_c(g1, Wp1p, bp1_2, Wp2, bp2_2, Wa1, ba1_2, Wa2, ba2_2)
    cat2 = _stage_c(g2, Wp1p, bp1_2, Wp2, bp2_2, Wa1, ba1_2, Wa2, ba2_2)
    acc_a = _scatter_kernel_1(cat1, dst1, zeros_n)
    acc_b = _scatter_kernel_2(cat2, dst2, zeros_n)
    return _stage_e(acc_a, acc_b, W_out, b_out2)

# --- scband reference (transcript-rebuilt; emitter-appended) ---
"""Pipeline reference for scband-transformer-block-54778012893611 (READ-ONLY COPY).

The authoritative reference and input builder live on the scoring server;
editing this copy changes nothing except your own understanding.
"""

import jax, jax.numpy as jnp
import numpy as np

N = 10000
E = 320000
D = 128
H = 64


def setup_inputs(seed: int = 0) -> dict:
    key = jax.random.key(seed)
    ks = jax.random.split(key, 16)

    def w(k, shape, fan_in):
        return jax.random.normal(k, shape, dtype=jnp.float32) / np.sqrt(fan_in)

    inp = {
        "x": jax.random.normal(ks[0], (N, D), dtype=jnp.float32),
        "pos": jax.random.normal(ks[1], (N, 3), dtype=jnp.float32),
        "edge_index": jax.random.randint(ks[2], (2, E), 0, N, dtype=jnp.int32),
        "W_in": w(ks[3], (D, D), D), "b_in": jnp.zeros((D,), jnp.float32),
        "W_lin": w(ks[4], (D, D), D),
        "W_src": w(ks[5], (D, D), D),
        "W_dst": w(ks[6], (D, D), D),
        "Wp1": w(ks[7], (H, 3), 3), "bp1": jnp.zeros((H,), jnp.float32),
        "Wp2": w(ks[8], (D, H), H), "bp2": jnp.zeros((D,), jnp.float32),
        "Wa1": w(ks[9], (H, D), D), "ba1": jnp.zeros((H,), jnp.float32),
        "Wa2": w(ks[10], (D, H), H), "ba2": jnp.zeros((D,), jnp.float32),
        "W_out": w(ks[11], (D, D), D), "b_out": jnp.zeros((D,), jnp.float32),
    }
    return inp


def reference(x, pos, edge_index, W_in, b_in, W_lin, W_src, W_dst, Wp1, bp1, Wp2, bp2, Wa1, ba1, Wa2, ba2, W_out, b_out):
    # linear_in + relu
    h = jax.nn.relu(x @ W_in.T + b_in)
    # PointTransformerConv: value / query / key projections (bias=False in PyG)
    v = h @ W_lin.T
    a_src = h @ W_src.T
    a_dst = h @ W_dst.T
    src = edge_index[0]
    dst = edge_index[1]
    # positional encoding delta = pos_nn(pos_i - pos_j), MLP([3,64,D]) with ReLU after every layer
    delta = jax.nn.relu(jax.nn.relu((pos[dst] - pos[src]) @ Wp1.T + bp1) @ Wp2.T + bp2)
    # attention logits: alpha_i - alpha_j + delta, passed through attn_nn MLP([D,64,D])
    alpha = a_dst[dst] - a_src[src] + delta
    alpha = jax.nn.relu(jax.nn.relu(alpha @ Wa1.T + ba1) @ Wa2.T + ba2)
    # segment softmax over edges grouped by destination node (per-channel)
    amax = jax.ops.segment_max(alpha, dst, num_segments=N)
    amax = jnp.where(jnp.isfinite(amax), amax, 0.0)
    ex = jnp.exp(alpha - amax[dst])
    denom = jax.ops.segment_sum(ex, dst, num_segments=N)
    attn = ex / (denom[dst] + 1e-16)
    # message = attn * (x_j + delta), aggregated by sum at dst
    msg = attn * (v[src] + delta)
    out = jax.ops.segment_sum(msg, dst, num_segments=N)
    # linear_out + relu
    return jax.nn.relu(out @ W_out.T + b_out)

if __name__ == "__main__":
    import jax
    _d = setup_inputs()
    print(jax.jit(kernel)(*tuple(_d.values())))

</pallas_src>

<mosaic_0001>
#map = affine_map<(d0, d1) -> (0, 0, 0)>
#map1 = affine_map<(d0, d1) -> (0)>
#map2 = affine_map<(d0, d1) -> (0, 0)>
module attributes {stable_mosaic.version = 14 : i64} {
  func.func @_scatter_body(%arg0: i32, %arg1: i32, %arg2: memref<2x163840x128xf32, #tpu.memory_space<hbm>>, %arg3: memref<163840xi32, #tpu.memory_space<hbm>>, %arg4: memref<10000x128xf32, #tpu.memory_space<hbm>>, %arg5: memref<2x10000x128xf32, #tpu.memory_space<hbm>>, %arg6: memref<160xi32, #tpu.memory_space<vmem>>, %arg7: memref<160x128xf32, #tpu.memory_space<vmem>>, %arg8: memref<160xi32, #tpu.memory_space<vmem>>, %arg9: memref<160x128xf32, #tpu.memory_space<vmem>>, %arg10: memref<10000x128xf32, #tpu.memory_space<vmem_shared>>, %arg11: memref<!tpu.dma_semaphore, #tpu.memory_space<semaphore_mem>>, %arg12: memref<!tpu.dma_semaphore, #tpu.memory_space<semaphore_mem>>) attributes {dimension_semantics = [#tpu.dimension_semantics<core_parallel>, #tpu.dimension_semantics<subcore_parallel>], iteration_bounds = array<i64: 2, 16>, scalar_prefetch = 0 : i64, scratch_operands = 7 : i64, tpu.core_type = #tpu.core_type<sc_vector_subcore>, window_params = [{transform_indices = #map}, {transform_indices = #map1}, {transform_indices = #map2}, {transform_indices = #map}]} {
    %mul3A = arith.constant 632 : i32
    %mul3A_0 = arith.muli %arg1, %mul3A : i32
    %lt3A = arith.constant 15 : i32
    %lt3A_1 = arith.cmpi slt, %arg1, %lt3A : i32
    %convert_element_type3A = arith.extui %lt3A_1 : i1 to i32
    %cond3A = arith.constant 0 : i32
    %cond3A_2 = arith.cmpi ne, %convert_element_type3A, %cond3A : i32
    scf.if %cond3A_2 {
      "tpu.region"() ({
        %run_scoped3A = tpu.sem_alloc : memref<!tpu.dma_semaphore, #tpu.memory_space<semaphore_mem>>
        %dma_start3A_31 = arith.constant 0 : i32
        %dma_start3A_32 = tpu.memref_slice %arg10[%mul3A_0, %dma_start3A_31] : memref<10000x128xf32, #tpu.memory_space<vmem_shared>> -> memref<632x128xf32, #tpu.memory_space<vmem_shared>>
        %dma_start3A_33 = arith.constant 0 : i32
        %dma_start3A_34 = tpu.memref_slice %arg4[%mul3A_0, %dma_start3A_33] : memref<10000x128xf32, #tpu.memory_space<hbm>> -> memref<632x128xf32, #tpu.memory_space<hbm>>
        tpu.enqueue_dma source(%dma_start3A_34 : memref<632x128xf32, #tpu.memory_space<hbm>>) target(%dma_start3A_32 : memref<632x128xf32, #tpu.memory_space<vmem_shared>>) target_semaphore(%run_scoped3A : memref<!tpu.dma_semaphore, #tpu.memory_space<semaphore_mem>>)
        %dma_wait3A = arith.constant 0 : i32
        %dma_wait3A_35 = tpu.memref_slice %arg10[%mul3A_0, %dma_wait3A] : memref<10000x128xf32, #tpu.memory_space<vmem_shared>> -> memref<632x128xf32, #tpu.memory_space<vmem_shared>>
        %dma_wait3A_36 = arith.constant 0 : i32
        %dma_wait3A_37 = tpu.memref_slice %arg4[%mul3A_0, %dma_wait3A_36] : memref<10000x128xf32, #tpu.memory_space<hbm>> -> memref<632x128xf32, #tpu.memory_space<hbm>>
        tpu.wait_dma2 semaphore(%run_scoped3A : memref<!tpu.dma_semaphore, #tpu.memory_space<semaphore_mem>>) src(%dma_wait3A_37 : memref<632x128xf32, #tpu.memory_space<hbm>>) dst(%dma_wait3A_35 : memref<632x128xf32, #tpu.memory_space<vmem_shared>>)
        tpu.yield
      }) : () -> ()
    } else {
    }
    %eq3A = arith.constant 15 : i32
    %eq3A_3 = arith.cmpi eq, %arg1, %eq3A : i32
    %convert_element_type3A_4 = arith.extui %eq3A_3 : i1 to i32
    %cond3A_5 = arith.constant 0 : i32
    %cond3A_6 = arith.cmpi ne, %convert_element_type3A_4, %cond3A_5 : i32
    scf.if %cond3A_6 {
      "tpu.region"() ({
        %run_scoped3A = tpu.sem_alloc : memref<!tpu.dma_semaphore, #tpu.memory_space<semaphore_mem>>
        %dma_start3A_31 = arith.constant 0 : i32
        %dma_start3A_32 = tpu.memref_slice %arg10[%mul3A_0, %dma_start3A_31] : memref<10000x128xf32, #tpu.memory_space<vmem_shared>> -> memref<520x128xf32, #tpu.memory_space<vmem_shared>>
        %dma_start3A_33 = arith.constant 0 : i32
        %dma_start3A_34 = tpu.memref_slice %arg4[%mul3A_0, %dma_start3A_33] : memref<10000x128xf32, #tpu.memory_space<hbm>> -> memref<520x128xf32, #tpu.memory_space<hbm>>
        tpu.enqueue_dma source(%dma_start3A_34 : memref<520x128xf32, #tpu.memory_space<hbm>>) target(%dma_start3A_32 : memref<520x128xf32, #tpu.memory_space<vmem_shared>>) target_semaphore(%run_scoped3A : memref<!tpu.dma_semaphore, #tpu.memory_space<semaphore_mem>>)
        %dma_wait3A = arith.constant 0 : i32
        %dma_wait3A_35 = tpu.memref_slice %arg10[%mul3A_0, %dma_wait3A] : memref<10000x128xf32, #tpu.memory_space<vmem_shared>> -> memref<520x128xf32, #tpu.memory_space<vmem_shared>>
        %dma_wait3A_36 = arith.constant 0 : i32
        %dma_wait3A_37 = tpu.memref_slice %arg4[%mul3A_0, %dma_wait3A_36] : memref<10000x128xf32, #tpu.memory_space<hbm>> -> memref<520x128xf32, #tpu.memory_space<hbm>>
        tpu.wait_dma2 semaphore(%run_scoped3A : memref<!tpu.dma_semaphore, #tpu.memory_space<semaphore_mem>>) src(%dma_wait3A_37 : memref<520x128xf32, #tpu.memory_space<hbm>>) dst(%dma_wait3A_35 : memref<520x128xf32, #tpu.memory_space<vmem_shared>>)
        tpu.yield
      }) : () -> ()
    } else {
    }
    %barrier3A = arith.constant 0 : index
    tpu.barrier barrier_id(%barrier3A)
    %mul3A_7 = arith.constant 10240 : i32
    %mul3A_8 = arith.muli %arg1, %mul3A_7 : i32
    %add3A = arith.constant 0 : i32
    %add3A_9 = arith.addi %mul3A_8, %add3A : i32
    "tpu.region"() ({
      %run_scoped3A = tpu.sem_alloc : memref<!tpu.dma_semaphore, #tpu.memory_space<semaphore_mem>>
      %dma_start3A_31 = tpu.memref_slice %arg3[%add3A_9] : memref<163840xi32, #tpu.memory_space<hbm>> -> memref<160xi32, #tpu.memory_space<hbm>>
      %dma_start3A_32 = tpu.memref_slice %arg3[%add3A_9] : memref<163840xi32, #tpu.memory_space<hbm>> -> memref<160xi32, #tpu.memory_space<hbm>>
      tpu.enqueue_dma source(%dma_start3A_32 : memref<160xi32, #tpu.memory_space<hbm>>) target(%arg6 : memref<160xi32, #tpu.memory_space<vmem>>) target_semaphore(%run_scoped3A : memref<!tpu.dma_semaphore, #tpu.memory_space<semaphore_mem>>)
      %dma_wait3A = tpu.memref_slice %arg3[%add3A_9] : memref<163840xi32, #tpu.memory_space<hbm>> -> memref<160xi32, #tpu.memory_space<hbm>>
      %dma_wait3A_33 = tpu.memref_slice %arg3[%add3A_9] : memref<163840xi32, #tpu.memory_space<hbm>> -> memref<160xi32, #tpu.memory_space<hbm>>
      tpu.wait_dma2 semaphore(%run_scoped3A : memref<!tpu.dma_semaphore, #tpu.memory_space<semaphore_mem>>) src(%dma_wait3A_33 : memref<160xi32, #tpu.memory_space<hbm>>) dst(%arg6 : memref<160xi32, #tpu.memory_space<vmem>>)
      tpu.yield
    }) : () -> ()
    %dma_start3A = arith.constant 0 : i32
    %dma_start3A_10 = tpu.memref_slice %arg2[%arg0, %add3A_9, %dma_start3A] : memref<2x163840x128xf32, #tpu.memory_space<hbm>> -> memref<1x160x128xf32, #tpu.memory_space<hbm>>
    %dma_start3A_11 = tpu.memref_squeeze %dma_start3A_10 : memref<1x160x128xf32, #tpu.memory_space<hbm>> -> memref<160x128xf32, #tpu.memory_space<hbm>>
    %dma_start3A_12 = arith.constant 0 : i32
    %dma_start3A_13 = tpu.memref_slice %arg2[%arg0, %add3A_9, %dma_start3A_12] : memref<2x163840x128xf32, #tpu.memory_space<hbm>> -> memref<1x160x128xf32, #tpu.memory_space<hbm>>
    %dma_start3A_14 = tpu.memref_squeeze %dma_start3A_13 : memref<1x160x128xf32, #tpu.memory_space<hbm>> -> memref<160x128xf32, #tpu.memory_space<hbm>>
    tpu.enqueue_dma source(%dma_start3A_14 : memref<160x128xf32, #tpu.memory_space<hbm>>) target(%arg7 : memref<160x128xf32, #tpu.memory_space<vmem>>) target_semaphore(%arg11 : memref<!tpu.dma_semaphore, #tpu.memory_space<semaphore_mem>>)
    %scan3A = arith.constant 0 : i32
    %scan3A_15 = arith.constant 0 : i32
    %scan3A_16 = arith.constant 32 : i32
    %scan3A_17 = arith.addi %scan3A_15, %scan3A_16 : i32
    %scan3A_18 = arith.constant 1 : i32
    scf.for %scan3A_31 = %scan3A_15 to %scan3A_17 step %scan3A_18  : i32 {
      %mul3A_32 = arith.constant 2 : i32
      %mul3A_33 = arith.muli %mul3A_32, %scan3A_31 : i32
      %add3A_34 = arith.constant 1 : i32
      %add3A_35 = arith.addi %mul3A_33, %add3A_34 : i32
      %mul3A_36 = arith.constant 10240 : i32
      %mul3A_37 = arith.muli %arg1, %mul3A_36 : i32
      %mul3A_38 = arith.constant 160 : i32
      %mul3A_39 = arith.muli %add3A_35, %mul3A_38 : i32
      %add3A_40 = arith.addi %mul3A_37, %mul3A_39 : i32
      "tpu.region"() ({
        %run_scoped3A = tpu.sem_alloc : memref<!tpu.dma_semaphore, #tpu.memory_space<semaphore_mem>>
        %dma_start3A_69 = tpu.memref_slice %arg3[%add3A_40] : memref<163840xi32, #tpu.memory_space<hbm>> -> memref<160xi32, #tpu.memory_space<hbm>>
        %dma_start3A_70 = tpu.memref_slice %arg3[%add3A_40] : memref<163840xi32, #tpu.memory_space<hbm>> -> memref<160xi32, #tpu.memory_space<hbm>>
        tpu.enqueue_dma source(%dma_start3A_70 : memref<160xi32, #tpu.memory_space<hbm>>) target(%arg8 : memref<160xi32, #tpu.memory_space<vmem>>) target_semaphore(%run_scoped3A : memref<!tpu.dma_semaphore, #tpu.memory_space<semaphore_mem>>)
        %dma_wait3A_71 = tpu.memref_slice %arg3[%add3A_40] : memref<163840xi32, #tpu.memory_space<hbm>> -> memref<160xi32, #tpu.memory_space<hbm>>
        %dma_wait3A_72 = tpu.memref_slice %arg3[%add3A_40] : memref<163840xi32, #tpu.memory_space<hbm>> -> memref<160xi32, #tpu.memory_space<hbm>>
        tpu.wait_dma2 semaphore(%run_scoped3A : memref<!tpu.dma_semaphore, #tpu.memory_space<semaphore_mem>>) src(%dma_wait3A_72 : memref<160xi32, #tpu.memory_space<hbm>>) dst(%arg8 : memref<160xi32, #tpu.memory_space<vmem>>)
        tpu.yield
      }) : () -> ()
      %dma_start3A_41 = arith.constant 0 : i32
      %dma_start3A_42 = tpu.memref_slice %arg2[%arg0, %add3A_40, %dma_start3A_41] : memref<2x163840x128xf32, #tpu.memory_space<hbm>> -> memref<1x160x128xf32, #tpu.memory_space<hbm>>
      %dma_start3A_43 = tpu.memref_squeeze %dma_start3A_42 : memref<1x160x128xf32, #tpu.memory_space<hbm>> -> memref<160x128xf32, #tpu.memory_space<hbm>>
      %dma_start3A_44 = arith.constant 0 : i32
      %dma_start3A_45 = tpu.memref_slice %arg2[%arg0, %add3A_40, %dma_start3A_44] : memref<2x163840x128xf32, #tpu.memory_space<hbm>> -> memref<1x160x128xf32, #tpu.memory_space<hbm>>
      %dma_start3A_46 = tpu.memref_squeeze %dma_start3A_45 : memref<1x160x128xf32, #tpu.memory_space<hbm>> -> memref<160x128xf32, #tpu.memory_space<hbm>>
      tpu.enqueue_dma source(%dma_start3A_46 : memref<160x128xf32, #tpu.memory_space<hbm>>) target(%arg9 : memref<160x128xf32, #tpu.memory_space<vmem>>) target_semaphore(%arg12 : memref<!tpu.dma_semaphore, #tpu.memory_space<semaphore_mem>>)
      %dma_wait3A = arith.constant 0 : i32
      %dma_wait3A_47 = arith.constant 0 : i32
      %dma_wait3A_48 = tpu.memref_slice %arg2[%arg0, %dma_wait3A, %dma_wait3A_47] : memref<2x163840x128xf32, #tpu.memory_space<hbm>> -> memref<1x160x128xf32, #tpu.memory_space<hbm>>
      %dma_wait3A_49 = tpu.memref_squeeze %dma_wait3A_48 : memref<1x160x128xf32, #tpu.memory_space<hbm>> -> memref<160x128xf32, #tpu.memory_space<hbm>>
      %dma_wait3A_50 = arith.constant 0 : i32
      %dma_wait3A_51 = arith.constant 0 : i32
      %dma_wait3A_52 = tpu.memref_slice %arg2[%arg0, %dma_wait3A_50, %dma_wait3A_51] : memref<2x163840x128xf32, #tpu.memory_space<hbm>> -> memref<1x160x128xf32, #tpu.memory_space<hbm>>
      %dma_wait3A_53 = tpu.memref_squeeze %dma_wait3A_52 : memref<1x160x128xf32, #tpu.memory_space<hbm>> -> memref<160x128xf32, #tpu.memory_space<hbm>>
      tpu.wait_dma2 semaphore(%arg11 : memref<!tpu.dma_semaphore, #tpu.memory_space<semaphore_mem>>) src(%dma_wait3A_53 : memref<160x128xf32, #tpu.memory_space<hbm>>) dst(%arg7 : memref<160x128xf32, #tpu.memory_space<vmem>>)
      "tpu.region"() ({
        %run_scoped3A = tpu.sem_alloc : memref<!tpu.dma_semaphore, #tpu.memory_space<semaphore_mem>>
        %dma_start3A_69 = arith.constant 0 : i32
        %dma_start3A_70 = arith.constant 0 : i32
        %dma_start3A_71 = tpu.memref_slice %arg10[%dma_start3A_69, %dma_start3A_70] : memref<10000x128xf32, #tpu.memory_space<vmem_shared>> -> memref<10000x128xf32, #tpu.memory_space<vmem_shared>>
        tpu.enqueue_indirect_dma source(%arg7 : memref<160x128xf32, #tpu.memory_space<vmem>>) target(%dma_start3A_71 : memref<10000x128xf32, #tpu.memory_space<vmem_shared>>) offsets(%arg6 : memref<160xi32, #tpu.memory_space<vmem>>) semaphore(%run_scoped3A : memref<!tpu.dma_semaphore, #tpu.memory_space<semaphore_mem>>) {add = true}
        %dma_wait3A_72 = arith.constant 0 : i32
        %dma_wait3A_73 = arith.constant 0 : i32
        %dma_wait3A_74 = tpu.memref_slice %arg10[%dma_wait3A_72, %dma_wait3A_73] : memref<10000x128xf32, #tpu.memory_space<vmem_shared>> -> memref<10000x128xf32, #tpu.memory_space<vmem_shared>>
        tpu.wait_indirect_dma semaphore(%run_scoped3A : memref<!tpu.dma_semaphore, #tpu.memory_space<semaphore_mem>>) src(%arg7 : memref<160x128xf32, #tpu.memory_space<vmem>>) dst(%dma_wait3A_74 : memref<10000x128xf32, #tpu.memory_space<vmem_shared>>)
        tpu.yield
      }) : () -> ()
      %add3A_54 = arith.constant 2 : i32
      %add3A_55 = arith.addi %mul3A_33, %add3A_54 : i32
      %lt3A_56 = arith.constant 64 : i32
      %lt3A_57 = arith.cmpi slt, %add3A_55, %lt3A_56 : i32
      %convert_element_type3A_58 = arith.extui %lt3A_57 : i1 to i32
      %cond3A_59 = arith.constant 0 : i32
      %cond3A_60 = arith.cmpi ne, %convert_element_type3A_58, %cond3A_59 : i32
      scf.if %cond3A_60 {
        %add3A_69 = arith.constant 2 : i32
        %add3A_70 = arith.addi %mul3A_33, %add3A_69 : i32
        %mul3A_71 = arith.constant 10240 : i32
        %mul3A_72 = arith.muli %arg1, %mul3A_71 : i32
        %mul3A_73 = arith.constant 160 : i32
        %mul3A_74 = arith.muli %add3A_70, %mul3A_73 : i32
        %add3A_75 = arith.addi %mul3A_72, %mul3A_74 : i32
        "tpu.region"() ({
          %run_scoped3A = tpu.sem_alloc : memref<!tpu.dma_semaphore, #tpu.memory_space<semaphore_mem>>
          %dma_start3A_82 = tpu.memref_slice %arg3[%add3A_75] : memref<163840xi32, #tpu.memory_space<hbm>> -> memref<160xi32, #tpu.memory_space<hbm>>
          %dma_start3A_83 = tpu.memref_slice %arg3[%add3A_75] : memref<163840xi32, #tpu.memory_space<hbm>> -> memref<160xi32, #tpu.memory_space<hbm>>
          tpu.enqueue_dma source(%dma_start3A_83 : memref<160xi32, #tpu.memory_space<hbm>>) target(%arg6 : memref<160xi32, #tpu.memory_space<vmem>>) target_semaphore(%run_scoped3A : memref<!tpu.dma_semaphore, #tpu.memory_space<semaphore_mem>>)
          %dma_wait3A_84 = tpu.memref_slice %arg3[%add3A_75] : memref<163840xi32, #tpu.memory_space<hbm>> -> memref<160xi32, #tpu.memory_space<hbm>>
          %dma_wait3A_85 = tpu.memref_slice %arg3[%add3A_75] : memref<163840xi32, #tpu.memory_space<hbm>> -> memref<160xi32, #tpu.memory_space<hbm>>
          tpu.wait_dma2 semaphore(%run_scoped3A : memref<!tpu.dma_semaphore, #tpu.memory_space<semaphore_mem>>) src(%dma_wait3A_85 : memref<160xi32, #tpu.memory_space<hbm>>) dst(%arg6 : memref<160xi32, #tpu.memory_space<vmem>>)
          tpu.yield
        }) : () -> ()
        %dma_start3A_76 = arith.constant 0 : i32
        %dma_start3A_77 = tpu.memref_slice %arg2[%arg0, %add3A_75, %dma_start3A_76] : memref<2x163840x128xf32, #tpu.memory_space<hbm>> -> memref<1x160x128xf32, #tpu.memory_space<hbm>>
        %dma_start3A_78 = tpu.memref_squeeze %dma_start3A_77 : memref<1x160x128xf32, #tpu.memory_space<hbm>> -> memref<160x128xf32, #tpu.memory_space<hbm>>
        %dma_start3A_79 = arith.constant 0 : i32
        %dma_start3A_80 = tpu.memref_slice %arg2[%arg0, %add3A_75, %dma_start3A_79] : memref<2x163840x128xf32, #tpu.memory_space<hbm>> -> memref<1x160x128xf32, #tpu.memory_space<hbm>>
        %dma_start3A_81 = tpu.memref_squeeze %dma_start3A_80 : memref<1x160x128xf32, #tpu.memory_space<hbm>> -> memref<160x128xf32, #tpu.memory_space<hbm>>
        tpu.enqueue_dma source(%dma_start3A_81 : memref<160x128xf32, #tpu.memory_space<hbm>>) target(%arg7 : memref<160x128xf32, #tpu.memory_space<vmem>>) target_semaphore(%arg11 : memref<!tpu.dma_semaphore, #tpu.memory_space<semaphore_mem>>)
      } else {
      }
      %dma_wait3A_61 = arith.constant 0 : i32
      %dma_wait3A_62 = arith.constant 0 : i32
      %dma_wait3A_63 = tpu.memref_slice %arg2[%arg0, %dma_wait3A_61, %dma_wait3A_62] : memref<2x163840x128xf32, #tpu.memory_space<hbm>> -> memref<1x160x128xf32, #tpu.memory_space<hbm>>
      %dma_wait3A_64 = tpu.memref_squeeze %dma_wait3A_63 : memref<1x160x128xf32, #tpu.memory_space<hbm>> -> memref<160x128xf32, #tpu.memory_space<hbm>>
      %dma_wait3A_65 = arith.constant 0 : i32
      %dma_wait3A_66 = arith.constant 0 : i32
      %dma_wait3A_67 = tpu.memref_slice %arg2[%arg0, %dma_wait3A_65, %dma_wait3A_66] : memref<2x163840x128xf32, #tpu.memory_space<hbm>> -> memref<1x160x128xf32, #tpu.memory_space<hbm>>
      %dma_wait3A_68 = tpu.memref_squeeze %dma_wait3A_67 : memref<1x160x128xf32, #tpu.memory_space<hbm>> -> memref<160x128xf32, #tpu.memory_space<hbm>>
      tpu.wait_dma2 semaphore(%arg12 : memref<!tpu.dma_semaphore, #tpu.memory_space<semaphore_mem>>) src(%dma_wait3A_68 : memref<160x128xf32, #tpu.memory_space<hbm>>) dst(%arg9 : memref<160x128xf32, #tpu.memory_space<vmem>>)
      "tpu.region"() ({
        %run_scoped3A = tpu.sem_alloc : memref<!tpu.dma_semaphore, #tpu.memory_space<semaphore_mem>>
        %dma_start3A_69 = arith.constant 0 : i32
        %dma_start3A_70 = arith.constant 0 : i32
        %dma_start3A_71 = tpu.memref_slice %arg10[%dma_start3A_69, %dma_start3A_70] : memref<10000x128xf32, #tpu.memory_space<vmem_shared>> -> memref<10000x128xf32, #tpu.memory_space<vmem_shared>>
        tpu.enqueue_indirect_dma source(%arg9 : memref<160x128xf32, #tpu.memory_space<vmem>>) target(%dma_start3A_71 : memref<10000x128xf32, #tpu.memory_space<vmem_shared>>) offsets(%arg8 : memref<160xi32, #tpu.memory_space<vmem>>) semaphore(%run_scoped3A : memref<!tpu.dma_semaphore, #tpu.memory_space<semaphore_mem>>) {add = true}
        %dma_wait3A_72 = arith.constant 0 : i32
        %dma_wait3A_73 = arith.constant 0 : i32
        %dma_wait3A_74 = tpu.memref_slice %arg10[%dma_wait3A_72, %dma_wait3A_73] : memref<10000x128xf32, #tpu.memory_space<vmem_shared>> -> memref<10000x128xf32, #tpu.memory_space<vmem_shared>>
        tpu.wait_indirect_dma semaphore(%run_scoped3A : memref<!tpu.dma_semaphore, #tpu.memory_space<semaphore_mem>>) src(%arg9 : memref<160x128xf32, #tpu.memory_space<vmem>>) dst(%dma_wait3A_74 : memref<10000x128xf32, #tpu.memory_space<vmem_shared>>)
        tpu.yield
      }) : () -> ()
    }
    %scan3A_19 = arith.constant 32 : i32
    %barrier3A_20 = arith.constant 0 : index
    tpu.barrier barrier_id(%barrier3A_20)
    %lt3A_21 = arith.constant 15 : i32
    %lt3A_22 = arith.cmpi slt, %arg1, %lt3A_21 : i32
    %convert_element_type3A_23 = arith.extui %lt3A_22 : i1 to i32
    %cond3A_24 = arith.constant 0 : i32
    %cond3A_25 = arith.cmpi ne, %convert_element_type3A_23, %cond3A_24 : i32
    scf.if %cond3A_25 {
      "tpu.region"() ({
        %run_scoped3A = tpu.sem_alloc : memref<!tpu.dma_semaphore, #tpu.memory_space<semaphore_mem>>
        %dma_start3A_31 = arith.constant 0 : i32
        %dma_start3A_32 = tpu.memref_slice %arg5[%arg0, %mul3A_0, %dma_start3A_31] : memref<2x10000x128xf32, #tpu.memory_space<hbm>> -> memref<1x632x128xf32, #tpu.memory_space<hbm>>
        %dma_start3A_33 = tpu.memref_squeeze %dma_start3A_32 : memref<1x632x128xf32, #tpu.memory_space<hbm>> -> memref<632x128xf32, #tpu.memory_space<hbm>>
        %dma_start3A_34 = arith.constant 0 : i32
        %dma_start3A_35 = tpu.memref_slice %arg10[%mul3A_0, %dma_start3A_34] : memref<10000x128xf32, #tpu.memory_space<vmem_shared>> -> memref<632x128xf32, #tpu.memory_space<vmem_shared>>
        tpu.enqueue_dma source(%dma_start3A_35 : memref<632x128xf32, #tpu.memory_space<vmem_shared>>) target(%dma_start3A_33 : memref<632x128xf32, #tpu.memory_space<hbm>>) target_semaphore(%run_scoped3A : memref<!tpu.dma_semaphore, #tpu.memory_space<semaphore_mem>>)
        %dma_wait3A = arith.constant 0 : i32
        %dma_wait3A_36 = tpu.memref_slice %arg5[%arg0, %mul3A_0, %dma_wait3A] : memref<2x10000x128xf32, #tpu.memory_space<hbm>> -> memref<1x632x128xf32, #tpu.memory_space<hbm>>
        %dma_wait3A_37 = tpu.memref_squeeze %dma_wait3A_36 : memref<1x632x128xf32, #tpu.memory_space<hbm>> -> memref<632x128xf32, #tpu.memory_space<hbm>>
        %dma_wait3A_38 = arith.constant 0 : i32
        %dma_wait3A_39 = tpu.memref_slice %arg10[%mul3A_0, %dma_wait3A_38] : memref<10000x128xf32, #tpu.memory_space<vmem_shared>> -> memref<632x128xf32, #tpu.memory_space<vmem_shared>>
        tpu.wait_dma2 semaphore(%run_scoped3A : memref<!tpu.dma_semaphore, #tpu.memory_space<semaphore_mem>>) src(%dma_wait3A_39 : memref<632x128xf32, #tpu.memory_space<vmem_shared>>) dst(%dma_wait3A_37 : memref<632x128xf32, #tpu.memory_space<hbm>>)
        tpu.yield
      }) : () -> ()
    } else {
    }
    %eq3A_26 = arith.constant 15 : i32
    %eq3A_27 = arith.cmpi eq, %arg1, %eq3A_26 : i32
    %convert_element_type3A_28 = arith.extui %eq3A_27 : i1 to i32
    %cond3A_29 = arith.constant 0 : i32
    %cond3A_30 = arith.cmpi ne, %convert_element_type3A_28, %cond3A_29 : i32
    scf.if %cond3A_30 {
      "tpu.region"() ({
        %run_scoped3A = tpu.sem_alloc : memref<!tpu.dma_semaphore, #tpu.memory_space<semaphore_mem>>
        %dma_start3A_31 = arith.constant 0 : i32
        %dma_start3A_32 = tpu.memref_slice %arg5[%arg0, %mul3A_0, %dma_start3A_31] : memref<2x10000x128xf32, #tpu.memory_space<hbm>> -> memref<1x520x128xf32, #tpu.memory_space<hbm>>
        %dma_start3A_33 = tpu.memref_squeeze %dma_start3A_32 : memref<1x520x128xf32, #tpu.memory_space<hbm>> -> memref<520x128xf32, #tpu.memory_space<hbm>>
        %dma_start3A_34 = arith.constant 0 : i32
        %dma_start3A_35 = tpu.memref_slice %arg10[%mul3A_0, %dma_start3A_34] : memref<10000x128xf32, #tpu.memory_space<vmem_shared>> -> memref<520x128xf32, #tpu.memory_space<vmem_shared>>
        tpu.enqueue_dma source(%dma_start3A_35 : memref<520x128xf32, #tpu.memory_space<vmem_shared>>) target(%dma_start3A_33 : memref<520x128xf32, #tpu.memory_space<hbm>>) target_semaphore(%run_scoped3A : memref<!tpu.dma_semaphore, #tpu.memory_space<semaphore_mem>>)
        %dma_wait3A = arith.constant 0 : i32
        %dma_wait3A_36 = tpu.memref_slice %arg5[%arg0, %mul3A_0, %dma_wait3A] : memref<2x10000x128xf32, #tpu.memory_space<hbm>> -> memref<1x520x128xf32, #tpu.memory_space<hbm>>
        %dma_wait3A_37 = tpu.memref_squeeze %dma_wait3A_36 : memref<1x520x128xf32, #tpu.memory_space<hbm>> -> memref<520x128xf32, #tpu.memory_space<hbm>>
        %dma_wait3A_38 = arith.constant 0 : i32
        %dma_wait3A_39 = tpu.memref_slice %arg10[%mul3A_0, %dma_wait3A_38] : memref<10000x128xf32, #tpu.memory_space<vmem_shared>> -> memref<520x128xf32, #tpu.memory_space<vmem_shared>>
        tpu.wait_dma2 semaphore(%run_scoped3A : memref<!tpu.dma_semaphore, #tpu.memory_space<semaphore_mem>>) src(%dma_wait3A_39 : memref<520x128xf32, #tpu.memory_space<vmem_shared>>) dst(%dma_wait3A_37 : memref<520x128xf32, #tpu.memory_space<hbm>>)
        tpu.yield
      }) : () -> ()
    } else {
    }
    return
  }
}

#map = affine_map<(d0, d1) -> (0, 0)>
#map1 = affine_map<(d0, d1) -> (0)>
module attributes {stable_mosaic.version = 14 : i64} {
  func.func @_gather_body(%arg0: i32, %arg1: i32, %arg2: memref<10000x128xf32, #tpu.memory_space<hbm>>, %arg3: memref<10000x256xf32, #tpu.memory_space<hbm>>, %arg4: memref<156160xi32, #tpu.memory_space<hbm>>, %arg5: memref<156160xi32, #tpu.memory_space<hbm>>, %arg6: memref<156160x256xf32, #tpu.memory_space<hbm>>, %arg7: memref<80xi32, #tpu.memory_space<vmem>>, %arg8: memref<80xi32, #tpu.memory_space<vmem>>, %arg9: memref<80x128xf32, #tpu.memory_space<vmem>>, %arg10: memref<80x256xf32, #tpu.memory_space<vmem>>, %arg11: memref<80xi32, #tpu.memory_space<vmem>>, %arg12: memref<80xi32, #tpu.memory_space<vmem>>, %arg13: memref<80x128xf32, #tpu.memory_space<vmem>>, %arg14: memref<80x256xf32, #tpu.memory_space<vmem>>, %arg15: memref<!tpu.dma_semaphore, #tpu.memory_space<semaphore_mem>>, %arg16: memref<!tpu.dma_semaphore, #tpu.memory_space<semaphore_mem>>, %arg17: memref<!tpu.dma_semaphore, #tpu.memory_space<semaphore_mem>>, %arg18: memref<!tpu.dma_semaphore, #tpu.memory_space<semaphore_mem>>) attributes {dimension_semantics = [#tpu.dimension_semantics<core_parallel>, #tpu.dimension_semantics<subcore_parallel>], iteration_bounds = array<i64: 2, 16>, scalar_prefetch = 0 : i64, scratch_operands = 12 : i64, tpu.core_type = #tpu.core_type<sc_vector_subcore>, window_params = [{transform_indices = #map}, {transform_indices = #map}, {transform_indices = #map1}, {transform_indices = #map1}, {transform_indices = #map}]} {
    %mul3A = arith.constant 2 : i32
    %mul3A_0 = arith.muli %arg1, %mul3A : i32
    %add3A = arith.addi %mul3A_0, %arg0 : i32
    %mul3A_1 = arith.constant 4880 : i32
    %mul3A_2 = arith.muli %add3A, %mul3A_1 : i32
    %add3A_3 = arith.constant 0 : i32
    %add3A_4 = arith.addi %mul3A_2, %add3A_3 : i32
    "tpu.region"() ({
      %run_scoped3A = tpu.sem_alloc : memref<!tpu.dma_semaphore, #tpu.memory_space<semaphore_mem>>
      %dma_start3A_32 = tpu.memref_slice %arg5[%add3A_4] : memref<156160xi32, #tpu.memory_space<hbm>> -> memref<80xi32, #tpu.memory_space<hbm>>
      %dma_start3A_33 = tpu.memref_slice %arg5[%add3A_4] : memref<156160xi32, #tpu.memory_space<hbm>> -> memref<80xi32, #tpu.memory_space<hbm>>
      tpu.enqueue_dma source(%dma_start3A_33 : memref<80xi32, #tpu.memory_space<hbm>>) target(%arg8 : memref<80xi32, #tpu.memory_space<vmem>>) target_semaphore(%run_scoped3A : memref<!tpu.dma_semaphore, #tpu.memory_space<semaphore_mem>>)
      %dma_wait3A_34 = tpu.memref_slice %arg5[%add3A_4] : memref<156160xi32, #tpu.memory_space<hbm>> -> memref<80xi32, #tpu.memory_space<hbm>>
      %dma_wait3A_35 = tpu.memref_slice %arg5[%add3A_4] : memref<156160xi32, #tpu.memory_space<hbm>> -> memref<80xi32, #tpu.memory_space<hbm>>
      tpu.wait_dma2 semaphore(%run_scoped3A : memref<!tpu.dma_semaphore, #tpu.memory_space<semaphore_mem>>) src(%dma_wait3A_35 : memref<80xi32, #tpu.memory_space<hbm>>) dst(%arg8 : memref<80xi32, #tpu.memory_space<vmem>>)
      tpu.yield
    }) : () -> ()
    "tpu.region"() ({
      %run_scoped3A = tpu.sem_alloc : memref<!tpu.dma_semaphore, #tpu.memory_space<semaphore_mem>>
      %dma_start3A_32 = tpu.memref_slice %arg4[%add3A_4] : memref<156160xi32, #tpu.memory_space<hbm>> -> memref<80xi32, #tpu.memory_space<hbm>>
      %dma_start3A_33 = tpu.memref_slice %arg4[%add3A_4] : memref<156160xi32, #tpu.memory_space<hbm>> -> memref<80xi32, #tpu.memory_space<hbm>>
      tpu.enqueue_dma source(%dma_start3A_33 : memref<80xi32, #tpu.memory_space<hbm>>) target(%arg7 : memref<80xi32, #tpu.memory_space<vmem>>) target_semaphore(%run_scoped3A : memref<!tpu.dma_semaphore, #tpu.memory_space<semaphore_mem>>)
      %dma_wait3A_34 = tpu.memref_slice %arg4[%add3A_4] : memref<156160xi32, #tpu.memory_space<hbm>> -> memref<80xi32, #tpu.memory_space<hbm>>
      %dma_wait3A_35 = tpu.memref_slice %arg4[%add3A_4] : memref<156160xi32, #tpu.memory_space<hbm>> -> memref<80xi32, #tpu.memory_space<hbm>>
      tpu.wait_dma2 semaphore(%run_scoped3A : memref<!tpu.dma_semaphore, #tpu.memory_space<semaphore_mem>>) src(%dma_wait3A_35 : memref<80xi32, #tpu.memory_space<hbm>>) dst(%arg7 : memref<80xi32, #tpu.memory_space<vmem>>)
      tpu.yield
    }) : () -> ()
    %dma_start3A = arith.constant 0 : i32
    %dma_start3A_5 = arith.constant 0 : i32
    %dma_start3A_6 = tpu.memref_slice %arg2[%dma_start3A, %dma_start3A_5] : memref<10000x128xf32, #tpu.memory_space<hbm>> -> memref<10000x128xf32, #tpu.memory_space<hbm>>
    tpu.enqueue_indirect_dma source(%dma_start3A_6 : memref<10000x128xf32, #tpu.memory_space<hbm>>) target(%arg9 : memref<80x128xf32, #tpu.memory_space<vmem>>) offsets(%arg8 : memref<80xi32, #tpu.memory_space<vmem>>) semaphore(%arg15 : memref<!tpu.dma_semaphore, #tpu.memory_space<semaphore_mem>>)
    %dma_start3A_7 = arith.constant 0 : i32
    %dma_start3A_8 = arith.constant 0 : i32
    %dma_start3A_9 = tpu.memref_slice %arg3[%dma_start3A_7, %dma_start3A_8] : memref<10000x256xf32, #tpu.memory_space<hbm>> -> memref<10000x256xf32, #tpu.memory_space<hbm>>
    tpu.enqueue_indirect_dma source(%dma_start3A_9 : memref<10000x256xf32, #tpu.memory_space<hbm>>) target(%arg10 : memref<80x256xf32, #tpu.memory_space<vmem>>) offsets(%arg7 : memref<80xi32, #tpu.memory_space<vmem>>) semaphore(%arg15 : memref<!tpu.dma_semaphore, #tpu.memory_space<semaphore_mem>>)
    %scan3A = arith.constant 0 : i32
    %scan3A_10 = arith.constant 0 : i32
    %scan3A_11 = arith.constant 30 : i32
    %scan3A_12 = arith.addi %scan3A_10, %scan3A_11 : i32
    %scan3A_13 = arith.constant 1 : i32
    scf.for %scan3A_32 = %scan3A_10 to %scan3A_12 step %scan3A_13  : i32 {
      %mul3A_33 = arith.constant 2 : i32
      %mul3A_34 = arith.muli %mul3A_33, %scan3A_32 : i32
      %add3A_35 = arith.constant 1 : i32
      %add3A_36 = arith.addi %mul3A_34, %add3A_35 : i32
      %gt3A = arith.constant 0 : i32
      %gt3A_37 = arith.cmpi sgt, %scan3A_32, %gt3A : i32
      %convert_element_type3A = arith.extui %gt3A_37 : i1 to i32
      %cond3A = arith.constant 0 : i32
      %cond3A_38 = arith.cmpi ne, %convert_element_type3A, %cond3A : i32
      scf.if %cond3A_38 {
        %dma_wait3A_96 = arith.constant 0 : i32
        %dma_wait3A_97 = tpu.memref_slice %arg6[%mul3A_2, %dma_wait3A_96] : memref<156160x256xf32, #tpu.memory_space<hbm>> -> memref<80x256xf32, #tpu.memory_space<hbm>>
        %dma_wait3A_98 = arith.constant 0 : i32
        %dma_wait3A_99 = tpu.memref_slice %arg6[%mul3A_2, %dma_wait3A_98] : memref<156160x256xf32, #tpu.memory_space<hbm>> -> memref<80x256xf32, #tpu.memory_space<hbm>>
        tpu.wait_dma2 semaphore(%arg18 : memref<!tpu.dma_semaphore, #tpu.memory_space<semaphore_mem>>) src(%arg14 : memref<80x256xf32, #tpu.memory_space<vmem>>) dst(%dma_wait3A_99 : memref<80x256xf32, #tpu.memory_space<hbm>>)
      } else {
      }
      %mul3A_39 = arith.constant 80 : i32
      %mul3A_40 = arith.muli %add3A_36, %mul3A_39 : i32
      %add3A_41 = arith.addi %mul3A_2, %mul3A_40 : i32
      "tpu.region"() ({
        %run_scoped3A = tpu.sem_alloc : memref<!tpu.dma_semaphore, #tpu.memory_space<semaphore_mem>>
        %dma_start3A_96 = tpu.memref_slice %arg5[%add3A_41] : memref<156160xi32, #tpu.memory_space<hbm>> -> memref<80xi32, #tpu.memory_space<hbm>>
        %dma_start3A_97 = tpu.memref_slice %arg5[%add3A_41] : memref<156160xi32, #tpu.memory_space<hbm>> -> memref<80xi32, #tpu.memory_space<hbm>>
        tpu.enqueue_dma source(%dma_start3A_97 : memref<80xi32, #tpu.memory_space<hbm>>) target(%arg12 : memref<80xi32, #tpu.memory_space<vmem>>) target_semaphore(%run_scoped3A : memref<!tpu.dma_semaphore, #tpu.memory_space<semaphore_mem>>)
        %dma_wait3A_98 = tpu.memref_slice %arg5[%add3A_41] : memref<156160xi32, #tpu.memory_space<hbm>> -> memref<80xi32, #tpu.memory_space<hbm>>
        %dma_wait3A_99 = tpu.memref_slice %arg5[%add3A_41] : memref<156160xi32, #tpu.memory_space<hbm>> -> memref<80xi32, #tpu.memory_space<hbm>>
        tpu.wait_dma2 semaphore(%run_scoped3A : memref<!tpu.dma_semaphore, #tpu.memory_space<semaphore_mem>>) src(%dma_wait3A_99 : memref<80xi32, #tpu.memory_space<hbm>>) dst(%arg12 : memref<80xi32, #tpu.memory_space<vmem>>)
        tpu.yield
      }) : () -> ()
      "tpu.region"() ({
        %run_scoped3A = tpu.sem_alloc : memref<!tpu.dma_semaphore, #tpu.memory_space<semaphore_mem>>
        %dma_start3A_96 = tpu.memref_slice %arg4[%add3A_41] : memref<156160xi32, #tpu.memory_space<hbm>> -> memref<80xi32, #tpu.memory_space<hbm>>
        %dma_start3A_97 = tpu.memref_slice %arg4[%add3A_41] : memref<156160xi32, #tpu.memory_space<hbm>> -> memref<80xi32, #tpu.memory_space<hbm>>
        tpu.enqueue_dma source(%dma_start3A_97 : memref<80xi32, #tpu.memory_space<hbm>>) target(%arg11 : memref<80xi32, #tpu.memory_space<vmem>>) target_semaphore(%run_scoped3A : memref<!tpu.dma_semaphore, #tpu.memory_space<semaphore_mem>>)
        %dma_wait3A_98 = tpu.memref_slice %arg4[%add3A_41] : memref<156160xi32, #tpu.memory_space<hbm>> -> memref<80xi32, #tpu.memory_space<hbm>>
        %dma_wait3A_99 = tpu.memref_slice %arg4[%add3A_41] : memref<156160xi32, #tpu.memory_space<hbm>> -> memref<80xi32, #tpu.memory_space<hbm>>
        tpu.wait_dma2 semaphore(%run_scoped3A : memref<!tpu.dma_semaphore, #tpu.memory_space<semaphore_mem>>) src(%dma_wait3A_99 : memref<80xi32, #tpu.memory_space<hbm>>) dst(%arg11 : memref<80xi32, #tpu.memory_space<vmem>>)
        tpu.yield
      }) : () -> ()
      %dma_start3A_42 = arith.constant 0 : i32
      %dma_start3A_43 = arith.constant 0 : i32
      %dma_start3A_44 = tpu.memref_slice %arg2[%dma_start3A_42, %dma_start3A_43] : memref<10000x128xf32, #tpu.memory_space<hbm>> -> memref<10000x128xf32, #tpu.memory_space<hbm>>
      tpu.enqueue_indirect_dma source(%dma_start3A_44 : memref<10000x128xf32, #tpu.memory_space<hbm>>) target(%arg13 : memref<80x128xf32, #tpu.memory_space<vmem>>) offsets(%arg12 : memref<80xi32, #tpu.memory_space<vmem>>) semaphore(%arg16 : memref<!tpu.dma_semaphore, #tpu.memory_space<semaphore_mem>>)
      %dma_start3A_45 = arith.constant 0 : i32
      %dma_start3A_46 = arith.constant 0 : i32
      %dma_start3A_47 = tpu.memref_slice %arg3[%dma_start3A_45, %dma_start3A_46] : memref<10000x256xf32, #tpu.memory_space<hbm>> -> memref<10000x256xf32, #tpu.memory_space<hbm>>
      tpu.enqueue_indirect_dma source(%dma_start3A_47 : memref<10000x256xf32, #tpu.memory_space<hbm>>) target(%arg14 : memref<80x256xf32, #tpu.memory_space<vmem>>) offsets(%arg11 : memref<80xi32, #tpu.memory_space<vmem>>) semaphore(%arg16 : memref<!tpu.dma_semaphore, #tpu.memory_space<semaphore_mem>>)
      %dma_wait3A_48 = arith.constant 0 : i32
      %dma_wait3A_49 = arith.constant 0 : i32
      %dma_wait3A_50 = tpu.memref_slice %arg2[%dma_wait3A_48, %dma_wait3A_49] : memref<10000x128xf32, #tpu.memory_space<hbm>> -> memref<10000x128xf32, #tpu.memory_space<hbm>>
      tpu.wait_indirect_dma semaphore(%arg15 : memref<!tpu.dma_semaphore, #tpu.memory_space<semaphore_mem>>) src(%dma_wait3A_50 : memref<10000x128xf32, #tpu.memory_space<hbm>>) dst(%arg9 : memref<80x128xf32, #tpu.memory_space<vmem>>)
      %dma_wait3A_51 = arith.constant 0 : i32
      %dma_wait3A_52 = arith.constant 0 : i32
      %dma_wait3A_53 = tpu.memref_slice %arg3[%dma_wait3A_51, %dma_wait3A_52] : memref<10000x256xf32, #tpu.memory_space<hbm>> -> memref<10000x256xf32, #tpu.memory_space<hbm>>
      tpu.wait_indirect_dma semaphore(%arg15 : memref<!tpu.dma_semaphore, #tpu.memory_space<semaphore_mem>>) src(%dma_wait3A_53 : memref<10000x256xf32, #tpu.memory_space<hbm>>) dst(%arg10 : memref<80x256xf32, #tpu.memory_space<vmem>>)
      %scan3A_54 = arith.constant 0 : i32
      %scan3A_55 = arith.constant 0 : i32
      %scan3A_56 = arith.constant 80 : i32
      %scan3A_57 = arith.addi %scan3A_55, %scan3A_56 : i32
      %scan3A_58 = arith.constant 1 : i32
      scf.for %scan3A_96 = %scan3A_55 to %scan3A_57 step %scan3A_58  : i32 {
        %get3A = arith.index_cast %scan3A_96 : i32 to index
        %get3A_97 = arith.constant 0 : index
        %get3A_98 = tpu.vector_load %arg10[%get3A, %get3A_97] {strides = array<i32>} : memref<80x256xf32, #tpu.memory_space<vmem>>, vector<1x16xf32>,
        %get3A_99 = vector.shape_cast %get3A_98 : vector<1x16xf32> to vector<16xf32>
        %get3A_100 = arith.index_cast %scan3A_96 : i32 to index
        %get3A_101 = arith.constant 0 : index
        %get3A_102 = tpu.vector_load %arg9[%get3A_100, %get3A_101] {strides = array<i32>} : memref<80x128xf32, #tpu.memory_space<vmem>>, vector<1x16xf32>,
        %get3A_103 = vector.shape_cast %get3A_102 : vector<1x16xf32> to vector<16xf32>
        %add3A_104 = arith.addf %get3A_99, %get3A_103 : vector<16xf32>
        %swap3A = arith.index_cast %scan3A_96 : i32 to index
        %swap3A_105 = arith.constant 0 : index
        %swap3A_106 = tpu.vector_load %arg10[%swap3A, %swap3A_105] {strides = array<i32>} : memref<80x256xf32, #tpu.memory_space<vmem>>, vector<1x16xf32>,
        %swap3A_107 = vector.shape_cast %swap3A_106 : vector<1x16xf32> to vector<16xf32>
        %swap3A_108 = vector.shape_cast %add3A_104 : vector<16xf32> to vector<1x16xf32>
        tpu.vector_store %arg10[%swap3A, %swap3A_105], %swap3A_108 {strides = array<i32>} : memref<80x256xf32, #tpu.memory_space<vmem>>, vector<1x16xf32>,
        %get3A_109 = arith.index_cast %scan3A_96 : i32 to index
        %get3A_110 = arith.constant 16 : index
        %get3A_111 = tpu.vector_load %arg10[%get3A_109, %get3A_110] {strides = array<i32>} : memref<80x256xf32, #tpu.memory_space<vmem>>, vector<1x16xf32>,
        %get3A_112 = vector.shape_cast %get3A_111 : vector<1x16xf32> to vector<16xf32>
        %get3A_113 = arith.index_cast %scan3A_96 : i32 to index
        %get3A_114 = arith.constant 16 : index
        %get3A_115 = tpu.vector_load %arg9[%get3A_113, %get3A_114] {strides = array<i32>} : memref<80x128xf32, #tpu.memory_space<vmem>>, vector<1x16xf32>,
        %get3A_116 = vector.shape_cast %get3A_115 : vector<1x16xf32> to vector<16xf32>
        %add3A_117 = arith.addf %get3A_112, %get3A_116 : vector<16xf32>
        %swap3A_118 = arith.index_cast %scan3A_96 : i32 to index
        %swap3A_119 = arith.constant 16 : index
        %swap3A_120 = tpu.vector_load %arg10[%swap3A_118, %swap3A_119] {strides = array<i32>} : memref<80x256xf32, #tpu.memory_space<vmem>>, vector<1x16xf32>,
        %swap3A_121 = vector.shape_cast %swap3A_120 : vector<1x16xf32> to vector<16xf32>
        %swap3A_122 = vector.shape_cast %add3A_117 : vector<16xf32> to vector<1x16xf32>
        tpu.vector_store %arg10[%swap3A_118, %swap3A_119], %swap3A_122 {strides = array<i32>} : memref<80x256xf32, #tpu.memory_space<vmem>>, vector<1x16xf32>,
        %get3A_123 = arith.index_cast %scan3A_96 : i32 to index
        %get3A_124 = arith.constant 32 : index
        %get3A_125 = tpu.vector_load %arg10[%get3A_123, %get3A_124] {strides = array<i32>} : memref<80x256xf32, #tpu.memory_space<vmem>>, vector<1x16xf32>,
        %get3A_126 = vector.shape_cast %get3A_125 : vector<1x16xf32> to vector<16xf32>
        %get3A_127 = arith.index_cast %scan3A_96 : i32 to index
        %get3A_128 = arith.constant 32 : index
        %get3A_129 = tpu.vector_load %arg9[%get3A_127, %get3A_128] {strides = array<i32>} : memref<80x128xf32, #tpu.memory_space<vmem>>, vector<1x16xf32>,
        %get3A_130 = vector.shape_cast %get3A_129 : vector<1x16xf32> to vector<16xf32>
        %add3A_131 = arith.addf %get3A_126, %get3A_130 : vector<16xf32>
        %swap3A_132 = arith.index_cast %scan3A_96 : i32 to index
        %swap3A_133 = arith.constant 32 : index
        %swap3A_134 = tpu.vector_load %arg10[%swap3A_132, %swap3A_133] {strides = array<i32>} : memref<80x256xf32, #tpu.memory_space<vmem>>, vector<1x16xf32>,
        %swap3A_135 = vector.shape_cast %swap3A_134 : vector<1x16xf32> to vector<16xf32>
        %swap3A_136 = vector.shape_cast %add3A_131 : vector<16xf32> to vector<1x16xf32>
        tpu.vector_store %arg10[%swap3A_132, %swap3A_133], %swap3A_136 {strides = array<i32>} : memref<80x256xf32, #tpu.memory_space<vmem>>, vector<1x16xf32>,
        %get3A_137 = arith.index_cast %scan3A_96 : i32 to index
        %get3A_138 = arith.constant 48 : index
        %get3A_139 = tpu.vector_load %arg10[%get3A_137, %get3A_138] {strides = array<i32>} : memref<80x256xf32, #tpu.memory_space<vmem>>, vector<1x16xf32>,
        %get3A_140 = vector.shape_cast %get3A_139 : vector<1x16xf32> to vector<16xf32>
        %get3A_141 = arith.index_cast %scan3A_96 : i32 to index
        %get3A_142 = arith.constant 48 : index
        %get3A_143 = tpu.vector_load %arg9[%get3A_141, %get3A_142] {strides = array<i32>} : memref<80x128xf32, #tpu.memory_space<vmem>>, vector<1x16xf32>,
        %get3A_144 = vector.shape_cast %get3A_143 : vector<1x16xf32> to vector<16xf32>
        %add3A_145 = arith.addf %get3A_140, %get3A_144 : vector<16xf32>
        %swap3A_146 = arith.index_cast %scan3A_96 : i32 to index
        %swap3A_147 = arith.constant 48 : index
        %swap3A_148 = tpu.vector_load %arg10[%swap3A_146, %swap3A_147] {strides = array<i32>} : memref<80x256xf32, #tpu.memory_space<vmem>>, vector<1x16xf32>,
        %swap3A_149 = vector.shape_cast %swap3A_148 : vector<1x16xf32> to vector<16xf32>
        %swap3A_150 = vector.shape_cast %add3A_145 : vector<16xf32> to vector<1x16xf32>
        tpu.vector_store %arg10[%swap3A_146, %swap3A_147], %swap3A_150 {strides = array<i32>} : memref<80x256xf32, #tpu.memory_space<vmem>>, vector<1x16xf32>,
        %get3A_151 = arith.index_cast %scan3A_96 : i32 to index
        %get3A_152 = arith.constant 64 : index
        %get3A_153 = tpu.vector_load %arg10[%get3A_151, %get3A_152] {strides = array<i32>} : memref<80x256xf32, #tpu.memory_space<vmem>>, vector<1x16xf32>,
        %get3A_154 = vector.shape_cast %get3A_153 : vector<1x16xf32> to vector<16xf32>
        %get3A_155 = arith.index_cast %scan3A_96 : i32 to index
        %get3A_156 = arith.constant 64 : index
        %get3A_157 = tpu.vector_load %arg9[%get3A_155, %get3A_156] {strides = array<i32>} : memref<80x128xf32, #tpu.memory_space<vmem>>, vector<1x16xf32>,
        %get3A_158 = vector.shape_cast %get3A_157 : vector<1x16xf32> to vector<16xf32>
        %add3A_159 = arith.addf %get3A_154, %get3A_158 : vector<16xf32>
        %swap3A_160 = arith.index_cast %scan3A_96 : i32 to index
        %swap3A_161 = arith.constant 64 : index
        %swap3A_162 = tpu.vector_load %arg10[%swap3A_160, %swap3A_161] {strides = array<i32>} : memref<80x256xf32, #tpu.memory_space<vmem>>, vector<1x16xf32>,
        %swap3A_163 = vector.shape_cast %swap3A_162 : vector<1x16xf32> to vector<16xf32>
        %swap3A_164 = vector.shape_cast %add3A_159 : vector<16xf32> to vector<1x16xf32>
        tpu.vector_store %arg10[%swap3A_160, %swap3A_161], %swap3A_164 {strides = array<i32>} : memref<80x256xf32, #tpu.memory_space<vmem>>, vector<1x16xf32>,
        %get3A_165 = arith.index_cast %scan3A_96 : i32 to index
        %get3A_166 = arith.constant 80 : index
        %get3A_167 = tpu.vector_load %arg10[%get3A_165, %get3A_166] {strides = array<i32>} : memref<80x256xf32, #tpu.memory_space<vmem>>, vector<1x16xf32>,
        %get3A_168 = vector.shape_cast %get3A_167 : vector<1x16xf32> to vector<16xf32>
        %get3A_169 = arith.index_cast %scan3A_96 : i32 to index
        %get3A_170 = arith.constant 80 : index
        %get3A_171 = tpu.vector_load %arg9[%get3A_169, %get3A_170] {strides = array<i32>} : memref<80x128xf32, #tpu.memory_space<vmem>>, vector<1x16xf32>,
        %get3A_172 = vector.shape_cast %get3A_171 : vector<1x16xf32> to vector<16xf32>
        %add3A_173 = arith.addf %get3A_168, %get3A_172 : vector<16xf32>
        %swap3A_174 = arith.index_cast %scan3A_96 : i32 to index
        %swap3A_175 = arith.constant 80 : index
        %swap3A_176 = tpu.vector_load %arg10[%swap3A_174, %swap3A_175] {strides = array<i32>} : memref<80x256xf32, #tpu.memory_space<vmem>>, vector<1x16xf32>,
        %swap3A_177 = vector.shape_cast %swap3A_176 : vector<1x16xf32> to vector<16xf32>
        %swap3A_178 = vector.shape_cast %add3A_173 : vector<16xf32> to vector<1x16xf32>
        tpu.vector_store %arg10[%swap3A_174, %swap3A_175], %swap3A_178 {strides = array<i32>} : memref<80x256xf32, #tpu.memory_space<vmem>>, vector<1x16xf32>,
        %get3A_179 = arith.index_cast %scan3A_96 : i32 to index
        %get3A_180 = arith.constant 96 : index
        %get3A_181 = tpu.vector_load %arg10[%get3A_179, %get3A_180] {strides = array<i32>} : memref<80x256xf32, #tpu.memory_space<vmem>>, vector<1x16xf32>,
        %get3A_182 = vector.shape_cast %get3A_181 : vector<1x16xf32> to vector<16xf32>
        %get3A_183 = arith.index_cast %scan3A_96 : i32 to index
        %get3A_184 = arith.constant 96 : index
        %get3A_185 = tpu.vector_load %arg9[%get3A_183, %get3A_184] {strides = array<i32>} : memref<80x128xf32, #tpu.memory_space<vmem>>, vector<1x16xf32>,
        %get3A_186 = vector.shape_cast %get3A_185 : vector<1x16xf32> to vector<16xf32>
        %add3A_187 = arith.addf %get3A_182, %get3A_186 : vector<16xf32>
        %swap3A_188 = arith.index_cast %scan3A_96 : i32 to index
        %swap3A_189 = arith.constant 96 : index
        %swap3A_190 = tpu.vector_load %arg10[%swap3A_188, %swap3A_189] {strides = array<i32>} : memref<80x256xf32, #tpu.memory_space<vmem>>, vector<1x16xf32>,
        %swap3A_191 = vector.shape_cast %swap3A_190 : vector<1x16xf32> to vector<16xf32>
        %swap3A_192 = vector.shape_cast %add3A_187 : vector<16xf32> to vector<1x16xf32>
        tpu.vector_store %arg10[%swap3A_188, %swap3A_189], %swap3A_192 {strides = array<i32>} : memref<80x256xf32, #tpu.memory_space<vmem>>, vector<1x16xf32>,
        %get3A_193 = arith.index_cast %scan3A_96 : i32 to index
        %get3A_194 = arith.constant 112 : index
        %get3A_195 = tpu.vector_load %arg10[%get3A_193, %get3A_194] {strides = array<i32>} : memref<80x256xf32, #tpu.memory_space<vmem>>, vector<1x16xf32>,
        %get3A_196 = vector.shape_cast %get3A_195 : vector<1x16xf32> to vector<16xf32>
        %get3A_197 = arith.index_cast %scan3A_96 : i32 to index
        %get3A_198 = arith.constant 112 : index
        %get3A_199 = tpu.vector_load %arg9[%get3A_197, %get3A_198] {strides = array<i32>} : memref<80x128xf32, #tpu.memory_space<vmem>>, vector<1x16xf32>,
        %get3A_200 = vector.shape_cast %get3A_199 : vector<1x16xf32> to vector<16xf32>
        %add3A_201 = arith.addf %get3A_196, %get3A_200 : vector<16xf32>
        %swap3A_202 = arith.index_cast %scan3A_96 : i32 to index
        %swap3A_203 = arith.constant 112 : index
        %swap3A_204 = tpu.vector_load %arg10[%swap3A_202, %swap3A_203] {strides = array<i32>} : memref<80x256xf32, #tpu.memory_space<vmem>>, vector<1x16xf32>,
        %swap3A_205 = vector.shape_cast %swap3A_204 : vector<1x16xf32> to vector<16xf32>
        %swap3A_206 = vector.shape_cast %add3A_201 : vector<16xf32> to vector<1x16xf32>
        tpu.vector_store %arg10[%swap3A_202, %swap3A_203], %swap3A_206 {strides = array<i32>} : memref<80x256xf32, #tpu.memory_space<vmem>>, vector<1x16xf32>,
      }
      %scan3A_59 = arith.constant 80 : i32
      %mul3A_60 = arith.constant 80 : i32
      %mul3A_61 = arith.muli %mul3A_34, %mul3A_60 : i32
      %add3A_62 = arith.addi %mul3A_2, %mul3A_61 : i32
      %dma_start3A_63 = arith.constant 0 : i32
      %dma_start3A_64 = tpu.memref_slice %arg6[%add3A_62, %dma_start3A_63] : memref<156160x256xf32, #tpu.memory_space<hbm>> -> memref<80x256xf32, #tpu.memory_space<hbm>>
      %dma_start3A_65 = arith.constant 0 : i32
      %dma_start3A_66 = tpu.memref_slice %arg6[%add3A_62, %dma_start3A_65] : memref<156160x256xf32, #tpu.memory_space<hbm>> -> memref<80x256xf32, #tpu.memory_space<hbm>>
      tpu.enqueue_dma source(%arg10 : memref<80x256xf32, #tpu.memory_space<vmem>>) target(%dma_start3A_66 : memref<80x256xf32, #tpu.memory_space<hbm>>) target_semaphore(%arg17 : memref<!tpu.dma_semaphore, #tpu.memory_space<semaphore_mem>>)
      %dma_wait3A_67 = arith.constant 0 : i32
      %dma_wait3A_68 = tpu.memref_slice %arg6[%mul3A_2, %dma_wait3A_67] : memref<156160x256xf32, #tpu.memory_space<hbm>> -> memref<80x256xf32, #tpu.memory_space<hbm>>
      %dma_wait3A_69 = arith.constant 0 : i32
      %dma_wait3A_70 = tpu.memref_slice %arg6[%mul3A_2, %dma_wait3A_69] : memref<156160x256xf32, #tpu.memory_space<hbm>> -> memref<80x256xf32, #tpu.memory_space<hbm>>
      tpu.wait_dma2 semaphore(%arg17 : memref<!tpu.dma_semaphore, #tpu.memory_space<semaphore_mem>>) src(%arg10 : memref<80x256xf32, #tpu.memory_space<vmem>>) dst(%dma_wait3A_70 : memref<80x256xf32, #tpu.memory_space<hbm>>)
      %add3A_71 = arith.constant 2 : i32
      %add3A_72 = arith.addi %mul3A_34, %add3A_71 : i32
      %lt3A = arith.constant 61 : i32
      %lt3A_73 = arith.cmpi slt, %add3A_72, %lt3A : i32
      %convert_element_type3A_74 = arith.extui %lt3A_73 : i1 to i32
      %cond3A_75 = arith.constant 0 : i32
      %cond3A_76 = arith.cmpi ne, %convert_element_type3A_74, %cond3A_75 : i32
      scf.if %cond3A_76 {
        %add3A_96 = arith.constant 2 : i32
        %add3A_97 = arith.addi %mul3A_34, %add3A_96 : i32
        %mul3A_98 = arith.constant 80 : i32
        %mul3A_99 = arith.muli %add3A_97, %mul3A_98 : i32
        %add3A_100 = arith.addi %mul3A_2, %mul3A_99 : i32
        "tpu.region"() ({
          %run_scoped3A = tpu.sem_alloc : memref<!tpu.dma_semaphore, #tpu.memory_space<semaphore_mem>>
          %dma_start3A_107 = tpu.memref_slice %arg5[%add3A_100] : memref<156160xi32, #tpu.memory_space<hbm>> -> memref<80xi32, #tpu.memory_space<hbm>>
          %dma_start3A_108 = tpu.memref_slice %arg5[%add3A_100] : memref<156160xi32, #tpu.memory_space<hbm>> -> memref<80xi32, #tpu.memory_space<hbm>>
          tpu.enqueue_dma source(%dma_start3A_108 : memref<80xi32, #tpu.memory_space<hbm>>) target(%arg8 : memref<80xi32, #tpu.memory_space<vmem>>) target_semaphore(%run_scoped3A : memref<!tpu.dma_semaphore, #tpu.memory_space<semaphore_mem>>)
          %dma_wait3A_109 = tpu.memref_slice %arg5[%add3A_100] : memref<156160xi32, #tpu.memory_space<hbm>> -> memref<80xi32, #tpu.memory_space<hbm>>
          %dma_wait3A_110 = tpu.memref_slice %arg5[%add3A_100] : memref<156160xi32, #tpu.memory_space<hbm>> -> memref<80xi32, #tpu.memory_space<hbm>>
          tpu.wait_dma2 semaphore(%run_scoped3A : memref<!tpu.dma_semaphore, #tpu.memory_space<semaphore_mem>>) src(%dma_wait3A_110 : memref<80xi32, #tpu.memory_space<hbm>>) dst(%arg8 : memref<80xi32, #tpu.memory_space<vmem>>)
          tpu.yield
        }) : () -> ()
        "tpu.region"() ({
          %run_scoped3A = tpu.sem_alloc : memref<!tpu.dma_semaphore, #tpu.memory_space<semaphore_mem>>
          %dma_start3A_107 = tpu.memref_slice %arg4[%add3A_100] : memref<156160xi32, #tpu.memory_space<hbm>> -> memref<80xi32, #tpu.memory_space<hbm>>
          %dma_start3A_108 = tpu.memref_slice %arg4[%add3A_100] : memref<156160xi32, #tpu.memory_space<hbm>> -> memref<80xi32, #tpu.memory_space<hbm>>
          tpu.enqueue_dma source(%dma_start3A_108 : memref<80xi32, #tpu.memory_space<hbm>>) target(%arg7 : memref<80xi32, #tpu.memory_space<vmem>>) target_semaphore(%run_scoped3A : memref<!tpu.dma_semaphore, #tpu.memory_space<semaphore_mem>>)
          %dma_wait3A_109 = tpu.memref_slice %arg4[%add3A_100] : memref<156160xi32, #tpu.memory_space<hbm>> -> memref<80xi32, #tpu.memory_space<hbm>>
          %dma_wait3A_110 = tpu.memref_slice %arg4[%add3A_100] : memref<156160xi32, #tpu.memory_space<hbm>> -> memref<80xi32, #tpu.memory_space<hbm>>
          tpu.wait_dma2 semaphore(%run_scoped3A : memref<!tpu.dma_semaphore, #tpu.memory_space<semaphore_mem>>) src(%dma_wait3A_110 : memref<80xi32, #tpu.memory_space<hbm>>) dst(%arg7 : memref<80xi32, #tpu.memory_space<vmem>>)
          tpu.yield
        }) : () -> ()
        %dma_start3A_101 = arith.constant 0 : i32
        %dma_start3A_102 = arith.constant 0 : i32
        %dma_start3A_103 = tpu.memref_slice %arg2[%dma_start3A_101, %dma_start3A_102] : memref<10000x128xf32, #tpu.memory_space<hbm>> -> memref<10000x128xf32, #tpu.memory_space<hbm>>
        tpu.enqueue_indirect_dma source(%dma_start3A_103 : memref<10000x128xf32, #tpu.memory_space<hbm>>) target(%arg9 : memref<80x128xf32, #tpu.memory_space<vmem>>) offsets(%arg8 : memref<80xi32, #tpu.memory_space<vmem>>) semaphore(%arg15 : memref<!tpu.dma_semaphore, #tpu.memory_space<semaphore_mem>>)
        %dma_start3A_104 = arith.constant 0 : i32
        %dma_start3A_105 = arith.constant 0 : i32
        %dma_start3A_106 = tpu.memref_slice %arg3[%dma_start3A_104, %dma_start3A_105] : memref<10000x256xf32, #tpu.memory_space<hbm>> -> memref<10000x256xf32, #tpu.memory_space<hbm>>
        tpu.enqueue_indirect_dma source(%dma_start3A_106 : memref<10000x256xf32, #tpu.memory_space<hbm>>) target(%arg10 : memref<80x256xf32, #tpu.memory_space<vmem>>) offsets(%arg7 : memref<80xi32, #tpu.memory_space<vmem>>) semaphore(%arg15 : memref<!tpu.dma_semaphore, #tpu.memory_space<semaphore_mem>>)
      } else {
      }
      %dma_wait3A_77 = arith.constant 0 : i32
      %dma_wait3A_78 = arith.constant 0 : i32
      %dma_wait3A_79 = tpu.memref_slice %arg2[%dma_wait3A_77, %dma_wait3A_78] : memref<10000x128xf32, #tpu.memory_space<hbm>> -> memref<10000x128xf32, #tpu.memory_space<hbm>>
      tpu.wait_indirect_dma semaphore(%arg16 : memref<!tpu.dma_semaphore, #tpu.memory_space<semaphore_mem>>) src(%dma_wait3A_79 : memref<10000x128xf32, #tpu.memory_space<hbm>>) dst(%arg13 : memref<80x128xf32, #tpu.memory_space<vmem>>)
      %dma_wait3A_80 = arith.constant 0 : i32
      %dma_wait3A_81 = arith.constant 0 : i32
      %dma_wait3A_82 = tpu.memref_slice %arg3[%dma_wait3A_80, %dma_wait3A_81] : memref<10000x256xf32, #tpu.memory_space<hbm>> -> memref<10000x256xf32, #tpu.memory_space<hbm>>
      tpu.wait_indirect_dma semaphore(%arg16 : memref<!tpu.dma_semaphore, #tpu.memory_space<semaphore_mem>>) src(%dma_wait3A_82 : memref<10000x256xf32, #tpu.memory_space<hbm>>) dst(%arg14 : memref<80x256xf32, #tpu.memory_space<vmem>>)
      %scan3A_83 = arith.constant 0 : i32
      %scan3A_84 = arith.constant 0 : i32
      %scan3A_85 = arith.constant 80 : i32
      %scan3A_86 = arith.addi %scan3A_84, %scan3A_85 : i32
      %scan3A_87 = arith.constant 1 : i32
      scf.for %scan3A_96 = %scan3A_84 to %scan3A_86 step %scan3A_87  : i32 {
        %get3A = arith.index_cast %scan3A_96 : i32 to index
        %get3A_97 = arith.constant 0 : index
        %get3A_98 = tpu.vector_load %arg14[%get3A, %get3A_97] {strides = array<i32>} : memref<80x256xf32, #tpu.memory_space<vmem>>, vector<1x16xf32>,
        %get3A_99 = vector.shape_cast %get3A_98 : vector<1x16xf32> to vector<16xf32>
        %get3A_100 = arith.index_cast %scan3A_96 : i32 to index
        %get3A_101 = arith.constant 0 : index
        %get3A_102 = tpu.vector_load %arg13[%get3A_100, %get3A_101] {strides = array<i32>} : memref<80x128xf32, #tpu.memory_space<vmem>>, vector<1x16xf32>,
        %get3A_103 = vector.shape_cast %get3A_102 : vector<1x16xf32> to vector<16xf32>
        %add3A_104 = arith.addf %get3A_99, %get3A_103 : vector<16xf32>
        %swap3A = arith.index_cast %scan3A_96 : i32 to index
        %swap3A_105 = arith.constant 0 : index
        %swap3A_106 = tpu.vector_load %arg14[%swap3A, %swap3A_105] {strides = array<i32>} : memref<80x256xf32, #tpu.memory_space<vmem>>, vector<1x16xf32>,
        %swap3A_107 = vector.shape_cast %swap3A_106 : vector<1x16xf32> to vector<16xf32>
        %swap3A_108 = vector.shape_cast %add3A_104 : vector<16xf32> to vector<1x16xf32>
        tpu.vector_store %arg14[%swap3A, %swap3A_105], %swap3A_108 {strides = array<i32>} : memref<80x256xf32, #tpu.memory_space<vmem>>, vector<1x16xf32>,
        %get3A_109 = arith.index_cast %scan3A_96 : i32 to index
        %get3A_110 = arith.constant 16 : index
        %get3A_111 = tpu.vector_load %arg14[%get3A_109, %get3A_110] {strides = array<i32>} : memref<80x256xf32, #tpu.memory_space<vmem>>, vector<1x16xf32>,
        %get3A_112 = vector.shape_cast %get3A_111 : vector<1x16xf32> to vector<16xf32>
        %get3A_113 = arith.index_cast %scan3A_96 : i32 to index
        %get3A_114 = arith.constant 16 : index
        %get3A_115 = tpu.vector_load %arg13[%get3A_113, %get3A_114] {strides = array<i32>} : memref<80x128xf32, #tpu.memory_space<vmem>>, vector<1x16xf32>,
        %get3A_116 = vector.shape_cast %get3A_115 : vector<1x16xf32> to vector<16xf32>
        %add3A_117 = arith.addf %get3A_112, %get3A_116 : vector<16xf32>
        %swap3A_118 = arith.index_cast %scan3A_96 : i32 to index
        %swap3A_119 = arith.constant 16 : index
        %swap3A_120 = tpu.vector_load %arg14[%swap3A_118, %swap3A_119] {strides = array<i32>} : memref<80x256xf32, #tpu.memory_space<vmem>>, vector<1x16xf32>,
        %swap3A_121 = vector.shape_cast %swap3A_120 : vector<1x16xf32> to vector<16xf32>
        %swap3A_122 = vector.shape_cast %add3A_117 : vector<16xf32> to vector<1x16xf32>
        tpu.vector_store %arg14[%swap3A_118, %swap3A_119], %swap3A_122 {strides = array<i32>} : memref<80x256xf32, #tpu.memory_space<vmem>>, vector<1x16xf32>,
        %get3A_123 = arith.index_cast %scan3A_96 : i32 to index
        %get3A_124 = arith.constant 32 : index
        %get3A_125 = tpu.vector_load %arg14[%get3A_123, %get3A_124] {strides = array<i32>} : memref<80x256xf32, #tpu.memory_space<vmem>>, vector<1x16xf32>,
        %get3A_126 = vector.shape_cast %get3A_125 : vector<1x16xf32> to vector<16xf32>
        %get3A_127 = arith.index_cast %scan3A_96 : i32 to index
        %get3A_128 = arith.constant 32 : index
        %get3A_129 = tpu.vector_load %arg13[%get3A_127, %get3A_128] {strides = array<i32>} : memref<80x128xf32, #tpu.memory_space<vmem>>, vector<1x16xf32>,
        %get3A_130 = vector.shape_cast %get3A_129 : vector<1x16xf32> to vector<16xf32>
        %add3A_131 = arith.addf %get3A_126, %get3A_130 : vector<16xf32>
        %swap3A_132 = arith.index_cast %scan3A_96 : i32 to index
        %swap3A_133 = arith.constant 32 : index
        %swap3A_134 = tpu.vector_load %arg14[%swap3A_132, %swap3A_133] {strides = array<i32>} : memref<80x256xf32, #tpu.memory_space<vmem>>, vector<1x16xf32>,
        %swap3A_135 = vector.shape_cast %swap3A_134 : vector<1x16xf32> to vector<16xf32>
        %swap3A_136 = vector.shape_cast %add3A_131 : vector<16xf32> to vector<1x16xf32>
        tpu.vector_store %arg14[%swap3A_132, %swap3A_133], %swap3A_136 {strides = array<i32>} : memref<80x256xf32, #tpu.memory_space<vmem>>, vector<1x16xf32>,
        %get3A_137 = arith.index_cast %scan3A_96 : i32 to index
        %get3A_138 = arith.constant 48 : index
        %get3A_139 = tpu.vector_load %arg14[%get3A_137, %get3A_138] {strides = array<i32>} : memref<80x256xf32, #tpu.memory_space<vmem>>, vector<1x16xf32>,
        %get3A_140 = vector.shape_cast %get3A_139 : vector<1x16xf32> to vector<16xf32>
        %get3A_141 = arith.index_cast %scan3A_96 : i32 to index
        %get3A_142 = arith.constant 48 : index
        %get3A_143 = tpu.vector_load %arg13[%get3A_141, %get3A_142] {strides = array<i32>} : memref<80x128xf32, #tpu.memory_space<vmem>>, vector<1x16xf32>,
        %get3A_144 = vector.shape_cast %get3A_143 : vector<1x16xf32> to vector<16xf32>
        %add3A_145 = arith.addf %get3A_140, %get3A_144 : vector<16xf32>
        %swap3A_146 = arith.index_cast %scan3A_96 : i32 to index
        %swap3A_147 = arith.constant 48 : index
        %swap3A_148 = tpu.vector_load %arg14[%swap3A_146, %swap3A_147] {strides = array<i32>} : memref<80x256xf32, #tpu.memory_space<vmem>>, vector<1x16xf32>,
        %swap3A_149 = vector.shape_cast %swap3A_148 : vector<1x16xf32> to vector<16xf32>
        %swap3A_150 = vector.shape_cast %add3A_145 : vector<16xf32> to vector<1x16xf32>
        tpu.vector_store %arg14[%swap3A_146, %swap3A_147], %swap3A_150 {strides = array<i32>} : memref<80x256xf32, #tpu.memory_space<vmem>>, vector<1x16xf32>,
        %get3A_151 = arith.index_cast %scan3A_96 : i32 to index
        %get3A_152 = arith.constant 64 : index
        %get3A_153 = tpu.vector_load %arg14[%get3A_151, %get3A_152] {strides = array<i32>} : memref<80x256xf32, #tpu.memory_space<vmem>>, vector<1x16xf32>,
        %get3A_154 = vector.shape_cast %get3A_153 : vector<1x16xf32> to vector<16xf32>
        %get3A_155 = arith.index_cast %scan3A_96 : i32 to index
        %get3A_156 = arith.constant 64 : index
        %get3A_157 = tpu.vector_load %arg13[%get3A_155, %get3A_156] {strides = array<i32>} : memref<80x128xf32, #tpu.memory_space<vmem>>, vector<1x16xf32>,
        %get3A_158 = vector.shape_cast %get3A_157 : vector<1x16xf32> to vector<16xf32>
        %add3A_159 = arith.addf %get3A_154, %get3A_158 : vector<16xf32>
        %swap3A_160 = arith.index_cast %scan3A_96 : i32 to index
        %swap3A_161 = arith.constant 64 : index
        %swap3A_162 = tpu.vector_load %arg14[%swap3A_160, %swap3A_161] {strides = array<i32>} : memref<80x256xf32, #tpu.memory_space<vmem>>, vector<1x16xf32>,
        %swap3A_163 = vector.shape_cast %swap3A_162 : vector<1x16xf32> to vector<16xf32>
        %swap3A_164 = vector.shape_cast %add3A_159 : vector<16xf32> to vector<1x16xf32>
        tpu.vector_store %arg14[%swap3A_160, %swap3A_161], %swap3A_164 {strides = array<i32>} : memref<80x256xf32, #tpu.memory_space<vmem>>, vector<1x16xf32>,
        %get3A_165 = arith.index_cast %scan3A_96 : i32 to index
        %get3A_166 = arith.constant 80 : index
        %get3A_167 = tpu.vector_load %arg14[%get3A_165, %get3A_166] {strides = array<i32>} : memref<80x256xf32, #tpu.memory_space<vmem>>, vector<1x16xf32>,
        %get3A_168 = vector.shape_cast %get3A_167 : vector<1x16xf32> to vector<16xf32>
        %get3A_169 = arith.index_cast %scan3A_96 : i32 to index
        %get3A_170 = arith.constant 80 : index
        %get3A_171 = tpu.vector_load %arg13[%get3A_169, %get3A_170] {strides = array<i32>} : memref<80x128xf32, #tpu.memory_space<vmem>>, vector<1x16xf32>,
        %get3A_172 = vector.shape_cast %get3A_171 : vector<1x16xf32> to vector<16xf32>
        %add3A_173 = arith.addf %get3A_168, %get3A_172 : vector<16xf32>
        %swap3A_174 = arith.index_cast %scan3A_96 : i32 to index
        %swap3A_175 = arith.constant 80 : index
        %swap3A_176 = tpu.vector_load %arg14[%swap3A_174, %swap3A_175] {strides = array<i32>} : memref<80x256xf32, #tpu.memory_space<vmem>>, vector<1x16xf32>,
        %swap3A_177 = vector.shape_cast %swap3A_176 : vector<1x16xf32> to vector<16xf32>
        %swap3A_178 = vector.shape_cast %add3A_173 : vector<16xf32> to vector<1x16xf32>
        tpu.vector_store %arg14[%swap3A_174, %swap3A_175], %swap3A_178 {strides = array<i32>} : memref<80x256xf32, #tpu.memory_space<vmem>>, vector<1x16xf32>,
        %get3A_179 = arith.index_cast %scan3A_96 : i32 to index
        %get3A_180 = arith.constant 96 : index
        %get3A_181 = tpu.vector_load %arg14[%get3A_179, %get3A_180] {strides = array<i32>} : memref<80x256xf32, #tpu.memory_space<vmem>>, vector<1x16xf32>,
        %get3A_182 = vector.shape_cast %get3A_181 : vector<1x16xf32> to vector<16xf32>
        %get3A_183 = arith.index_cast %scan3A_96 : i32 to index
        %get3A_184 = arith.constant 96 : index
        %get3A_185 = tpu.vector_load %arg13[%get3A_183, %get3A_184] {strides = array<i32>} : memref<80x128xf32, #tpu.memory_space<vmem>>, vector<1x16xf32>,
        %get3A_186 = vector.shape_cast %get3A_185 : vector<1x16xf32> to vector<16xf32>
        %add3A_187 = arith.addf %get3A_182, %get3A_186 : vector<16xf32>
        %swap3A_188 = arith.index_cast %scan3A_96 : i32 to index
        %swap3A_189 = arith.constant 96 : index
        %swap3A_190 = tpu.vector_load %arg14[%swap3A_188, %swap3A_189] {strides = array<i32>} : memref<80x256xf32, #tpu.memory_space<vmem>>, vector<1x16xf32>,
        %swap3A_191 = vector.shape_cast %swap3A_190 : vector<1x16xf32> to vector<16xf32>
        %swap3A_192 = vector.shape_cast %add3A_187 : vector<16xf32> to vector<1x16xf32>
        tpu.vector_store %arg14[%swap3A_188, %swap3A_189], %swap3A_192 {strides = array<i32>} : memref<80x256xf32, #tpu.memory_space<vmem>>, vector<1x16xf32>,
        %get3A_193 = arith.index_cast %scan3A_96 : i32 to index
        %get3A_194 = arith.constant 112 : index
        %get3A_195 = tpu.vector_load %arg14[%get3A_193, %get3A_194] {strides = array<i32>} : memref<80x256xf32, #tpu.memory_space<vmem>>, vector<1x16xf32>,
        %get3A_196 = vector.shape_cast %get3A_195 : vector<1x16xf32> to vector<16xf32>
        %get3A_197 = arith.index_cast %scan3A_96 : i32 to index
        %get3A_198 = arith.constant 112 : index
        %get3A_199 = tpu.vector_load %arg13[%get3A_197, %get3A_198] {strides = array<i32>} : memref<80x128xf32, #tpu.memory_space<vmem>>, vector<1x16xf32>,
        %get3A_200 = vector.shape_cast %get3A_199 : vector<1x16xf32> to vector<16xf32>
        %add3A_201 = arith.addf %get3A_196, %get3A_200 : vector<16xf32>
        %swap3A_202 = arith.index_cast %scan3A_96 : i32 to index
        %swap3A_203 = arith.constant 112 : index
        %swap3A_204 = tpu.vector_load %arg14[%swap3A_202, %swap3A_203] {strides = array<i32>} : memref<80x256xf32, #tpu.memory_space<vmem>>, vector<1x16xf32>,
        %swap3A_205 = vector.shape_cast %swap3A_204 : vector<1x16xf32> to vector<16xf32>
        %swap3A_206 = vector.shape_cast %add3A_201 : vector<16xf32> to vector<1x16xf32>
        tpu.vector_store %arg14[%swap3A_202, %swap3A_203], %swap3A_206 {strides = array<i32>} : memref<80x256xf32, #tpu.memory_space<vmem>>, vector<1x16xf32>,
      }
      %scan3A_88 = arith.constant 80 : i32
      %mul3A_89 = arith.constant 80 : i32
      %mul3A_90 = arith.muli %add3A_36, %mul3A_89 : i32
      %add3A_91 = arith.addi %mul3A_2, %mul3A_90 : i32
      %dma_start3A_92 = arith.constant 0 : i32
      %dma_start3A_93 = tpu.memref_slice %arg6[%add3A_91, %dma_start3A_92] : memref<156160x256xf32, #tpu.memory_space<hbm>> -> memref<80x256xf32, #tpu.memory_space<hbm>>
      %dma_start3A_94 = arith.constant 0 : i32
      %dma_start3A_95 = tpu.memref_slice %arg6[%add3A_91, %dma_start3A_94] : memref<156160x256xf32, #tpu.memory_space<hbm>> -> memref<80x256xf32, #tpu.memory_space<hbm>>
      tpu.enqueue_dma source(%arg14 : memref<80x256xf32, #tpu.memory_space<vmem>>) target(%dma_start3A_95 : memref<80x256xf32, #tpu.memory_space<hbm>>) target_semaphore(%arg18 : memref<!tpu.dma_semaphore, #tpu.memory_space<semaphore_mem>>)
    }
    %scan3A_14 = arith.constant 30 : i32
    %dma_wait3A = arith.constant 0 : i32
    %dma_wait3A_15 = tpu.memref_slice %arg6[%mul3A_2, %dma_wait3A] : memref<156160x256xf32, #tpu.memory_space<hbm>> -> memref<80x256xf32, #tpu.memory_space<hbm>>
    %dma_wait3A_16 = arith.constant 0 : i32
    %dma_wait3A_17 = tpu.memref_slice %arg6[%mul3A_2, %dma_wait3A_16] : memref<156160x256xf32, #tpu.memory_space<hbm>> -> memref<80x256xf32, #tpu.memory_space<hbm>>
    tpu.wait_dma2 semaphore(%arg18 : memref<!tpu.dma_semaphore, #tpu.memory_space<semaphore_mem>>) src(%arg14 : memref<80x256xf32, #tpu.memory_space<vmem>>) dst(%dma_wait3A_17 : memref<80x256xf32, #tpu.memory_space<hbm>>)
    %dma_wait3A_18 = arith.constant 0 : i32
    %dma_wait3A_19 = arith.constant 0 : i32
    %dma_wait3A_20 = tpu.memref_slice %arg2[%dma_wait3A_18, %dma_wait3A_19] : memref<10000x128xf32, #tpu.memory_space<hbm>> -> memref<10000x128xf32, #tpu.memory_space<hbm>>
    tpu.wait_indirect_dma semaphore(%arg15 : memref<!tpu.dma_semaphore, #tpu.memory_space<semaphore_mem>>) src(%dma_wait3A_20 : memref<10000x128xf32, #tpu.memory_space<hbm>>) dst(%arg9 : memref<80x128xf32, #tpu.memory_space<vmem>>)
    %dma_wait3A_21 = arith.constant 0 : i32
    %dma_wait3A_22 = arith.constant 0 : i32
    %dma_wait3A_23 = tpu.memref_slice %arg3[%dma_wait3A_21, %dma_wait3A_22] : memref<10000x256xf32, #tpu.memory_space<hbm>> -> memref<10000x256xf32, #tpu.memory_space<hbm>>
    tpu.wait_indirect_dma semaphore(%arg15 : memref<!tpu.dma_semaphore, #tpu.memory_space<semaphore_mem>>) src(%dma_wait3A_23 : memref<10000x256xf32, #tpu.memory_space<hbm>>) dst(%arg10 : memref<80x256xf32, #tpu.memory_space<vmem>>)
    %scan3A_24 = arith.constant 0 : i32
    %scan3A_25 = arith.constant 0 : i32
    %scan3A_26 = arith.constant 80 : i32
    %scan3A_27 = arith.addi %scan3A_25, %scan3A_26 : i32
    %scan3A_28 = arith.constant 1 : i32
    scf.for %scan3A_32 = %scan3A_25 to %scan3A_27 step %scan3A_28  : i32 {
      %get3A = arith.index_cast %scan3A_32 : i32 to index
      %get3A_33 = arith.constant 0 : index
      %get3A_34 = tpu.vector_load %arg10[%get3A, %get3A_33] {strides = array<i32>} : memref<80x256xf32, #tpu.memory_space<vmem>>, vector<1x16xf32>,
      %get3A_35 = vector.shape_cast %get3A_34 : vector<1x16xf32> to vector<16xf32>
      %get3A_36 = arith.index_cast %scan3A_32 : i32 to index
      %get3A_37 = arith.constant 0 : index
      %get3A_38 = tpu.vector_load %arg9[%get3A_36, %get3A_37] {strides = array<i32>} : memref<80x128xf32, #tpu.memory_space<vmem>>, vector<1x16xf32>,
      %get3A_39 = vector.shape_cast %get3A_38 : vector<1x16xf32> to vector<16xf32>
      %add3A_40 = arith.addf %get3A_35, %get3A_39 : vector<16xf32>
      %swap3A = arith.index_cast %scan3A_32 : i32 to index
      %swap3A_41 = arith.constant 0 : index
      %swap3A_42 = tpu.vector_load %arg10[%swap3A, %swap3A_41] {strides = array<i32>} : memref<80x256xf32, #tpu.memory_space<vmem>>, vector<1x16xf32>,
      %swap3A_43 = vector.shape_cast %swap3A_42 : vector<1x16xf32> to vector<16xf32>
      %swap3A_44 = vector.shape_cast %add3A_40 : vector<16xf32> to vector<1x16xf32>
      tpu.vector_store %arg10[%swap3A, %swap3A_41], %swap3A_44 {strides = array<i32>} : memref<80x256xf32, #tpu.memory_space<vmem>>, vector<1x16xf32>,
      %get3A_45 = arith.index_cast %scan3A_32 : i32 to index
      %get3A_46 = arith.constant 16 : index
      %get3A_47 = tpu.vector_load %arg10[%get3A_45, %get3A_46] {strides = array<i32>} : memref<80x256xf32, #tpu.memory_space<vmem>>, vector<1x16xf32>,
      %get3A_48 = vector.shape_cast %get3A_47 : vector<1x16xf32> to vector<16xf32>
      %get3A_49 = arith.index_cast %scan3A_32 : i32 to index
      %get3A_50 = arith.constant 16 : index
      %get3A_51 = tpu.vector_load %arg9[%get3A_49, %get3A_50] {strides = array<i32>} : memref<80x128xf32, #tpu.memory_space<vmem>>, vector<1x16xf32>,
      %get3A_52 = vector.shape_cast %get3A_51 : vector<1x16xf32> to vector<16xf32>
      %add3A_53 = arith.addf %get3A_48, %get3A_52 : vector<16xf32>
      %swap3A_54 = arith.index_cast %scan3A_32 : i32 to index
      %swap3A_55 = arith.constant 16 : index
      %swap3A_56 = tpu.vector_load %arg10[%swap3A_54, %swap3A_55] {strides = array<i32>} : memref<80x256xf32, #tpu.memory_space<vmem>>, vector<1x16xf32>,
      %swap3A_57 = vector.shape_cast %swap3A_56 : vector<1x16xf32> to vector<16xf32>
      %swap3A_58 = vector.shape_cast %add3A_53 : vector<16xf32> to vector<1x16xf32>
      tpu.vector_store %arg10[%swap3A_54, %swap3A_55], %swap3A_58 {strides = array<i32>} : memref<80x256xf32, #tpu.memory_space<vmem>>, vector<1x16xf32>,
      %get3A_59 = arith.index_cast %scan3A_32 : i32 to index
      %get3A_60 = arith.constant 32 : index
      %get3A_61 = tpu.vector_load %arg10[%get3A_59, %get3A_60] {strides = array<i32>} : memref<80x256xf32, #tpu.memory_space<vmem>>, vector<1x16xf32>,
      %get3A_62 = vector.shape_cast %get3A_61 : vector<1x16xf32> to vector<16xf32>
      %get3A_63 = arith.index_cast %scan3A_32 : i32 to index
      %get3A_64 = arith.constant 32 : index
      %get3A_65 = tpu.vector_load %arg9[%get3A_63, %get3A_64] {strides = array<i32>} : memref<80x128xf32, #tpu.memory_space<vmem>>, vector<1x16xf32>,
      %get3A_66 = vector.shape_cast %get3A_65 : vector<1x16xf32> to vector<16xf32>
      %add3A_67 = arith.addf %get3A_62, %get3A_66 : vector<16xf32>
      %swap3A_68 = arith.index_cast %scan3A_32 : i32 to index
      %swap3A_69 = arith.constant 32 : index
      %swap3A_70 = tpu.vector_load %arg10[%swap3A_68, %swap3A_69] {strides = array<i32>} : memref<80x256xf32, #tpu.memory_space<vmem>>, vector<1x16xf32>,
      %swap3A_71 = vector.shape_cast %swap3A_70 : vector<1x16xf32> to vector<16xf32>
      %swap3A_72 = vector.shape_cast %add3A_67 : vector<16xf32> to vector<1x16xf32>
      tpu.vector_store %arg10[%swap3A_68, %swap3A_69], %swap3A_72 {strides = array<i32>} : memref<80x256xf32, #tpu.memory_space<vmem>>, vector<1x16xf32>,
      %get3A_73 = arith.index_cast %scan3A_32 : i32 to index
      %get3A_74 = arith.constant 48 : index
      %get3A_75 = tpu.vector_load %arg10[%get3A_73, %get3A_74] {strides = array<i32>} : memref<80x256xf32, #tpu.memory_space<vmem>>, vector<1x16xf32>,
      %get3A_76 = vector.shape_cast %get3A_75 : vector<1x16xf32> to vector<16xf32>
      %get3A_77 = arith.index_cast %scan3A_32 : i32 to index
      %get3A_78 = arith.constant 48 : index
      %get3A_79 = tpu.vector_load %arg9[%get3A_77, %get3A_78] {strides = array<i32>} : memref<80x128xf32, #tpu.memory_space<vmem>>, vector<1x16xf32>,
      %get3A_80 = vector.shape_cast %get3A_79 : vector<1x16xf32> to vector<16xf32>
      %add3A_81 = arith.addf %get3A_76, %get3A_80 : vector<16xf32>
      %swap3A_82 = arith.index_cast %scan3A_32 : i32 to index
      %swap3A_83 = arith.constant 48 : index
      %swap3A_84 = tpu.vector_load %arg10[%swap3A_82, %swap3A_83] {strides = array<i32>} : memref<80x256xf32, #tpu.memory_space<vmem>>, vector<1x16xf32>,
      %swap3A_85 = vector.shape_cast %swap3A_84 : vector<1x16xf32> to vector<16xf32>
      %swap3A_86 = vector.shape_cast %add3A_81 : vector<16xf32> to vector<1x16xf32>
      tpu.vector_store %arg10[%swap3A_82, %swap3A_83], %swap3A_86 {strides = array<i32>} : memref<80x256xf32, #tpu.memory_space<vmem>>, vector<1x16xf32>,
      %get3A_87 = arith.index_cast %scan3A_32 : i32 to index
      %get3A_88 = arith.constant 64 : index
      %get3A_89 = tpu.vector_load %arg10[%get3A_87, %get3A_88] {strides = array<i32>} : memref<80x256xf32, #tpu.memory_space<vmem>>, vector<1x16xf32>,
      %get3A_90 = vector.shape_cast %get3A_89 : vector<1x16xf32> to vector<16xf32>
      %get3A_91 = arith.index_cast %scan3A_32 : i32 to index
      %get3A_92 = arith.constant 64 : index
      %get3A_93 = tpu.vector_load %arg9[%get3A_91, %get3A_92] {strides = array<i32>} : memref<80x128xf32, #tpu.memory_space<vmem>>, vector<1x16xf32>,
      %get3A_94 = vector.shape_cast %get3A_93 : vector<1x16xf32> to vector<16xf32>
      %add3A_95 = arith.addf %get3A_90, %get3A_94 : vector<16xf32>
      %swap3A_96 = arith.index_cast %scan3A_32 : i32 to index
      %swap3A_97 = arith.constant 64 : index
      %swap3A_98 = tpu.vector_load %arg10[%swap3A_96, %swap3A_97] {strides = array<i32>} : memref<80x256xf32, #tpu.memory_space<vmem>>, vector<1x16xf32>,
      %swap3A_99 = vector.shape_cast %swap3A_98 : vector<1x16xf32> to vector<16xf32>
      %swap3A_100 = vector.shape_cast %add3A_95 : vector<16xf32> to vector<1x16xf32>
      tpu.vector_store %arg10[%swap3A_96, %swap3A_97], %swap3A_100 {strides = array<i32>} : memref<80x256xf32, #tpu.memory_space<vmem>>, vector<1x16xf32>,
      %get3A_101 = arith.index_cast %scan3A_32 : i32 to index
      %get3A_102 = arith.constant 80 : index
      %get3A_103 = tpu.vector_load %arg10[%get3A_101, %get3A_102] {strides = array<i32>} : memref<80x256xf32, #tpu.memory_space<vmem>>, vector<1x16xf32>,
      %get3A_104 = vector.shape_cast %get3A_103 : vector<1x16xf32> to vector<16xf32>
      %get3A_105 = arith.index_cast %scan3A_32 : i32 to index
      %get3A_106 = arith.constant 80 : index
      %get3A_107 = tpu.vector_load %arg9[%get3A_105, %get3A_106] {strides = array<i32>} : memref<80x128xf32, #tpu.memory_space<vmem>>, vector<1x16xf32>,
      %get3A_108 = vector.shape_cast %get3A_107 : vector<1x16xf32> to vector<16xf32>
      %add3A_109 = arith.addf %get3A_104, %get3A_108 : vector<16xf32>
      %swap3A_110 = arith.index_cast %scan3A_32 : i32 to index
      %swap3A_111 = arith.constant 80 : index
      %swap3A_112 = tpu.vector_load %arg10[%swap3A_110, %swap3A_111] {strides = array<i32>} : memref<80x256xf32, #tpu.memory_space<vmem>>, vector<1x16xf32>,
      %swap3A_113 = vector.shape_cast %swap3A_112 : vector<1x16xf32> to vector<16xf32>
      %swap3A_114 = vector.shape_cast %add3A_109 : vector<16xf32> to vector<1x16xf32>
      tpu.vector_store %arg10[%swap3A_110, %swap3A_111], %swap3A_114 {strides = array<i32>} : memref<80x256xf32, #tpu.memory_space<vmem>>, vector<1x16xf32>,
      %get3A_115 = arith.index_cast %scan3A_32 : i32 to index
      %get3A_116 = arith.constant 96 : index
      %get3A_117 = tpu.vector_load %arg10[%get3A_115, %get3A_116] {strides = array<i32>} : memref<80x256xf32, #tpu.memory_space<vmem>>, vector<1x16xf32>,
      %get3A_118 = vector.shape_cast %get3A_117 : vector<1x16xf32> to vector<16xf32>
      %get3A_119 = arith.index_cast %scan3A_32 : i32 to index
      %get3A_120 = arith.constant 96 : index
      %get3A_121 = tpu.vector_load %arg9[%get3A_119, %get3A_120] {strides = array<i32>} : memref<80x128xf32, #tpu.memory_space<vmem>>, vector<1x16xf32>,
      %get3A_122 = vector.shape_cast %get3A_121 : vector<1x16xf32> to vector<16xf32>
      %add3A_123 = arith.addf %get3A_118, %get3A_122 : vector<16xf32>
      %swap3A_124 = arith.index_cast %scan3A_32 : i32 to index
      %swap3A_125 = arith.constant 96 : index
      %swap3A_126 = tpu.vector_load %arg10[%swap3A_124, %swap3A_125] {strides = array<i32>} : memref<80x256xf32, #tpu.memory_space<vmem>>, vector<1x16xf32>,
      %swap3A_127 = vector.shape_cast %swap3A_126 : vector<1x16xf32> to vector<16xf32>
      %swap3A_128 = vector.shape_cast %add3A_123 : vector<16xf32> to vector<1x16xf32>
      tpu.vector_store %arg10[%swap3A_124, %swap3A_125], %swap3A_128 {strides = array<i32>} : memref<80x256xf32, #tpu.memory_space<vmem>>, vector<1x16xf32>,
      %get3A_129 = arith.index_cast %scan3A_32 : i32 to index
      %get3A_130 = arith.constant 112 : index
      %get3A_131 = tpu.vector_load %arg10[%get3A_129, %get3A_130] {strides = array<i32>} : memref<80x256xf32, #tpu.memory_space<vmem>>, vector<1x16xf32>,
      %get3A_132 = vector.shape_cast %get3A_131 : vector<1x16xf32> to vector<16xf32>
      %get3A_133 = arith.index_cast %scan3A_32 : i32 to index
      %get3A_134 = arith.constant 112 : index
      %get3A_135 = tpu.vector_load %arg9[%get3A_133, %get3A_134] {strides = array<i32>} : memref<80x128xf32, #tpu.memory_space<vmem>>, vector<1x16xf32>,
      %get3A_136 = vector.shape_cast %get3A_135 : vector<1x16xf32> to vector<16xf32>
      %add3A_137 = arith.addf %get3A_132, %get3A_136 : vector<16xf32>
      %swap3A_138 = arith.index_cast %scan3A_32 : i32 to index
      %swap3A_139 = arith.constant 112 : index
      %swap3A_140 = tpu.vector_load %arg10[%swap3A_138, %swap3A_139] {strides = array<i32>} : memref<80x256xf32, #tpu.memory_space<vmem>>, vector<1x16xf32>,
      %swap3A_141 = vector.shape_cast %swap3A_140 : vector<1x16xf32> to vector<16xf32>
      %swap3A_142 = vector.shape_cast %add3A_137 : vector<16xf32> to vector<1x16xf32>
      tpu.vector_store %arg10[%swap3A_138, %swap3A_139], %swap3A_142 {strides = array<i32>} : memref<80x256xf32, #tpu.memory_space<vmem>>, vector<1x16xf32>,
    }
    %scan3A_29 = arith.constant 80 : i32
    %add3A_30 = arith.constant 4800 : i32
    %add3A_31 = arith.addi %mul3A_2, %add3A_30 : i32
    "tpu.region"() ({
      %run_scoped3A = tpu.sem_alloc : memref<!tpu.dma_semaphore, #tpu.memory_space<semaphore_mem>>
      %dma_start3A_32 = arith.constant 0 : i32
      %dma_start3A_33 = tpu.memref_slice %arg6[%add3A_31, %dma_start3A_32] : memref<156160x256xf32, #tpu.memory_space<hbm>> -> memref<80x256xf32, #tpu.memory_space<hbm>>
      %dma_start3A_34 = arith.constant 0 : i32
      %dma_start3A_35 = tpu.memref_slice %arg6[%add3A_31, %dma_start3A_34] : memref<156160x256xf32, #tpu.memory_space<hbm>> -> memref<80x256xf32, #tpu.memory_space<hbm>>
      tpu.enqueue_dma source(%arg10 : memref<80x256xf32, #tpu.memory_space<vmem>>) target(%dma_start3A_35 : memref<80x256xf32, #tpu.memory_space<hbm>>) target_semaphore(%run_scoped3A : memref<!tpu.dma_semaphore, #tpu.memory_space<semaphore_mem>>)
      %dma_wait3A_36 = arith.constant 0 : i32
      %dma_wait3A_37 = tpu.memref_slice %arg6[%add3A_31, %dma_wait3A_36] : memref<156160x256xf32, #tpu.memory_space<hbm>> -> memref<80x256xf32, #tpu.memory_space<hbm>>
      %dma_wait3A_38 = arith.constant 0 : i32
      %dma_wait3A_39 = tpu.memref_slice %arg6[%add3A_31, %dma_wait3A_38] : memref<156160x256xf32, #tpu.memory_space<hbm>> -> memref<80x256xf32, #tpu.memory_space<hbm>>
      tpu.wait_dma2 semaphore(%run_scoped3A : memref<!tpu.dma_semaphore, #tpu.memory_space<semaphore_mem>>) src(%arg10 : memref<80x256xf32, #tpu.memory_space<vmem>>) dst(%dma_wait3A_39 : memref<80x256xf32, #tpu.memory_space<hbm>>)
      tpu.yield
    }) : () -> ()
    return
  }
}

#map = affine_map<(d0, d1) -> (0, 0, 0)>
#map1 = affine_map<(d0, d1) -> (0)>
#map2 = affine_map<(d0, d1) -> (0, 0)>
module attributes {stable_mosaic.version = 14 : i64} {
  func.func @_scatter_body(%arg0: i32, %arg1: i32, %arg2: memref<2x156160x128xf32, #tpu.memory_space<hbm>>, %arg3: memref<156160xi32, #tpu.memory_space<hbm>>, %arg4: memref<10000x128xf32, #tpu.memory_space<hbm>>, %arg5: memref<2x10000x128xf32, #tpu.memory_space<hbm>>, %arg6: memref<160xi32, #tpu.memory_space<vmem>>, %arg7: memref<160x128xf32, #tpu.memory_space<vmem>>, %arg8: memref<160xi32, #tpu.memory_space<vmem>>, %arg9: memref<160x128xf32, #tpu.memory_space<vmem>>, %arg10: memref<10000x128xf32, #tpu.memory_space<vmem_shared>>, %arg11: memref<!tpu.dma_semaphore, #tpu.memory_space<semaphore_mem>>, %arg12: memref<!tpu.dma_semaphore, #tpu.memory_space<semaphore_mem>>) attributes {dimension_semantics = [#tpu.dimension_semantics<core_parallel>, #tpu.dimension_semantics<subcore_parallel>], iteration_bounds = array<i64: 2, 16>, scalar_prefetch = 0 : i64, scratch_operands = 7 : i64, tpu.core_type = #tpu.core_type<sc_vector_subcore>, window_params = [{transform_indices = #map}, {transform_indices = #map1}, {transform_indices = #map2}, {transform_indices = #map}]} {
    %mul3A = arith.constant 632 : i32
    %mul3A_0 = arith.muli %arg1, %mul3A : i32
    %lt3A = arith.constant 15 : i32
    %lt3A_1 = arith.cmpi slt, %arg1, %lt3A : i32
    %convert_element_type3A = arith.extui %lt3A_1 : i1 to i32
    %cond3A = arith.constant 0 : i32
    %cond3A_2 = arith.cmpi ne, %convert_element_type3A, %cond3A : i32
    scf.if %cond3A_2 {
      "tpu.region"() ({
        %run_scoped3A = tpu.sem_alloc : memref<!tpu.dma_semaphore, #tpu.memory_space<semaphore_mem>>
        %dma_start3A_38 = arith.constant 0 : i32
        %dma_start3A_39 = tpu.memref_slice %arg10[%mul3A_0, %dma_start3A_38] : memref<10000x128xf32, #tpu.memory_space<vmem_shared>> -> memref<632x128xf32, #tpu.memory_space<vmem_shared>>
        %dma_start3A_40 = arith.constant 0 : i32
        %dma_start3A_41 = tpu.memref_slice %arg4[%mul3A_0, %dma_start3A_40] : memref<10000x128xf32, #tpu.memory_space<hbm>> -> memref<632x128xf32, #tpu.memory_space<hbm>>
        tpu.enqueue_dma source(%dma_start3A_41 : memref<632x128xf32, #tpu.memory_space<hbm>>) target(%dma_start3A_39 : memref<632x128xf32, #tpu.memory_space<vmem_shared>>) target_semaphore(%run_scoped3A : memref<!tpu.dma_semaphore, #tpu.memory_space<semaphore_mem>>)
        %dma_wait3A_42 = arith.constant 0 : i32
        %dma_wait3A_43 = tpu.memref_slice %arg10[%mul3A_0, %dma_wait3A_42] : memref<10000x128xf32, #tpu.memory_space<vmem_shared>> -> memref<632x128xf32, #tpu.memory_space<vmem_shared>>
        %dma_wait3A_44 = arith.constant 0 : i32
        %dma_wait3A_45 = tpu.memref_slice %arg4[%mul3A_0, %dma_wait3A_44] : memref<10000x128xf32, #tpu.memory_space<hbm>> -> memref<632x128xf32, #tpu.memory_space<hbm>>
        tpu.wait_dma2 semaphore(%run_scoped3A : memref<!tpu.dma_semaphore, #tpu.memory_space<semaphore_mem>>) src(%dma_wait3A_45 : memref<632x128xf32, #tpu.memory_space<hbm>>) dst(%dma_wait3A_43 : memref<632x128xf32, #tpu.memory_space<vmem_shared>>)
        tpu.yield
      }) : () -> ()
    } else {
    }
    %eq3A = arith.constant 15 : i32
    %eq3A_3 = arith.cmpi eq, %arg1, %eq3A : i32
    %convert_element_type3A_4 = arith.extui %eq3A_3 : i1 to i32
    %cond3A_5 = arith.constant 0 : i32
    %cond3A_6 = arith.cmpi ne, %convert_element_type3A_4, %cond3A_5 : i32
    scf.if %cond3A_6 {
      "tpu.region"() ({
        %run_scoped3A = tpu.sem_alloc : memref<!tpu.dma_semaphore, #tpu.memory_space<semaphore_mem>>
        %dma_start3A_38 = arith.constant 0 : i32
        %dma_start3A_39 = tpu.memref_slice %arg10[%mul3A_0, %dma_start3A_38] : memref<10000x128xf32, #tpu.memory_space<vmem_shared>> -> memref<520x128xf32, #tpu.memory_space<vmem_shared>>
        %dma_start3A_40 = arith.constant 0 : i32
        %dma_start3A_41 = tpu.memref_slice %arg4[%mul3A_0, %dma_start3A_40] : memref<10000x128xf32, #tpu.memory_space<hbm>> -> memref<520x128xf32, #tpu.memory_space<hbm>>
        tpu.enqueue_dma source(%dma_start3A_41 : memref<520x128xf32, #tpu.memory_space<hbm>>) target(%dma_start3A_39 : memref<520x128xf32, #tpu.memory_space<vmem_shared>>) target_semaphore(%run_scoped3A : memref<!tpu.dma_semaphore, #tpu.memory_space<semaphore_mem>>)
        %dma_wait3A_42 = arith.constant 0 : i32
        %dma_wait3A_43 = tpu.memref_slice %arg10[%mul3A_0, %dma_wait3A_42] : memref<10000x128xf32, #tpu.memory_space<vmem_shared>> -> memref<520x128xf32, #tpu.memory_space<vmem_shared>>
        %dma_wait3A_44 = arith.constant 0 : i32
        %dma_wait3A_45 = tpu.memref_slice %arg4[%mul3A_0, %dma_wait3A_44] : memref<10000x128xf32, #tpu.memory_space<hbm>> -> memref<520x128xf32, #tpu.memory_space<hbm>>
        tpu.wait_dma2 semaphore(%run_scoped3A : memref<!tpu.dma_semaphore, #tpu.memory_space<semaphore_mem>>) src(%dma_wait3A_45 : memref<520x128xf32, #tpu.memory_space<hbm>>) dst(%dma_wait3A_43 : memref<520x128xf32, #tpu.memory_space<vmem_shared>>)
        tpu.yield
      }) : () -> ()
    } else {
    }
    %barrier3A = arith.constant 0 : index
    tpu.barrier barrier_id(%barrier3A)
    %mul3A_7 = arith.constant 9760 : i32
    %mul3A_8 = arith.muli %arg1, %mul3A_7 : i32
    %add3A = arith.constant 0 : i32
    %add3A_9 = arith.addi %mul3A_8, %add3A : i32
    "tpu.region"() ({
      %run_scoped3A = tpu.sem_alloc : memref<!tpu.dma_semaphore, #tpu.memory_space<semaphore_mem>>
      %dma_start3A_38 = tpu.memref_slice %arg3[%add3A_9] : memref<156160xi32, #tpu.memory_space<hbm>> -> memref<160xi32, #tpu.memory_space<hbm>>
      %dma_start3A_39 = tpu.memref_slice %arg3[%add3A_9] : memref<156160xi32, #tpu.memory_space<hbm>> -> memref<160xi32, #tpu.memory_space<hbm>>
      tpu.enqueue_dma source(%dma_start3A_39 : memref<160xi32, #tpu.memory_space<hbm>>) target(%arg6 : memref<160xi32, #tpu.memory_space<vmem>>) target_semaphore(%run_scoped3A : memref<!tpu.dma_semaphore, #tpu.memory_space<semaphore_mem>>)
      %dma_wait3A_40 = tpu.memref_slice %arg3[%add3A_9] : memref<156160xi32, #tpu.memory_space<hbm>> -> memref<160xi32, #tpu.memory_space<hbm>>
      %dma_wait3A_41 = tpu.memref_slice %arg3[%add3A_9] : memref<156160xi32, #tpu.memory_space<hbm>> -> memref<160xi32, #tpu.memory_space<hbm>>
      tpu.wait_dma2 semaphore(%run_scoped3A : memref<!tpu.dma_semaphore, #tpu.memory_space<semaphore_mem>>) src(%dma_wait3A_41 : memref<160xi32, #tpu.memory_space<hbm>>) dst(%arg6 : memref<160xi32, #tpu.memory_space<vmem>>)
      tpu.yield
    }) : () -> ()
    %dma_start3A = arith.constant 0 : i32
    %dma_start3A_10 = tpu.memref_slice %arg2[%arg0, %add3A_9, %dma_start3A] : memref<2x156160x128xf32, #tpu.memory_space<hbm>> -> memref<1x160x128xf32, #tpu.memory_space<hbm>>
    %dma_start3A_11 = tpu.memref_squeeze %dma_start3A_10 : memref<1x160x128xf32, #tpu.memory_space<hbm>> -> memref<160x128xf32, #tpu.memory_space<hbm>>
    %dma_start3A_12 = arith.constant 0 : i32
    %dma_start3A_13 = tpu.memref_slice %arg2[%arg0, %add3A_9, %dma_start3A_12] : memref<2x156160x128xf32, #tpu.memory_space<hbm>> -> memref<1x160x128xf32, #tpu.memory_space<hbm>>
    %dma_start3A_14 = tpu.memref_squeeze %dma_start3A_13 : memref<1x160x128xf32, #tpu.memory_space<hbm>> -> memref<160x128xf32, #tpu.memory_space<hbm>>
    tpu.enqueue_dma source(%dma_start3A_14 : memref<160x128xf32, #tpu.memory_space<hbm>>) target(%arg7 : memref<160x128xf32, #tpu.memory_space<vmem>>) target_semaphore(%arg11 : memref<!tpu.dma_semaphore, #tpu.memory_space<semaphore_mem>>)
    %scan3A = arith.constant 0 : i32
    %scan3A_15 = arith.constant 0 : i32
    %scan3A_16 = arith.constant 30 : i32
    %scan3A_17 = arith.addi %scan3A_15, %scan3A_16 : i32
    %scan3A_18 = arith.constant 1 : i32
    scf.for %scan3A_38 = %scan3A_15 to %scan3A_17 step %scan3A_18  : i32 {
      %mul3A_39 = arith.constant 2 : i32
      %mul3A_40 = arith.muli %mul3A_39, %scan3A_38 : i32
      %add3A_41 = arith.constant 1 : i32
      %add3A_42 = arith.addi %mul3A_40, %add3A_41 : i32
      %mul3A_43 = arith.constant 9760 : i32
      %mul3A_44 = arith.muli %arg1, %mul3A_43 : i32
      %mul3A_45 = arith.constant 160 : i32
      %mul3A_46 = arith.muli %add3A_42, %mul3A_45 : i32
      %add3A_47 = arith.addi %mul3A_44, %mul3A_46 : i32
      "tpu.region"() ({
        %run_scoped3A = tpu.sem_alloc : memref<!tpu.dma_semaphore, #tpu.memory_space<semaphore_mem>>
        %dma_start3A_77 = tpu.memref_slice %arg3[%add3A_47] : memref<156160xi32, #tpu.memory_space<hbm>> -> memref<160xi32, #tpu.memory_space<hbm>>
        %dma_start3A_78 = tpu.memref_slice %arg3[%add3A_47] : memref<156160xi32, #tpu.memory_space<hbm>> -> memref<160xi32, #tpu.memory_space<hbm>>
        tpu.enqueue_dma source(%dma_start3A_78 : memref<160xi32, #tpu.memory_space<hbm>>) target(%arg8 : memref<160xi32, #tpu.memory_space<vmem>>) target_semaphore(%run_scoped3A : memref<!tpu.dma_semaphore, #tpu.memory_space<semaphore_mem>>)
        %dma_wait3A_79 = tpu.memref_slice %arg3[%add3A_47] : memref<156160xi32, #tpu.memory_space<hbm>> -> memref<160xi32, #tpu.memory_space<hbm>>
        %dma_wait3A_80 = tpu.memref_slice %arg3[%add3A_47] : memref<156160xi32, #tpu.memory_space<hbm>> -> memref<160xi32, #tpu.memory_space<hbm>>
        tpu.wait_dma2 semaphore(%run_scoped3A : memref<!tpu.dma_semaphore, #tpu.memory_space<semaphore_mem>>) src(%dma_wait3A_80 : memref<160xi32, #tpu.memory_space<hbm>>) dst(%arg8 : memref<160xi32, #tpu.memory_space<vmem>>)
        tpu.yield
      }) : () -> ()
      %dma_start3A_48 = arith.constant 0 : i32
      %dma_start3A_49 = tpu.memref_slice %arg2[%arg0, %add3A_47, %dma_start3A_48] : memref<2x156160x128xf32, #tpu.memory_space<hbm>> -> memref<1x160x128xf32, #tpu.memory_space<hbm>>
      %dma_start3A_50 = tpu.memref_squeeze %dma_start3A_49 : memref<1x160x128xf32, #tpu.memory_space<hbm>> -> memref<160x128xf32, #tpu.memory_space<hbm>>
      %dma_start3A_51 = arith.constant 0 : i32
      %dma_start3A_52 = tpu.memref_slice %arg2[%arg0, %add3A_47, %dma_start3A_51] : memref<2x156160x128xf32, #tpu.memory_space<hbm>> -> memref<1x160x128xf32, #tpu.memory_space<hbm>>
      %dma_start3A_53 = tpu.memref_squeeze %dma_start3A_52 : memref<1x160x128xf32, #tpu.memory_space<hbm>> -> memref<160x128xf32, #tpu.memory_space<hbm>>
      tpu.enqueue_dma source(%dma_start3A_53 : memref<160x128xf32, #tpu.memory_space<hbm>>) target(%arg9 : memref<160x128xf32, #tpu.memory_space<vmem>>) target_semaphore(%arg12 : memref<!tpu.dma_semaphore, #tpu.memory_space<semaphore_mem>>)
      %dma_wait3A_54 = arith.constant 0 : i32
      %dma_wait3A_55 = arith.constant 0 : i32
      %dma_wait3A_56 = tpu.memref_slice %arg2[%arg0, %dma_wait3A_54, %dma_wait3A_55] : memref<2x156160x128xf32, #tpu.memory_space<hbm>> -> memref<1x160x128xf32, #tpu.memory_space<hbm>>
      %dma_wait3A_57 = tpu.memref_squeeze %dma_wait3A_56 : memref<1x160x128xf32, #tpu.memory_space<hbm>> -> memref<160x128xf32, #tpu.memory_space<hbm>>
      %dma_wait3A_58 = arith.constant 0 : i32
      %dma_wait3A_59 = arith.constant 0 : i32
      %dma_wait3A_60 = tpu.memref_slice %arg2[%arg0, %dma_wait3A_58, %dma_wait3A_59] : memref<2x156160x128xf32, #tpu.memory_space<hbm>> -> memref<1x160x128xf32, #tpu.memory_space<hbm>>
      %dma_wait3A_61 = tpu.memref_squeeze %dma_wait3A_60 : memref<1x160x128xf32, #tpu.memory_space<hbm>> -> memref<160x128xf32, #tpu.memory_space<hbm>>
      tpu.wait_dma2 semaphore(%arg11 : memref<!tpu.dma_semaphore, #tpu.memory_space<semaphore_mem>>) src(%dma_wait3A_61 : memref<160x128xf32, #tpu.memory_space<hbm>>) dst(%arg7 : memref<160x128xf32, #tpu.memory_space<vmem>>)
      "tpu.region"() ({
        %run_scoped3A = tpu.sem_alloc : memref<!tpu.dma_semaphore, #tpu.memory_space<semaphore_mem>>
        %dma_start3A_77 = arith.constant 0 : i32
        %dma_start3A_78 = arith.constant 0 : i32
        %dma_start3A_79 = tpu.memref_slice %arg10[%dma_start3A_77, %dma_start3A_78] : memref<10000x128xf32, #tpu.memory_space<vmem_shared>> -> memref<10000x128xf32, #tpu.memory_space<vmem_shared>>
        tpu.enqueue_indirect_dma source(%arg7 : memref<160x128xf32, #tpu.memory_space<vmem>>) target(%dma_start3A_79 : memref<10000x128xf32, #tpu.memory_space<vmem_shared>>) offsets(%arg6 : memref<160xi32, #tpu.memory_space<vmem>>) semaphore(%run_scoped3A : memref<!tpu.dma_semaphore, #tpu.memory_space<semaphore_mem>>) {add = true}
        %dma_wait3A_80 = arith.constant 0 : i32
        %dma_wait3A_81 = arith.constant 0 : i32
        %dma_wait3A_82 = tpu.memref_slice %arg10[%dma_wait3A_80, %dma_wait3A_81] : memref<10000x128xf32, #tpu.memory_space<vmem_shared>> -> memref<10000x128xf32, #tpu.memory_space<vmem_shared>>
        tpu.wait_indirect_dma semaphore(%run_scoped3A : memref<!tpu.dma_semaphore, #tpu.memory_space<semaphore_mem>>) src(%arg7 : memref<160x128xf32, #tpu.memory_space<vmem>>) dst(%dma_wait3A_82 : memref<10000x128xf32, #tpu.memory_space<vmem_shared>>)
        tpu.yield
      }) : () -> ()
      %add3A_62 = arith.constant 2 : i32
      %add3A_63 = arith.addi %mul3A_40, %add3A_62 : i32
      %lt3A_64 = arith.constant 61 : i32
      %lt3A_65 = arith.cmpi slt, %add3A_63, %lt3A_64 : i32
      %convert_element_type3A_66 = arith.extui %lt3A_65 : i1 to i32
      %cond3A_67 = arith.constant 0 : i32
      %cond3A_68 = arith.cmpi ne, %convert_element_type3A_66, %cond3A_67 : i32
      scf.if %cond3A_68 {
        %add3A_77 = arith.constant 2 : i32
        %add3A_78 = arith.addi %mul3A_40, %add3A_77 : i32
        %mul3A_79 = arith.constant 9760 : i32
        %mul3A_80 = arith.muli %arg1, %mul3A_79 : i32
        %mul3A_81 = arith.constant 160 : i32
        %mul3A_82 = arith.muli %add3A_78, %mul3A_81 : i32
        %add3A_83 = arith.addi %mul3A_80, %mul3A_82 : i32
        "tpu.region"() ({
          %run_scoped3A = tpu.sem_alloc : memref<!tpu.dma_semaphore, #tpu.memory_space<semaphore_mem>>
          %dma_start3A_90 = tpu.memref_slice %arg3[%add3A_83] : memref<156160xi32, #tpu.memory_space<hbm>> -> memref<160xi32, #tpu.memory_space<hbm>>
          %dma_start3A_91 = tpu.memref_slice %arg3[%add3A_83] : memref<156160xi32, #tpu.memory_space<hbm>> -> memref<160xi32, #tpu.memory_space<hbm>>
          tpu.enqueue_dma source(%dma_start3A_91 : memref<160xi32, #tpu.memory_space<hbm>>) target(%arg6 : memref<160xi32, #tpu.memory_space<vmem>>) target_semaphore(%run_scoped3A : memref<!tpu.dma_semaphore, #tpu.memory_space<semaphore_mem>>)
          %dma_wait3A_92 = tpu.memref_slice %arg3[%add3A_83] : memref<156160xi32, #tpu.memory_space<hbm>> -> memref<160xi32, #tpu.memory_space<hbm>>
          %dma_wait3A_93 = tpu.memref_slice %arg3[%add3A_83] : memref<156160xi32, #tpu.memory_space<hbm>> -> memref<160xi32, #tpu.memory_space<hbm>>
          tpu.wait_dma2 semaphore(%run_scoped3A : memref<!tpu.dma_semaphore, #tpu.memory_space<semaphore_mem>>) src(%dma_wait3A_93 : memref<160xi32, #tpu.memory_space<hbm>>) dst(%arg6 : memref<160xi32, #tpu.memory_space<vmem>>)
          tpu.yield
        }) : () -> ()
        %dma_start3A_84 = arith.constant 0 : i32
        %dma_start3A_85 = tpu.memref_slice %arg2[%arg0, %add3A_83, %dma_start3A_84] : memref<2x156160x128xf32, #tpu.memory_space<hbm>> -> memref<1x160x128xf32, #tpu.memory_space<hbm>>
        %dma_start3A_86 = tpu.memref_squeeze %dma_start3A_85 : memref<1x160x128xf32, #tpu.memory_space<hbm>> -> memref<160x128xf32, #tpu.memory_space<hbm>>
        %dma_start3A_87 = arith.constant 0 : i32
        %dma_start3A_88 = tpu.memref_slice %arg2[%arg0, %add3A_83, %dma_start3A_87] : memref<2x156160x128xf32, #tpu.memory_space<hbm>> -> memref<1x160x128xf32, #tpu.memory_space<hbm>>
        %dma_start3A_89 = tpu.memref_squeeze %dma_start3A_88 : memref<1x160x128xf32, #tpu.memory_space<hbm>> -> memref<160x128xf32, #tpu.memory_space<hbm>>
        tpu.enqueue_dma source(%dma_start3A_89 : memref<160x128xf32, #tpu.memory_space<hbm>>) target(%arg7 : memref<160x128xf32, #tpu.memory_space<vmem>>) target_semaphore(%arg11 : memref<!tpu.dma_semaphore, #tpu.memory_space<semaphore_mem>>)
      } else {
      }
      %dma_wait3A_69 = arith.constant 0 : i32
      %dma_wait3A_70 = arith.constant 0 : i32
      %dma_wait3A_71 = tpu.memref_slice %arg2[%arg0, %dma_wait3A_69, %dma_wait3A_70] : memref<2x156160x128xf32, #tpu.memory_space<hbm>> -> memref<1x160x128xf32, #tpu.memory_space<hbm>>
      %dma_wait3A_72 = tpu.memref_squeeze %dma_wait3A_71 : memref<1x160x128xf32, #tpu.memory_space<hbm>> -> memref<160x128xf32, #tpu.memory_space<hbm>>
      %dma_wait3A_73 = arith.constant 0 : i32
      %dma_wait3A_74 = arith.constant 0 : i32
      %dma_wait3A_75 = tpu.memref_slice %arg2[%arg0, %dma_wait3A_73, %dma_wait3A_74] : memref<2x156160x128xf32, #tpu.memory_space<hbm>> -> memref<1x160x128xf32, #tpu.memory_space<hbm>>
      %dma_wait3A_76 = tpu.memref_squeeze %dma_wait3A_75 : memref<1x160x128xf32, #tpu.memory_space<hbm>> -> memref<160x128xf32, #tpu.memory_space<hbm>>
      tpu.wait_dma2 semaphore(%arg12 : memref<!tpu.dma_semaphore, #tpu.memory_space<semaphore_mem>>) src(%dma_wait3A_76 : memref<160x128xf32, #tpu.memory_space<hbm>>) dst(%arg9 : memref<160x128xf32, #tpu.memory_space<vmem>>)
      "tpu.region"() ({
        %run_scoped3A = tpu.sem_alloc : memref<!tpu.dma_semaphore, #tpu.memory_space<semaphore_mem>>
        %dma_start3A_77 = arith.constant 0 : i32
        %dma_start3A_78 = arith.constant 0 : i32
        %dma_start3A_79 = tpu.memref_slice %arg10[%dma_start3A_77, %dma_start3A_78] : memref<10000x128xf32, #tpu.memory_space<vmem_shared>> -> memref<10000x128xf32, #tpu.memory_space<vmem_shared>>
        tpu.enqueue_indirect_dma source(%arg9 : memref<160x128xf32, #tpu.memory_space<vmem>>) target(%dma_start3A_79 : memref<10000x128xf32, #tpu.memory_space<vmem_shared>>) offsets(%arg8 : memref<160xi32, #tpu.memory_space<vmem>>) semaphore(%run_scoped3A : memref<!tpu.dma_semaphore, #tpu.memory_space<semaphore_mem>>) {add = true}
        %dma_wait3A_80 = arith.constant 0 : i32
        %dma_wait3A_81 = arith.constant 0 : i32
        %dma_wait3A_82 = tpu.memref_slice %arg10[%dma_wait3A_80, %dma_wait3A_81] : memref<10000x128xf32, #tpu.memory_space<vmem_shared>> -> memref<10000x128xf32, #tpu.memory_space<vmem_shared>>
        tpu.wait_indirect_dma semaphore(%run_scoped3A : memref<!tpu.dma_semaphore, #tpu.memory_space<semaphore_mem>>) src(%arg9 : memref<160x128xf32, #tpu.memory_space<vmem>>) dst(%dma_wait3A_82 : memref<10000x128xf32, #tpu.memory_space<vmem_shared>>)
        tpu.yield
      }) : () -> ()
    }
    %scan3A_19 = arith.constant 30 : i32
    %dma_wait3A = arith.constant 0 : i32
    %dma_wait3A_20 = arith.constant 0 : i32
    %dma_wait3A_21 = tpu.memref_slice %arg2[%arg0, %dma_wait3A, %dma_wait3A_20] : memref<2x156160x128xf32, #tpu.memory_space<hbm>> -> memref<1x160x128xf32, #tpu.memory_space<hbm>>
    %dma_wait3A_22 = tpu.memref_squeeze %dma_wait3A_21 : memref<1x160x128xf32, #tpu.memory_space<hbm>> -> memref<160x128xf32, #tpu.memory_space<hbm>>
    %dma_wait3A_23 = arith.constant 0 : i32
    %dma_wait3A_24 = arith.constant 0 : i32
    %dma_wait3A_25 = tpu.memref_slice %arg2[%arg0, %dma_wait3A_23, %dma_wait3A_24] : memref<2x156160x128xf32, #tpu.memory_space<hbm>> -> memref<1x160x128xf32, #tpu.memory_space<hbm>>
    %dma_wait3A_26 = tpu.memref_squeeze %dma_wait3A_25 : memref<1x160x128xf32, #tpu.memory_space<hbm>> -> memref<160x128xf32, #tpu.memory_space<hbm>>
    tpu.wait_dma2 semaphore(%arg11 : memref<!tpu.dma_semaphore, #tpu.memory_space<semaphore_mem>>) src(%dma_wait3A_26 : memref<160x128xf32, #tpu.memory_space<hbm>>) dst(%arg7 : memref<160x128xf32, #tpu.memory_space<vmem>>)
    "tpu.region"() ({
      %run_scoped3A = tpu.sem_alloc : memref<!tpu.dma_semaphore, #tpu.memory_space<semaphore_mem>>
      %dma_start3A_38 = arith.constant 0 : i32
      %dma_start3A_39 = arith.constant 0 : i32
      %dma_start3A_40 = tpu.memref_slice %arg10[%dma_start3A_38, %dma_start3A_39] : memref<10000x128xf32, #tpu.memory_space<vmem_shared>> -> memref<10000x128xf32, #tpu.memory_space<vmem_shared>>
      tpu.enqueue_indirect_dma source(%arg7 : memref<160x128xf32, #tpu.memory_space<vmem>>) target(%dma_start3A_40 : memref<10000x128xf32, #tpu.memory_space<vmem_shared>>) offsets(%arg6 : memref<160xi32, #tpu.memory_space<vmem>>) semaphore(%run_scoped3A : memref<!tpu.dma_semaphore, #tpu.memory_space<semaphore_mem>>) {add = true}
      %dma_wait3A_41 = arith.constant 0 : i32
      %dma_wait3A_42 = arith.constant 0 : i32
      %dma_wait3A_43 = tpu.memref_slice %arg10[%dma_wait3A_41, %dma_wait3A_42] : memref<10000x128xf32, #tpu.memory_space<vmem_shared>> -> memref<10000x128xf32, #tpu.memory_space<vmem_shared>>
      tpu.wait_indirect_dma semaphore(%run_scoped3A : memref<!tpu.dma_semaphore, #tpu.memory_space<semaphore_mem>>) src(%arg7 : memref<160x128xf32, #tpu.memory_space<vmem>>) dst(%dma_wait3A_43 : memref<10000x128xf32, #tpu.memory_space<vmem_shared>>)
      tpu.yield
    }) : () -> ()
    %barrier3A_27 = arith.constant 0 : index
    tpu.barrier barrier_id(%barrier3A_27)
    %lt3A_28 = arith.constant 15 : i32
    %lt3A_29 = arith.cmpi slt, %arg1, %lt3A_28 : i32
    %convert_element_type3A_30 = arith.extui %lt3A_29 : i1 to i32
    %cond3A_31 = arith.constant 0 : i32
    %cond3A_32 = arith.cmpi ne, %convert_element_type3A_30, %cond3A_31 : i32
    scf.if %cond3A_32 {
      "tpu.region"() ({
        %run_scoped3A = tpu.sem_alloc : memref<!tpu.dma_semaphore, #tpu.memory_space<semaphore_mem>>
        %dma_start3A_38 = arith.constant 0 : i32
        %dma_start3A_39 = tpu.memref_slice %arg5[%arg0, %mul3A_0, %dma_start3A_38] : memref<2x10000x128xf32, #tpu.memory_space<hbm>> -> memref<1x632x128xf32, #tpu.memory_space<hbm>>
        %dma_start3A_40 = tpu.memref_squeeze %dma_start3A_39 : memref<1x632x128xf32, #tpu.memory_space<hbm>> -> memref<632x128xf32, #tpu.memory_space<hbm>>
        %dma_start3A_41 = arith.constant 0 : i32
        %dma_start3A_42 = tpu.memref_slice %arg10[%mul3A_0, %dma_start3A_41] : memref<10000x128xf32, #tpu.memory_space<vmem_shared>> -> memref<632x128xf32, #tpu.memory_space<vmem_shared>>
        tpu.enqueue_dma source(%dma_start3A_42 : memref<632x128xf32, #tpu.memory_space<vmem_shared>>) target(%dma_start3A_40 : memref<632x128xf32, #tpu.memory_space<hbm>>) target_semaphore(%run_scoped3A : memref<!tpu.dma_semaphore, #tpu.memory_space<semaphore_mem>>)
        %dma_wait3A_43 = arith.constant 0 : i32
        %dma_wait3A_44 = tpu.memref_slice %arg5[%arg0, %mul3A_0, %dma_wait3A_43] : memref<2x10000x128xf32, #tpu.memory_space<hbm>> -> memref<1x632x128xf32, #tpu.memory_space<hbm>>
        %dma_wait3A_45 = tpu.memref_squeeze %dma_wait3A_44 : memref<1x632x128xf32, #tpu.memory_space<hbm>> -> memref<632x128xf32, #tpu.memory_space<hbm>>
        %dma_wait3A_46 = arith.constant 0 : i32
        %dma_wait3A_47 = tpu.memref_slice %arg10[%mul3A_0, %dma_wait3A_46] : memref<10000x128xf32, #tpu.memory_space<vmem_shared>> -> memref<632x128xf32, #tpu.memory_space<vmem_shared>>
        tpu.wait_dma2 semaphore(%run_scoped3A : memref<!tpu.dma_semaphore, #tpu.memory_space<semaphore_mem>>) src(%dma_wait3A_47 : memref<632x128xf32, #tpu.memory_space<vmem_shared>>) dst(%dma_wait3A_45 : memref<632x128xf32, #tpu.memory_space<hbm>>)
        tpu.yield
      }) : () -> ()
    } else {
    }
    %eq3A_33 = arith.constant 15 : i32
    %eq3A_34 = arith.cmpi eq, %arg1, %eq3A_33 : i32
    %convert_element_type3A_35 = arith.extui %eq3A_34 : i1 to i32
    %cond3A_36 = arith.constant 0 : i32
    %cond3A_37 = arith.cmpi ne, %convert_element_type3A_35, %cond3A_36 : i32
    scf.if %cond3A_37 {
      "tpu.region"() ({
        %run_scoped3A = tpu.sem_alloc : memref<!tpu.dma_semaphore, #tpu.memory_space<semaphore_mem>>
        %dma_start3A_38 = arith.constant 0 : i32
        %dma_start3A_39 = tpu.memref_slice %arg5[%arg0, %mul3A_0, %dma_start3A_38] : memref<2x10000x128xf32, #tpu.memory_space<hbm>> -> memref<1x520x128xf32, #tpu.memory_space<hbm>>
        %dma_start3A_40 = tpu.memref_squeeze %dma_start3A_39 : memref<1x520x128xf32, #tpu.memory_space<hbm>> -> memref<520x128xf32, #tpu.memory_space<hbm>>
        %dma_start3A_41 = arith.constant 0 : i32
        %dma_start3A_42 = tpu.memref_slice %arg10[%mul3A_0, %dma_start3A_41] : memref<10000x128xf32, #tpu.memory_space<vmem_shared>> -> memref<520x128xf32, #tpu.memory_space<vmem_shared>>
        tpu.enqueue_dma source(%dma_start3A_42 : memref<520x128xf32, #tpu.memory_space<vmem_shared>>) target(%dma_start3A_40 : memref<520x128xf32, #tpu.memory_space<hbm>>) target_semaphore(%run_scoped3A : memref<!tpu.dma_semaphore, #tpu.memory_space<semaphore_mem>>)
        %dma_wait3A_43 = arith.constant 0 : i32
        %dma_wait3A_44 = tpu.memref_slice %arg5[%arg0, %mul3A_0, %dma_wait3A_43] : memref<2x10000x128xf32, #tpu.memory_space<hbm>> -> memref<1x520x128xf32, #tpu.memory_space<hbm>>
        %dma_wait3A_45 = tpu.memref_squeeze %dma_wait3A_44 : memref<1x520x128xf32, #tpu.memory_space<hbm>> -> memref<520x128xf32, #tpu.memory_space<hbm>>
        %dma_wait3A_46 = arith.constant 0 : i32
        %dma_wait3A_47 = tpu.memref_slice %arg10[%mul3A_0, %dma_wait3A_46] : memref<10000x128xf32, #tpu.memory_space<vmem_shared>> -> memref<520x128xf32, #tpu.memory_space<vmem_shared>>
        tpu.wait_dma2 semaphore(%run_scoped3A : memref<!tpu.dma_semaphore, #tpu.memory_space<semaphore_mem>>) src(%dma_wait3A_47 : memref<520x128xf32, #tpu.memory_space<vmem_shared>>) dst(%dma_wait3A_45 : memref<520x128xf32, #tpu.memory_space<hbm>>)
        tpu.yield
      }) : () -> ()
    } else {
    }
    return
  }
}

#map = affine_map<(d0, d1) -> (0, 0)>
#map1 = affine_map<(d0, d1) -> (0)>
module attributes {stable_mosaic.version = 14 : i64} {
  func.func @_gather_body(%arg0: i32, %arg1: i32, %arg2: memref<10000x128xf32, #tpu.memory_space<hbm>>, %arg3: memref<10000x256xf32, #tpu.memory_space<hbm>>, %arg4: memref<163840xi32, #tpu.memory_space<hbm>>, %arg5: memref<163840xi32, #tpu.memory_space<hbm>>, %arg6: memref<163840x256xf32, #tpu.memory_space<hbm>>, %arg7: memref<160xi32, #tpu.memory_space<vmem>>, %arg8: memref<160xi32, #tpu.memory_space<vmem>>, %arg9: memref<160x128xf32, #tpu.memory_space<vmem>>, %arg10: memref<160x256xf32, #tpu.memory_space<vmem>>, %arg11: memref<160xi32, #tpu.memory_space<vmem>>, %arg12: memref<160xi32, #tpu.memory_space<vmem>>, %arg13: memref<160x128xf32, #tpu.memory_space<vmem>>, %arg14: memref<160x256xf32, #tpu.memory_space<vmem>>, %arg15: memref<!tpu.dma_semaphore, #tpu.memory_space<semaphore_mem>>, %arg16: memref<!tpu.dma_semaphore, #tpu.memory_space<semaphore_mem>>, %arg17: memref<!tpu.dma_semaphore, #tpu.memory_space<semaphore_mem>>, %arg18: memref<!tpu.dma_semaphore, #tpu.memory_space<semaphore_mem>>) attributes {dimension_semantics = [#tpu.dimension_semantics<core_parallel>, #tpu.dimension_semantics<subcore_parallel>], iteration_bounds = array<i64: 2, 16>, scalar_prefetch = 0 : i64, scratch_operands = 12 : i64, tpu.core_type = #tpu.core_type<sc_vector_subcore>, window_params = [{transform_indices = #map}, {transform_indices = #map}, {transform_indices = #map1}, {transform_indices = #map1}, {transform_indices = #map}]} {
    %mul3A = arith.constant 2 : i32
    %mul3A_0 = arith.muli %arg1, %mul3A : i32
    %add3A = arith.addi %mul3A_0, %arg0 : i32
    %mul3A_1 = arith.constant 5120 : i32
    %mul3A_2 = arith.muli %add3A, %mul3A_1 : i32
    %add3A_3 = arith.constant 0 : i32
    %add3A_4 = arith.addi %mul3A_2, %add3A_3 : i32
    "tpu.region"() ({
      %run_scoped3A = tpu.sem_alloc : memref<!tpu.dma_semaphore, #tpu.memory_space<semaphore_mem>>
      %dma_start3A_18 = tpu.memref_slice %arg5[%add3A_4] : memref<163840xi32, #tpu.memory_space<hbm>> -> memref<160xi32, #tpu.memory_space<hbm>>
      %dma_start3A_19 = tpu.memref_slice %arg5[%add3A_4] : memref<163840xi32, #tpu.memory_space<hbm>> -> memref<160xi32, #tpu.memory_space<hbm>>
      tpu.enqueue_dma source(%dma_start3A_19 : memref<160xi32, #tpu.memory_space<hbm>>) target(%arg8 : memref<160xi32, #tpu.memory_space<vmem>>) target_semaphore(%run_scoped3A : memref<!tpu.dma_semaphore, #tpu.memory_space<semaphore_mem>>)
      %dma_wait3A_20 = tpu.memref_slice %arg5[%add3A_4] : memref<163840xi32, #tpu.memory_space<hbm>> -> memref<160xi32, #tpu.memory_space<hbm>>
      %dma_wait3A_21 = tpu.memref_slice %arg5[%add3A_4] : memref<163840xi32, #tpu.memory_space<hbm>> -> memref<160xi32, #tpu.memory_space<hbm>>
      tpu.wait_dma2 semaphore(%run_scoped3A : memref<!tpu.dma_semaphore, #tpu.memory_space<semaphore_mem>>) src(%dma_wait3A_21 : memref<160xi32, #tpu.memory_space<hbm>>) dst(%arg8 : memref<160xi32, #tpu.memory_space<vmem>>)
      tpu.yield
    }) : () -> ()
    "tpu.region"() ({
      %run_scoped3A = tpu.sem_alloc : memref<!tpu.dma_semaphore, #tpu.memory_space<semaphore_mem>>
      %dma_start3A_18 = tpu.memref_slice %arg4[%add3A_4] : memref<163840xi32, #tpu.memory_space<hbm>> -> memref<160xi32, #tpu.memory_space<hbm>>
      %dma_start3A_19 = tpu.memref_slice %arg4[%add3A_4] : memref<163840xi32, #tpu.memory_space<hbm>> -> memref<160xi32, #tpu.memory_space<hbm>>
      tpu.enqueue_dma source(%dma_start3A_19 : memref<160xi32, #tpu.memory_space<hbm>>) target(%arg7 : memref<160xi32, #tpu.memory_space<vmem>>) target_semaphore(%run_scoped3A : memref<!tpu.dma_semaphore, #tpu.memory_space<semaphore_mem>>)
      %dma_wait3A_20 = tpu.memref_slice %arg4[%add3A_4] : memref<163840xi32, #tpu.memory_space<hbm>> -> memref<160xi32, #tpu.memory_space<hbm>>
      %dma_wait3A_21 = tpu.memref_slice %arg4[%add3A_4] : memref<163840xi32, #tpu.memory_space<hbm>> -> memref<160xi32, #tpu.memory_space<hbm>>
      tpu.wait_dma2 semaphore(%run_scoped3A : memref<!tpu.dma_semaphore, #tpu.memory_space<semaphore_mem>>) src(%dma_wait3A_21 : memref<160xi32, #tpu.memory_space<hbm>>) dst(%arg7 : memref<160xi32, #tpu.memory_space<vmem>>)
      tpu.yield
    }) : () -> ()
    %dma_start3A = arith.constant 0 : i32
    %dma_start3A_5 = arith.constant 0 : i32
    %dma_start3A_6 = tpu.memref_slice %arg2[%dma_start3A, %dma_start3A_5] : memref<10000x128xf32, #tpu.memory_space<hbm>> -> memref<10000x128xf32, #tpu.memory_space<hbm>>
    tpu.enqueue_indirect_dma source(%dma_start3A_6 : memref<10000x128xf32, #tpu.memory_space<hbm>>) target(%arg9 : memref<160x128xf32, #tpu.memory_space<vmem>>) offsets(%arg8 : memref<160xi32, #tpu.memory_space<vmem>>) semaphore(%arg15 : memref<!tpu.dma_semaphore, #tpu.memory_space<semaphore_mem>>)
    %dma_start3A_7 = arith.constant 0 : i32
    %dma_start3A_8 = arith.constant 0 : i32
    %dma_start3A_9 = tpu.memref_slice %arg3[%dma_start3A_7, %dma_start3A_8] : memref<10000x256xf32, #tpu.memory_space<hbm>> -> memref<10000x256xf32, #tpu.memory_space<hbm>>
    tpu.enqueue_indirect_dma source(%dma_start3A_9 : memref<10000x256xf32, #tpu.memory_space<hbm>>) target(%arg10 : memref<160x256xf32, #tpu.memory_space<vmem>>) offsets(%arg7 : memref<160xi32, #tpu.memory_space<vmem>>) semaphore(%arg15 : memref<!tpu.dma_semaphore, #tpu.memory_space<semaphore_mem>>)
    %scan3A = arith.constant 0 : i32
    %scan3A_10 = arith.constant 0 : i32
    %scan3A_11 = arith.constant 16 : i32
    %scan3A_12 = arith.addi %scan3A_10, %scan3A_11 : i32
    %scan3A_13 = arith.constant 1 : i32
    scf.for %scan3A_18 = %scan3A_10 to %scan3A_12 step %scan3A_13  : i32 {
      %mul3A_19 = arith.constant 2 : i32
      %mul3A_20 = arith.muli %mul3A_19, %scan3A_18 : i32
      %add3A_21 = arith.constant 1 : i32
      %add3A_22 = arith.addi %mul3A_20, %add3A_21 : i32
      %gt3A = arith.constant 0 : i32
      %gt3A_23 = arith.cmpi sgt, %scan3A_18, %gt3A : i32
      %convert_element_type3A = arith.extui %gt3A_23 : i1 to i32
      %cond3A = arith.constant 0 : i32
      %cond3A_24 = arith.cmpi ne, %convert_element_type3A, %cond3A : i32
      scf.if %cond3A_24 {
        %dma_wait3A_82 = arith.constant 0 : i32
        %dma_wait3A_83 = tpu.memref_slice %arg6[%mul3A_2, %dma_wait3A_82] : memref<163840x256xf32, #tpu.memory_space<hbm>> -> memref<160x256xf32, #tpu.memory_space<hbm>>
        %dma_wait3A_84 = arith.constant 0 : i32
        %dma_wait3A_85 = tpu.memref_slice %arg6[%mul3A_2, %dma_wait3A_84] : memref<163840x256xf32, #tpu.memory_space<hbm>> -> memref<160x256xf32, #tpu.memory_space<hbm>>
        tpu.wait_dma2 semaphore(%arg18 : memref<!tpu.dma_semaphore, #tpu.memory_space<semaphore_mem>>) src(%arg14 : memref<160x256xf32, #tpu.memory_space<vmem>>) dst(%dma_wait3A_85 : memref<160x256xf32, #tpu.memory_space<hbm>>)
      } else {
      }
      %mul3A_25 = arith.constant 160 : i32
      %mul3A_26 = arith.muli %add3A_22, %mul3A_25 : i32
      %add3A_27 = arith.addi %mul3A_2, %mul3A_26 : i32
      "tpu.region"() ({
        %run_scoped3A = tpu.sem_alloc : memref<!tpu.dma_semaphore, #tpu.memory_space<semaphore_mem>>
        %dma_start3A_82 = tpu.memref_slice %arg5[%add3A_27] : memref<163840xi32, #tpu.memory_space<hbm>> -> memref<160xi32, #tpu.memory_space<hbm>>
        %dma_start3A_83 = tpu.memref_slice %arg5[%add3A_27] : memref<163840xi32, #tpu.memory_space<hbm>> -> memref<160xi32, #tpu.memory_space<hbm>>
        tpu.enqueue_dma source(%dma_start3A_83 : memref<160xi32, #tpu.memory_space<hbm>>) target(%arg12 : memref<160xi32, #tpu.memory_space<vmem>>) target_semaphore(%run_scoped3A : memref<!tpu.dma_semaphore, #tpu.memory_space<semaphore_mem>>)
        %dma_wait3A_84 = tpu.memref_slice %arg5[%add3A_27] : memref<163840xi32, #tpu.memory_space<hbm>> -> memref<160xi32, #tpu.memory_space<hbm>>
        %dma_wait3A_85 = tpu.memref_slice %arg5[%add3A_27] : memref<163840xi32, #tpu.memory_space<hbm>> -> memref<160xi32, #tpu.memory_space<hbm>>
        tpu.wait_dma2 semaphore(%run_scoped3A : memref<!tpu.dma_semaphore, #tpu.memory_space<semaphore_mem>>) src(%dma_wait3A_85 : memref<160xi32, #tpu.memory_space<hbm>>) dst(%arg12 : memref<160xi32, #tpu.memory_space<vmem>>)
        tpu.yield
      }) : () -> ()
      "tpu.region"() ({
        %run_scoped3A = tpu.sem_alloc : memref<!tpu.dma_semaphore, #tpu.memory_space<semaphore_mem>>
        %dma_start3A_82 = tpu.memref_slice %arg4[%add3A_27] : memref<163840xi32, #tpu.memory_space<hbm>> -> memref<160xi32, #tpu.memory_space<hbm>>
        %dma_start3A_83 = tpu.memref_slice %arg4[%add3A_27] : memref<163840xi32, #tpu.memory_space<hbm>> -> memref<160xi32, #tpu.memory_space<hbm>>
        tpu.enqueue_dma source(%dma_start3A_83 : memref<160xi32, #tpu.memory_space<hbm>>) target(%arg11 : memref<160xi32, #tpu.memory_space<vmem>>) target_semaphore(%run_scoped3A : memref<!tpu.dma_semaphore, #tpu.memory_space<semaphore_mem>>)
        %dma_wait3A_84 = tpu.memref_slice %arg4[%add3A_27] : memref<163840xi32, #tpu.memory_space<hbm>> -> memref<160xi32, #tpu.memory_space<hbm>>
        %dma_wait3A_85 = tpu.memref_slice %arg4[%add3A_27] : memref<163840xi32, #tpu.memory_space<hbm>> -> memref<160xi32, #tpu.memory_space<hbm>>
        tpu.wait_dma2 semaphore(%run_scoped3A : memref<!tpu.dma_semaphore, #tpu.memory_space<semaphore_mem>>) src(%dma_wait3A_85 : memref<160xi32, #tpu.memory_space<hbm>>) dst(%arg11 : memref<160xi32, #tpu.memory_space<vmem>>)
        tpu.yield
      }) : () -> ()
      %dma_start3A_28 = arith.constant 0 : i32
      %dma_start3A_29 = arith.constant 0 : i32
      %dma_start3A_30 = tpu.memref_slice %arg2[%dma_start3A_28, %dma_start3A_29] : memref<10000x128xf32, #tpu.memory_space<hbm>> -> memref<10000x128xf32, #tpu.memory_space<hbm>>
      tpu.enqueue_indirect_dma source(%dma_start3A_30 : memref<10000x128xf32, #tpu.memory_space<hbm>>) target(%arg13 : memref<160x128xf32, #tpu.memory_space<vmem>>) offsets(%arg12 : memref<160xi32, #tpu.memory_space<vmem>>) semaphore(%arg16 : memref<!tpu.dma_semaphore, #tpu.memory_space<semaphore_mem>>)
      %dma_start3A_31 = arith.constant 0 : i32
      %dma_start3A_32 = arith.constant 0 : i32
      %dma_start3A_33 = tpu.memref_slice %arg3[%dma_start3A_31, %dma_start3A_32] : memref<10000x256xf32, #tpu.memory_space<hbm>> -> memref<10000x256xf32, #tpu.memory_space<hbm>>
      tpu.enqueue_indirect_dma source(%dma_start3A_33 : memref<10000x256xf32, #tpu.memory_space<hbm>>) target(%arg14 : memref<160x256xf32, #tpu.memory_space<vmem>>) offsets(%arg11 : memref<160xi32, #tpu.memory_space<vmem>>) semaphore(%arg16 : memref<!tpu.dma_semaphore, #tpu.memory_space<semaphore_mem>>)
      %dma_wait3A_34 = arith.constant 0 : i32
      %dma_wait3A_35 = arith.constant 0 : i32
      %dma_wait3A_36 = tpu.memref_slice %arg2[%dma_wait3A_34, %dma_wait3A_35] : memref<10000x128xf32, #tpu.memory_space<hbm>> -> memref<10000x128xf32, #tpu.memory_space<hbm>>
      tpu.wait_indirect_dma semaphore(%arg15 : memref<!tpu.dma_semaphore, #tpu.memory_space<semaphore_mem>>) src(%dma_wait3A_36 : memref<10000x128xf32, #tpu.memory_space<hbm>>) dst(%arg9 : memref<160x128xf32, #tpu.memory_space<vmem>>)
      %dma_wait3A_37 = arith.constant 0 : i32
      %dma_wait3A_38 = arith.constant 0 : i32
      %dma_wait3A_39 = tpu.memref_slice %arg3[%dma_wait3A_37, %dma_wait3A_38] : memref<10000x256xf32, #tpu.memory_space<hbm>> -> memref<10000x256xf32, #tpu.memory_space<hbm>>
      tpu.wait_indirect_dma semaphore(%arg15 : memref<!tpu.dma_semaphore, #tpu.memory_space<semaphore_mem>>) src(%dma_wait3A_39 : memref<10000x256xf32, #tpu.memory_space<hbm>>) dst(%arg10 : memref<160x256xf32, #tpu.memory_space<vmem>>)
      %scan3A_40 = arith.constant 0 : i32
      %scan3A_41 = arith.constant 0 : i32
      %scan3A_42 = arith.constant 160 : i32
      %scan3A_43 = arith.addi %scan3A_41, %scan3A_42 : i32
      %scan3A_44 = arith.constant 1 : i32
      scf.for %scan3A_82 = %scan3A_41 to %scan3A_43 step %scan3A_44  : i32 {
        %get3A = arith.index_cast %scan3A_82 : i32 to index
        %get3A_83 = arith.constant 0 : index
        %get3A_84 = tpu.vector_load %arg10[%get3A, %get3A_83] {strides = array<i32>} : memref<160x256xf32, #tpu.memory_space<vmem>>, vector<1x16xf32>,
        %get3A_85 = vector.shape_cast %get3A_84 : vector<1x16xf32> to vector<16xf32>
        %get3A_86 = arith.index_cast %scan3A_82 : i32 to index
        %get3A_87 = arith.constant 0 : index
        %get3A_88 = tpu.vector_load %arg9[%get3A_86, %get3A_87] {strides = array<i32>} : memref<160x128xf32, #tpu.memory_space<vmem>>, vector<1x16xf32>,
        %get3A_89 = vector.shape_cast %get3A_88 : vector<1x16xf32> to vector<16xf32>
        %add3A_90 = arith.addf %get3A_85, %get3A_89 : vector<16xf32>
        %swap3A = arith.index_cast %scan3A_82 : i32 to index
        %swap3A_91 = arith.constant 0 : index
        %swap3A_92 = tpu.vector_load %arg10[%swap3A, %swap3A_91] {strides = array<i32>} : memref<160x256xf32, #tpu.memory_space<vmem>>, vector<1x16xf32>,
        %swap3A_93 = vector.shape_cast %swap3A_92 : vector<1x16xf32> to vector<16xf32>
        %swap3A_94 = vector.shape_cast %add3A_90 : vector<16xf32> to vector<1x16xf32>
        tpu.vector_store %arg10[%swap3A, %swap3A_91], %swap3A_94 {strides = array<i32>} : memref<160x256xf32, #tpu.memory_space<vmem>>, vector<1x16xf32>,
        %get3A_95 = arith.index_cast %scan3A_82 : i32 to index
        %get3A_96 = arith.constant 16 : index
        %get3A_97 = tpu.vector_load %arg10[%get3A_95, %get3A_96] {strides = array<i32>} : memref<160x256xf32, #tpu.memory_space<vmem>>, vector<1x16xf32>,
        %get3A_98 = vector.shape_cast %get3A_97 : vector<1x16xf32> to vector<16xf32>
        %get3A_99 = arith.index_cast %scan3A_82 : i32 to index
        %get3A_100 = arith.constant 16 : index
        %get3A_101 = tpu.vector_load %arg9[%get3A_99, %get3A_100] {strides = array<i32>} : memref<160x128xf32, #tpu.memory_space<vmem>>, vector<1x16xf32>,
        %get3A_102 = vector.shape_cast %get3A_101 : vector<1x16xf32> to vector<16xf32>
        %add3A_103 = arith.addf %get3A_98, %get3A_102 : vector<16xf32>
        %swap3A_104 = arith.index_cast %scan3A_82 : i32 to index
        %swap3A_105 = arith.constant 16 : index
        %swap3A_106 = tpu.vector_load %arg10[%swap3A_104, %swap3A_105] {strides = array<i32>} : memref<160x256xf32, #tpu.memory_space<vmem>>, vector<1x16xf32>,
        %swap3A_107 = vector.shape_cast %swap3A_106 : vector<1x16xf32> to vector<16xf32>
        %swap3A_108 = vector.shape_cast %add3A_103 : vector<16xf32> to vector<1x16xf32>
        tpu.vector_store %arg10[%swap3A_104, %swap3A_105], %swap3A_108 {strides = array<i32>} : memref<160x256xf32, #tpu.memory_space<vmem>>, vector<1x16xf32>,
        %get3A_109 = arith.index_cast %scan3A_82 : i32 to index
        %get3A_110 = arith.constant 32 : index
        %get3A_111 = tpu.vector_load %arg10[%get3A_109, %get3A_110] {strides = array<i32>} : memref<160x256xf32, #tpu.memory_space<vmem>>, vector<1x16xf32>,
        %get3A_112 = vector.shape_cast %get3A_111 : vector<1x16xf32> to vector<16xf32>
        %get3A_113 = arith.index_cast %scan3A_82 : i32 to index
        %get3A_114 = arith.constant 32 : index
        %get3A_115 = tpu.vector_load %arg9[%get3A_113, %get3A_114] {strides = array<i32>} : memref<160x128xf32, #tpu.memory_space<vmem>>, vector<1x16xf32>,
        %get3A_116 = vector.shape_cast %get3A_115 : vector<1x16xf32> to vector<16xf32>
        %add3A_117 = arith.addf %get3A_112, %get3A_116 : vector<16xf32>
        %swap3A_118 = arith.index_cast %scan3A_82 : i32 to index
        %swap3A_119 = arith.constant 32 : index
        %swap3A_120 = tpu.vector_load %arg10[%swap3A_118, %swap3A_119] {strides = array<i32>} : memref<160x256xf32, #tpu.memory_space<vmem>>, vector<1x16xf32>,
        %swap3A_121 = vector.shape_cast %swap3A_120 : vector<1x16xf32> to vector<16xf32>
        %swap3A_122 = vector.shape_cast %add3A_117 : vector<16xf32> to vector<1x16xf32>
        tpu.vector_store %arg10[%swap3A_118, %swap3A_119], %swap3A_122 {strides = array<i32>} : memref<160x256xf32, #tpu.memory_space<vmem>>, vector<1x16xf32>,
        %get3A_123 = arith.index_cast %scan3A_82 : i32 to index
        %get3A_124 = arith.constant 48 : index
        %get3A_125 = tpu.vector_load %arg10[%get3A_123, %get3A_124] {strides = array<i32>} : memref<160x256xf32, #tpu.memory_space<vmem>>, vector<1x16xf32>,
        %get3A_126 = vector.shape_cast %get3A_125 : vector<1x16xf32> to vector<16xf32>
        %get3A_127 = arith.index_cast %scan3A_82 : i32 to index
        %get3A_128 = arith.constant 48 : index
        %get3A_129 = tpu.vector_load %arg9[%get3A_127, %get3A_128] {strides = array<i32>} : memref<160x128xf32, #tpu.memory_space<vmem>>, vector<1x16xf32>,
        %get3A_130 = vector.shape_cast %get3A_129 : vector<1x16xf32> to vector<16xf32>
        %add3A_131 = arith.addf %get3A_126, %get3A_130 : vector<16xf32>
        %swap3A_132 = arith.index_cast %scan3A_82 : i32 to index
        %swap3A_133 = arith.constant 48 : index
        %swap3A_134 = tpu.vector_load %arg10[%swap3A_132, %swap3A_133] {strides = array<i32>} : memref<160x256xf32, #tpu.memory_space<vmem>>, vector<1x16xf32>,
        %swap3A_135 = vector.shape_cast %swap3A_134 : vector<1x16xf32> to vector<16xf32>
        %swap3A_136 = vector.shape_cast %add3A_131 : vector<16xf32> to vector<1x16xf32>
        tpu.vector_store %arg10[%swap3A_132, %swap3A_133], %swap3A_136 {strides = array<i32>} : memref<160x256xf32, #tpu.memory_space<vmem>>, vector<1x16xf32>,
        %get3A_137 = arith.index_cast %scan3A_82 : i32 to index
        %get3A_138 = arith.constant 64 : index
        %get3A_139 = tpu.vector_load %arg10[%get3A_137, %get3A_138] {strides = array<i32>} : memref<160x256xf32, #tpu.memory_space<vmem>>, vector<1x16xf32>,
        %get3A_140 = vector.shape_cast %get3A_139 : vector<1x16xf32> to vector<16xf32>
        %get3A_141 = arith.index_cast %scan3A_82 : i32 to index
        %get3A_142 = arith.constant 64 : index
        %get3A_143 = tpu.vector_load %arg9[%get3A_141, %get3A_142] {strides = array<i32>} : memref<160x128xf32, #tpu.memory_space<vmem>>, vector<1x16xf32>,
        %get3A_144 = vector.shape_cast %get3A_143 : vector<1x16xf32> to vector<16xf32>
        %add3A_145 = arith.addf %get3A_140, %get3A_144 : vector<16xf32>
        %swap3A_146 = arith.index_cast %scan3A_82 : i32 to index
        %swap3A_147 = arith.constant 64 : index
        %swap3A_148 = tpu.vector_load %arg10[%swap3A_146, %swap3A_147] {strides = array<i32>} : memref<160x256xf32, #tpu.memory_space<vmem>>, vector<1x16xf32>,
        %swap3A_149 = vector.shape_cast %swap3A_148 : vector<1x16xf32> to vector<16xf32>
        %swap3A_150 = vector.shape_cast %add3A_145 : vector<16xf32> to vector<1x16xf32>
        tpu.vector_store %arg10[%swap3A_146, %swap3A_147], %swap3A_150 {strides = array<i32>} : memref<160x256xf32, #tpu.memory_space<vmem>>, vector<1x16xf32>,
        %get3A_151 = arith.index_cast %scan3A_82 : i32 to index
        %get3A_152 = arith.constant 80 : index
        %get3A_153 = tpu.vector_load %arg10[%get3A_151, %get3A_152] {strides = array<i32>} : memref<160x256xf32, #tpu.memory_space<vmem>>, vector<1x16xf32>,
        %get3A_154 = vector.shape_cast %get3A_153 : vector<1x16xf32> to vector<16xf32>
        %get3A_155 = arith.index_cast %scan3A_82 : i32 to index
        %get3A_156 = arith.constant 80 : index
        %get3A_157 = tpu.vector_load %arg9[%get3A_155, %get3A_156] {strides = array<i32>} : memref<160x128xf32, #tpu.memory_space<vmem>>, vector<1x16xf32>,
        %get3A_158 = vector.shape_cast %get3A_157 : vector<1x16xf32> to vector<16xf32>
        %add3A_159 = arith.addf %get3A_154, %get3A_158 : vector<16xf32>
        %swap3A_160 = arith.index_cast %scan3A_82 : i32 to index
        %swap3A_161 = arith.constant 80 : index
        %swap3A_162 = tpu.vector_load %arg10[%swap3A_160, %swap3A_161] {strides = array<i32>} : memref<160x256xf32, #tpu.memory_space<vmem>>, vector<1x16xf32>,
        %swap3A_163 = vector.shape_cast %swap3A_162 : vector<1x16xf32> to vector<16xf32>
        %swap3A_164 = vector.shape_cast %add3A_159 : vector<16xf32> to vector<1x16xf32>
        tpu.vector_store %arg10[%swap3A_160, %swap3A_161], %swap3A_164 {strides = array<i32>} : memref<160x256xf32, #tpu.memory_space<vmem>>, vector<1x16xf32>,
        %get3A_165 = arith.index_cast %scan3A_82 : i32 to index
        %get3A_166 = arith.constant 96 : index
        %get3A_167 = tpu.vector_load %arg10[%get3A_165, %get3A_166] {strides = array<i32>} : memref<160x256xf32, #tpu.memory_space<vmem>>, vector<1x16xf32>,
        %get3A_168 = vector.shape_cast %get3A_167 : vector<1x16xf32> to vector<16xf32>
        %get3A_169 = arith.index_cast %scan3A_82 : i32 to index
        %get3A_170 = arith.constant 96 : index
        %get3A_171 = tpu.vector_load %arg9[%get3A_169, %get3A_170] {strides = array<i32>} : memref<160x128xf32, #tpu.memory_space<vmem>>, vector<1x16xf32>,
        %get3A_172 = vector.shape_cast %get3A_171 : vector<1x16xf32> to vector<16xf32>
        %add3A_173 = arith.addf %get3A_168, %get3A_172 : vector<16xf32>
        %swap3A_174 = arith.index_cast %scan3A_82 : i32 to index
        %swap3A_175 = arith.constant 96 : index
        %swap3A_176 = tpu.vector_load %arg10[%swap3A_174, %swap3A_175] {strides = array<i32>} : memref<160x256xf32, #tpu.memory_space<vmem>>, vector<1x16xf32>,
        %swap3A_177 = vector.shape_cast %swap3A_176 : vector<1x16xf32> to vector<16xf32>
        %swap3A_178 = vector.shape_cast %add3A_173 : vector<16xf32> to vector<1x16xf32>
        tpu.vector_store %arg10[%swap3A_174, %swap3A_175], %swap3A_178 {strides = array<i32>} : memref<160x256xf32, #tpu.memory_space<vmem>>, vector<1x16xf32>,
        %get3A_179 = arith.index_cast %scan3A_82 : i32 to index
        %get3A_180 = arith.constant 112 : index
        %get3A_181 = tpu.vector_load %arg10[%get3A_179, %get3A_180] {strides = array<i32>} : memref<160x256xf32, #tpu.memory_space<vmem>>, vector<1x16xf32>,
        %get3A_182 = vector.shape_cast %get3A_181 : vector<1x16xf32> to vector<16xf32>
        %get3A_183 = arith.index_cast %scan3A_82 : i32 to index
        %get3A_184 = arith.constant 112 : index
        %get3A_185 = tpu.vector_load %arg9[%get3A_183, %get3A_184] {strides = array<i32>} : memref<160x128xf32, #tpu.memory_space<vmem>>, vector<1x16xf32>,
        %get3A_186 = vector.shape_cast %get3A_185 : vector<1x16xf32> to vector<16xf32>
        %add3A_187 = arith.addf %get3A_182, %get3A_186 : vector<16xf32>
        %swap3A_188 = arith.index_cast %scan3A_82 : i32 to index
        %swap3A_189 = arith.constant 112 : index
        %swap3A_190 = tpu.vector_load %arg10[%swap3A_188, %swap3A_189] {strides = array<i32>} : memref<160x256xf32, #tpu.memory_space<vmem>>, vector<1x16xf32>,
        %swap3A_191 = vector.shape_cast %swap3A_190 : vector<1x16xf32> to vector<16xf32>
        %swap3A_192 = vector.shape_cast %add3A_187 : vector<16xf32> to vector<1x16xf32>
        tpu.vector_store %arg10[%swap3A_188, %swap3A_189], %swap3A_192 {strides = array<i32>} : memref<160x256xf32, #tpu.memory_space<vmem>>, vector<1x16xf32>,
      }
      %scan3A_45 = arith.constant 160 : i32
      %mul3A_46 = arith.constant 160 : i32
      %mul3A_47 = arith.muli %mul3A_20, %mul3A_46 : i32
      %add3A_48 = arith.addi %mul3A_2, %mul3A_47 : i32
      %dma_start3A_49 = arith.constant 0 : i32
      %dma_start3A_50 = tpu.memref_slice %arg6[%add3A_48, %dma_start3A_49] : memref<163840x256xf32, #tpu.memory_space<hbm>> -> memref<160x256xf32, #tpu.memory_space<hbm>>
      %dma_start3A_51 = arith.constant 0 : i32
      %dma_start3A_52 = tpu.memref_slice %arg6[%add3A_48, %dma_start3A_51] : memref<163840x256xf32, #tpu.memory_space<hbm>> -> memref<160x256xf32, #tpu.memory_space<hbm>>
      tpu.enqueue_dma source(%arg10 : memref<160x256xf32, #tpu.memory_space<vmem>>) target(%dma_start3A_52 : memref<160x256xf32, #tpu.memory_space<hbm>>) target_semaphore(%arg17 : memref<!tpu.dma_semaphore, #tpu.memory_space<semaphore_mem>>)
      %dma_wait3A_53 = arith.constant 0 : i32
      %dma_wait3A_54 = tpu.memref_slice %arg6[%mul3A_2, %dma_wait3A_53] : memref<163840x256xf32, #tpu.memory_space<hbm>> -> memref<160x256xf32, #tpu.memory_space<hbm>>
      %dma_wait3A_55 = arith.constant 0 : i32
      %dma_wait3A_56 = tpu.memref_slice %arg6[%mul3A_2, %dma_wait3A_55] : memref<163840x256xf32, #tpu.memory_space<hbm>> -> memref<160x256xf32, #tpu.memory_space<hbm>>
      tpu.wait_dma2 semaphore(%arg17 : memref<!tpu.dma_semaphore, #tpu.memory_space<semaphore_mem>>) src(%arg10 : memref<160x256xf32, #tpu.memory_space<vmem>>) dst(%dma_wait3A_56 : memref<160x256xf32, #tpu.memory_space<hbm>>)
      %add3A_57 = arith.constant 2 : i32
      %add3A_58 = arith.addi %mul3A_20, %add3A_57 : i32
      %lt3A = arith.constant 32 : i32
      %lt3A_59 = arith.cmpi slt, %add3A_58, %lt3A : i32
      %convert_element_type3A_60 = arith.extui %lt3A_59 : i1 to i32
      %cond3A_61 = arith.constant 0 : i32
      %cond3A_62 = arith.cmpi ne, %convert_element_type3A_60, %cond3A_61 : i32
      scf.if %cond3A_62 {
        %add3A_82 = arith.constant 2 : i32
        %add3A_83 = arith.addi %mul3A_20, %add3A_82 : i32
        %mul3A_84 = arith.constant 160 : i32
        %mul3A_85 = arith.muli %add3A_83, %mul3A_84 : i32
        %add3A_86 = arith.addi %mul3A_2, %mul3A_85 : i32
        "tpu.region"() ({
          %run_scoped3A = tpu.sem_alloc : memref<!tpu.dma_semaphore, #tpu.memory_space<semaphore_mem>>
          %dma_start3A_93 = tpu.memref_slice %arg5[%add3A_86] : memref<163840xi32, #tpu.memory_space<hbm>> -> memref<160xi32, #tpu.memory_space<hbm>>
          %dma_start3A_94 = tpu.memref_slice %arg5[%add3A_86] : memref<163840xi32, #tpu.memory_space<hbm>> -> memref<160xi32, #tpu.memory_space<hbm>>
          tpu.enqueue_dma source(%dma_start3A_94 : memref<160xi32, #tpu.memory_space<hbm>>) target(%arg8 : memref<160xi32, #tpu.memory_space<vmem>>) target_semaphore(%run_scoped3A : memref<!tpu.dma_semaphore, #tpu.memory_space<semaphore_mem>>)
          %dma_wait3A_95 = tpu.memref_slice %arg5[%add3A_86] : memref<163840xi32, #tpu.memory_space<hbm>> -> memref<160xi32, #tpu.memory_space<hbm>>
          %dma_wait3A_96 = tpu.memref_slice %arg5[%add3A_86] : memref<163840xi32, #tpu.memory_space<hbm>> -> memref<160xi32, #tpu.memory_space<hbm>>
          tpu.wait_dma2 semaphore(%run_scoped3A : memref<!tpu.dma_semaphore, #tpu.memory_space<semaphore_mem>>) src(%dma_wait3A_96 : memref<160xi32, #tpu.memory_space<hbm>>) dst(%arg8 : memref<160xi32, #tpu.memory_space<vmem>>)
          tpu.yield
        }) : () -> ()
        "tpu.region"() ({
          %run_scoped3A = tpu.sem_alloc : memref<!tpu.dma_semaphore, #tpu.memory_space<semaphore_mem>>
          %dma_start3A_93 = tpu.memref_slice %arg4[%add3A_86] : memref<163840xi32, #tpu.memory_space<hbm>> -> memref<160xi32, #tpu.memory_space<hbm>>
          %dma_start3A_94 = tpu.memref_slice %arg4[%add3A_86] : memref<163840xi32, #tpu.memory_space<hbm>> -> memref<160xi32, #tpu.memory_space<hbm>>
          tpu.enqueue_dma source(%dma_start3A_94 : memref<160xi32, #tpu.memory_space<hbm>>) target(%arg7 : memref<160xi32, #tpu.memory_space<vmem>>) target_semaphore(%run_scoped3A : memref<!tpu.dma_semaphore, #tpu.memory_space<semaphore_mem>>)
          %dma_wait3A_95 = tpu.memref_slice %arg4[%add3A_86] : memref<163840xi32, #tpu.memory_space<hbm>> -> memref<160xi32, #tpu.memory_space<hbm>>
          %dma_wait3A_96 = tpu.memref_slice %arg4[%add3A_86] : memref<163840xi32, #tpu.memory_space<hbm>> -> memref<160xi32, #tpu.memory_space<hbm>>
          tpu.wait_dma2 semaphore(%run_scoped3A : memref<!tpu.dma_semaphore, #tpu.memory_space<semaphore_mem>>) src(%dma_wait3A_96 : memref<160xi32, #tpu.memory_space<hbm>>) dst(%arg7 : memref<160xi32, #tpu.memory_space<vmem>>)
          tpu.yield
        }) : () -> ()
        %dma_start3A_87 = arith.constant 0 : i32
        %dma_start3A_88 = arith.constant 0 : i32
        %dma_start3A_89 = tpu.memref_slice %arg2[%dma_start3A_87, %dma_start3A_88] : memref<10000x128xf32, #tpu.memory_space<hbm>> -> memref<10000x128xf32, #tpu.memory_space<hbm>>
        tpu.enqueue_indirect_dma source(%dma_start3A_89 : memref<10000x128xf32, #tpu.memory_space<hbm>>) target(%arg9 : memref<160x128xf32, #tpu.memory_space<vmem>>) offsets(%arg8 : memref<160xi32, #tpu.memory_space<vmem>>) semaphore(%arg15 : memref<!tpu.dma_semaphore, #tpu.memory_space<semaphore_mem>>)
        %dma_start3A_90 = arith.constant 0 : i32
        %dma_start3A_91 = arith.constant 0 : i32
        %dma_start3A_92 = tpu.memref_slice %arg3[%dma_start3A_90, %dma_start3A_91] : memref<10000x256xf32, #tpu.memory_space<hbm>> -> memref<10000x256xf32, #tpu.memory_space<hbm>>
        tpu.enqueue_indirect_dma source(%dma_start3A_92 : memref<10000x256xf32, #tpu.memory_space<hbm>>) target(%arg10 : memref<160x256xf32, #tpu.memory_space<vmem>>) offsets(%arg7 : memref<160xi32, #tpu.memory_space<vmem>>) semaphore(%arg15 : memref<!tpu.dma_semaphore, #tpu.memory_space<semaphore_mem>>)
      } else {
      }
      %dma_wait3A_63 = arith.constant 0 : i32
      %dma_wait3A_64 = arith.constant 0 : i32
      %dma_wait3A_65 = tpu.memref_slice %arg2[%dma_wait3A_63, %dma_wait3A_64] : memref<10000x128xf32, #tpu.memory_space<hbm>> -> memref<10000x128xf32, #tpu.memory_space<hbm>>
      tpu.wait_indirect_dma semaphore(%arg16 : memref<!tpu.dma_semaphore, #tpu.memory_space<semaphore_mem>>) src(%dma_wait3A_65 : memref<10000x128xf32, #tpu.memory_space<hbm>>) dst(%arg13 : memref<160x128xf32, #tpu.memory_space<vmem>>)
      %dma_wait3A_66 = arith.constant 0 : i32
      %dma_wait3A_67 = arith.constant 0 : i32
      %dma_wait3A_68 = tpu.memref_slice %arg3[%dma_wait3A_66, %dma_wait3A_67] : memref<10000x256xf32, #tpu.memory_space<hbm>> -> memref<10000x256xf32, #tpu.memory_space<hbm>>
      tpu.wait_indirect_dma semaphore(%arg16 : memref<!tpu.dma_semaphore, #tpu.memory_space<semaphore_mem>>) src(%dma_wait3A_68 : memref<10000x256xf32, #tpu.memory_space<hbm>>) dst(%arg14 : memref<160x256xf32, #tpu.memory_space<vmem>>)
      %scan3A_69 = arith.constant 0 : i32
      %scan3A_70 = arith.constant 0 : i32
      %scan3A_71 = arith.constant 160 : i32
      %scan3A_72 = arith.addi %scan3A_70, %scan3A_71 : i32
      %scan3A_73 = arith.constant 1 : i32
      scf.for %scan3A_82 = %scan3A_70 to %scan3A_72 step %scan3A_73  : i32 {
        %get3A = arith.index_cast %scan3A_82 : i32 to index
        %get3A_83 = arith.constant 0 : index
        %get3A_84 = tpu.vector_load %arg14[%get3A, %get3A_83] {strides = array<i32>} : memref<160x256xf32, #tpu.memory_space<vmem>>, vector<1x16xf32>,
        %get3A_85 = vector.shape_cast %get3A_84 : vector<1x16xf32> to vector<16xf32>
        %get3A_86 = arith.index_cast %scan3A_82 : i32 to index
        %get3A_87 = arith.constant 0 : index
        %get3A_88 = tpu.vector_load %arg13[%get3A_86, %get3A_87] {strides = array<i32>} : memref<160x128xf32, #tpu.memory_space<vmem>>, vector<1x16xf32>,
        %get3A_89 = vector.shape_cast %get3A_88 : vector<1x16xf32> to vector<16xf32>
        %add3A_90 = arith.addf %get3A_85, %get3A_89 : vector<16xf32>
        %swap3A = arith.index_cast %scan3A_82 : i32 to index
        %swap3A_91 = arith.constant 0 : index
        %swap3A_92 = tpu.vector_load %arg14[%swap3A, %swap3A_91] {strides = array<i32>} : memref<160x256xf32, #tpu.memory_space<vmem>>, vector<1x16xf32>,
        %swap3A_93 = vector.shape_cast %swap3A_92 : vector<1x16xf32> to vector<16xf32>
        %swap3A_94 = vector.shape_cast %add3A_90 : vector<16xf32> to vector<1x16xf32>
        tpu.vector_store %arg14[%swap3A, %swap3A_91], %swap3A_94 {strides = array<i32>} : memref<160x256xf32, #tpu.memory_space<vmem>>, vector<1x16xf32>,
        %get3A_95 = arith.index_cast %scan3A_82 : i32 to index
        %get3A_96 = arith.constant 16 : index
        %get3A_97 = tpu.vector_load %arg14[%get3A_95, %get3A_96] {strides = array<i32>} : memref<160x256xf32, #tpu.memory_space<vmem>>, vector<1x16xf32>,
        %get3A_98 = vector.shape_cast %get3A_97 : vector<1x16xf32> to vector<16xf32>
        %get3A_99 = arith.index_cast %scan3A_82 : i32 to index
        %get3A_100 = arith.constant 16 : index
        %get3A_101 = tpu.vector_load %arg13[%get3A_99, %get3A_100] {strides = array<i32>} : memref<160x128xf32, #tpu.memory_space<vmem>>, vector<1x16xf32>,
        %get3A_102 = vector.shape_cast %get3A_101 : vector<1x16xf32> to vector<16xf32>
        %add3A_103 = arith.addf %get3A_98, %get3A_102 : vector<16xf32>
        %swap3A_104 = arith.index_cast %scan3A_82 : i32 to index
        %swap3A_105 = arith.constant 16 : index
        %swap3A_106 = tpu.vector_load %arg14[%swap3A_104, %swap3A_105] {strides = array<i32>} : memref<160x256xf32, #tpu.memory_space<vmem>>, vector<1x16xf32>,
        %swap3A_107 = vector.shape_cast %swap3A_106 : vector<1x16xf32> to vector<16xf32>
        %swap3A_108 = vector.shape_cast %add3A_103 : vector<16xf32> to vector<1x16xf32>
        tpu.vector_store %arg14[%swap3A_104, %swap3A_105], %swap3A_108 {strides = array<i32>} : memref<160x256xf32, #tpu.memory_space<vmem>>, vector<1x16xf32>,
        %get3A_109 = arith.index_cast %scan3A_82 : i32 to index
        %get3A_110 = arith.constant 32 : index
        %get3A_111 = tpu.vector_load %arg14[%get3A_109, %get3A_110] {strides = array<i32>} : memref<160x256xf32, #tpu.memory_space<vmem>>, vector<1x16xf32>,
        %get3A_112 = vector.shape_cast %get3A_111 : vector<1x16xf32> to vector<16xf32>
        %get3A_113 = arith.index_cast %scan3A_82 : i32 to index
        %get3A_114 = arith.constant 32 : index
        %get3A_115 = tpu.vector_load %arg13[%get3A_113, %get3A_114] {strides = array<i32>} : memref<160x128xf32, #tpu.memory_space<vmem>>, vector<1x16xf32>,
        %get3A_116 = vector.shape_cast %get3A_115 : vector<1x16xf32> to vector<16xf32>
        %add3A_117 = arith.addf %get3A_112, %get3A_116 : vector<16xf32>
        %swap3A_118 = arith.index_cast %scan3A_82 : i32 to index
        %swap3A_119 = arith.constant 32 : index
        %swap3A_120 = tpu.vector_load %arg14[%swap3A_118, %swap3A_119] {strides = array<i32>} : memref<160x256xf32, #tpu.memory_space<vmem>>, vector<1x16xf32>,
        %swap3A_121 = vector.shape_cast %swap3A_120 : vector<1x16xf32> to vector<16xf32>
        %swap3A_122 = vector.shape_cast %add3A_117 : vector<16xf32> to vector<1x16xf32>
        tpu.vector_store %arg14[%swap3A_118, %swap3A_119], %swap3A_122 {strides = array<i32>} : memref<160x256xf32, #tpu.memory_space<vmem>>, vector<1x16xf32>,
        %get3A_123 = arith.index_cast %scan3A_82 : i32 to index
        %get3A_124 = arith.constant 48 : index
        %get3A_125 = tpu.vector_load %arg14[%get3A_123, %get3A_124] {strides = array<i32>} : memref<160x256xf32, #tpu.memory_space<vmem>>, vector<1x16xf32>,
        %get3A_126 = vector.shape_cast %get3A_125 : vector<1x16xf32> to vector<16xf32>
        %get3A_127 = arith.index_cast %scan3A_82 : i32 to index
        %get3A_128 = arith.constant 48 : index
        %get3A_129 = tpu.vector_load %arg13[%get3A_127, %get3A_128] {strides = array<i32>} : memref<160x128xf32, #tpu.memory_space<vmem>>, vector<1x16xf32>,
        %get3A_130 = vector.shape_cast %get3A_129 : vector<1x16xf32> to vector<16xf32>
        %add3A_131 = arith.addf %get3A_126, %get3A_130 : vector<16xf32>
        %swap3A_132 = arith.index_cast %scan3A_82 : i32 to index
        %swap3A_133 = arith.constant 48 : index
        %swap3A_134 = tpu.vector_load %arg14[%swap3A_132, %swap3A_133] {strides = array<i32>} : memref<160x256xf32, #tpu.memory_space<vmem>>, vector<1x16xf32>,
        %swap3A_135 = vector.shape_cast %swap3A_134 : vector<1x16xf32> to vector<16xf32>
        %swap3A_136 = vector.shape_cast %add3A_131 : vector<16xf32> to vector<1x16xf32>
        tpu.vector_store %arg14[%swap3A_132, %swap3A_133], %swap3A_136 {strides = array<i32>} : memref<160x256xf32, #tpu.memory_space<vmem>>, vector<1x16xf32>,
        %get3A_137 = arith.index_cast %scan3A_82 : i32 to index
        %get3A_138 = arith.constant 64 : index
        %get3A_139 = tpu.vector_load %arg14[%get3A_137, %get3A_138] {strides = array<i32>} : memref<160x256xf32, #tpu.memory_space<vmem>>, vector<1x16xf32>,
        %get3A_140 = vector.shape_cast %get3A_139 : vector<1x16xf32> to vector<16xf32>
        %get3A_141 = arith.index_cast %scan3A_82 : i32 to index
        %get3A_142 = arith.constant 64 : index
        %get3A_143 = tpu.vector_load %arg13[%get3A_141, %get3A_142] {strides = array<i32>} : memref<160x128xf32, #tpu.memory_space<vmem>>, vector<1x16xf32>,
        %get3A_144 = vector.shape_cast %get3A_143 : vector<1x16xf32> to vector<16xf32>
        %add3A_145 = arith.addf %get3A_140, %get3A_144 : vector<16xf32>
        %swap3A_146 = arith.index_cast %scan3A_82 : i32 to index
        %swap3A_147 = arith.constant 64 : index
        %swap3A_148 = tpu.vector_load %arg14[%swap3A_146, %swap3A_147] {strides = array<i32>} : memref<160x256xf32, #tpu.memory_space<vmem>>, vector<1x16xf32>,
        %swap3A_149 = vector.shape_cast %swap3A_148 : vector<1x16xf32> to vector<16xf32>
        %swap3A_150 = vector.shape_cast %add3A_145 : vector<16xf32> to vector<1x16xf32>
        tpu.vector_store %arg14[%swap3A_146, %swap3A_147], %swap3A_150 {strides = array<i32>} : memref<160x256xf32, #tpu.memory_space<vmem>>, vector<1x16xf32>,
        %get3A_151 = arith.index_cast %scan3A_82 : i32 to index
        %get3A_152 = arith.constant 80 : index
        %get3A_153 = tpu.vector_load %arg14[%get3A_151, %get3A_152] {strides = array<i32>} : memref<160x256xf32, #tpu.memory_space<vmem>>, vector<1x16xf32>,
        %get3A_154 = vector.shape_cast %get3A_153 : vector<1x16xf32> to vector<16xf32>
        %get3A_155 = arith.index_cast %scan3A_82 : i32 to index
        %get3A_156 = arith.constant 80 : index
        %get3A_157 = tpu.vector_load %arg13[%get3A_155, %get3A_156] {strides = array<i32>} : memref<160x128xf32, #tpu.memory_space<vmem>>, vector<1x16xf32>,
        %get3A_158 = vector.shape_cast %get3A_157 : vector<1x16xf32> to vector<16xf32>
        %add3A_159 = arith.addf %get3A_154, %get3A_158 : vector<16xf32>
        %swap3A_160 = arith.index_cast %scan3A_82 : i32 to index
        %swap3A_161 = arith.constant 80 : index
        %swap3A_162 = tpu.vector_load %arg14[%swap3A_160, %swap3A_161] {strides = array<i32>} : memref<160x256xf32, #tpu.memory_space<vmem>>, vector<1x16xf32>,
        %swap3A_163 = vector.shape_cast %swap3A_162 : vector<1x16xf32> to vector<16xf32>
        %swap3A_164 = vector.shape_cast %add3A_159 : vector<16xf32> to vector<1x16xf32>
        tpu.vector_store %arg14[%swap3A_160, %swap3A_161], %swap3A_164 {strides = array<i32>} : memref<160x256xf32, #tpu.memory_space<vmem>>, vector<1x16xf32>,
        %get3A_165 = arith.index_cast %scan3A_82 : i32 to index
        %get3A_166 = arith.constant 96 : index
        %get3A_167 = tpu.vector_load %arg14[%get3A_165, %get3A_166] {strides = array<i32>} : memref<160x256xf32, #tpu.memory_space<vmem>>, vector<1x16xf32>,
        %get3A_168 = vector.shape_cast %get3A_167 : vector<1x16xf32> to vector<16xf32>
        %get3A_169 = arith.index_cast %scan3A_82 : i32 to index
        %get3A_170 = arith.constant 96 : index
        %get3A_171 = tpu.vector_load %arg13[%get3A_169, %get3A_170] {strides = array<i32>} : memref<160x128xf32, #tpu.memory_space<vmem>>, vector<1x16xf32>,
        %get3A_172 = vector.shape_cast %get3A_171 : vector<1x16xf32> to vector<16xf32>
        %add3A_173 = arith.addf %get3A_168, %get3A_172 : vector<16xf32>
        %swap3A_174 = arith.index_cast %scan3A_82 : i32 to index
        %swap3A_175 = arith.constant 96 : index
        %swap3A_176 = tpu.vector_load %arg14[%swap3A_174, %swap3A_175] {strides = array<i32>} : memref<160x256xf32, #tpu.memory_space<vmem>>, vector<1x16xf32>,
        %swap3A_177 = vector.shape_cast %swap3A_176 : vector<1x16xf32> to vector<16xf32>
        %swap3A_178 = vector.shape_cast %add3A_173 : vector<16xf32> to vector<1x16xf32>
        tpu.vector_store %arg14[%swap3A_174, %swap3A_175], %swap3A_178 {strides = array<i32>} : memref<160x256xf32, #tpu.memory_space<vmem>>, vector<1x16xf32>,
        %get3A_179 = arith.index_cast %scan3A_82 : i32 to index
        %get3A_180 = arith.constant 112 : index
        %get3A_181 = tpu.vector_load %arg14[%get3A_179, %get3A_180] {strides = array<i32>} : memref<160x256xf32, #tpu.memory_space<vmem>>, vector<1x16xf32>,
        %get3A_182 = vector.shape_cast %get3A_181 : vector<1x16xf32> to vector<16xf32>
        %get3A_183 = arith.index_cast %scan3A_82 : i32 to index
        %get3A_184 = arith.constant 112 : index
        %get3A_185 = tpu.vector_load %arg13[%get3A_183, %get3A_184] {strides = array<i32>} : memref<160x128xf32, #tpu.memory_space<vmem>>, vector<1x16xf32>,
        %get3A_186 = vector.shape_cast %get3A_185 : vector<1x16xf32> to vector<16xf32>
        %add3A_187 = arith.addf %get3A_182, %get3A_186 : vector<16xf32>
        %swap3A_188 = arith.index_cast %scan3A_82 : i32 to index
        %swap3A_189 = arith.constant 112 : index
        %swap3A_190 = tpu.vector_load %arg14[%swap3A_188, %swap3A_189] {strides = array<i32>} : memref<160x256xf32, #tpu.memory_space<vmem>>, vector<1x16xf32>,
        %swap3A_191 = vector.shape_cast %swap3A_190 : vector<1x16xf32> to vector<16xf32>
        %swap3A_192 = vector.shape_cast %add3A_187 : vector<16xf32> to vector<1x16xf32>
        tpu.vector_store %arg14[%swap3A_188, %swap3A_189], %swap3A_192 {strides = array<i32>} : memref<160x256xf32, #tpu.memory_space<vmem>>, vector<1x16xf32>,
      }
      %scan3A_74 = arith.constant 160 : i32
      %mul3A_75 = arith.constant 160 : i32
      %mul3A_76 = arith.muli %add3A_22, %mul3A_75 : i32
      %add3A_77 = arith.addi %mul3A_2, %mul3A_76 : i32
      %dma_start3A_78 = arith.constant 0 : i32
      %dma_start3A_79 = tpu.memref_slice %arg6[%add3A_77, %dma_start3A_78] : memref<163840x256xf32, #tpu.memory_space<hbm>> -> memref<160x256xf32, #tpu.memory_space<hbm>>
      %dma_start3A_80 = arith.constant 0 : i32
      %dma_start3A_81 = tpu.memref_slice %arg6[%add3A_77, %dma_start3A_80] : memref<163840x256xf32, #tpu.memory_space<hbm>> -> memref<160x256xf32, #tpu.memory_space<hbm>>
      tpu.enqueue_dma source(%arg14 : memref<160x256xf32, #tpu.memory_space<vmem>>) target(%dma_start3A_81 : memref<160x256xf32, #tpu.memory_space<hbm>>) target_semaphore(%arg18 : memref<!tpu.dma_semaphore, #tpu.memory_space<semaphore_mem>>)
    }
    %scan3A_14 = arith.constant 16 : i32
    %dma_wait3A = arith.constant 0 : i32
    %dma_wait3A_15 = tpu.memref_slice %arg6[%mul3A_2, %dma_wait3A] : memref<163840x256xf32, #tpu.memory_space<hbm>> -> memref<160x256xf32, #tpu.memory_space<hbm>>
    %dma_wait3A_16 = arith.constant 0 : i32
    %dma_wait3A_17 = tpu.memref_slice %arg6[%mul3A_2, %dma_wait3A_16] : memref<163840x256xf32, #tpu.memory_space<hbm>> -> memref<160x256xf32, #tpu.memory_space<hbm>>
    tpu.wait_dma2 semaphore(%arg18 : memref<!tpu.dma_semaphore, #tpu.memory_space<semaphore_mem>>) src(%arg14 : memref<160x256xf32, #tpu.memory_space<vmem>>) dst(%dma_wait3A_17 : memref<160x256xf32, #tpu.memory_space<hbm>>)
    return
  }
}

module attributes {stable_mosaic.version = 14 : i64} {
  func.func @_stage_a_body(%arg0: i32, %arg1: memref<1000x128xf32, #tpu.memory_space<vmem>>, %arg2: memref<1000x3xf32, #tpu.memory_space<vmem>>, %arg3: memref<128x128xf32, #tpu.memory_space<vmem>>, %arg4: memref<1x128xf32, #tpu.memory_space<vmem>>, %arg5: memref<128x128xf32, #tpu.memory_space<vmem>>, %arg6: memref<128x128xf32, #tpu.memory_space<vmem>>, %arg7: memref<128x128xf32, #tpu.memory_space<vmem>>, %arg8: memref<64x128xf32, #tpu.memory_space<vmem>>, %arg9: memref<1000x128xf32, #tpu.memory_space<vmem>>, %arg10: memref<1000x256xf32, #tpu.memory_space<vmem>>) attributes {dimension_semantics = [#tpu.dimension_semantics<arbitrary>], iteration_bounds = array<i64: 10>, scalar_prefetch = 0 : i64, scratch_operands = 0 : i64, tpu.core_type = #tpu.core_type<tc>, window_params = [{transform_indices = @transform_0, window_bounds = array<i64: 1000, 128>}, {transform_indices = @transform_1, window_bounds = array<i64: 1000, 3>}, {pipeline_mode = #tpu.pipeline_mode<synchronous>, transform_indices = @transform_2, window_bounds = array<i64: 128, 128>}, {pipeline_mode = #tpu.pipeline_mode<synchronous>, transform_indices = @transform_3, window_bounds = array<i64: 1, 128>}, {pipeline_mode = #tpu.pipeline_mode<synchronous>, transform_indices = @transform_4, window_bounds = array<i64: 128, 128>}, {pipeline_mode = #tpu.pipeline_mode<synchronous>, transform_indices = @transform_5, window_bounds = array<i64: 128, 128>}, {pipeline_mode = #tpu.pipeline_mode<synchronous>, transform_indices = @transform_6, window_bounds = array<i64: 128, 128>}, {pipeline_mode = #tpu.pipeline_mode<synchronous>, transform_indices = @transform_7, window_bounds = array<i64: 64, 128>}, {transform_indices = @transform_8, window_bounds = array<i64: 1000, 128>}, {transform_indices = @transform_9, window_bounds = array<i64: 1000, 256>}]} {
    %get3A = arith.constant 0 : index
    %get3A_0 = arith.constant 0 : index
    %get3A_1 = vector.load %arg1[%get3A, %get3A_0] : memref<1000x128xf32, #tpu.memory_space<vmem>>, vector<1000x128xf32>
    %get3A_2 = arith.constant 0 : index
    %get3A_3 = arith.constant 0 : index
    %get3A_4 = vector.load %arg3[%get3A_2, %get3A_3] : memref<128x128xf32, #tpu.memory_space<vmem>>, vector<128x128xf32>
    %transpose3A = tpu.transpose %get3A_4, [1, 0] : vector<128x128xf32> -> vector<128x128xf32>
    %dot_general3A = arith.constant dense<0.000000e+00> : vector<1000x128xf32>
    %dot_general3A_5 = tpu.matmul %get3A_1, %transpose3A, %dot_general3A {dimension_numbers = #tpu.dot_dimension_numbers<[1], [0], [0], [1], [0, 0, 1, 1], [], []>, transpose_lhs_hint = false} : vector<1000x128xf32>, vector<128x128xf32>, vector<1000x128xf32> -> vector<1000x128xf32>
    %get3A_6 = arith.constant 0 : index
    %get3A_7 = arith.constant 0 : index
    %get3A_8 = vector.load %arg4[%get3A_6, %get3A_7] : memref<1x128xf32, #tpu.memory_space<vmem>>, vector<1x128xf32>
    %add3A = vector.broadcast %get3A_8 : vector<1x128xf32> to vector<1000x128xf32>
    %add3A_9 = arith.addf %dot_general3A_5, %add3A : vector<1000x128xf32>
    %max3A = arith.constant 0.000000e+00 : f32
    %max3A_10 = vector.broadcast %max3A : f32 to vector<1000x128xf32>
    %max3A_11 = arith.maximumf %add3A_9, %max3A_10 : vector<1000x128xf32>
    %get3A_12 = arith.constant 0 : index
    %get3A_13 = arith.constant 0 : index
    %get3A_14 = vector.load %arg8[%get3A_12, %get3A_13] : memref<64x128xf32, #tpu.memory_space<vmem>>, vector<64x128xf32>
    %get3A_15 = arith.constant 0 : index
    %get3A_16 = arith.constant 0 : index
    %get3A_17 = vector.load %arg7[%get3A_15, %get3A_16] : memref<128x128xf32, #tpu.memory_space<vmem>>, vector<128x128xf32>
    %dot_general3A_18 = arith.constant dense<0.000000e+00> : vector<64x128xf32>
    %dot_general3A_19 = tpu.matmul %get3A_14, %get3A_17, %dot_general3A_18 {dimension_numbers = #tpu.dot_dimension_numbers<[1], [0], [0], [1], [0, 0, 1, 1], [], []>, transpose_lhs_hint = false} : vector<64x128xf32>, vector<128x128xf32>, vector<64x128xf32> -> vector<64x128xf32>
    %get3A_20 = arith.constant 0 : index
    %get3A_21 = arith.constant 0 : index
    %get3A_22 = vector.load %arg8[%get3A_20, %get3A_21] : memref<64x128xf32, #tpu.memory_space<vmem>>, vector<64x128xf32>
    %get3A_23 = arith.constant 0 : index
    %get3A_24 = arith.constant 0 : index
    %get3A_25 = vector.load %arg6[%get3A_23, %get3A_24] : memref<128x128xf32, #tpu.memory_space<vmem>>, vector<128x128xf32>
    %dot_general3A_26 = arith.constant dense<0.000000e+00> : vector<64x128xf32>
    %dot_general3A_27 = tpu.matmul %get3A_22, %get3A_25, %dot_general3A_26 {dimension_numbers = #tpu.dot_dimension_numbers<[1], [0], [0], [1], [0, 0, 1, 1], [], []>, transpose_lhs_hint = false} : vector<64x128xf32>, vector<128x128xf32>, vector<64x128xf32> -> vector<64x128xf32>
    %transpose3A_28 = tpu.transpose %dot_general3A_19, [1, 0] : vector<64x128xf32> -> vector<128x64xf32>
    %dot_general3A_29 = arith.constant dense<0.000000e+00> : vector<1000x64xf32>
    %dot_general3A_30 = tpu.matmul %max3A_11, %transpose3A_28, %dot_general3A_29 {dimension_numbers = #tpu.dot_dimension_numbers<[1], [0], [0], [1], [0, 0, 1, 1], [], []>, transpose_lhs_hint = false} : vector<1000x128xf32>, vector<128x64xf32>, vector<1000x64xf32> -> vector<1000x64xf32>
    %transpose3A_31 = tpu.transpose %dot_general3A_27, [1, 0] : vector<64x128xf32> -> vector<128x64xf32>
    %dot_general3A_32 = arith.constant dense<0.000000e+00> : vector<1000x64xf32>
    %dot_general3A_33 = tpu.matmul %max3A_11, %transpose3A_31, %dot_general3A_32 {dimension_numbers = #tpu.dot_dimension_numbers<[1], [0], [0], [1], [0, 0, 1, 1], [], []>, transpose_lhs_hint = false} : vector<1000x128xf32>, vector<128x64xf32>, vector<1000x64xf32> -> vector<1000x64xf32>
    %get3A_34 = arith.constant 0 : index
    %get3A_35 = arith.constant 0 : index
    %get3A_36 = vector.load %arg5[%get3A_34, %get3A_35] : memref<128x128xf32, #tpu.memory_space<vmem>>, vector<128x128xf32>
    %transpose3A_37 = tpu.transpose %get3A_36, [1, 0] : vector<128x128xf32> -> vector<128x128xf32>
    %dot_general3A_38 = arith.constant dense<0.000000e+00> : vector<1000x128xf32>
    %dot_general3A_39 = tpu.matmul %max3A_11, %transpose3A_37, %dot_general3A_38 {dimension_numbers = #tpu.dot_dimension_numbers<[1], [0], [0], [1], [0, 0, 1, 1], [], []>, transpose_lhs_hint = false} : vector<1000x128xf32>, vector<128x128xf32>, vector<1000x128xf32> -> vector<1000x128xf32>
    %get3A_40 = arith.constant 0 : index
    %get3A_41 = arith.constant 0 : index
    %get3A_42 = vector.load %arg2[%get3A_40, %get3A_41] : memref<1000x3xf32, #tpu.memory_space<vmem>>, vector<1000x3xf32>
    %broadcast_in_dim3A = arith.constant 0.000000e+00 : f32
    %broadcast_in_dim3A_43 = vector.broadcast %broadcast_in_dim3A : f32 to vector<1000x61xf32>
    %concatenate3A = tpu.concatenate %get3A_42, %broadcast_in_dim3A_43 in 1 : vector<1000x3xf32>, vector<1000x61xf32> -> vector<1000x64xf32>
    %concatenate3A_44 = tpu.concatenate %dot_general3A_30, %concatenate3A in 1 : vector<1000x64xf32>, vector<1000x64xf32> -> vector<1000x128xf32>
    %swap3A = arith.constant 0 : index
    %swap3A_45 = arith.constant 0 : index
    %swap3A_46 = vector.load %arg9[%swap3A, %swap3A_45] : memref<1000x128xf32, #tpu.memory_space<vmem>>, vector<1000x128xf32>
    tpu.vector_store %arg9[%swap3A, %swap3A_45], %concatenate3A_44 {strides = array<i32>} : memref<1000x128xf32, #tpu.memory_space<vmem>>, vector<1000x128xf32>,
    %neg3A = arith.constant 0.000000e+00 : f32
    %neg3A_47 = vector.broadcast %neg3A : f32 to vector<1000x64xf32>
    %neg3A_48 = arith.subf %neg3A_47, %dot_general3A_33 : vector<1000x64xf32>
    %neg3A_49 = arith.constant 0.000000e+00 : f32
    %neg3A_50 = vector.broadcast %neg3A_49 : f32 to vector<1000x64xf32>
    %neg3A_51 = arith.subf %neg3A_50, %concatenate3A : vector<1000x64xf32>
    %concatenate3A_52 = tpu.concatenate %neg3A_48, %neg3A_51, %dot_general3A_39 in 1 : vector<1000x64xf32>, vector<1000x64xf32>, vector<1000x128xf32> -> vector<1000x256xf32>
    %swap3A_53 = arith.constant 0 : index
    %swap3A_54 = arith.constant 0 : index
    %swap3A_55 = vector.load %arg10[%swap3A_53, %swap3A_54] : memref<1000x256xf32, #tpu.memory_space<vmem>>, vector<1000x256xf32>
    tpu.vector_store %arg10[%swap3A_53, %swap3A_54], %concatenate3A_52 {strides = array<i32>} : memref<1000x256xf32, #tpu.memory_space<vmem>>, vector<1000x256xf32>,
    return
  }
  func.func @transform_0(%arg0: i32) -> (i32, i32) {
    %c0_i32 = arith.constant 0 : i32
    %c0_i32_0 = arith.constant 0 : i32
    return %arg0, %c0_i32 : i32, i32
  }
  func.func @transform_1(%arg0: i32) -> (i32, i32) {
    %c0_i32 = arith.constant 0 : i32
    %c0_i32_0 = arith.constant 0 : i32
    return %arg0, %c0_i32 : i32, i32
  }
  func.func @transform_2(%arg0: i32) -> (i32, i32) {
    %c0_i32 = arith.constant 0 : i32
    %c0_i32_0 = arith.constant 0 : i32
    %c0_i32_1 = arith.constant 0 : i32
    return %c0_i32, %c0_i32_0 : i32, i32
  }
  func.func @transform_3(%arg0: i32) -> (i32, i32) {
    %c0_i32 = arith.constant 0 : i32
    %c0_i32_0 = arith.constant 0 : i32
    %c0_i32_1 = arith.constant 0 : i32
    return %c0_i32, %c0_i32_0 : i32, i32
  }
  func.func @transform_4(%arg0: i32) -> (i32, i32) {
    %c0_i32 = arith.constant 0 : i32
    %c0_i32_0 = arith.constant 0 : i32
    %c0_i32_1 = arith.constant 0 : i32
    return %c0_i32, %c0_i32_0 : i32, i32
  }
  func.func @transform_5(%arg0: i32) -> (i32, i32) {
    %c0_i32 = arith.constant 0 : i32
    %c0_i32_0 = arith.constant 0 : i32
    %c0_i32_1 = arith.constant 0 : i32
    return %c0_i32, %c0_i32_0 : i32, i32
  }
  func.func @transform_6(%arg0: i32) -> (i32, i32) {
    %c0_i32 = arith.constant 0 : i32
    %c0_i32_0 = arith.constant 0 : i32
    %c0_i32_1 = arith.constant 0 : i32
    return %c0_i32, %c0_i32_0 : i32, i32
  }
  func.func @transform_7(%arg0: i32) -> (i32, i32) {
    %c0_i32 = arith.constant 0 : i32
    %c0_i32_0 = arith.constant 0 : i32
    %c0_i32_1 = arith.constant 0 : i32
    return %c0_i32, %c0_i32_0 : i32, i32
  }
  func.func @transform_8(%arg0: i32) -> (i32, i32) {
    %c0_i32 = arith.constant 0 : i32
    %c0_i32_0 = arith.constant 0 : i32
    return %arg0, %c0_i32 : i32, i32
  }
  func.func @transform_9(%arg0: i32) -> (i32, i32) {
    %c0_i32 = arith.constant 0 : i32
    %c0_i32_0 = arith.constant 0 : i32
    return %arg0, %c0_i32 : i32, i32
  }
}

module attributes {stable_mosaic.version = 14 : i64} {
  func.func @_stage_c_body(%arg0: i32, %arg1: memref<2560x256xf32, #tpu.memory_space<vmem>>, %arg2: memref<64x64xf32, #tpu.memory_space<vmem>>, %arg3: memref<1x64xf32, #tpu.memory_space<vmem>>, %arg4: memref<128x64xf32, #tpu.memory_space<vmem>>, %arg5: memref<1x128xf32, #tpu.memory_space<vmem>>, %arg6: memref<64x128xf32, #tpu.memory_space<vmem>>, %arg7: memref<1x64xf32, #tpu.memory_space<vmem>>, %arg8: memref<128x64xf32, #tpu.memory_space<vmem>>, %arg9: memref<1x128xf32, #tpu.memory_space<vmem>>, %arg10: memref<2x2560x128xf32, #tpu.memory_space<vmem>>) attributes {dimension_semantics = [#tpu.dimension_semantics<arbitrary>], iteration_bounds = array<i64: 61>, scalar_prefetch = 0 : i64, scratch_operands = 0 : i64, tpu.core_type = #tpu.core_type<tc>, window_params = [{transform_indices = @transform_0, window_bounds = array<i64: 2560, 256>}, {pipeline_mode = #tpu.pipeline_mode<synchronous>, transform_indices = @transform_1, window_bounds = array<i64: 64, 64>}, {pipeline_mode = #tpu.pipeline_mode<synchronous>, transform_indices = @transform_2, window_bounds = array<i64: 1, 64>}, {pipeline_mode = #tpu.pipeline_mode<synchronous>, transform_indices = @transform_3, window_bounds = array<i64: 128, 64>}, {pipeline_mode = #tpu.pipeline_mode<synchronous>, transform_indices = @transform_4, window_bounds = array<i64: 1, 128>}, {pipeline_mode = #tpu.pipeline_mode<synchronous>, transform_indices = @transform_5, window_bounds = array<i64: 64, 128>}, {pipeline_mode = #tpu.pipeline_mode<synchronous>, transform_indices = @transform_6, window_bounds = array<i64: 1, 64>}, {pipeline_mode = #tpu.pipeline_mode<synchronous>, transform_indices = @transform_7, window_bounds = array<i64: 128, 64>}, {pipeline_mode = #tpu.pipeline_mode<synchronous>, transform_indices = @transform_8, window_bounds = array<i64: 1, 128>}, {transform_indices = @transform_9, window_bounds = array<i64: 2, 2560, 128>}]} {
    %get3A = arith.constant 0 : index
    %get3A_0 = arith.constant 0 : index
    %get3A_1 = vector.load %arg1[%get3A, %get3A_0] : memref<2560x256xf32, #tpu.memory_space<vmem>>, vector<2560x256xf32>
    %slice3A = vector.extract_strided_slice %get3A_1 {offsets = [0, 0], sizes = [2560, 64], strides = [1, 1]} : vector<2560x256xf32> to vector<2560x64xf32>
    %slice3A_2 = vector.extract_strided_slice %get3A_1 {offsets = [0, 64], sizes = [2560, 64], strides = [1, 1]} : vector<2560x256xf32> to vector<2560x64xf32>
    %slice3A_3 = vector.extract_strided_slice %get3A_1 {offsets = [0, 128], sizes = [2560, 128], strides = [1, 1]} : vector<2560x256xf32> to vector<2560x128xf32>
    %get3A_4 = arith.constant 0 : index
    %get3A_5 = arith.constant 0 : index
    %get3A_6 = vector.load %arg2[%get3A_4, %get3A_5] : memref<64x64xf32, #tpu.memory_space<vmem>>, vector<64x64xf32>
    %transpose3A = tpu.transpose %get3A_6, [1, 0] : vector<64x64xf32> -> vector<64x64xf32>
    %dot_general3A = arith.constant dense<0.000000e+00> : vector<2560x64xf32>
    %dot_general3A_7 = tpu.matmul %slice3A_2, %transpose3A, %dot_general3A {dimension_numbers = #tpu.dot_dimension_numbers<[1], [0], [0], [1], [0, 0, 1, 1], [], []>, transpose_lhs_hint = false} : vector<2560x64xf32>, vector<64x64xf32>, vector<2560x64xf32> -> vector<2560x64xf32>
    %get3A_8 = arith.constant 0 : index
    %get3A_9 = arith.constant 0 : index
    %get3A_10 = vector.load %arg3[%get3A_8, %get3A_9] : memref<1x64xf32, #tpu.memory_space<vmem>>, vector<1x64xf32>
    %add3A = vector.broadcast %get3A_10 : vector<1x64xf32> to vector<2560x64xf32>
    %add3A_11 = arith.addf %dot_general3A_7, %add3A : vector<2560x64xf32>
    %max3A = arith.constant 0.000000e+00 : f32
    %max3A_12 = vector.broadcast %max3A : f32 to vector<2560x64xf32>
    %max3A_13 = arith.maximumf %add3A_11, %max3A_12 : vector<2560x64xf32>
    %get3A_14 = arith.constant 0 : index
    %get3A_15 = arith.constant 0 : index
    %get3A_16 = vector.load %arg4[%get3A_14, %get3A_15] : memref<128x64xf32, #tpu.memory_space<vmem>>, vector<128x64xf32>
    %transpose3A_17 = tpu.transpose %get3A_16, [1, 0] : vector<128x64xf32> -> vector<64x128xf32>
    %dot_general3A_18 = arith.constant dense<0.000000e+00> : vector<2560x128xf32>
    %dot_general3A_19 = tpu.matmul %max3A_13, %transpose3A_17, %dot_general3A_18 {dimension_numbers = #tpu.dot_dimension_numbers<[1], [0], [0], [1], [0, 0, 1, 1], [], []>, transpose_lhs_hint = false} : vector<2560x64xf32>, vector<64x128xf32>, vector<2560x128xf32> -> vector<2560x128xf32>
    %get3A_20 = arith.constant 0 : index
    %get3A_21 = arith.constant 0 : index
    %get3A_22 = vector.load %arg5[%get3A_20, %get3A_21] : memref<1x128xf32, #tpu.memory_space<vmem>>, vector<1x128xf32>
    %add3A_23 = vector.broadcast %get3A_22 : vector<1x128xf32> to vector<2560x128xf32>
    %add3A_24 = arith.addf %dot_general3A_19, %add3A_23 : vector<2560x128xf32>
    %max3A_25 = arith.constant 0.000000e+00 : f32
    %max3A_26 = vector.broadcast %max3A_25 : f32 to vector<2560x128xf32>
    %max3A_27 = arith.maximumf %add3A_24, %max3A_26 : vector<2560x128xf32>
    %get3A_28 = arith.constant 0 : index
    %get3A_29 = arith.constant 0 : index
    %get3A_30 = vector.load %arg6[%get3A_28, %get3A_29] : memref<64x128xf32, #tpu.memory_space<vmem>>, vector<64x128xf32>
    %transpose3A_31 = tpu.transpose %get3A_30, [1, 0] : vector<64x128xf32> -> vector<128x64xf32>
    %dot_general3A_32 = arith.constant dense<0.000000e+00> : vector<2560x64xf32>
    %dot_general3A_33 = tpu.matmul %max3A_27, %transpose3A_31, %dot_general3A_32 {dimension_numbers = #tpu.dot_dimension_numbers<[1], [0], [0], [1], [0, 0, 1, 1], [], []>, transpose_lhs_hint = false} : vector<2560x128xf32>, vector<128x64xf32>, vector<2560x64xf32> -> vector<2560x64xf32>
    %add3A_34 = arith.addf %slice3A, %dot_general3A_33 : vector<2560x64xf32>
    %get3A_35 = arith.constant 0 : index
    %get3A_36 = arith.constant 0 : index
    %get3A_37 = vector.load %arg7[%get3A_35, %get3A_36] : memref<1x64xf32, #tpu.memory_space<vmem>>, vector<1x64xf32>
    %add3A_38 = vector.broadcast %get3A_37 : vector<1x64xf32> to vector<2560x64xf32>
    %add3A_39 = arith.addf %add3A_34, %add3A_38 : vector<2560x64xf32>
    %max3A_40 = arith.constant 0.000000e+00 : f32
    %max3A_41 = vector.broadcast %max3A_40 : f32 to vector<2560x64xf32>
    %max3A_42 = arith.maximumf %add3A_39, %max3A_41 : vector<2560x64xf32>
    %get3A_43 = arith.constant 0 : index
    %get3A_44 = arith.constant 0 : index
    %get3A_45 = vector.load %arg8[%get3A_43, %get3A_44] : memref<128x64xf32, #tpu.memory_space<vmem>>, vector<128x64xf32>
    %transpose3A_46 = tpu.transpose %get3A_45, [1, 0] : vector<128x64xf32> -> vector<64x128xf32>
    %dot_general3A_47 = arith.constant dense<0.000000e+00> : vector<2560x128xf32>
    %dot_general3A_48 = tpu.matmul %max3A_42, %transpose3A_46, %dot_general3A_47 {dimension_numbers = #tpu.dot_dimension_numbers<[1], [0], [0], [1], [0, 0, 1, 1], [], []>, transpose_lhs_hint = false} : vector<2560x64xf32>, vector<64x128xf32>, vector<2560x128xf32> -> vector<2560x128xf32>
    %get3A_49 = arith.constant 0 : index
    %get3A_50 = arith.constant 0 : index
    %get3A_51 = vector.load %arg9[%get3A_49, %get3A_50] : memref<1x128xf32, #tpu.memory_space<vmem>>, vector<1x128xf32>
    %add3A_52 = vector.broadcast %get3A_51 : vector<1x128xf32> to vector<2560x128xf32>
    %add3A_53 = arith.addf %dot_general3A_48, %add3A_52 : vector<2560x128xf32>
    %max3A_54 = arith.constant 0.000000e+00 : f32
    %max3A_55 = vector.broadcast %max3A_54 : f32 to vector<2560x128xf32>
    %max3A_56 = arith.maximumf %add3A_53, %max3A_55 : vector<2560x128xf32>
    %exp3A = math.exp %max3A_56 : vector<2560x128xf32>
    %add3A_57 = arith.addf %slice3A_3, %max3A_27 : vector<2560x128xf32>
    %mul3A = arith.mulf %exp3A, %add3A_57 : vector<2560x128xf32>
    %slice3A_58 = vector.extract_strided_slice %mul3A {offsets = [0, 0], sizes = [2560, 64], strides = [1, 1]} : vector<2560x128xf32> to vector<2560x64xf32>
    %slice3A_59 = vector.extract_strided_slice %exp3A {offsets = [0, 0], sizes = [2560, 64], strides = [1, 1]} : vector<2560x128xf32> to vector<2560x64xf32>
    %concatenate3A = tpu.concatenate %slice3A_58, %slice3A_59 in 1 : vector<2560x64xf32>, vector<2560x64xf32> -> vector<2560x128xf32>
    %swap3A = arith.constant 0 : index
    %swap3A_60 = arith.constant 0 : index
    %swap3A_61 = arith.constant 0 : index
    %swap3A_62 = vector.load %arg10[%swap3A, %swap3A_60, %swap3A_61] : memref<2x2560x128xf32, #tpu.memory_space<vmem>>, vector<1x2560x128xf32>
    %swap3A_63 = vector.shape_cast %swap3A_62 : vector<1x2560x128xf32> to vector<2560x128xf32>
    %swap3A_64 = vector.shape_cast %concatenate3A : vector<2560x128xf32> to vector<1x2560x128xf32>
    tpu.vector_store %arg10[%swap3A, %swap3A_60, %swap3A_61], %swap3A_64 {strides = array<i32>} : memref<2x2560x128xf32, #tpu.memory_space<vmem>>, vector<1x2560x128xf32>,
    %slice3A_65 = vector.extract_strided_slice %mul3A {offsets = [0, 64], sizes = [2560, 64], strides = [1, 1]} : vector<2560x128xf32> to vector<2560x64xf32>
    %slice3A_66 = vector.extract_strided_slice %exp3A {offsets = [0, 64], sizes = [2560, 64], strides = [1, 1]} : vector<2560x128xf32> to vector<2560x64xf32>
    %concatenate3A_67 = tpu.concatenate %slice3A_65, %slice3A_66 in 1 : vector<2560x64xf32>, vector<2560x64xf32> -> vector<2560x128xf32>
    %swap3A_68 = arith.constant 1 : index
    %swap3A_69 = arith.constant 0 : index
    %swap3A_70 = arith.constant 0 : index
    %swap3A_71 = vector.load %arg10[%swap3A_68, %swap3A_69, %swap3A_70] : memref<2x2560x128xf32, #tpu.memory_space<vmem>>, vector<1x2560x128xf32>
    %swap3A_72 = vector.shape_cast %swap3A_71 : vector<1x2560x128xf32> to vector<2560x128xf32>
    %swap3A_73 = vector.shape_cast %concatenate3A_67 : vector<2560x128xf32> to vector<1x2560x128xf32>
    tpu.vector_store %arg10[%swap3A_68, %swap3A_69, %swap3A_70], %swap3A_73 {strides = array<i32>} : memref<2x2560x128xf32, #tpu.memory_space<vmem>>, vector<1x2560x128xf32>,
    return
  }
  func.func @transform_0(%arg0: i32) -> (i32, i32) {
    %c0_i32 = arith.constant 0 : i32
    %c0_i32_0 = arith.constant 0 : i32
    return %arg0, %c0_i32 : i32, i32
  }
  func.func @transform_1(%arg0: i32) -> (i32, i32) {
    %c0_i32 = arith.constant 0 : i32
    %c0_i32_0 = arith.constant 0 : i32
    %c0_i32_1 = arith.constant 0 : i32
    return %c0_i32, %c0_i32_0 : i32, i32
  }
  func.func @transform_2(%arg0: i32) -> (i32, i32) {
    %c0_i32 = arith.constant 0 : i32
    %c0_i32_0 = arith.constant 0 : i32
    %c0_i32_1 = arith.constant 0 : i32
    return %c0_i32, %c0_i32_0 : i32, i32
  }
  func.func @transform_3(%arg0: i32) -> (i32, i32) {
    %c0_i32 = arith.constant 0 : i32
    %c0_i32_0 = arith.constant 0 : i32
    %c0_i32_1 = arith.constant 0 : i32
    return %c0_i32, %c0_i32_0 : i32, i32
  }
  func.func @transform_4(%arg0: i32) -> (i32, i32) {
    %c0_i32 = arith.constant 0 : i32
    %c0_i32_0 = arith.constant 0 : i32
    %c0_i32_1 = arith.constant 0 : i32
    return %c0_i32, %c0_i32_0 : i32, i32
  }
  func.func @transform_5(%arg0: i32) -> (i32, i32) {
    %c0_i32 = arith.constant 0 : i32
    %c0_i32_0 = arith.constant 0 : i32
    %c0_i32_1 = arith.constant 0 : i32
    return %c0_i32, %c0_i32_0 : i32, i32
  }
  func.func @transform_6(%arg0: i32) -> (i32, i32) {
    %c0_i32 = arith.constant 0 : i32
    %c0_i32_0 = arith.constant 0 : i32
    %c0_i32_1 = arith.constant 0 : i32
    return %c0_i32, %c0_i32_0 : i32, i32
  }
  func.func @transform_7(%arg0: i32) -> (i32, i32) {
    %c0_i32 = arith.constant 0 : i32
    %c0_i32_0 = arith.constant 0 : i32
    %c0_i32_1 = arith.constant 0 : i32
    return %c0_i32, %c0_i32_0 : i32, i32
  }
  func.func @transform_8(%arg0: i32) -> (i32, i32) {
    %c0_i32 = arith.constant 0 : i32
    %c0_i32_0 = arith.constant 0 : i32
    %c0_i32_1 = arith.constant 0 : i32
    return %c0_i32, %c0_i32_0 : i32, i32
  }
  func.func @transform_9(%arg0: i32) -> (i32, i32, i32) {
    %c0_i32 = arith.constant 0 : i32
    %c0_i32_0 = arith.constant 0 : i32
    %c0_i32_1 = arith.constant 0 : i32
    return %c0_i32, %arg0, %c0_i32_0 : i32, i32, i32
  }
}

module attributes {stable_mosaic.version = 14 : i64} {
  func.func @_stage_c_body(%arg0: i32, %arg1: memref<2560x256xf32, #tpu.memory_space<vmem>>, %arg2: memref<64x64xf32, #tpu.memory_space<vmem>>, %arg3: memref<1x64xf32, #tpu.memory_space<vmem>>, %arg4: memref<128x64xf32, #tpu.memory_space<vmem>>, %arg5: memref<1x128xf32, #tpu.memory_space<vmem>>, %arg6: memref<64x128xf32, #tpu.memory_space<vmem>>, %arg7: memref<1x64xf32, #tpu.memory_space<vmem>>, %arg8: memref<128x64xf32, #tpu.memory_space<vmem>>, %arg9: memref<1x128xf32, #tpu.memory_space<vmem>>, %arg10: memref<2x2560x128xf32, #tpu.memory_space<vmem>>) attributes {dimension_semantics = [#tpu.dimension_semantics<arbitrary>], iteration_bounds = array<i64: 64>, scalar_prefetch = 0 : i64, scratch_operands = 0 : i64, tpu.core_type = #tpu.core_type<tc>, window_params = [{transform_indices = @transform_0, window_bounds = array<i64: 2560, 256>}, {pipeline_mode = #tpu.pipeline_mode<synchronous>, transform_indices = @transform_1, window_bounds = array<i64: 64, 64>}, {pipeline_mode = #tpu.pipeline_mode<synchronous>, transform_indices = @transform_2, window_bounds = array<i64: 1, 64>}, {pipeline_mode = #tpu.pipeline_mode<synchronous>, transform_indices = @transform_3, window_bounds = array<i64: 128, 64>}, {pipeline_mode = #tpu.pipeline_mode<synchronous>, transform_indices = @transform_4, window_bounds = array<i64: 1, 128>}, {pipeline_mode = #tpu.pipeline_mode<synchronous>, transform_indices = @transform_5, window_bounds = array<i64: 64, 128>}, {pipeline_mode = #tpu.pipeline_mode<synchronous>, transform_indices = @transform_6, window_bounds = array<i64: 1, 64>}, {pipeline_mode = #tpu.pipeline_mode<synchronous>, transform_indices = @transform_7, window_bounds = array<i64: 128, 64>}, {pipeline_mode = #tpu.pipeline_mode<synchronous>, transform_indices = @transform_8, window_bounds = array<i64: 1, 128>}, {transform_indices = @transform_9, window_bounds = array<i64: 2, 2560, 128>}]} {
    %get3A = arith.constant 0 : index
    %get3A_0 = arith.constant 0 : index
    %get3A_1 = vector.load %arg1[%get3A, %get3A_0] : memref<2560x256xf32, #tpu.memory_space<vmem>>, vector<2560x256xf32>
    %slice3A = vector.extract_strided_slice %get3A_1 {offsets = [0, 0], sizes = [2560, 64], strides = [1, 1]} : vector<2560x256xf32> to vector<2560x64xf32>
    %slice3A_2 = vector.extract_strided_slice %get3A_1 {offsets = [0, 64], sizes = [2560, 64], strides = [1, 1]} : vector<2560x256xf32> to vector<2560x64xf32>
    %slice3A_3 = vector.extract_strided_slice %get3A_1 {offsets = [0, 128], sizes = [2560, 128], strides = [1, 1]} : vector<2560x256xf32> to vector<2560x128xf32>
    %get3A_4 = arith.constant 0 : index
    %get3A_5 = arith.constant 0 : index
    %get3A_6 = vector.load %arg2[%get3A_4, %get3A_5] : memref<64x64xf32, #tpu.memory_space<vmem>>, vector<64x64xf32>
    %transpose3A = tpu.transpose %get3A_6, [1, 0] : vector<64x64xf32> -> vector<64x64xf32>
    %dot_general3A = arith.constant dense<0.000000e+00> : vector<2560x64xf32>
    %dot_general3A_7 = tpu.matmul %slice3A_2, %transpose3A, %dot_general3A {dimension_numbers = #tpu.dot_dimension_numbers<[1], [0], [0], [1], [0, 0, 1, 1], [], []>, transpose_lhs_hint = false} : vector<2560x64xf32>, vector<64x64xf32>, vector<2560x64xf32> -> vector<2560x64xf32>
    %get3A_8 = arith.constant 0 : index
    %get3A_9 = arith.constant 0 : index
    %get3A_10 = vector.load %arg3[%get3A_8, %get3A_9] : memref<1x64xf32, #tpu.memory_space<vmem>>, vector<1x64xf32>
    %add3A = vector.broadcast %get3A_10 : vector<1x64xf32> to vector<2560x64xf32>
    %add3A_11 = arith.addf %dot_general3A_7, %add3A : vector<2560x64xf32>
    %max3A = arith.constant 0.000000e+00 : f32
    %max3A_12 = vector.broadcast %max3A : f32 to vector<2560x64xf32>
    %max3A_13 = arith.maximumf %add3A_11, %max3A_12 : vector<2560x64xf32>
    %get3A_14 = arith.constant 0 : index
    %get3A_15 = arith.constant 0 : index
    %get3A_16 = vector.load %arg4[%get3A_14, %get3A_15] : memref<128x64xf32, #tpu.memory_space<vmem>>, vector<128x64xf32>
    %transpose3A_17 = tpu.transpose %get3A_16, [1, 0] : vector<128x64xf32> -> vector<64x128xf32>
    %dot_general3A_18 = arith.constant dense<0.000000e+00> : vector<2560x128xf32>
    %dot_general3A_19 = tpu.matmul %max3A_13, %transpose3A_17, %dot_general3A_18 {dimension_numbers = #tpu.dot_dimension_numbers<[1], [0], [0], [1], [0, 0, 1, 1], [], []>, transpose_lhs_hint = false} : vector<2560x64xf32>, vector<64x128xf32>, vector<2560x128xf32> -> vector<2560x128xf32>
    %get3A_20 = arith.constant 0 : index
    %get3A_21 = arith.constant 0 : index
    %get3A_22 = vector.load %arg5[%get3A_20, %get3A_21] : memref<1x128xf32, #tpu.memory_space<vmem>>, vector<1x128xf32>
    %add3A_23 = vector.broadcast %get3A_22 : vector<1x128xf32> to vector<2560x128xf32>
    %add3A_24 = arith.addf %dot_general3A_19, %add3A_23 : vector<2560x128xf32>
    %max3A_25 = arith.constant 0.000000e+00 : f32
    %max3A_26 = vector.broadcast %max3A_25 : f32 to vector<2560x128xf32>
    %max3A_27 = arith.maximumf %add3A_24, %max3A_26 : vector<2560x128xf32>
    %get3A_28 = arith.constant 0 : index
    %get3A_29 = arith.constant 0 : index
    %get3A_30 = vector.load %arg6[%get3A_28, %get3A_29] : memref<64x128xf32, #tpu.memory_space<vmem>>, vector<64x128xf32>
    %transpose3A_31 = tpu.transpose %get3A_30, [1, 0] : vector<64x128xf32> -> vector<128x64xf32>
    %dot_general3A_32 = arith.constant dense<0.000000e+00> : vector<2560x64xf32>
    %dot_general3A_33 = tpu.matmul %max3A_27, %transpose3A_31, %dot_general3A_32 {dimension_numbers = #tpu.dot_dimension_numbers<[1], [0], [0], [1], [0, 0, 1, 1], [], []>, transpose_lhs_hint = false} : vector<2560x128xf32>, vector<128x64xf32>, vector<2560x64xf32> -> vector<2560x64xf32>
    %add3A_34 = arith.addf %slice3A, %dot_general3A_33 : vector<2560x64xf32>
    %get3A_35 = arith.constant 0 : index
    %get3A_36 = arith.constant 0 : index
    %get3A_37 = vector.load %arg7[%get3A_35, %get3A_36] : memref<1x64xf32, #tpu.memory_space<vmem>>, vector<1x64xf32>
    %add3A_38 = vector.broadcast %get3A_37 : vector<1x64xf32> to vector<2560x64xf32>
    %add3A_39 = arith.addf %add3A_34, %add3A_38 : vector<2560x64xf32>
    %max3A_40 = arith.constant 0.000000e+00 : f32
    %max3A_41 = vector.broadcast %max3A_40 : f32 to vector<2560x64xf32>
    %max3A_42 = arith.maximumf %add3A_39, %max3A_41 : vector<2560x64xf32>
    %get3A_43 = arith.constant 0 : index
    %get3A_44 = arith.constant 0 : index
    %get3A_45 = vector.load %arg8[%get3A_43, %get3A_44] : memref<128x64xf32, #tpu.memory_space<vmem>>, vector<128x64xf32>
    %transpose3A_46 = tpu.transpose %get3A_45, [1, 0] : vector<128x64xf32> -> vector<64x128xf32>
    %dot_general3A_47 = arith.constant dense<0.000000e+00> : vector<2560x128xf32>
    %dot_general3A_48 = tpu.matmul %max3A_42, %transpose3A_46, %dot_general3A_47 {dimension_numbers = #tpu.dot_dimension_numbers<[1], [0], [0], [1], [0, 0, 1, 1], [], []>, transpose_lhs_hint = false} : vector<2560x64xf32>, vector<64x128xf32>, vector<2560x128xf32> -> vector<2560x128xf32>
    %get3A_49 = arith.constant 0 : index
    %get3A_50 = arith.constant 0 : index
    %get3A_51 = vector.load %arg9[%get3A_49, %get3A_50] : memref<1x128xf32, #tpu.memory_space<vmem>>, vector<1x128xf32>
    %add3A_52 = vector.broadcast %get3A_51 : vector<1x128xf32> to vector<2560x128xf32>
    %add3A_53 = arith.addf %dot_general3A_48, %add3A_52 : vector<2560x128xf32>
    %max3A_54 = arith.constant 0.000000e+00 : f32
    %max3A_55 = vector.broadcast %max3A_54 : f32 to vector<2560x128xf32>
    %max3A_56 = arith.maximumf %add3A_53, %max3A_55 : vector<2560x128xf32>
    %exp3A = math.exp %max3A_56 : vector<2560x128xf32>
    %add3A_57 = arith.addf %slice3A_3, %max3A_27 : vector<2560x128xf32>
    %mul3A = arith.mulf %exp3A, %add3A_57 : vector<2560x128xf32>
    %slice3A_58 = vector.extract_strided_slice %mul3A {offsets = [0, 0], sizes = [2560, 64], strides = [1, 1]} : vector<2560x128xf32> to vector<2560x64xf32>
    %slice3A_59 = vector.extract_strided_slice %exp3A {offsets = [0, 0], sizes = [2560, 64], strides = [1, 1]} : vector<2560x128xf32> to vector<2560x64xf32>
    %concatenate3A = tpu.concatenate %slice3A_58, %slice3A_59 in 1 : vector<2560x64xf32>, vector<2560x64xf32> -> vector<2560x128xf32>
    %swap3A = arith.constant 0 : index
    %swap3A_60 = arith.constant 0 : index
    %swap3A_61 = arith.constant 0 : index
    %swap3A_62 = vector.load %arg10[%swap3A, %swap3A_60, %swap3A_61] : memref<2x2560x128xf32, #tpu.memory_space<vmem>>, vector<1x2560x128xf32>
    %swap3A_63 = vector.shape_cast %swap3A_62 : vector<1x2560x128xf32> to vector<2560x128xf32>
    %swap3A_64 = vector.shape_cast %concatenate3A : vector<2560x128xf32> to vector<1x2560x128xf32>
    tpu.vector_store %arg10[%swap3A, %swap3A_60, %swap3A_61], %swap3A_64 {strides = array<i32>} : memref<2x2560x128xf32, #tpu.memory_space<vmem>>, vector<1x2560x128xf32>,
    %slice3A_65 = vector.extract_strided_slice %mul3A {offsets = [0, 64], sizes = [2560, 64], strides = [1, 1]} : vector<2560x128xf32> to vector<2560x64xf32>
    %slice3A_66 = vector.extract_strided_slice %exp3A {offsets = [0, 64], sizes = [2560, 64], strides = [1, 1]} : vector<2560x128xf32> to vector<2560x64xf32>
    %concatenate3A_67 = tpu.concatenate %slice3A_65, %slice3A_66 in 1 : vector<2560x64xf32>, vector<2560x64xf32> -> vector<2560x128xf32>
    %swap3A_68 = arith.constant 1 : index
    %swap3A_69 = arith.constant 0 : index
    %swap3A_70 = arith.constant 0 : index
    %swap3A_71 = vector.load %arg10[%swap3A_68, %swap3A_69, %swap3A_70] : memref<2x2560x128xf32, #tpu.memory_space<vmem>>, vector<1x2560x128xf32>
    %swap3A_72 = vector.shape_cast %swap3A_71 : vector<1x2560x128xf32> to vector<2560x128xf32>
    %swap3A_73 = vector.shape_cast %concatenate3A_67 : vector<2560x128xf32> to vector<1x2560x128xf32>
    tpu.vector_store %arg10[%swap3A_68, %swap3A_69, %swap3A_70], %swap3A_73 {strides = array<i32>} : memref<2x2560x128xf32, #tpu.memory_space<vmem>>, vector<1x2560x128xf32>,
    return
  }
  func.func @transform_0(%arg0: i32) -> (i32, i32) {
    %c0_i32 = arith.constant 0 : i32
    %c0_i32_0 = arith.constant 0 : i32
    return %arg0, %c0_i32 : i32, i32
  }
  func.func @transform_1(%arg0: i32) -> (i32, i32) {
    %c0_i32 = arith.constant 0 : i32
    %c0_i32_0 = arith.constant 0 : i32
    %c0_i32_1 = arith.constant 0 : i32
    return %c0_i32, %c0_i32_0 : i32, i32
  }
  func.func @transform_2(%arg0: i32) -> (i32, i32) {
    %c0_i32 = arith.constant 0 : i32
    %c0_i32_0 = arith.constant 0 : i32
    %c0_i32_1 = arith.constant 0 : i32
    return %c0_i32, %c0_i32_0 : i32, i32
  }
  func.func @transform_3(%arg0: i32) -> (i32, i32) {
    %c0_i32 = arith.constant 0 : i32
    %c0_i32_0 = arith.constant 0 : i32
    %c0_i32_1 = arith.constant 0 : i32
    return %c0_i32, %c0_i32_0 : i32, i32
  }
  func.func @transform_4(%arg0: i32) -> (i32, i32) {
    %c0_i32 = arith.constant 0 : i32
    %c0_i32_0 = arith.constant 0 : i32
    %c0_i32_1 = arith.constant 0 : i32
    return %c0_i32, %c0_i32_0 : i32, i32
  }
  func.func @transform_5(%arg0: i32) -> (i32, i32) {
    %c0_i32 = arith.constant 0 : i32
    %c0_i32_0 = arith.constant 0 : i32
    %c0_i32_1 = arith.constant 0 : i32
    return %c0_i32, %c0_i32_0 : i32, i32
  }
  func.func @transform_6(%arg0: i32) -> (i32, i32) {
    %c0_i32 = arith.constant 0 : i32
    %c0_i32_0 = arith.constant 0 : i32
    %c0_i32_1 = arith.constant 0 : i32
    return %c0_i32, %c0_i32_0 : i32, i32
  }
  func.func @transform_7(%arg0: i32) -> (i32, i32) {
    %c0_i32 = arith.constant 0 : i32
    %c0_i32_0 = arith.constant 0 : i32
    %c0_i32_1 = arith.constant 0 : i32
    return %c0_i32, %c0_i32_0 : i32, i32
  }
  func.func @transform_8(%arg0: i32) -> (i32, i32) {
    %c0_i32 = arith.constant 0 : i32
    %c0_i32_0 = arith.constant 0 : i32
    %c0_i32_1 = arith.constant 0 : i32
    return %c0_i32, %c0_i32_0 : i32, i32
  }
  func.func @transform_9(%arg0: i32) -> (i32, i32, i32) {
    %c0_i32 = arith.constant 0 : i32
    %c0_i32_0 = arith.constant 0 : i32
    %c0_i32_1 = arith.constant 0 : i32
    return %c0_i32, %arg0, %c0_i32_0 : i32, i32, i32
  }
}

module attributes {stable_mosaic.version = 14 : i64} {
  func.func @_stage_e_body(%arg0: i32, %arg1: memref<1x1000x128xf32, #tpu.memory_space<vmem>>, %arg2: memref<1x1000x128xf32, #tpu.memory_space<vmem>>, %arg3: memref<1x1000x128xf32, #tpu.memory_space<vmem>>, %arg4: memref<1x1000x128xf32, #tpu.memory_space<vmem>>, %arg5: memref<128x128xf32, #tpu.memory_space<vmem>>, %arg6: memref<1x128xf32, #tpu.memory_space<vmem>>, %arg7: memref<1000x128xf32, #tpu.memory_space<vmem>>) attributes {dimension_semantics = [#tpu.dimension_semantics<arbitrary>], iteration_bounds = array<i64: 10>, scalar_prefetch = 0 : i64, scratch_operands = 0 : i64, tpu.core_type = #tpu.core_type<tc>, window_params = [{transform_indices = @transform_0, window_bounds = array<i64: 1, 1000, 128>}, {transform_indices = @transform_1, window_bounds = array<i64: 1, 1000, 128>}, {transform_indices = @transform_2, window_bounds = array<i64: 1, 1000, 128>}, {transform_indices = @transform_3, window_bounds = array<i64: 1, 1000, 128>}, {pipeline_mode = #tpu.pipeline_mode<synchronous>, transform_indices = @transform_4, window_bounds = array<i64: 128, 128>}, {pipeline_mode = #tpu.pipeline_mode<synchronous>, transform_indices = @transform_5, window_bounds = array<i64: 1, 128>}, {transform_indices = @transform_6, window_bounds = array<i64: 1000, 128>}]} {
    %get3A = arith.constant 0 : index
    %get3A_0 = arith.constant 0 : index
    %get3A_1 = arith.constant 0 : index
    %get3A_2 = vector.load %arg1[%get3A, %get3A_0, %get3A_1] : memref<1x1000x128xf32, #tpu.memory_space<vmem>>, vector<1x1000x128xf32>
    %get3A_3 = vector.shape_cast %get3A_2 : vector<1x1000x128xf32> to vector<1000x128xf32>
    %get3A_4 = arith.constant 0 : index
    %get3A_5 = arith.constant 0 : index
    %get3A_6 = arith.constant 0 : index
    %get3A_7 = vector.load %arg3[%get3A_4, %get3A_5, %get3A_6] : memref<1x1000x128xf32, #tpu.memory_space<vmem>>, vector<1x1000x128xf32>
    %get3A_8 = vector.shape_cast %get3A_7 : vector<1x1000x128xf32> to vector<1000x128xf32>
    %add3A = arith.addf %get3A_3, %get3A_8 : vector<1000x128xf32>
    %get3A_9 = arith.constant 0 : index
    %get3A_10 = arith.constant 0 : index
    %get3A_11 = arith.constant 0 : index
    %get3A_12 = vector.load %arg2[%get3A_9, %get3A_10, %get3A_11] : memref<1x1000x128xf32, #tpu.memory_space<vmem>>, vector<1x1000x128xf32>
    %get3A_13 = vector.shape_cast %get3A_12 : vector<1x1000x128xf32> to vector<1000x128xf32>
    %get3A_14 = arith.constant 0 : index
    %get3A_15 = arith.constant 0 : index
    %get3A_16 = arith.constant 0 : index
    %get3A_17 = vector.load %arg4[%get3A_14, %get3A_15, %get3A_16] : memref<1x1000x128xf32, #tpu.memory_space<vmem>>, vector<1x1000x128xf32>
    %get3A_18 = vector.shape_cast %get3A_17 : vector<1x1000x128xf32> to vector<1000x128xf32>
    %add3A_19 = arith.addf %get3A_13, %get3A_18 : vector<1000x128xf32>
    %slice3A = vector.extract_strided_slice %add3A {offsets = [0, 0], sizes = [1000, 64], strides = [1, 1]} : vector<1000x128xf32> to vector<1000x64xf32>
    %slice3A_20 = vector.extract_strided_slice %add3A {offsets = [0, 64], sizes = [1000, 64], strides = [1, 1]} : vector<1000x128xf32> to vector<1000x64xf32>
    %add3A_21 = arith.constant 1.000000e-16 : f32
    %add3A_22 = vector.broadcast %add3A_21 : f32 to vector<1000x64xf32>
    %add3A_23 = arith.addf %slice3A_20, %add3A_22 : vector<1000x64xf32>
    %div3A = arith.divf %slice3A, %add3A_23 : vector<1000x64xf32>
    %slice3A_24 = vector.extract_strided_slice %add3A_19 {offsets = [0, 0], sizes = [1000, 64], strides = [1, 1]} : vector<1000x128xf32> to vector<1000x64xf32>
    %slice3A_25 = vector.extract_strided_slice %add3A_19 {offsets = [0, 64], sizes = [1000, 64], strides = [1, 1]} : vector<1000x128xf32> to vector<1000x64xf32>
    %add3A_26 = arith.constant 1.000000e-16 : f32
    %add3A_27 = vector.broadcast %add3A_26 : f32 to vector<1000x64xf32>
    %add3A_28 = arith.addf %slice3A_25, %add3A_27 : vector<1000x64xf32>
    %div3A_29 = arith.divf %slice3A_24, %add3A_28 : vector<1000x64xf32>
    %get3A_30 = arith.constant 0 : index
    %get3A_31 = arith.constant 0 : index
    %get3A_32 = vector.load %arg5[%get3A_30, %get3A_31] : memref<128x128xf32, #tpu.memory_space<vmem>>, vector<128x128xf32>
    %slice3A_33 = vector.extract_strided_slice %get3A_32 {offsets = [0, 0], sizes = [128, 64], strides = [1, 1]} : vector<128x128xf32> to vector<128x64xf32>
    %transpose3A = tpu.transpose %slice3A_33, [1, 0] : vector<128x64xf32> -> vector<64x128xf32>
    %dot_general3A = arith.constant dense<0.000000e+00> : vector<1000x128xf32>
    %dot_general3A_34 = tpu.matmul %div3A, %transpose3A, %dot_general3A {dimension_numbers = #tpu.dot_dimension_numbers<[1], [0], [0], [1], [0, 0, 1, 1], [], []>, transpose_lhs_hint = false} : vector<1000x64xf32>, vector<64x128xf32>, vector<1000x128xf32> -> vector<1000x128xf32>
    %slice3A_35 = vector.extract_strided_slice %get3A_32 {offsets = [0, 64], sizes = [128, 64], strides = [1, 1]} : vector<128x128xf32> to vector<128x64xf32>
    %transpose3A_36 = tpu.transpose %slice3A_35, [1, 0] : vector<128x64xf32> -> vector<64x128xf32>
    %dot_general3A_37 = arith.constant dense<0.000000e+00> : vector<1000x128xf32>
    %dot_general3A_38 = tpu.matmul %div3A_29, %transpose3A_36, %dot_general3A_37 {dimension_numbers = #tpu.dot_dimension_numbers<[1], [0], [0], [1], [0, 0, 1, 1], [], []>, transpose_lhs_hint = false} : vector<1000x64xf32>, vector<64x128xf32>, vector<1000x128xf32> -> vector<1000x128xf32>
    %add3A_39 = arith.addf %dot_general3A_34, %dot_general3A_38 : vector<1000x128xf32>
    %get3A_40 = arith.constant 0 : index
    %get3A_41 = arith.constant 0 : index
    %get3A_42 = vector.load %arg6[%get3A_40, %get3A_41] : memref<1x128xf32, #tpu.memory_space<vmem>>, vector<1x128xf32>
    %add3A_43 = vector.broadcast %get3A_42 : vector<1x128xf32> to vector<1000x128xf32>
    %add3A_44 = arith.addf %add3A_39, %add3A_43 : vector<1000x128xf32>
    %max3A = arith.constant 0.000000e+00 : f32
    %max3A_45 = vector.broadcast %max3A : f32 to vector<1000x128xf32>
    %max3A_46 = arith.maximumf %add3A_44, %max3A_45 : vector<1000x128xf32>
    %swap3A = arith.constant 0 : index
    %swap3A_47 = arith.constant 0 : index
    %swap3A_48 = vector.load %arg7[%swap3A, %swap3A_47] : memref<1000x128xf32, #tpu.memory_space<vmem>>, vector<1000x128xf32>
    tpu.vector_store %arg7[%swap3A, %swap3A_47], %max3A_46 {strides = array<i32>} : memref<1000x128xf32, #tpu.memory_space<vmem>>, vector<1000x128xf32>,
    return
  }
  func.func @transform_0(%arg0: i32) -> (i32, i32, i32) {
    %c0_i32 = arith.constant 0 : i32
    %c0_i32_0 = arith.constant 0 : i32
    %c0_i32_1 = arith.constant 0 : i32
    return %c0_i32, %arg0, %c0_i32_0 : i32, i32, i32
  }
  func.func @transform_1(%arg0: i32) -> (i32, i32, i32) {
    %c1_i32 = arith.constant 1 : i32
    %c0_i32 = arith.constant 0 : i32
    %c0_i32_0 = arith.constant 0 : i32
    return %c1_i32, %arg0, %c0_i32 : i32, i32, i32
  }
  func.func @transform_2(%arg0: i32) -> (i32, i32, i32) {
    %c0_i32 = arith.constant 0 : i32
    %c0_i32_0 = arith.constant 0 : i32
    %c0_i32_1 = arith.constant 0 : i32
    return %c0_i32, %arg0, %c0_i32_0 : i32, i32, i32
  }
  func.func @transform_3(%arg0: i32) -> (i32, i32, i32) {
    %c1_i32 = arith.constant 1 : i32
    %c0_i32 = arith.constant 0 : i32
    %c0_i32_0 = arith.constant 0 : i32
    return %c1_i32, %arg0, %c0_i32 : i32, i32, i32
  }
  func.func @transform_4(%arg0: i32) -> (i32, i32) {
    %c0_i32 = arith.constant 0 : i32
    %c0_i32_0 = arith.constant 0 : i32
    %c0_i32_1 = arith.constant 0 : i32
    return %c0_i32, %c0_i32_0 : i32, i32
  }
  func.func @transform_5(%arg0: i32) -> (i32, i32) {
    %c0_i32 = arith.constant 0 : i32
    %c0_i32_0 = arith.constant 0 : i32
    %c0_i32_1 = arith.constant 0 : i32
    return %c0_i32, %c0_i32_0 : i32, i32
  }
  func.func @transform_6(%arg0: i32) -> (i32, i32) {
    %c0_i32 = arith.constant 0 : i32
    %c0_i32_0 = arith.constant 0 : i32
    return %arg0, %c0_i32 : i32, i32
  }
}

</mosaic_0001>

<sc_bundles>
// kernel: kernel.10.cloned.1.call-start
scs
__scs_entry_jumppad:
0x0: {  	(pc) =	sbr.rel $0x88, $3  }
0x1: {  	(tag) =	ssettag $0x0;
	lr =	simm.s32 $0x1  }
0x2: {  	[smem:$0x3F8F] =	sst lr;
	_ =	strace $0xD0000000  }
0x3: {  	_ = 	snop  }
0x4: {  	_ = 	snop  }
0x5: {  	_ = 	snop  }
0x6: {  	_ = 	snop  }
0x7: {  	_ = 	snop  }
__scs_overlays_trampoline_lowered:
0x8: {  	[smem:$0x3F9E] =	sst s0  }
0x9: {  	[smem:$0x3F9F] =	sst s1  }
0xa: {  	[smem:$0x3FA0] =	sst s2  }
0xb: {  	[smem:$0x3FA1] =	sst s3  }
0xc: {  	[smem:$0x3FA2] =	sst s4  }
0xd: {  	[smem:$0x3FA3] =	sst s5  }
0xe: {  	[smem:$0x3FA4] =	sst s6  }
0xf: {  	[smem:$0x3FA5] =	sst s7  }
0x10: {  	[smem:$0x3FA6] =	sst s8  }
0x11: {  	[smem:$0x3FA7] =	sst s9;
	s0 =	simm.s32 @!p0 $0x0  }
0x12: {  	s1 =	sld [smem:$0x3F8D];
	s0 =	simm.s32 @p0 $0x1  }
0x13: {  	[smem:$0x3FA8] =	sst s0;
	s0 =	simm.s32 @!p1 $0x0  }
0x14: {  	s2 =	sld [smem:$0x3F8C];
	s0 =	simm.s32 @p1 $0x1  }
0x15: {  	[smem:$0x3FA9] =	sst s0;
	s0 =	simm.s32 @!p2 $0x0  }
0x16: {  	s3 =	sld [smem:$0x3FDB];
	s0 =	simm.s32 @p2 $0x1  }
0x17: {  	s4 =	simm.s32 $0x1BF5;
	[smem:$0x3FAB] =	sst s0  }
0x18: {  	s0 =	sld [smem:$0x3F8E];
	_ =	swait.ge [sflag:s4], $0x0  }
0x19: {  	s7 =	sld [smem:$0x3F8F]  }
0x1a: {  	s8 =	sadd.s32 $0xFFFFE003, lr  }
0x1b: {  	s9 =	sadd.s32 $0xFFFFFEF7, lr;
	s5 =	simm.s32 $0xFFFFFFFF;
	p2 =	slt.u32 s8, $0xFFFFF086  }
0x1c: {  	p1 =	slt.u32 s9, $0xF7A;
	s5 =	simm.s32 @!p2 $0x0  }
0x1d: {  	s5 =	simm.s32 @p1 $0x1;
	p0 =	seq.s32 s7, s2  }
0x1e: {  	s7 =	smul.u32 @!p0 $0xF7A, s2;
	p2 =	seq.s32 @!p0 s5, $0x0  }
0x1f: {  	s9 =	smul.u32 $0xF7A, s1;
	s8 =	simm.s32 @!p0 $0x1BF5;
	p2 =	por !p2, p0  }
0x20: {  	[sflag:s8] =	ssyncset.s32 @!p0 $0xFFFFF086;
	s6 =	sadd.s32 @!p0 s3, s7;
	s7 =	simm.s32 @!p0 $0x108  }
0x21: {  	s3 =	sadd.s32 s3, s9;
	s6 =	sadd.s32 @!p0 $0x88, s6;
	s7 =	simm.s32 @p2 $0x1082  }
0x22: {  	[simem:s7], [sflag:s8] =	dma.local @!p0 [hbm:s6], $0xF7A  }
0x23: {  	s9 =	sor.u32 $0xD0000000, s2;
	s6 =	simm.s32 $0x108;
	_ =	swait.ge @!p0 [sflag:s8], $0x0  }
0x24: {  	s3 =	sadd.s32 $0x88, s3;
	s6 =	simm.s32 @!p1 $0x1082;
	[sflag:s4] =	ssyncset.s32 $0xFFFFF086  }
0x25: {  	[simem:s6], [sflag:s4] =	dma.local [hbm:s3], $0xF7A  }
0x26: {  	[smem:$0x3F8F] =	sst s1;
	(tag) =	ssettag s2;
	_ =	strace s9  }
0x27: {  	s1 =	sld [smem:$0x3F9F]  }
0x28: {  	s2 =	sld [smem:$0x3FA0]  }
0x29: {  	s4 =	sld [smem:$0x3FA2]  }
0x2a: {  	p0 =	seq.s32 s5, $0x0;
	s5 =	sld [smem:$0x3FA3]  }
0x2b: {  	s6 =	sld [smem:$0x3FA4]  }
0x2c: {  	s7 =	sld [smem:$0x3FA5]  }
0x2d: {  	s3 =	simm.s32 $0x108;
	s8 =	sld [smem:$0x3FA6]  }
0x2e: {  	s3 =	simm.s32 @!p0 $0x1082;
	s9 =	sld [smem:$0x3FA7]  }
0x2f: {  	lr =	sadd.s32 s0, s3;
	s0 =	sld [smem:$0x3F9E]  }
0x30: {  	s3 =	sld [smem:$0x3FA1]  }
0x31: {  	[smem:$0x3FAA] =	sst s10  }
0x32: {  	s10 =	sld [smem:$0x3FA8];
	_ =	sdelay $0x3  }
0x33: {  	p0 =	seq.s32 s10, $0x1;
	s10 =	sld [smem:$0x3FAA];
	_ =	sdelay $0x3  }
0x34: {  	[smem:$0x3FAA] =	sst s10  }
0x35: {  	s10 =	sld [smem:$0x3FA9];
	_ =	sdelay $0x3  }
0x36: {  	p1 =	seq.s32 s10, $0x1;
	s10 =	sld [smem:$0x3FAA];
	_ =	sdelay $0x3  }
0x37: {  	[smem:$0x3FAA] =	sst s10  }
0x38: {  	s10 =	sld [smem:$0x3FAB]  }
0x39: {  	_ = 	snop;
	(pc) =	sbr.ind lr, $3  }
0x3a: {  	_ = 	snop  }
0x3b: {  	_ = 	snop  }
0x3c: {  	p2 =	seq.s32 s10, $0x1;
	s10 =	sld [smem:$0x3FAA]  }
0x3d: {  	_ =	shalt  }
0x3e: {  	_ =	shalt  }
0x3f: {  	_ =	shalt  }
0x40: {  	_ =	shalt  }
0x41: {  	_ =	shalt  }
0x42: {  	_ =	shalt  }
0x43: {  	_ =	shalt  }
0x44: {  	_ =	shalt  }
0x45: {  	_ =	shalt  }
0x46: {  	_ =	shalt  }
0x47: {  	_ =	shalt  }
0x48: {  	_ =	shalt  }
0x49: {  	_ =	shalt  }
0x4a: {  	_ =	shalt  }
0x4b: {  	_ =	shalt  }
0x4c: {  	_ =	shalt  }
0x4d: {  	_ =	shalt  }
0x4e: {  	_ =	shalt  }
0x4f: {  	_ =	shalt  }
0x50: {  	_ =	shalt  }
0x51: {  	_ =	shalt  }
0x52: {  	_ =	shalt  }
0x53: {  	_ =	shalt  }
0x54: {  	_ =	shalt  }
0x55: {  	_ =	shalt  }
0x56: {  	_ =	shalt  }
0x57: {  	_ =	shalt  }
0x58: {  	_ =	shalt  }
0x59: {  	_ =	shalt  }
0x5a: {  	_ =	shalt  }
0x5b: {  	_ =	shalt  }
0x5c: {  	_ =	shalt  }
0x5d: {  	_ =	shalt  }
0x5e: {  	_ =	shalt  }
0x5f: {  	_ =	shalt  }
0x60: {  	_ =	shalt  }
0x61: {  	_ =	shalt  }
0x62: {  	_ =	shalt  }
0x63: {  	_ =	shalt  }
0x64: {  	_ =	shalt  }
0x65: {  	_ =	shalt  }
0x66: {  	_ =	shalt  }
0x67: {  	_ =	shalt  }
0x68: {  	_ =	shalt  }
0x69: {  	_ =	shalt  }
0x6a: {  	_ =	shalt  }
0x6b: {  	_ =	shalt  }
0x6c: {  	_ =	shalt  }
0x6d: {  	_ =	shalt  }
0x6e: {  	_ =	shalt  }
0x6f: {  	_ =	shalt  }
0x70: {  	_ =	shalt  }
0x71: {  	_ =	shalt  }
0x72: {  	_ =	shalt  }
0x73: {  	_ =	shalt  }
0x74: {  	_ =	shalt  }
0x75: {  	_ =	shalt  }
0x76: {  	_ =	shalt  }
0x77: {  	_ =	shalt  }
0x78: {  	_ =	shalt  }
0x79: {  	_ =	shalt  }
0x7a: {  	_ =	shalt  }
0x7b: {  	_ =	shalt  }
0x7c: {  	_ =	shalt  }
0x7d: {  	_ =	shalt  }
0x7e: {  	_ =	shalt  }
0x7f: {  	_ =	shalt  }
0x80: {  	_ =	shalt  }
0x81: {  	_ =	shalt  }
0x82: {  	_ =	shalt  }
0x83: {  	_ =	shalt  }
0x84: {  	_ =	shalt  }
0x85: {  	_ =	shalt  }
0x86: {  	_ =	shalt  }
0x87: {  	_ =	shalt  }
.Lfunc_end0:
.L_simem_size_0:
called_computation_lowered:
.L_overlay_start_0:
0x88: {  	s2 =	sld [smem:$0x3FD9]  }
0x89: {  	s3 =	sld [smem:$0x3FFE];
	_ =	sdelay $0x1  }
0x8a: {  	s1 =	srdreg.scid  }
0x8b: {  	s0 =	sand.u32 $0x1, s1  }
0x8c: {  	s17 =	sshll.u32 s0, $0xA;
	s2 =	sadd.s32 s3, s2  }
0x8d: {  	s2 =	sadd.s32 s2, s17  }
0x8e: {  	[smem:$0x3FB6] =	sst s2  }
0x8f: {  	_ = 	snop  }
0x90: {  	s18 =	sld [smem:$0x3FD0];
	(tm) =	ssettm $0x1  }
0x91: {  	s19 =	sld [smem:$0x3FFB];
	_ =	sdelay $0x3  }
0x92: {  	_ =	strace s19  }
0x93: {  	s2 =	sld [smem:$0x3FFC];
	_ =	sdelay $0x3  }
0x94: {  	_ =	strace s2  }
0x95: {  	s2 =	sld [smem:$0x3FFD];
	_ =	sdelay $0x3  }
0x96: {  	_ =	strace s2  }
0x97: {  	_ =	strace $0x8FFFFFFF  }
0x98: {  	s20 =	sld [smem:$0x3FDB];
	_ =	sdelay $0x1  }
0x99: {  	s4 =	simm.s32 $_scs_section_size  }
0x9a: {  	s5 =	simm.s32 $_size__tile_overlayer_lowered;
	s6 =	simm.s32 $_tile_overlayer_lowered  }
0x9b: {  	s7 =	simm.s32 $0x1BFF;
	s21 =	sshll.u32 s6, $0x1;
	s4 =	sadd.s32 s4, s20  }
0x9c: {  	s22 =	simm.s32 $0x0;
	s5 =	sshll.u32 s5, $0x1;
	s6 =	sadd.s32 s21, s4  }
0x9d: {  	[timem:s22], [sflag:s7] =	dma.local [hbm:s6], s5  }
0x9e: {  	_ =	swait.ge [sflag:s7], s5  }
0x9f: {  	s5 =	ssub.s32 $0x0, s5;
	[sflag:s7] =	ssyncset.done $0x0  }
0xa0: {  	[sflag:s7] =	ssyncadd.s32 s5;
	_ =	sdelay $0x1  }
0xa1: {  	s23 =	simm.s32 $0x1B8B  }
0xa2: {  	_ =	swait.ge [sflag:s23], $0x1  }
0xa3: {  	[sflag:s23] =	ssyncset.done $0x0  }
0xa4: {  	[sflag:s23] =	ssyncadd.s32 $0xFFFFFFFF  }
0xa5: {  	s5 =	sld [smem:$0x0]  }
0xa6: {  	s6 =	sand.u32 $0xFFFFFFFE, s1  }
0xa7: {  	p0 =	sne.s32 s1, s6  }
0xa8: {  	s6 =	sshll.u32 @p0 s6, $0xE  }
0xa9: {  	s6 =	sadd.s32 @p0 $0x11B8D, s6;
	s7 =	sshll.u32 @p0 s5, $0x11  }
0xaa: {  	s6 =	sor.u32 @p0 s7, s6  }
0xab: {  	[sflag:s6] =	ssyncadd.remote.s32 @p0 $0x1;
	_ =	sdelay $0x1  }
0xac: {  	s6 =	simm.s32 @p0 $0x1B8D  }
0xad: {  	_ =	swait.eq @p0 [sflag:s6], $0x1  }
0xae: {  	[sflag:s6] =	ssyncadd.s32 @p0 $0xFFFFFFFF  }
0xaf: {  	s7 =	sshll.u32 @!p0 s1, $0xE  }
0xb0: {  	s7 =	sor.u32 @!p0 $0x4000, s7;
	s6 =	simm.s32 @!p0 $0x1B8D  }
0xb1: {  	s5 =	sshll.u32 @!p0 s5, $0x11;
	s7 =	sadd.s32 @!p0 $0x11B8D, s7;
	_ =	swait.eq @!p0 [sflag:s6], $0x1  }
0xb2: {  	s5 =	sor.u32 @!p0 s5, s7;
	[sflag:s6] =	ssyncadd.s32 @!p0 $0xFFFFFFFF  }
0xb3: {  	s25 =	simm.s32 $0x1B8E;
	s24 =	sld [smem:$0x3FFE];
	[sflag:s5] =	ssyncadd.remote.s32 @!p0 $0x1  }
0xb4: {  	s26 =	simm.s32 $execute0_lowered;
	[smem:$0x3FD2] =	sst s25  }
0xb5: {  	s6 =	sshll.u32 s26, $0x1;
	_ =	strace $0x80000049;
	[dreg:$0x1] =	wrdreg $0xFFFFFFFF  }
0xb6: {  	s28 =	simm.s32 $_size_execute0_lowered;
	s4 =	sadd.s32 s4, s6;
	[dreg:$0x0] =	wrdreg $0x0  }
0xb7: {  	s6 =	sshll.u32 s28, $0x1;
	[dreg:$0x2] =	wrdreg s4  }
0xb8: {  	[dreg:$0x3] =	wrdreg s6  }
0xb9: {  	[dreg:$0x4] =	wrdreg $0xC0  }
0xba: {  	_ =	task [dreg:s22], $0x5FFFF  }
0xbb: {  	[dreg:$0x1] =	wrdreg $0xFFFFFFFF  }
0xbc: {  	[dreg:$0x0] =	wrdreg $0x60  }
0xbd: {  	[dreg:$0x2] =	wrdreg s18  }
0xbe: {  	[dreg:$0x3] =	wrdreg s24  }
0xbf: {  	[dreg:$0x4] =	wrdreg $0x9  }
0xc0: {  	_ =	task.clear_ibuf [dreg:s22], $0x5FFFF;
	_ =	strace $0x90000049  }
0xc1: {  	s29 =	simm.s32 $0x9;
	_ =	strace $0x8000004B  }
0xc2: {  	_ =	swait.ge [sflag:s29], $0x1  }
0xc3: {  	[sflag:s29] =	ssyncadd.s32 $0xFFFFFFFF  }
0xc4: {  	_ =	strace $0x9000004B  }
0xc5: {  	_ =	sfence  }
0xc6: {  	s30 =	sld [smem:$0x0];
	_ =	sdelay $0x2  }
0xc7: {  	s31 =	sshll.u32 s1, $0xD;
	s1 =	sshrl.u32 s1, $0x2  }
0xc8: {  	s4 =	sand.u32 $0x4000, s31;
	s1 =	sadd.s32 s1, s30  }
0xc9: {  	s0 =	sor.u32 s4, s0;
	s1 =	sshll.u32 s1, $0x11  }
0xca: {  	s0 =	sor.u32 s1, s0  }
0xcb: {  	s0 =	sadd.s32 $0x8F2B, s0  }
0xcc: {  	[sflag:s0] =	ssyncadd.remote.s32 $0x1  }
0xcd: {  	_ =	sfence.sel $0xFFFF  }
0xce: {  	[dreg:$0x0] =	wrdreg $0xFFFFFFFF;
	(pc) =	sbr.abs _section_cstart, $3  }
0xcf: {  	[dreg:$0x1] =	wrdreg $0xFFFFFFFF  }
0xd0: {  	_ =	task.clear_ibuf [dreg:s22], $0x2FFFF;
	_ =	strace $0x9FFFFFFF  }
0xd1: {  	(tm) =	ssettm $0x7FFFFFFF  }
tec
execute0_lowered:
.L_overlay_start_1:
0x0: {  	(tag) =	ssettag $0x1  }
0x1: {  	s1 =	rddreg [dreg:$0x0]  }
0x2: {  	s0 =	rddreg [dreg:$0x1];
	s3 =	simm.s32 $0x0  }
0x3: {  	s2 =	srdreg.scid;
	s4 =	stileid.u32;
	s14 =	simm.s32 $0x100  }
0x4: {  	s15 =	simm.s32 $0x5;
	s16 =	simm.s32 $0xA0;
	s18 =	simm.s32 $0x5200  }
0x5: {  	s20 =	simm.s32 $0xF300;
	s23 =	simm.s32 $0x14400;
	s21 =	simm.s32 $0x1C400  }
0x6: {  	s22 =	simm.s32 $0x1CC00;
	s24 =	simm.s32 $0x1D400;
	s28 =	simm.s32 $0x3  }
0x7: {  	s29 =	simm.s32 $0x2;
	s2 =	sand.u32 $0x1, s2;
	s4 =	sshll.u32 s4, $0x1  }
0x8: {  	[smem:$0x7FF] =	sst s3;
	s6 =	sadd.s32 $0x520C00, s0;
	s5 =	sor.u32 s2, s4  }
0x9: {  	s7 =	sadd.s32 $0x525C00, s0;
	s2 =	ssub.s32 $0x2, s2;
	s5 =	smul.u32 $0x1400, s5  }
0xa: {  	s8 =	sadd.s32 $0x52AC00, s0;
	_ =	strace $0x8000004A;
	s9 =	sshrl.u32 s2, $0x1  }
0xb: {  	s4 =	sadd.s32 $0xEA00, s0;
	s25 =	ssub.s32 s2, s9;
	s31 =	sor.u32 $0x140, s5  }
0xc: {  	s26 =	sshrl.u32 s5, $0x3;
	s0 =	smax.u32 s25, $0x1;
	[dreg:$0x5] =	wrdreg s31  }
0xd: {  	v2 =	vlaneseq.u32;
	s9 =	simm.s32 $0x0;
	s30 =	sadd.s32 s7, s26;
	[dreg:$0x6] =	wrdreg s0  }
0xe: {  	vm0 =	vmmov $0xffff;
	v1 =	vshrl.u32 v2, $0x3;
	s11 =	sor.u32 $0xA0, s5;
	s2 =	sadd.s32 s6, s26;
	[dreg:$0x3] =	wrdreg s30  }
0xf: {  	v0 =	vand.u32 $0x7, v2;
	v2 =	vor.u32 $0x8, v2;
	v1 =	vmul.u32 $0x8, v1;
	s25 =	simm.s32 $0x1DC00;
	s26 =	simm.s32 $0x1;
	[dreg:$0x4] =	wrdreg s2  }
.LBB2_1:
0x10: {  	[dreg:$0x7] =	wrdreg s9  }
0x11: {  	s0 =	rddreg [dreg:$0x3]  }
0x12: {  	[tilespmem:s14], [sflag:$0x5] =	stream.linear.gather [hbm4b:s0+s3], $0xA0, $0x38;
	[tilespmem:$0x1E400] =	vst v63  }
0x13: {  	_ =	swait.ge [sflag:s15], $0xA0  }
0x14: {  	[sflag:s15] =	ssyncset.done $0x0  }
0x15: {  	s12 =	rddreg [dreg:$0x4];
	[sflag:s15] =	ssyncadd.s32 $0xFFFFFF60  }
0x16: {  	[tilespmem:s3], [sflag:$0x5] =	stream.linear.gather [hbm4b:s12+s3], $0xA0, $0x38;
	[tilespmem:$0x1E400] =	vst v63  }
0x17: {  	_ =	swait.ge [sflag:s15], $0xA0  }
0x18: {  	[sflag:s15] =	ssyncset.done $0x0  }
0x19: {  	s13 =	simm.s32 $0x200;
	[sflag:s15] =	ssyncadd.s32 $0xFFFFFF60  }
0x1a: {  	[tilespmem:s13], [sflag:$0x1] =	stream.indirect.gather [hbm4b:s1+s16], $0x80, s14, s16, $0xb8;
	[tilespmem:$0x1E400] =	vst v63  }
0x1b: {  	v3 =	vld [tilespmem:$0x0];
	_ =	sdelay $0x4  }
0x1c: {  	v4 =	vshll.u32 v3, $0x1  }
0x1d: {  	v3 =	vand.u32 $0x7, v3;
	v4 =	vand.u32 $0xFFFFFFF0, v4  }
0x1e: {  	v3 =	vor.u32 v3, v4  }
0x1f: {  	v4 =	vperm.xlane v3, v0;
	_ =	sdelay $0x1  }
0x20: {  	v3 =	vperm.xlane v3, v2;
	v4 =	vadd.s32 v1, v4;
	_ =	sdelay $0x1  }
0x21: {  	v3 =	vadd.s32 v1, v3;
	_ =	sdelay $0x2  }
0x22: {  	[tilespmem:s18], [sflag:$0x1] =	stream.indirect_vreg.gather [hbm4b:s4+s3], $0x80, v4, vm0, $0xb8;
	[tilespmem:$0x1E400] =	vst v63  }
0x23: {  	s17 =	simm.s32 $0x5A00  }
0x24: {  	[tilespmem:s17], [sflag:$0x1] =	stream.indirect_vreg.gather [hbm4b:s4+s3], $0x80, v3, vm0, $0xb8;
	[tilespmem:$0x1E400] =	vst v63  }
0x25: {  	v3 =	vld [tilespmem:$0x10];
	_ =	sdelay $0x4  }
0x26: {  	v55 =	vshll.u32 v3, $0x1  }
0x27: {  	v3 =	vand.u32 $0x7, v3;
	v4 =	vand.u32 $0xFFFFFFF0, v55  }
0x28: {  	v3 =	vor.u32 v3, v4  }
0x29: {  	v4 =	vperm.xlane v3, v0;
	_ =	sdelay $0x1  }
0x2a: {  	v3 =	vperm.xlane v3, v2;
	v4 =	vadd.s32 v1, v4;
	_ =	sdelay $0x1  }
0x2b: {  	v3 =	vadd.s32 v1, v3;
	_ =	sdelay $0x1  }
0x2c: {  	s19 =	simm.s32 $0x6200  }
0x2d: {  	[tilespmem:s19], [sflag:$0x1] =	stream.indirect_vreg.gather [hbm4b:s4+s3], $0x80, v4, vm0, $0xb8;
	[tilespmem:$0x1E400] =	vst v63  }
0x2e: {  	s31 =	simm.s32 $0x6A00  }
0x2f: {  	[tilespmem:s31], [sflag:$0x1] =	stream.indirect_vreg.gather [hbm4b:s4+s3], $0x80, v3, vm0, $0xb8;
	[tilespmem:$0x1E400] =	vst v63  }
0x30: {  	v3 =	vld [tilespmem:$0x20];
	_ =	sdelay $0x4  }
0x31: {  	v56 =	vshll.u32 v3, $0x1  }
0x32: {  	v3 =	vand.u32 $0x7, v3;
	v4 =	vand.u32 $0xFFFFFFF0, v56  }
0x33: {  	v3 =	vor.u32 v3, v4  }
0x34: {  	v4 =	vperm.xlane v3, v0;
	_ =	sdelay $0x1  }
0x35: {  	v3 =	vperm.xlane v3, v2;
	v4 =	vadd.s32 v1, v4;
	_ =	sdelay $0x1  }
0x36: {  	v3 =	vadd.s32 v1, v3;
	_ =	sdelay $0x1  }
0x37: {  	s2 =	simm.s32 $0x7200  }
0x38: {  	[tilespmem:s2], [sflag:$0x1] =	stream.indirect_vreg.gather [hbm4b:s4+s3], $0x80, v4, vm0, $0xb8;
	[tilespmem:$0x1E400] =	vst v63  }
0x39: {  	s9 =	simm.s32 $0x7A00  }
0x3a: {  	[tilespmem:s9], [sflag:$0x1] =	stream.indirect_vreg.gather [hbm4b:s4+s3], $0x80, v3, vm0, $0xb8;
	[tilespmem:$0x1E400] =	vst v63  }
0x3b: {  	v3 =	vld [tilespmem:$0x30];
	_ =	sdelay $0x4  }
0x3c: {  	v57 =	vshll.u32 v3, $0x1  }
0x3d: {  	v3 =	vand.u32 $0x7, v3;
	v4 =	vand.u32 $0xFFFFFFF0, v57  }
0x3e: {  	v3 =	vor.u32 v3, v4  }
0x3f: {  	v4 =	vperm.xlane v3, v0;
	_ =	sdelay $0x1  }
0x40: {  	v3 =	vperm.xlane v3, v2;
	v4 =	vadd.s32 v1, v4;
	_ =	sdelay $0x1  }
0x41: {  	v3 =	vadd.s32 v1, v3;
	_ =	sdelay $0x1  }
0x42: {  	s10 =	simm.s32 $0x8200  }
0x43: {  	[tilespmem:s10], [sflag:$0x1] =	stream.indirect_vreg.gather [hbm4b:s4+s3], $0x80, v4, vm0, $0xb8;
	[tilespmem:$0x1E400] =	vst v63  }
0x44: {  	s12 =	simm.s32 $0x8A00  }
0x45: {  	[tilespmem:s12], [sflag:$0x1] =	stream.indirect_vreg.gather [hbm4b:s4+s3], $0x80, v3, vm0, $0xb8;
	[tilespmem:$0x1E400] =	vst v63  }
0x46: {  	v3 =	vld [tilespmem:$0x40];
	_ =	sdelay $0x4  }
0x47: {  	v58 =	vshll.u32 v3, $0x1  }
0x48: {  	v3 =	vand.u32 $0x7, v3;
	v4 =	vand.u32 $0xFFFFFFF0, v58  }
0x49: {  	v3 =	vor.u32 v3, v4  }
0x4a: {  	v4 =	vperm.xlane v3, v0;
	_ =	sdelay $0x1  }
0x4b: {  	v3 =	vperm.xlane v3, v2;
	v4 =	vadd.s32 v1, v4;
	_ =	sdelay $0x1  }
0x4c: {  	v3 =	vadd.s32 v1, v3;
	_ =	sdelay $0x1  }
0x4d: {  	s13 =	simm.s32 $0x9200  }
0x4e: {  	[tilespmem:s13], [sflag:$0x1] =	stream.indirect_vreg.gather [hbm4b:s4+s3], $0x80, v4, vm0, $0xb8;
	[tilespmem:$0x1E400] =	vst v63  }
0x4f: {  	s17 =	simm.s32 $0x9A00  }
0x50: {  	[tilespmem:s17], [sflag:$0x1] =	stream.indirect_vreg.gather [hbm4b:s4+s3], $0x80, v3, vm0, $0xb8;
	[tilespmem:$0x1E400] =	vst v63  }
0x51: {  	v3 =	vld [tilespmem:$0x50];
	_ =	sdelay $0x4  }
0x52: {  	v59 =	vshll.u32 v3, $0x1  }
0x53: {  	v3 =	vand.u32 $0x7, v3;
	v4 =	vand.u32 $0xFFFFFFF0, v59  }
0x54: {  	v3 =	vor.u32 v3, v4  }
0x55: {  	v4 =	vperm.xlane v3, v0;
	_ =	sdelay $0x1  }
0x56: {  	v3 =	vperm.xlane v3, v2;
	v4 =	vadd.s32 v1, v4;
	_ =	sdelay $0x1  }
0x57: {  	v3 =	vadd.s32 v1, v3;
	_ =	sdelay $0x1  }
0x58: {  	s19 =	simm.s32 $0xA200  }
0x59: {  	[tilespmem:s19], [sflag:$0x1] =	stream.indirect_vreg.gather [hbm4b:s4+s3], $0x80, v4, vm0, $0xb8;
	[tilespmem:$0x1E400] =	vst v63  }
0x5a: {  	s31 =	simm.s32 $0xAA00  }
0x5b: {  	[tilespmem:s31], [sflag:$0x1] =	stream.indirect_vreg.gather [hbm4b:s4+s3], $0x80, v3, vm0, $0xb8;
	[tilespmem:$0x1E400] =	vst v63  }
0x5c: {  	v3 =	vld [tilespmem:$0x60];
	_ =	sdelay $0x4  }
0x5d: {  	v60 =	vshll.u32 v3, $0x1  }
0x5e: {  	v3 =	vand.u32 $0x7, v3;
	v4 =	vand.u32 $0xFFFFFFF0, v60  }
0x5f: {  	v3 =	vor.u32 v3, v4  }
0x60: {  	v4 =	vperm.xlane v3, v0;
	_ =	sdelay $0x1  }
0x61: {  	v3 =	vperm.xlane v3, v2;
	v4 =	vadd.s32 v1, v4;
	_ =	sdelay $0x1  }
0x62: {  	v3 =	vadd.s32 v1, v3;
	_ =	sdelay $0x1  }
0x63: {  	s2 =	simm.s32 $0xB200  }
0x64: {  	[tilespmem:s2], [sflag:$0x1] =	stream.indirect_vreg.gather [hbm4b:s4+s3], $0x80, v4, vm0, $0xb8;
	[tilespmem:$0x1E400] =	vst v63  }
0x65: {  	s9 =	simm.s32 $0xBA00  }
0x66: {  	[tilespmem:s9], [sflag:$0x1] =	stream.indirect_vreg.gather [hbm4b:s4+s3], $0x80, v3, vm0, $0xb8;
	[tilespmem:$0x1E400] =	vst v63  }
0x67: {  	v3 =	vld [tilespmem:$0x70];
	_ =	sdelay $0x4  }
0x68: {  	v61 =	vshll.u32 v3, $0x1  }
0x69: {  	v3 =	vand.u32 $0x7, v3;
	v4 =	vand.u32 $0xFFFFFFF0, v61  }
0x6a: {  	v3 =	vor.u32 v3, v4  }
0x6b: {  	v4 =	vperm.xlane v3, v0;
	_ =	sdelay $0x1  }
0x6c: {  	v3 =	vperm.xlane v3, v2;
	v4 =	vadd.s32 v1, v4;
	_ =	sdelay $0x1  }
0x6d: {  	v3 =	vadd.s32 v1, v3;
	_ =	sdelay $0x1  }
0x6e: {  	s10 =	simm.s32 $0xC200  }
0x6f: {  	[tilespmem:s10], [sflag:$0x1] =	stream.indirect_vreg.gather [hbm4b:s4+s3], $0x80, v4, vm0, $0xb8;
	[tilespmem:$0x1E400] =	vst v63  }
0x70: {  	s12 =	simm.s32 $0xCA00  }
0x71: {  	[tilespmem:s12], [sflag:$0x1] =	stream.indirect_vreg.gather [hbm4b:s4+s3], $0x80, v3, vm0, $0xb8;
	[tilespmem:$0x1E400] =	vst v63  }
0x72: {  	v3 =	vld [tilespmem:$0x80];
	_ =	sdelay $0x4  }
0x73: {  	v62 =	vshll.u32 v3, $0x1  }
0x74: {  	v3 =	vand.u32 $0x7, v3;
	v4 =	vand.u32 $0xFFFFFFF0, v62  }
0x75: {  	v3 =	vor.u32 v3, v4  }
0x76: {  	v4 =	vperm.xlane v3, v0;
	_ =	sdelay $0x1  }
0x77: {  	v3 =	vperm.xlane v3, v2;
	v4 =	vadd.s32 v1, v4;
	_ =	sdelay $0x1  }
0x78: {  	v3 =	vadd.s32 v1, v3;
	_ =	sdelay $0x1  }
0x79: {  	s13 =	simm.s32 $0xD200  }
0x7a: {  	[tilespmem:s13], [sflag:$0x1] =	stream.indirect_vreg.gather [hbm4b:s4+s3], $0x80, v4, vm0, $0xb8;
	[tilespmem:$0x1E400] =	vst v63  }
0x7b: {  	s17 =	simm.s32 $0xDA00  }
0x7c: {  	[tilespmem:s17], [sflag:$0x1] =	stream.indirect_vreg.gather [hbm4b:s4+s3], $0x80, v3, vm0, $0xb8;
	[tilespmem:$0x1E400] =	vst v63  }
0x7d: {  	v3 =	vld [tilespmem:$0x90];
	_ =	sdelay $0x4  }
0x7e: {  	v63 =	vshll.u32 v3, $0x1  }
0x7f: {  	v3 =	vand.u32 $0x7, v3;
	v4 =	vand.u32 $0xFFFFFFF0, v63  }
0x80: {  	v3 =	vor.u32 v3, v4  }
0x81: {  	v4 =	vperm.xlane v3, v0;
	_ =	sdelay $0x1  }
0x82: {  	v3 =	vperm.xlane v3, v2;
	v4 =	vadd.s32 v1, v4;
	_ =	sdelay $0x1  }
0x83: {  	v3 =	vadd.s32 v1, v3;
	_ =	sdelay $0x1  }
0x84: {  	s19 =	simm.s32 $0xE200  }
0x85: {  	[tilespmem:s19], [sflag:$0x1] =	stream.indirect_vreg.gather [hbm4b:s4+s3], $0x80, v4, vm0, $0xb8;
	[tilespmem:$0x1E400] =	vst v63  }
0x86: {  	s30 =	simm.s32 $0x0;
	s31 =	simm.s32 $0xEA00  }
0x87: {  	[tilespmem:s31], [sflag:$0x1] =	stream.indirect_vreg.gather [hbm4b:s4+s3], $0x80, v3, vm0, $0xb8;
	[tilespmem:$0x1E400] =	vst v63  }
.LBB2_2:
0x88: {  	p0 =	seq.s32 s30, $0x0;
	s0 =	smul.u32 $0x140, s30  }
0x89: {  	s2 =	simm.s32 @!p0 $0x4  }
0x8a: {  	_ =	swait.ge @!p0 [sflag:s2], $0xA000;
	s31 =	sadd.s32 s0, s11  }
0x8b: {  	[sflag:s2] =	ssyncset.done @!p0 $0x0;
	s9 =	sshrl.u32 s31, $0x3  }
0x8c: {  	[sflag:s2] =	ssyncadd.s32 @!p0 $0xFFFF6000;
	s10 =	sadd.s32 s7, s9;
	s2 =	simm.s32 $0x0  }
0x8d: {  	[tilespmem:s20], [sflag:$0x5] =	stream.linear.gather [hbm4b:s10+s2], $0xA0, $0x38;
	[tilespmem:$0x1E400] =	vst v63  }
0x8e: {  	_ =	swait.ge [sflag:s15], $0xA0  }
0x8f: {  	[sflag:s15] =	ssyncset.done $0x0  }
0x90: {  	s13 =	simm.s32 $0xF200;
	s9 =	sadd.s32 s6, s9;
	[sflag:s15] =	ssyncadd.s32 $0xFFFFFF60  }
0x91: {  	[tilespmem:s13], [sflag:$0x5] =	stream.linear.gather [hbm4b:s9+s2], $0xA0, $0x38;
	[tilespmem:$0x1E400] =	vst v63  }
0x92: {  	_ =	swait.ge [sflag:s15], $0xA0  }
0x93: {  	[sflag:s15] =	ssyncset.done $0x0  }
0x94: {  	s17 =	simm.s32 $0xF400;
	[sflag:s15] =	ssyncadd.s32 $0xFFFFFF60  }
0x95: {  	[tilespmem:s17], [sflag:$0x2] =	stream.indirect.gather [hbm4b:s1+s16], $0x80, s20, s16, $0xb8;
	[tilespmem:$0x1E400] =	vst v63  }
0x96: {  	v3 =	vld [tilespmem:$0xF200];
	_ =	sdelay $0x4  }
0x97: {  	v4 =	vshll.u32 v3, $0x1  }
0x98: {  	v3 =	vand.u32 $0x7, v3;
	v4 =	vand.u32 $0xFFFFFFF0, v4  }
0x99: {  	v3 =	vor.u32 v3, v4  }
0x9a: {  	v4 =	vperm.xlane v3, v0;
	_ =	sdelay $0x1  }
0x9b: {  	v3 =	vperm.xlane v3, v2;
	v4 =	vadd.s32 v1, v4;
	_ =	sdelay $0x1  }
0x9c: {  	v3 =	vadd.s32 v1, v3;
	_ =	sdelay $0x2  }
0x9d: {  	[tilespmem:s23], [sflag:$0x2] =	stream.indirect_vreg.gather [hbm4b:s4+s2], $0x80, v4, vm0, $0xb8;
	[tilespmem:$0x1E400] =	vst v63  }
0x9e: {  	s19 =	simm.s32 $0x14C00  }
0x9f: {  	[tilespmem:s19], [sflag:$0x2] =	stream.indirect_vreg.gather [hbm4b:s4+s2], $0x80, v3, vm0, $0xb8;
	[tilespmem:$0x1E400] =	vst v63  }
0xa0: {  	v3 =	vld [tilespmem:$0xF210];
	_ =	sdelay $0x4  }
0xa1: {  	v4 =	vshll.u32 v3, $0x1  }
0xa2: {  	v3 =	vand.u32 $0x7, v3;
	v4 =	vand.u32 $0xFFFFFFF0, v4  }
0xa3: {  	v3 =	vor.u32 v3, v4  }
0xa4: {  	v4 =	vperm.xlane v3, v0;
	_ =	sdelay $0x1  }
0xa5: {  	v3 =	vperm.xlane v3, v2;
	v4 =	vadd.s32 v1, v4;
	_ =	sdelay $0x1  }
0xa6: {  	v3 =	vadd.s32 v1, v3;
	_ =	sdelay $0x1  }
0xa7: {  	s10 =	simm.s32 $0x15400  }
0xa8: {  	[tilespmem:s10], [sflag:$0x2] =	stream.indirect_vreg.gather [hbm4b:s4+s2], $0x80, v4, vm0, $0xb8;
	[tilespmem:$0x1E400] =	vst v63  }
0xa9: {  	s12 =	simm.s32 $0x15C00  }
0xaa: {  	[tilespmem:s12], [sflag:$0x2] =	stream.indirect_vreg.gather [hbm4b:s4+s2], $0x80, v3, vm0, $0xb8;
	[tilespmem:$0x1E400] =	vst v63  }
0xab: {  	v3 =	vld [tilespmem:$0xF220];
	_ =	sdelay $0x4  }
0xac: {  	v4 =	vshll.u32 v3, $0x1  }
0xad: {  	v3 =	vand.u32 $0x7, v3;
	v4 =	vand.u32 $0xFFFFFFF0, v4  }
0xae: {  	v3 =	vor.u32 v3, v4  }
0xaf: {  	v4 =	vperm.xlane v3, v0;
	_ =	sdelay $0x1  }
0xb0: {  	v3 =	vperm.xlane v3, v2;
	v4 =	vadd.s32 v1, v4;
	_ =	sdelay $0x1  }
0xb1: {  	v3 =	vadd.s32 v1, v3;
	_ =	sdelay $0x1  }
0xb2: {  	s13 =	simm.s32 $0x16400  }
0xb3: {  	[tilespmem:s13], [sflag:$0x2] =	stream.indirect_vreg.gather [hbm4b:s4+s2], $0x80, v4, vm0, $0xb8;
	[tilespmem:$0x1E400] =	vst v63  }
0xb4: {  	s17 =	simm.s32 $0x16C00  }
0xb5: {  	[tilespmem:s17], [sflag:$0x2] =	stream.indirect_vreg.gather [hbm4b:s4+s2], $0x80, v3, vm0, $0xb8;
	[tilespmem:$0x1E400] =	vst v63  }
0xb6: {  	v3 =	vld [tilespmem:$0xF230];
	_ =	sdelay $0x4  }
0xb7: {  	v4 =	vshll.u32 v3, $0x1  }
0xb8: {  	v3 =	vand.u32 $0x7, v3;
	v4 =	vand.u32 $0xFFFFFFF0, v4  }
0xb9: {  	v3 =	vor.u32 v3, v4  }
0xba: {  	v4 =	vperm.xlane v3, v0;
	_ =	sdelay $0x1  }
0xbb: {  	v3 =	vperm.xlane v3, v2;
	v4 =	vadd.s32 v1, v4;
	_ =	sdelay $0x1  }
0xbc: {  	v3 =	vadd.s32 v1, v3;
	_ =	sdelay $0x1  }
0xbd: {  	s19 =	simm.s32 $0x17400  }
0xbe: {  	[tilespmem:s19], [sflag:$0x2] =	stream.indirect_vreg.gather [hbm4b:s4+s2], $0x80, v4, vm0, $0xb8;
	[tilespmem:$0x1E400] =	vst v63  }
0xbf: {  	s10 =	simm.s32 $0x17C00  }
0xc0: {  	[tilespmem:s10], [sflag:$0x2] =	stream.indirect_vreg.gather [hbm4b:s4+s2], $0x80, v3, vm0, $0xb8;
	[tilespmem:$0x1E400] =	vst v63  }
0xc1: {  	v3 =	vld [tilespmem:$0xF240];
	_ =	sdelay $0x4  }
0xc2: {  	v4 =	vshll.u32 v3, $0x1  }
0xc3: {  	v3 =	vand.u32 $0x7, v3;
	v4 =	vand.u32 $0xFFFFFFF0, v4  }
0xc4: {  	v3 =	vor.u32 v3, v4  }
0xc5: {  	v4 =	vperm.xlane v3, v0;
	_ =	sdelay $0x1  }
0xc6: {  	v3 =	vperm.xlane v3, v2;
	v4 =	vadd.s32 v1, v4;
	_ =	sdelay $0x1  }
0xc7: {  	v3 =	vadd.s32 v1, v3;
	_ =	sdelay $0x1  }
0xc8: {  	s12 =	simm.s32 $0x18400  }
0xc9: {  	[tilespmem:s12], [sflag:$0x2] =	stream.indirect_vreg.gather [hbm4b:s4+s2], $0x80, v4, vm0, $0xb8;
	[tilespmem:$0x1E400] =	vst v63  }
0xca: {  	s13 =	simm.s32 $0x18C00  }
0xcb: {  	[tilespmem:s13], [sflag:$0x2] =	stream.indirect_vreg.gather [hbm4b:s4+s2], $0x80, v3, vm0, $0xb8;
	[tilespmem:$0x1E400] =	vst v63  }
0xcc: {  	v3 =	vld [tilespmem:$0xF250];
	_ =	sdelay $0x4  }
0xcd: {  	v4 =	vshll.u32 v3, $0x1  }
0xce: {  	v3 =	vand.u32 $0x7, v3;
	v4 =	vand.u32 $0xFFFFFFF0, v4  }
0xcf: {  	v3 =	vor.u32 v3, v4  }
0xd0: {  	v4 =	vperm.xlane v3, v0;
	_ =	sdelay $0x1  }
0xd1: {  	v3 =	vperm.xlane v3, v2;
	v4 =	vadd.s32 v1, v4;
	_ =	sdelay $0x1  }
0xd2: {  	v3 =	vadd.s32 v1, v3;
	_ =	sdelay $0x1  }
0xd3: {  	s17 =	simm.s32 $0x19400  }
0xd4: {  	[tilespmem:s17], [sflag:$0x2] =	stream.indirect_vreg.gather [hbm4b:s4+s2], $0x80, v4, vm0, $0xb8;
	[tilespmem:$0x1E400] =	vst v63  }
0xd5: {  	s19 =	simm.s32 $0x19C00  }
0xd6: {  	[tilespmem:s19], [sflag:$0x2] =	stream.indirect_vreg.gather [hbm4b:s4+s2], $0x80, v3, vm0, $0xb8;
	[tilespmem:$0x1E400] =	vst v63  }
0xd7: {  	v3 =	vld [tilespmem:$0xF260];
	_ =	sdelay $0x4  }
0xd8: {  	v4 =	vshll.u32 v3, $0x1  }
0xd9: {  	v3 =	vand.u32 $0x7, v3;
	v4 =	vand.u32 $0xFFFFFFF0, v4  }
0xda: {  	v3 =	vor.u32 v3, v4  }
0xdb: {  	v4 =	vperm.xlane v3, v0;
	_ =	sdelay $0x1  }
0xdc: {  	v3 =	vperm.xlane v3, v2;
	v4 =	vadd.s32 v1, v4;
	_ =	sdelay $0x1  }
0xdd: {  	v3 =	vadd.s32 v1, v3;
	_ =	sdelay $0x1  }
0xde: {  	s10 =	simm.s32 $0x1A400  }
0xdf: {  	[tilespmem:s10], [sflag:$0x2] =	stream.indirect_vreg.gather [hbm4b:s4+s2], $0x80, v4, vm0, $0xb8;
	[tilespmem:$0x1E400] =	vst v63  }
0xe0: {  	s12 =	simm.s32 $0x1AC00  }
0xe1: {  	[tilespmem:s12], [sflag:$0x2] =	stream.indirect_vreg.gather [hbm4b:s4+s2], $0x80, v3, vm0, $0xb8;
	[tilespmem:$0x1E400] =	vst v63  }
0xe2: {  	v3 =	vld [tilespmem:$0xF270];
	_ =	sdelay $0x4  }
0xe3: {  	v4 =	vshll.u32 v3, $0x1  }
0xe4: {  	v3 =	vand.u32 $0x7, v3;
	v4 =	vand.u32 $0xFFFFFFF0, v4  }
0xe5: {  	v3 =	vor.u32 v3, v4  }
0xe6: {  	v4 =	vperm.xlane v3, v0;
	_ =	sdelay $0x1  }
0xe7: {  	v3 =	vperm.xlane v3, v2;
	v4 =	vadd.s32 v1, v4;
	_ =	sdelay $0x1  }
0xe8: {  	v3 =	vadd.s32 v1, v3;
	_ =	sdelay $0x1  }
0xe9: {  	s13 =	simm.s32 $0x1B400  }
0xea: {  	[tilespmem:s13], [sflag:$0x2] =	stream.indirect_vreg.gather [hbm4b:s4+s2], $0x80, v4, vm0, $0xb8;
	[tilespmem:$0x1E400] =	vst v63  }
0xeb: {  	s17 =	simm.s32 $0x1BC00  }
0xec: {  	[tilespmem:s17], [sflag:$0x2] =	stream.indirect_vreg.gather [hbm4b:s4+s2], $0x80, v3, vm0, $0xb8;
	[tilespmem:$0x1E400] =	vst v63  }
0xed: {  	v3 =	vld [tilespmem:$0xF280];
	_ =	sdelay $0x4  }
0xee: {  	v4 =	vshll.u32 v3, $0x1  }
0xef: {  	v3 =	vand.u32 $0x7, v3;
	v4 =	vand.u32 $0xFFFFFFF0, v4  }
0xf0: {  	v3 =	vor.u32 v3, v4  }
0xf1: {  	v4 =	vperm.xlane v3, v0;
	_ =	sdelay $0x1  }
0xf2: {  	v3 =	vperm.xlane v3, v2;
	v4 =	vadd.s32 v1, v4;
	_ =	sdelay $0x1  }
0xf3: {  	v3 =	vadd.s32 v1, v3;
	_ =	sdelay $0x2  }
0xf4: {  	[tilespmem:s21], [sflag:$0x2] =	stream.indirect_vreg.gather [hbm4b:s4+s2], $0x80, v4, vm0, $0xb8;
	[tilespmem:$0x1E400] =	vst v63  }
0xf5: {  	_ = 	snop  }
0xf6: {  	[tilespmem:s22], [sflag:$0x2] =	stream.indirect_vreg.gather [hbm4b:s4+s2], $0x80, v3, vm0, $0xb8;
	[tilespmem:$0x1E400] =	vst v63  }
0xf7: {  	v3 =	vld [tilespmem:$0xF290];
	_ =	sdelay $0x4  }
0xf8: {  	v4 =	vshll.u32 v3, $0x1  }
0xf9: {  	v3 =	vand.u32 $0x7, v3;
	v4 =	vand.u32 $0xFFFFFFF0, v4  }
0xfa: {  	v3 =	vor.u32 v3, v4  }
0xfb: {  	v4 =	vperm.xlane v3, v0;
	_ =	sdelay $0x1  }
0xfc: {  	v3 =	vperm.xlane v3, v2;
	v4 =	vadd.s32 v1, v4;
	_ =	sdelay $0x1  }
0xfd: {  	v3 =	vadd.s32 v1, v3;
	_ =	sdelay $0x2  }
0xfe: {  	[tilespmem:s24], [sflag:$0x2] =	stream.indirect_vreg.gather [hbm4b:s4+s2], $0x80, v4, vm0, $0xb8;
	[tilespmem:$0x1E400] =	vst v63  }
0xff: {  	_ = 	snop  }
0x100: {  	[tilespmem:s25], [sflag:$0x2] =	stream.indirect_vreg.gather [hbm4b:s4+s2], $0x80, v3, vm0, $0xb8;
	[tilespmem:$0x1E400] =	vst v63  }
0x101: {  	_ =	swait.ge [sflag:s26], $0x5000  }
0x102: {  	[sflag:s26] =	ssyncset.done $0x0  }
0x103: {  	[sflag:s26] =	ssyncadd.s32 $0xFFFFB000  }
0x104: {  	_ =	swait.ge [sflag:s26], $0xA000  }
0x105: {  	s19 =	sand.u32 $0xF800, s2;
	s2 =	sand.u32 $0x380, s2;
	[sflag:s26] =	ssyncset.done $0x0  }
0x106: {  	s9 =	sor.u32 s2, s19;
	[sflag:s26] =	ssyncadd.s32 $0xFFFF6000  }
0x107: {  	s2 =	simm.s32 $0x240;
	v3 =	vld [tilespmem:s9+$0x5200]  }
0x108: {  	v4 =	vld [tilespmem:s2+$0xFFFFFFC0];
	_ =	sdelay $0x4  }
0x109: {  	v3 =	vadd.f32 v4, v3;
	_ =	sdelay $0x1  }
0x10a: {  	[tilespmem:s9+$0x5200] =	vst v3;
	v3 =	vld [tilespmem:s9+$0x5210]  }
0x10b: {  	v4 =	vld [tilespmem:s2+$0xFFFFFFD0];
	_ =	sdelay $0x4  }
0x10c: {  	v3 =	vadd.f32 v4, v3;
	_ =	sdelay $0x1  }
0x10d: {  	[tilespmem:s9+$0x5210] =	vst v3;
	v3 =	vld [tilespmem:s9+$0x5220]  }
0x10e: {  	v4 =	vld [tilespmem:s2+$0xFFFFFFE0];
	_ =	sdelay $0x4  }
0x10f: {  	v3 =	vadd.f32 v4, v3;
	_ =	sdelay $0x1  }
0x110: {  	[tilespmem:s9+$0x5220] =	vst v3;
	v3 =	vld [tilespmem:s9+$0x5230]  }
0x111: {  	v4 =	vld [tilespmem:s2+$0xFFFFFFF0];
	_ =	sdelay $0x4  }
0x112: {  	v3 =	vadd.f32 v4, v3;
	_ =	sdelay $0x1  }
0x113: {  	[tilespmem:s9+$0x5230] =	vst v3;
	v3 =	vld [tilespmem:s9+$0x5240]  }
0x114: {  	v4 =	vld [tilespmem:s2+$0x0];
	_ =	sdelay $0x4  }
0x115: {  	v3 =	vadd.f32 v4, v3;
	_ =	sdelay $0x1  }
0x116: {  	[tilespmem:s9+$0x5240] =	vst v3;
	v3 =	vld [tilespmem:s9+$0x5250]  }
0x117: {  	v4 =	vld [tilespmem:s2+$0x10];
	_ =	sdelay $0x4  }
0x118: {  	v3 =	vadd.f32 v4, v3;
	_ =	sdelay $0x1  }
0x119: {  	[tilespmem:s9+$0x5250] =	vst v3;
	v3 =	vld [tilespmem:s9+$0x5260]  }
0x11a: {  	v4 =	vld [tilespmem:s2+$0x20];
	_ =	sdelay $0x4  }
0x11b: {  	v3 =	vadd.f32 v4, v3;
	_ =	sdelay $0x1  }
0x11c: {  	[tilespmem:s9+$0x5260] =	vst v3;
	v3 =	vld [tilespmem:s9+$0x5270]  }
0x11d: {  	v4 =	vld [tilespmem:s2+$0x30];
	_ =	sdelay $0x3  }
0x11e: {  	s10 =	simm.s32 $0x80;
	s13 =	simm.s32 $0x100  }
0x11f: {  	s13 =	sand.u32 $0xF800, s13;
	s17 =	sand.u32 $0x380, s10;
	v3 =	vadd.f32 v4, v3  }
0x120: {  	s17 =	sor.u32 s17, s13;
	s13 =	simm.s32 $0x200  }
.LBB2_3:
0x121: {  	p0 =	sne.s32 s13, $0x9F00;
	v4 =	vld [tilespmem:s17+$0x5200];
	[tilespmem:s9+$0x5270] =	vst v3;
	s2 =	sadd.s32 $0x80, s2;
	s9 =	smov.u32 s17  }
0x122: {  	v3 =	vld [tilespmem:s2+$0xFFFFFFC0];
	_ =	sdelay $0x4  }
0x123: {  	v3 =	vadd.f32 v3, v4;
	_ =	sdelay $0x1  }
0x124: {  	[tilespmem:s9+$0x5200] =	vst v3;
	v3 =	vld [tilespmem:s9+$0x5210]  }
0x125: {  	v4 =	vld [tilespmem:s2+$0xFFFFFFD0];
	_ =	sdelay $0x4  }
0x126: {  	v3 =	vadd.f32 v4, v3;
	_ =	sdelay $0x1  }
0x127: {  	[tilespmem:s9+$0x5210] =	vst v3;
	v3 =	vld [tilespmem:s9+$0x5220]  }
0x128: {  	v4 =	vld [tilespmem:s2+$0xFFFFFFE0];
	_ =	sdelay $0x4  }
0x129: {  	v3 =	vadd.f32 v4, v3;
	_ =	sdelay $0x1  }
0x12a: {  	[tilespmem:s9+$0x5220] =	vst v3;
	v3 =	vld [tilespmem:s9+$0x5230]  }
0x12b: {  	v4 =	vld [tilespmem:s2+$0xFFFFFFF0];
	_ =	sdelay $0x4  }
0x12c: {  	v3 =	vadd.f32 v4, v3;
	_ =	sdelay $0x1  }
0x12d: {  	[tilespmem:s9+$0x5230] =	vst v3;
	v3 =	vld [tilespmem:s9+$0x5240]  }
0x12e: {  	v4 =	vld [tilespmem:s2+$0x0];
	_ =	sdelay $0x4  }
0x12f: {  	v3 =	vadd.f32 v4, v3;
	_ =	sdelay $0x1  }
0x130: {  	[tilespmem:s9+$0x5240] =	vst v3;
	v3 =	vld [tilespmem:s9+$0x5250]  }
0x131: {  	v4 =	vld [tilespmem:s2+$0x10];
	_ =	sdelay $0x4  }
0x132: {  	v3 =	vadd.f32 v4, v3;
	_ =	sdelay $0x1  }
0x133: {  	[tilespmem:s9+$0x5250] =	vst v3;
	v3 =	vld [tilespmem:s9+$0x5260]  }
0x134: {  	v4 =	vld [tilespmem:s2+$0x20];
	_ =	sdelay $0x4  }
0x135: {  	v3 =	vadd.f32 v4, v3;
	_ =	sdelay $0x1  }
0x136: {  	[tilespmem:s9+$0x5260] =	vst v3;
	v3 =	vld [tilespmem:s9+$0x5270]  }
0x137: {  	v4 =	vld [tilespmem:s2+$0x30];
	_ =	sdelay $0x1  }
.Ltmp0:
0x138: {  	(pc) =	sbr.rel @p0 .LBB2_3-.Ltmp0, $4  }
0x139: {  	_ = 	snop  }
0x13a: {  	s10 =	sadd.s32 $0x80, s10  }
0x13b: {  	s17 =	sand.u32 $0xF800, s13;
	s19 =	sand.u32 $0x380, s10;
	v3 =	vadd.f32 v4, v3  }
0x13c: {  	s13 =	sadd.s32 $0x100, s13;
	s17 =	sor.u32 s19, s17  }
0x13d: {  	v4 =	vld [tilespmem:s17+$0x5200];
	[tilespmem:s9+$0x5270] =	vst v3;
	s2 =	sadd.s32 $0x80, s2  }
0x13e: {  	v3 =	vld [tilespmem:s2+$0xFFFFFFC0];
	_ =	sdelay $0x4  }
0x13f: {  	v3 =	vadd.f32 v3, v4;
	_ =	sdelay $0x1  }
0x140: {  	[tilespmem:s17+$0x5200] =	vst v3;
	v3 =	vld [tilespmem:s17+$0x5210]  }
0x141: {  	v57 =	vld [tilespmem:s2+$0xFFFFFFD0];
	_ =	sdelay $0x4  }
0x142: {  	v3 =	vadd.f32 v57, v3;
	_ =	sdelay $0x1  }
0x143: {  	[tilespmem:s17+$0x5210] =	vst v3;
	v3 =	vld [tilespmem:s17+$0x5220]  }
0x144: {  	v58 =	vld [tilespmem:s2+$0xFFFFFFE0];
	_ =	sdelay $0x4  }
0x145: {  	v3 =	vadd.f32 v58, v3;
	_ =	sdelay $0x1  }
0x146: {  	[tilespmem:s17+$0x5220] =	vst v3;
	v3 =	vld [tilespmem:s17+$0x5230]  }
0x147: {  	v59 =	vld [tilespmem:s2+$0xFFFFFFF0];
	_ =	sdelay $0x4  }
0x148: {  	v3 =	vadd.f32 v59, v3;
	_ =	sdelay $0x1  }
0x149: {  	[tilespmem:s17+$0x5230] =	vst v3;
	v3 =	vld [tilespmem:s17+$0x5240]  }
0x14a: {  	v60 =	vld [tilespmem:s2+$0x0];
	_ =	sdelay $0x4  }
0x14b: {  	v3 =	vadd.f32 v60, v3;
	_ =	sdelay $0x1  }
0x14c: {  	[tilespmem:s17+$0x5240] =	vst v3;
	v3 =	vld [tilespmem:s17+$0x5250]  }
0x14d: {  	v61 =	vld [tilespmem:s2+$0x10];
	_ =	sdelay $0x4  }
0x14e: {  	v3 =	vadd.f32 v61, v3;
	_ =	sdelay $0x1  }
0x14f: {  	[tilespmem:s17+$0x5250] =	vst v3;
	v3 =	vld [tilespmem:s17+$0x5260]  }
0x150: {  	v62 =	vld [tilespmem:s2+$0x20];
	_ =	sdelay $0x4  }
0x151: {  	v3 =	vadd.f32 v62, v3;
	_ =	sdelay $0x1  }
0x152: {  	[tilespmem:s17+$0x5260] =	vst v3;
	v3 =	vld [tilespmem:s17+$0x5270]  }
0x153: {  	v63 =	vld [tilespmem:s2+$0x30];
	_ =	sdelay $0x4  }
0x154: {  	s19 =	sadd.s32 s5, s0;
	v3 =	vadd.f32 v63, v3  }
0x155: {  	p0 =	seq.s32 s30, $0xF;
	s2 =	sshll.u32 s19, $0x5  }
.Ltmp1:
0x156: {  	s2 =	sadd.s32 s8, s2;
	[tilespmem:s17+$0x5270] =	vst v3;
	(pc) =	sbr.rel @p0 .LBB2_6-.Ltmp1, $4  }
0x157: {  	[hbm4b:s2+s3] =	stream.linear.scatter [tilespmem:s18], [sflag:$0x3], $0xA000, $0x38;
	[tilespmem:$0x1E400] =	vst v63  }
0x158: {  	_ =	swait.ge [sflag:s28], $0xA000  }
0x159: {  	[sflag:s28] =	ssyncset.done $0x0  }
0x15a: {  	[sflag:s28] =	ssyncadd.s32 $0xFFFF6000  }
0x15b: {  	s2 =	rddreg [dreg:$0x5]  }
0x15c: {  	s0 =	sadd.s32 s0, s2  }
0x15d: {  	s0 =	sshrl.u32 s0, $0x3  }
0x15e: {  	s19 =	sadd.s32 s7, s0  }
0x15f: {  	[tilespmem:s14], [sflag:$0x5] =	stream.linear.gather [hbm4b:s19+s3], $0xA0, $0x38;
	[tilespmem:$0x1E400] =	vst v63  }
0x160: {  	_ =	swait.ge [sflag:s15], $0xA0  }
0x161: {  	[sflag:s15] =	ssyncset.done $0x0  }
0x162: {  	s0 =	sadd.s32 s6, s0;
	[sflag:s15] =	ssyncadd.s32 $0xFFFFFF60  }
0x163: {  	[tilespmem:s3], [sflag:$0x5] =	stream.linear.gather [hbm4b:s0+s3], $0xA0, $0x38;
	[tilespmem:$0x1E400] =	vst v63  }
0x164: {  	_ =	swait.ge [sflag:s15], $0xA0  }
0x165: {  	[sflag:s15] =	ssyncset.done $0x0  }
0x166: {  	s9 =	simm.s32 $0x200;
	[sflag:s15] =	ssyncadd.s32 $0xFFFFFF60  }
0x167: {  	[tilespmem:s9], [sflag:$0x1] =	stream.indirect.gather [hbm4b:s1+s16], $0x80, s14, s16, $0xb8;
	[tilespmem:$0x1E400] =	vst v63  }
0x168: {  	v3 =	vld [tilespmem:$0x0];
	_ =	sdelay $0x4  }
0x169: {  	v4 =	vshll.u32 v3, $0x1  }
0x16a: {  	v3 =	vand.u32 $0x7, v3;
	v4 =	vand.u32 $0xFFFFFFF0, v4  }
0x16b: {  	v3 =	vor.u32 v3, v4  }
0x16c: {  	v4 =	vperm.xlane v3, v0;
	_ =	sdelay $0x1  }
0x16d: {  	v3 =	vperm.xlane v3, v2;
	v4 =	vadd.s32 v1, v4;
	_ =	sdelay $0x1  }
0x16e: {  	v3 =	vadd.s32 v1, v3;
	_ =	sdelay $0x2  }
0x16f: {  	[tilespmem:s18], [sflag:$0x1] =	stream.indirect_vreg.gather [hbm4b:s4+s3], $0x80, v4, vm0, $0xb8;
	[tilespmem:$0x1E400] =	vst v63  }
0x170: {  	s10 =	simm.s32 $0x5A00  }
0x171: {  	[tilespmem:s10], [sflag:$0x1] =	stream.indirect_vreg.gather [hbm4b:s4+s3], $0x80, v3, vm0, $0xb8;
	[tilespmem:$0x1E400] =	vst v63  }
0x172: {  	v3 =	vld [tilespmem:$0x10];
	_ =	sdelay $0x4  }
0x173: {  	v55 =	vshll.u32 v3, $0x1  }
0x174: {  	v3 =	vand.u32 $0x7, v3;
	v4 =	vand.u32 $0xFFFFFFF0, v55  }
0x175: {  	v3 =	vor.u32 v3, v4  }
0x176: {  	v4 =	vperm.xlane v3, v0;
	_ =	sdelay $0x1  }
0x177: {  	v3 =	vperm.xlane v3, v2;
	v4 =	vadd.s32 v1, v4;
	_ =	sdelay $0x1  }
0x178: {  	v3 =	vadd.s32 v1, v3;
	_ =	sdelay $0x1  }
0x179: {  	s12 =	simm.s32 $0x6200  }
0x17a: {  	[tilespmem:s12], [sflag:$0x1] =	stream.indirect_vreg.gather [hbm4b:s4+s3], $0x80, v4, vm0, $0xb8;
	[tilespmem:$0x1E400] =	vst v63  }
0x17b: {  	s13 =	simm.s32 $0x6A00  }
0x17c: {  	[tilespmem:s13], [sflag:$0x1] =	stream.indirect_vreg.gather [hbm4b:s4+s3], $0x80, v3, vm0, $0xb8;
	[tilespmem:$0x1E400] =	vst v63  }
0x17d: {  	v3 =	vld [tilespmem:$0x20];
	_ =	sdelay $0x4  }
0x17e: {  	v56 =	vshll.u32 v3, $0x1  }
0x17f: {  	v3 =	vand.u32 $0x7, v3;
	v4 =	vand.u32 $0xFFFFFFF0, v56  }
0x180: {  	v3 =	vor.u32 v3, v4  }
0x181: {  	v4 =	vperm.xlane v3, v0;
	_ =	sdelay $0x1  }
0x182: {  	v3 =	vperm.xlane v3, v2;
	v4 =	vadd.s32 v1, v4;
	_ =	sdelay $0x1  }
0x183: {  	v3 =	vadd.s32 v1, v3;
	_ =	sdelay $0x1  }
0x184: {  	s17 =	simm.s32 $0x7200  }
0x185: {  	[tilespmem:s17], [sflag:$0x1] =	stream.indirect_vreg.gather [hbm4b:s4+s3], $0x80, v4, vm0, $0xb8;
	[tilespmem:$0x1E400] =	vst v63  }
0x186: {  	s19 =	simm.s32 $0x7A00  }
0x187: {  	[tilespmem:s19], [sflag:$0x1] =	stream.indirect_vreg.gather [hbm4b:s4+s3], $0x80, v3, vm0, $0xb8;
	[tilespmem:$0x1E400] =	vst v63  }
0x188: {  	v3 =	vld [tilespmem:$0x30];
	_ =	sdelay $0x4  }
0x189: {  	v57 =	vshll.u32 v3, $0x1  }
0x18a: {  	v3 =	vand.u32 $0x7, v3;
	v4 =	vand.u32 $0xFFFFFFF0, v57  }
0x18b: {  	v3 =	vor.u32 v3, v4  }
0x18c: {  	v4 =	vperm.xlane v3, v0;
	_ =	sdelay $0x1  }
0x18d: {  	v3 =	vperm.xlane v3, v2;
	v4 =	vadd.s32 v1, v4;
	_ =	sdelay $0x1  }
0x18e: {  	v3 =	vadd.s32 v1, v3;
	_ =	sdelay $0x1  }
0x18f: {  	s2 =	simm.s32 $0x8200  }
0x190: {  	[tilespmem:s2], [sflag:$0x1] =	stream.indirect_vreg.gather [hbm4b:s4+s3], $0x80, v4, vm0, $0xb8;
	[tilespmem:$0x1E400] =	vst v63  }
0x191: {  	s9 =	simm.s32 $0x8A00  }
0x192: {  	[tilespmem:s9], [sflag:$0x1] =	stream.indirect_vreg.gather [hbm4b:s4+s3], $0x80, v3, vm0, $0xb8;
	[tilespmem:$0x1E400] =	vst v63  }
0x193: {  	v3 =	vld [tilespmem:$0x40];
	_ =	sdelay $0x4  }
0x194: {  	v58 =	vshll.u32 v3, $0x1  }
0x195: {  	v3 =	vand.u32 $0x7, v3;
	v4 =	vand.u32 $0xFFFFFFF0, v58  }
0x196: {  	v3 =	vor.u32 v3, v4  }
0x197: {  	v4 =	vperm.xlane v3, v0;
	_ =	sdelay $0x1  }
0x198: {  	v3 =	vperm.xlane v3, v2;
	v4 =	vadd.s32 v1, v4;
	_ =	sdelay $0x1  }
0x199: {  	v3 =	vadd.s32 v1, v3;
	_ =	sdelay $0x1  }
0x19a: {  	s10 =	simm.s32 $0x9200  }
0x19b: {  	[tilespmem:s10], [sflag:$0x1] =	stream.indirect_vreg.gather [hbm4b:s4+s3], $0x80, v4, vm0, $0xb8;
	[tilespmem:$0x1E400] =	vst v63  }
0x19c: {  	s12 =	simm.s32 $0x9A00  }
0x19d: {  	[tilespmem:s12], [sflag:$0x1] =	stream.indirect_vreg.gather [hbm4b:s4+s3], $0x80, v3, vm0, $0xb8;
	[tilespmem:$0x1E400] =	vst v63  }
0x19e: {  	v3 =	vld [tilespmem:$0x50];
	_ =	sdelay $0x4  }
0x19f: {  	v59 =	vshll.u32 v3, $0x1  }
0x1a0: {  	v3 =	vand.u32 $0x7, v3;
	v4 =	vand.u32 $0xFFFFFFF0, v59  }
0x1a1: {  	v3 =	vor.u32 v3, v4  }
0x1a2: {  	v4 =	vperm.xlane v3, v0;
	_ =	sdelay $0x1  }
0x1a3: {  	v3 =	vperm.xlane v3, v2;
	v4 =	vadd.s32 v1, v4;
	_ =	sdelay $0x1  }
0x1a4: {  	v3 =	vadd.s32 v1, v3;
	_ =	sdelay $0x1  }
0x1a5: {  	s13 =	simm.s32 $0xA200  }
0x1a6: {  	[tilespmem:s13], [sflag:$0x1] =	stream.indirect_vreg.gather [hbm4b:s4+s3], $0x80, v4, vm0, $0xb8;
	[tilespmem:$0x1E400] =	vst v63  }
0x1a7: {  	s17 =	simm.s32 $0xAA00  }
0x1a8: {  	[tilespmem:s17], [sflag:$0x1] =	stream.indirect_vreg.gather [hbm4b:s4+s3], $0x80, v3, vm0, $0xb8;
	[tilespmem:$0x1E400] =	vst v63  }
0x1a9: {  	v3 =	vld [tilespmem:$0x60];
	_ =	sdelay $0x4  }
0x1aa: {  	v60 =	vshll.u32 v3, $0x1  }
0x1ab: {  	v3 =	vand.u32 $0x7, v3;
	v4 =	vand.u32 $0xFFFFFFF0, v60  }
0x1ac: {  	v3 =	vor.u32 v3, v4  }
0x1ad: {  	v4 =	vperm.xlane v3, v0;
	_ =	sdelay $0x1  }
0x1ae: {  	v3 =	vperm.xlane v3, v2;
	v4 =	vadd.s32 v1, v4;
	_ =	sdelay $0x1  }
0x1af: {  	v3 =	vadd.s32 v1, v3;
	_ =	sdelay $0x1  }
0x1b0: {  	s19 =	simm.s32 $0xB200  }
0x1b1: {  	[tilespmem:s19], [sflag:$0x1] =	stream.indirect_vreg.gather [hbm4b:s4+s3], $0x80, v4, vm0, $0xb8;
	[tilespmem:$0x1E400] =	vst v63  }
0x1b2: {  	s2 =	simm.s32 $0xBA00  }
0x1b3: {  	[tilespmem:s2], [sflag:$0x1] =	stream.indirect_vreg.gather [hbm4b:s4+s3], $0x80, v3, vm0, $0xb8;
	[tilespmem:$0x1E400] =	vst v63  }
0x1b4: {  	v3 =	vld [tilespmem:$0x70];
	_ =	sdelay $0x4  }
0x1b5: {  	v61 =	vshll.u32 v3, $0x1  }
0x1b6: {  	v3 =	vand.u32 $0x7, v3;
	v4 =	vand.u32 $0xFFFFFFF0, v61  }
0x1b7: {  	v3 =	vor.u32 v3, v4  }
0x1b8: {  	v4 =	vperm.xlane v3, v0;
	_ =	sdelay $0x1  }
0x1b9: {  	v3 =	vperm.xlane v3, v2;
	v4 =	vadd.s32 v1, v4;
	_ =	sdelay $0x1  }
0x1ba: {  	v3 =	vadd.s32 v1, v3;
	_ =	sdelay $0x1  }
0x1bb: {  	s9 =	simm.s32 $0xC200  }
0x1bc: {  	[tilespmem:s9], [sflag:$0x1] =	stream.indirect_vreg.gather [hbm4b:s4+s3], $0x80, v4, vm0, $0xb8;
	[tilespmem:$0x1E400] =	vst v63  }
0x1bd: {  	s10 =	simm.s32 $0xCA00  }
0x1be: {  	[tilespmem:s10], [sflag:$0x1] =	stream.indirect_vreg.gather [hbm4b:s4+s3], $0x80, v3, vm0, $0xb8;
	[tilespmem:$0x1E400] =	vst v63  }
0x1bf: {  	v3 =	vld [tilespmem:$0x80];
	_ =	sdelay $0x4  }
0x1c0: {  	v62 =	vshll.u32 v3, $0x1  }
0x1c1: {  	v3 =	vand.u32 $0x7, v3;
	v4 =	vand.u32 $0xFFFFFFF0, v62  }
0x1c2: {  	v3 =	vor.u32 v3, v4  }
0x1c3: {  	v4 =	vperm.xlane v3, v0;
	_ =	sdelay $0x1  }
0x1c4: {  	v3 =	vperm.xlane v3, v2;
	v4 =	vadd.s32 v1, v4;
	_ =	sdelay $0x1  }
0x1c5: {  	v3 =	vadd.s32 v1, v3;
	_ =	sdelay $0x1  }
0x1c6: {  	s12 =	simm.s32 $0xD200  }
0x1c7: {  	[tilespmem:s12], [sflag:$0x1] =	stream.indirect_vreg.gather [hbm4b:s4+s3], $0x80, v4, vm0, $0xb8;
	[tilespmem:$0x1E400] =	vst v63  }
0x1c8: {  	s13 =	simm.s32 $0xDA00  }
0x1c9: {  	[tilespmem:s13], [sflag:$0x1] =	stream.indirect_vreg.gather [hbm4b:s4+s3], $0x80, v3, vm0, $0xb8;
	[tilespmem:$0x1E400] =	vst v63  }
0x1ca: {  	v3 =	vld [tilespmem:$0x90];
	_ =	sdelay $0x4  }
0x1cb: {  	v63 =	vshll.u32 v3, $0x1  }
0x1cc: {  	v3 =	vand.u32 $0x7, v3;
	v4 =	vand.u32 $0xFFFFFFF0, v63  }
0x1cd: {  	v3 =	vor.u32 v3, v4  }
0x1ce: {  	v4 =	vperm.xlane v3, v0;
	_ =	sdelay $0x1  }
0x1cf: {  	v3 =	vperm.xlane v3, v2;
	v4 =	vadd.s32 v1, v4;
	_ =	sdelay $0x1  }
0x1d0: {  	v3 =	vadd.s32 v1, v3;
	_ =	sdelay $0x1  }
0x1d1: {  	s17 =	simm.s32 $0xE200  }
0x1d2: {  	[tilespmem:s17], [sflag:$0x1] =	stream.indirect_vreg.gather [hbm4b:s4+s3], $0x80, v4, vm0, $0xb8;
	[tilespmem:$0x1E400] =	vst v63  }
0x1d3: {  	s19 =	simm.s32 $0xEA00  }
0x1d4: {  	[tilespmem:s19], [sflag:$0x1] =	stream.indirect_vreg.gather [hbm4b:s4+s3], $0x80, v3, vm0, $0xb8;
	[tilespmem:$0x1E400] =	vst v63  }
.LBB2_6:
0x1d5: {  	_ =	swait.ge [sflag:s29], $0x5000  }
0x1d6: {  	[sflag:s29] =	ssyncset.done $0x0  }
0x1d7: {  	[sflag:s29] =	ssyncadd.s32 $0xFFFFB000  }
0x1d8: {  	s0 =	simm.s32 $0x0;
	_ =	swait.ge [sflag:s29], $0xA000  }
0x1d9: {  	s2 =	sand.u32 $0xF800, s0;
	s0 =	sand.u32 $0x380, s0;
	[sflag:s29] =	ssyncset.done $0x0  }
0x1da: {  	s0 =	sor.u32 s0, s2;
	[sflag:s29] =	ssyncadd.s32 $0xFFFF6000  }
0x1db: {  	s10 =	simm.s32 $0xF440;
	v3 =	vld [tilespmem:s0+$0x14400]  }
0x1dc: {  	v4 =	vld [tilespmem:s10+$0xFFFFFFC0];
	_ =	sdelay $0x4  }
0x1dd: {  	v3 =	vadd.f32 v4, v3;
	_ =	sdelay $0x1  }
0x1de: {  	[tilespmem:s0+$0x14400] =	vst v3  }
0x1df: {  	s2 =	sadd.s32 $0x14400, s0;
	v3 =	vld [tilespmem:s10+$0xFFFFFFD0]  }
0x1e0: {  	v4 =	vld [tilespmem:s2+$0x10];
	_ =	sdelay $0x4  }
0x1e1: {  	v3 =	vadd.f32 v3, v4;
	_ =	sdelay $0x1  }
0x1e2: {  	[tilespmem:s2+$0x10] =	vst v3;
	v3 =	vld [tilespmem:s2+$0x20]  }
0x1e3: {  	v4 =	vld [tilespmem:s10+$0xFFFFFFE0];
	_ =	sdelay $0x4  }
0x1e4: {  	v3 =	vadd.f32 v4, v3;
	_ =	sdelay $0x1  }
0x1e5: {  	v4 =	vld [tilespmem:s2+$0x30];
	[tilespmem:s2+$0x20] =	vst v3  }
0x1e6: {  	v3 =	vld [tilespmem:s10+$0xFFFFFFF0];
	_ =	sdelay $0x4  }
0x1e7: {  	v3 =	vadd.f32 v3, v4;
	_ =	sdelay $0x1  }
0x1e8: {  	v4 =	vld [tilespmem:s2+$0x40];
	[tilespmem:s2+$0x30] =	vst v3  }
0x1e9: {  	v3 =	vld [tilespmem:s10+$0x0];
	_ =	sdelay $0x4  }
0x1ea: {  	v3 =	vadd.f32 v3, v4;
	_ =	sdelay $0x1  }
0x1eb: {  	v4 =	vld [tilespmem:s2+$0x50];
	[tilespmem:s2+$0x40] =	vst v3  }
0x1ec: {  	v3 =	vld [tilespmem:s10+$0x10];
	_ =	sdelay $0x4  }
0x1ed: {  	v3 =	vadd.f32 v3, v4;
	_ =	sdelay $0x1  }
0x1ee: {  	v4 =	vld [tilespmem:s2+$0x60];
	[tilespmem:s2+$0x50] =	vst v3  }
0x1ef: {  	v3 =	vld [tilespmem:s10+$0x20];
	_ =	sdelay $0x4  }
0x1f0: {  	v4 =	vadd.f32 v3, v4;
	_ =	sdelay $0x1  }
0x1f1: {  	v3 =	vld [tilespmem:s2+$0x70];
	[tilespmem:s2+$0x60] =	vst v4  }
0x1f2: {  	v4 =	vld [tilespmem:s10+$0x30];
	_ =	sdelay $0x1  }
0x1f3: {  	s19 =	simm.s32 $0x100;
	s17 =	simm.s32 $0x200  }
0x1f4: {  	s9 =	sand.u32 $0xF800, s19;
	s0 =	simm.s32 $0xF4C0;
	s10 =	simm.s32 $0x80  }
.LBB2_7:
0x1f5: {  	s13 =	smov.u32 s17  }
0x1f6: {  	s19 =	sand.u32 $0xF800, s17;
	s12 =	sand.u32 $0x380, s10;
	v3 =	vadd.f32 v4, v3;
	s13 =	sadd.s32 $0x100, s17  }
0x1f7: {  	p0 =	sne.s32 s17, $0x9F00;
	s12 =	sor.u32 s12, s9;
	s9 =	smov.u32 s19  }
0x1f8: {  	v4 =	vld [tilespmem:s12+$0x14400];
	[tilespmem:s2+$0x70] =	vst v3  }
0x1f9: {  	v3 =	vld [tilespmem:s0+$0xFFFFFFC0];
	_ =	sdelay $0x4  }
0x1fa: {  	v3 =	vadd.f32 v3, v4  }
0x1fb: {  	s2 =	sadd.s32 $0x14400, s12  }
0x1fc: {  	[tilespmem:s12+$0x14400] =	vst v3  }
0x1fd: {  	v3 =	vld [tilespmem:s0+$0xFFFFFFD0]  }
0x1fe: {  	v4 =	vld [tilespmem:s2+$0x10];
	_ =	sdelay $0x4  }
0x1ff: {  	v3 =	vadd.f32 v3, v4;
	_ =	sdelay $0x1  }
0x200: {  	[tilespmem:s2+$0x10] =	vst v3;
	v3 =	vld [tilespmem:s2+$0x20]  }
0x201: {  	v4 =	vld [tilespmem:s0+$0xFFFFFFE0];
	_ =	sdelay $0x4  }
0x202: {  	v3 =	vadd.f32 v4, v3  }
0x203: {  	v4 =	vld [tilespmem:s2+$0x30]  }
0x204: {  	[tilespmem:s2+$0x20] =	vst v3  }
0x205: {  	v3 =	vld [tilespmem:s0+$0xFFFFFFF0];
	_ =	sdelay $0x4  }
0x206: {  	v3 =	vadd.f32 v3, v4;
	v4 =	vld [tilespmem:s2+$0x40];
	_ =	sdelay $0x1  }
0x207: {  	[tilespmem:s2+$0x30] =	vst v3  }
0x208: {  	v3 =	vld [tilespmem:s0+$0x0];
	_ =	sdelay $0x4  }
0x209: {  	v3 =	vadd.f32 v3, v4;
	v4 =	vld [tilespmem:s2+$0x50];
	_ =	sdelay $0x1  }
0x20a: {  	[tilespmem:s2+$0x40] =	vst v3  }
0x20b: {  	v3 =	vld [tilespmem:s0+$0x10];
	_ =	sdelay $0x4  }
0x20c: {  	v3 =	vadd.f32 v3, v4;
	v4 =	vld [tilespmem:s2+$0x60];
	_ =	sdelay $0x1  }
0x20d: {  	[tilespmem:s2+$0x50] =	vst v3  }
0x20e: {  	v3 =	vld [tilespmem:s0+$0x20];
	_ =	sdelay $0x4  }
0x20f: {  	v4 =	vadd.f32 v3, v4;
	v3 =	vld [tilespmem:s2+$0x70];
	_ =	sdelay $0x1  }
0x210: {  	[tilespmem:s2+$0x60] =	vst v4  }
.Ltmp2:
0x211: {  	v4 =	vld [tilespmem:s0+$0x30];
	(pc) =	sbr.rel @p0 .LBB2_7-.Ltmp2, $2  }
0x212: {  	_ =	sdelay $0x2  }
0x213: {  	s10 =	sadd.s32 $0x80, s10;
	s17 =	smov.u32 s13;
	s0 =	sadd.s32 $0x80, s0  }
0x214: {  	s10 =	sand.u32 $0x380, s10;
	v3 =	vadd.f32 v4, v3  }
0x215: {  	s9 =	sor.u32 s10, s9  }
0x216: {  	v56 =	vld [tilespmem:s9+$0x14400];
	[tilespmem:s2+$0x70] =	vst v3  }
0x217: {  	v3 =	vld [tilespmem:s0+$0xFFFFFFC0];
	_ =	sdelay $0x4  }
0x218: {  	v3 =	vadd.f32 v3, v56;
	_ =	sdelay $0x1  }
0x219: {  	[tilespmem:s9+$0x14400] =	vst v3  }
0x21a: {  	s19 =	sadd.s32 $0x14400, s9;
	v3 =	vld [tilespmem:s0+$0xFFFFFFD0]  }
0x21b: {  	v57 =	vld [tilespmem:s19+$0x10];
	_ =	sdelay $0x4  }
0x21c: {  	v3 =	vadd.f32 v3, v57;
	_ =	sdelay $0x1  }
0x21d: {  	[tilespmem:s19+$0x10] =	vst v3;
	v3 =	vld [tilespmem:s19+$0x20]  }
0x21e: {  	v58 =	vld [tilespmem:s0+$0xFFFFFFE0];
	_ =	sdelay $0x4  }
0x21f: {  	v3 =	vadd.f32 v58, v3;
	_ =	sdelay $0x1  }
0x220: {  	v59 =	vld [tilespmem:s19+$0x30];
	[tilespmem:s19+$0x20] =	vst v3  }
0x221: {  	v3 =	vld [tilespmem:s0+$0xFFFFFFF0];
	_ =	sdelay $0x4  }
0x222: {  	v3 =	vadd.f32 v3, v59;
	_ =	sdelay $0x1  }
0x223: {  	v60 =	vld [tilespmem:s19+$0x40];
	[tilespmem:s19+$0x30] =	vst v3  }
0x224: {  	v3 =	vld [tilespmem:s0+$0x0];
	_ =	sdelay $0x4  }
0x225: {  	v3 =	vadd.f32 v3, v60;
	_ =	sdelay $0x1  }
0x226: {  	v61 =	vld [tilespmem:s19+$0x50];
	[tilespmem:s19+$0x40] =	vst v3  }
0x227: {  	v3 =	vld [tilespmem:s0+$0x10];
	_ =	sdelay $0x4  }
0x228: {  	v3 =	vadd.f32 v3, v61;
	_ =	sdelay $0x1  }
0x229: {  	v62 =	vld [tilespmem:s19+$0x60];
	[tilespmem:s19+$0x50] =	vst v3  }
0x22a: {  	v3 =	vld [tilespmem:s0+$0x20];
	_ =	sdelay $0x4  }
0x22b: {  	v3 =	vadd.f32 v3, v62;
	_ =	sdelay $0x1  }
0x22c: {  	v63 =	vld [tilespmem:s19+$0x70];
	[tilespmem:s19+$0x60] =	vst v3  }
0x22d: {  	v3 =	vld [tilespmem:s0+$0x30];
	_ =	sdelay $0x1  }
0x22e: {  	s30 =	sadd.s32 $0x1, s30  }
0x22f: {  	p0 =	sne.s32 s30, $0x10  }
.Ltmp3:
0x230: {  	_ = 	snop;
	(pc) =	sbr.rel @p0 .LBB2_2-.Ltmp3, $4  }
0x231: {  	v3 =	vadd.f32 v3, v63  }
0x232: {  	s31 =	sshll.u32 s31, $0x5  }
0x233: {  	s0 =	sadd.s32 s8, s31;
	[tilespmem:s19+$0x70] =	vst v3  }
0x234: {  	[hbm4b:s0+s3] =	stream.linear.scatter [tilespmem:s23], [sflag:$0x4], $0xA000, $0x38;
	[tilespmem:$0x1E400] =	vst v63  }
0x235: {  	s2 =	simm.s32 $0x4  }
0x236: {  	_ =	swait.ge [sflag:s2], $0xA000  }
0x237: {  	s9 =	rddreg [dreg:$0x7]  }
0x238: {  	s0 =	rddreg [dreg:$0x6];
	s9 =	sadd.s32 $0x1, s9  }
0x239: {  	p0 =	sne.s32 s9, s0  }
.Ltmp4:
0x23a: {  	_ = 	snop;
	(pc) =	sbr.rel @p0 .LBB2_1-.Ltmp4, $3  }
0x23b: {  	_ =	sdelay $0x1  }
0x23c: {  	[sflag:s2] =	ssyncset.done $0x0  }
0x23d: {  	[sflag:s2] =	ssyncadd.s32 $0xFFFF6000  }
0x23e: {  	_ =	sfence.sel $0x180000  }
0x23f: {  	[bflag:$0x0] =	sbarrier.arrive $0xFFFF  }
0x240: {  	_ =	strace $0x9000004A  }
0x241: {  	s0 =	stileid.u32;
	[bflag:$0x2] =	sbarrier.arrive $0xFFFF  }
0x242: {  	p0 =	sne.s32 s0, $0x0;
	s0 =	rddreg [dreg:$0x2]  }
0x243: {  	s0 =	sadd.s32 @!p0 $0x100000, s0  }
0x244: {  	[sflag:s0] =	ssyncadd.tile.s32 @!p0 $0x1;
	_ =	shalt  }
.Lfunc_end2:
_tile_overlayer_lowered:
.L_overlay_start_2:
0x245: {  	(tag) =	ssettag $0x2  }
0x246: {  	s0 =	rddreg [dreg:$0x0];
	s2 =	stileid.u32  }
0x247: {  	s1 =	rddreg [dreg:$0x1];
	p0 =	sne.s32 s2, $0x0  }
0x248: {  	s3 =	rddreg [dreg:$0x2];
	[bflag:$0x3] =	sbarrier.arrive $0xFFFF;
	s2 =	simm.s32 @!p0 $0x1C05  }
0x249: {  	[timem:s3], [sflag:s2] =	dma.local @!p0 [hbm:s0], s1  }
0x24a: {  	s0 =	simm.s32 @!p0 $0x5  }
0x24b: {  	_ =	swait.ge @!p0 [sflag:s0], s1  }
0x24c: {  	s1 =	ssub.s32 @!p0 $0x0, s1;
	[sflag:s0] =	ssyncset.done @!p0 $0x0  }
0x24d: {  	[sflag:s0] =	ssyncadd.s32 @!p0 s1  }
0x24e: {  	[bflag:$0x3] =	sbarrier.arrive $0xFFFF  }
0x24f: {  	_ =	shalt  }

// kernel: kernel.13.cloned.1.call-start
scs
__scs_entry_jumppad:
0x0: {  	(pc) =	sbr.rel $0x88, $3  }
0x1: {  	(tag) =	ssettag $0x0;
	lr =	simm.s32 $0x1  }
0x2: {  	[smem:$0x3F8F] =	sst lr;
	_ =	strace $0xD0000000  }
0x3: {  	_ = 	snop  }
0x4: {  	_ = 	snop  }
0x5: {  	_ = 	snop  }
0x6: {  	_ = 	snop  }
0x7: {  	_ = 	snop  }
__scs_overlays_trampoline_lowered:
0x8: {  	[smem:$0x3F9E] =	sst s0  }
0x9: {  	[smem:$0x3F9F] =	sst s1  }
0xa: {  	[smem:$0x3FA0] =	sst s2  }
0xb: {  	[smem:$0x3FA1] =	sst s3  }
0xc: {  	[smem:$0x3FA2] =	sst s4  }
0xd: {  	[smem:$0x3FA3] =	sst s5  }
0xe: {  	[smem:$0x3FA4] =	sst s6  }
0xf: {  	[smem:$0x3FA5] =	sst s7  }
0x10: {  	[smem:$0x3FA6] =	sst s8  }
0x11: {  	[smem:$0x3FA7] =	sst s9;
	s0 =	simm.s32 @!p0 $0x0  }
0x12: {  	s1 =	sld [smem:$0x3F8D];
	s0 =	simm.s32 @p0 $0x1  }
0x13: {  	[smem:$0x3FA8] =	sst s0;
	s0 =	simm.s32 @!p1 $0x0  }
0x14: {  	s2 =	sld [smem:$0x3F8C];
	s0 =	simm.s32 @p1 $0x1  }
0x15: {  	[smem:$0x3FA9] =	sst s0;
	s0 =	simm.s32 @!p2 $0x0  }
0x16: {  	s3 =	sld [smem:$0x3FDB];
	s0 =	simm.s32 @p2 $0x1  }
0x17: {  	s4 =	simm.s32 $0x1BF5;
	[smem:$0x3FAB] =	sst s0  }
0x18: {  	s0 =	sld [smem:$0x3F8E];
	_ =	swait.ge [sflag:s4], $0x0  }
0x19: {  	s7 =	sld [smem:$0x3F8F]  }
0x1a: {  	s8 =	sadd.s32 $0xFFFFE003, lr  }
0x1b: {  	s9 =	sadd.s32 $0xFFFFFEF7, lr;
	s5 =	simm.s32 $0xFFFFFFFF;
	p2 =	slt.u32 s8, $0xFFFFF086  }
0x1c: {  	p1 =	slt.u32 s9, $0xF7A;
	s5 =	simm.s32 @!p2 $0x0  }
0x1d: {  	s5 =	simm.s32 @p1 $0x1;
	p0 =	seq.s32 s7, s2  }
0x1e: {  	s7 =	smul.u32 @!p0 $0xF7A, s2;
	p2 =	seq.s32 @!p0 s5, $0x0  }
0x1f: {  	s9 =	smul.u32 $0xF7A, s1;
	s8 =	simm.s32 @!p0 $0x1BF5;
	p2 =	por !p2, p0  }
0x20: {  	[sflag:s8] =	ssyncset.s32 @!p0 $0xFFFFF086;
	s6 =	sadd.s32 @!p0 s3, s7;
	s7 =	simm.s32 @!p0 $0x108  }
0x21: {  	s3 =	sadd.s32 s3, s9;
	s6 =	sadd.s32 @!p0 $0x88, s6;
	s7 =	simm.s32 @p2 $0x1082  }
0x22: {  	[simem:s7], [sflag:s8] =	dma.local @!p0 [hbm:s6], $0xF7A  }
0x23: {  	s9 =	sor.u32 $0xD0000000, s2;
	s6 =	simm.s32 $0x108;
	_ =	swait.ge @!p0 [sflag:s8], $0x0  }
0x24: {  	s3 =	sadd.s32 $0x88, s3;
	s6 =	simm.s32 @!p1 $0x1082;
	[sflag:s4] =	ssyncset.s32 $0xFFFFF086  }
0x25: {  	[simem:s6], [sflag:s4] =	dma.local [hbm:s3], $0xF7A  }
0x26: {  	[smem:$0x3F8F] =	sst s1;
	(tag) =	ssettag s2;
	_ =	strace s9  }
0x27: {  	s1 =	sld [smem:$0x3F9F]  }
0x28: {  	s2 =	sld [smem:$0x3FA0]  }
0x29: {  	s4 =	sld [smem:$0x3FA2]  }
0x2a: {  	p0 =	seq.s32 s5, $0x0;
	s5 =	sld [smem:$0x3FA3]  }
0x2b: {  	s6 =	sld [smem:$0x3FA4]  }
0x2c: {  	s7 =	sld [smem:$0x3FA5]  }
0x2d: {  	s3 =	simm.s32 $0x108;
	s8 =	sld [smem:$0x3FA6]  }
0x2e: {  	s3 =	simm.s32 @!p0 $0x1082;
	s9 =	sld [smem:$0x3FA7]  }
0x2f: {  	lr =	sadd.s32 s0, s3;
	s0 =	sld [smem:$0x3F9E]  }
0x30: {  	s3 =	sld [smem:$0x3FA1]  }
0x31: {  	[smem:$0x3FAA] =	sst s10  }
0x32: {  	s10 =	sld [smem:$0x3FA8];
	_ =	sdelay $0x3  }
0x33: {  	p0 =	seq.s32 s10, $0x1;
	s10 =	sld [smem:$0x3FAA];
	_ =	sdelay $0x3  }
0x34: {  	[smem:$0x3FAA] =	sst s10  }
0x35: {  	s10 =	sld [smem:$0x3FA9];
	_ =	sdelay $0x3  }
0x36: {  	p1 =	seq.s32 s10, $0x1;
	s10 =	sld [smem:$0x3FAA];
	_ =	sdelay $0x3  }
0x37: {  	[smem:$0x3FAA] =	sst s10  }
0x38: {  	s10 =	sld [smem:$0x3FAB]  }
0x39: {  	_ = 	snop;
	(pc) =	sbr.ind lr, $3  }
0x3a: {  	_ = 	snop  }
0x3b: {  	_ = 	snop  }
0x3c: {  	p2 =	seq.s32 s10, $0x1;
	s10 =	sld [smem:$0x3FAA]  }
0x3d: {  	_ =	shalt  }
0x3e: {  	_ =	shalt  }
0x3f: {  	_ =	shalt  }
0x40: {  	_ =	shalt  }
0x41: {  	_ =	shalt  }
0x42: {  	_ =	shalt  }
0x43: {  	_ =	shalt  }
0x44: {  	_ =	shalt  }
0x45: {  	_ =	shalt  }
0x46: {  	_ =	shalt  }
0x47: {  	_ =	shalt  }
0x48: {  	_ =	shalt  }
0x49: {  	_ =	shalt  }
0x4a: {  	_ =	shalt  }
0x4b: {  	_ =	shalt  }
0x4c: {  	_ =	shalt  }
0x4d: {  	_ =	shalt  }
0x4e: {  	_ =	shalt  }
0x4f: {  	_ =	shalt  }
0x50: {  	_ =	shalt  }
0x51: {  	_ =	shalt  }
0x52: {  	_ =	shalt  }
0x53: {  	_ =	shalt  }
0x54: {  	_ =	shalt  }
0x55: {  	_ =	shalt  }
0x56: {  	_ =	shalt  }
0x57: {  	_ =	shalt  }
0x58: {  	_ =	shalt  }
0x59: {  	_ =	shalt  }
0x5a: {  	_ =	shalt  }
0x5b: {  	_ =	shalt  }
0x5c: {  	_ =	shalt  }
0x5d: {  	_ =	shalt  }
0x5e: {  	_ =	shalt  }
0x5f: {  	_ =	shalt  }
0x60: {  	_ =	shalt  }
0x61: {  	_ =	shalt  }
0x62: {  	_ =	shalt  }
0x63: {  	_ =	shalt  }
0x64: {  	_ =	shalt  }
0x65: {  	_ =	shalt  }
0x66: {  	_ =	shalt  }
0x67: {  	_ =	shalt  }
0x68: {  	_ =	shalt  }
0x69: {  	_ =	shalt  }
0x6a: {  	_ =	shalt  }
0x6b: {  	_ =	shalt  }
0x6c: {  	_ =	shalt  }
0x6d: {  	_ =	shalt  }
0x6e: {  	_ =	shalt  }
0x6f: {  	_ =	shalt  }
0x70: {  	_ =	shalt  }
0x71: {  	_ =	shalt  }
0x72: {  	_ =	shalt  }
0x73: {  	_ =	shalt  }
0x74: {  	_ =	shalt  }
0x75: {  	_ =	shalt  }
0x76: {  	_ =	shalt  }
0x77: {  	_ =	shalt  }
0x78: {  	_ =	shalt  }
0x79: {  	_ =	shalt  }
0x7a: {  	_ =	shalt  }
0x7b: {  	_ =	shalt  }
0x7c: {  	_ =	shalt  }
0x7d: {  	_ =	shalt  }
0x7e: {  	_ =	shalt  }
0x7f: {  	_ =	shalt  }
0x80: {  	_ =	shalt  }
0x81: {  	_ =	shalt  }
0x82: {  	_ =	shalt  }
0x83: {  	_ =	shalt  }
0x84: {  	_ =	shalt  }
0x85: {  	_ =	shalt  }
0x86: {  	_ =	shalt  }
0x87: {  	_ =	shalt  }
.Lfunc_end0:
.L_simem_size_0:
called_computation.1_lowered:
.L_overlay_start_0:
0x88: {  	s2 =	sld [smem:$0x3FD9]  }
0x89: {  	s3 =	sld [smem:$0x3FFE];
	_ =	sdelay $0x1  }
0x8a: {  	s1 =	srdreg.scid  }
0x8b: {  	s0 =	sand.u32 $0x1, s1  }
0x8c: {  	s17 =	sshll.u32 s0, $0xA;
	s2 =	sadd.s32 s3, s2  }
0x8d: {  	s2 =	sadd.s32 s2, s17  }
0x8e: {  	[smem:$0x3FB6] =	sst s2  }
0x8f: {  	_ = 	snop  }
0x90: {  	s2 =	sld [smem:$0x3FD0];
	(tm) =	ssettm $0x1  }
0x91: {  	s18 =	sld [smem:$0x3FFB];
	_ =	sdelay $0x3  }
0x92: {  	_ =	strace s18  }
0x93: {  	s3 =	sld [smem:$0x3FFC];
	_ =	sdelay $0x3  }
0x94: {  	_ =	strace s3  }
0x95: {  	s3 =	sld [smem:$0x3FFD];
	_ =	sdelay $0x3  }
0x96: {  	_ =	strace s3  }
0x97: {  	_ =	strace $0x8FFFFFFF  }
0x98: {  	s19 =	sld [smem:$0x3FDB];
	_ =	sdelay $0x1  }
0x99: {  	s4 =	simm.s32 $_scs_section_size  }
0x9a: {  	s5 =	simm.s32 $_size__tile_overlayer_lowered;
	s6 =	simm.s32 $_tile_overlayer_lowered  }
0x9b: {  	s22 =	simm.s32 $0x1BFF;
	s21 =	sshll.u32 s6, $0x1;
	s3 =	sadd.s32 s4, s19  }
0x9c: {  	s7 =	simm.s32 $0x0;
	s20 =	sshll.u32 s5, $0x1;
	s5 =	sadd.s32 s21, s3  }
0x9d: {  	[timem:s7], [sflag:s22] =	dma.local [hbm:s5], s20  }
0x9e: {  	_ =	swait.ge [sflag:s22], s20  }
0x9f: {  	s4 =	ssub.s32 $0x0, s20;
	[sflag:s22] =	ssyncset.done $0x0  }
0xa0: {  	[sflag:s22] =	ssyncadd.s32 s4;
	_ =	sdelay $0x1  }
0xa1: {  	s23 =	simm.s32 $0x1B8B  }
0xa2: {  	_ =	swait.ge [sflag:s23], $0x1  }
0xa3: {  	[sflag:s23] =	ssyncset.done $0x0  }
0xa4: {  	s25 =	simm.s32 $0x1B8E;
	s24 =	sld [smem:$0x3FFE];
	[sflag:s23] =	ssyncadd.s32 $0xFFFFFFFF  }
0xa5: {  	s26 =	simm.s32 $execute0_lowered;
	[smem:$0x3FD2] =	sst s25  }
0xa6: {  	s5 =	sshll.u32 s26, $0x1;
	_ =	strace $0x80000046;
	[dreg:$0x1] =	wrdreg $0xFFFFFFFF  }
0xa7: {  	s28 =	simm.s32 $_size_execute0_lowered;
	s3 =	sadd.s32 s3, s5;
	[dreg:$0x0] =	wrdreg $0x0  }
0xa8: {  	s5 =	sshll.u32 s28, $0x1;
	[dreg:$0x2] =	wrdreg s3  }
0xa9: {  	[dreg:$0x3] =	wrdreg s5  }
0xaa: {  	[dreg:$0x4] =	wrdreg $0xC0  }
0xab: {  	_ =	task [dreg:s7], $0x5FFFF  }
0xac: {  	[dreg:$0x1] =	wrdreg $0xFFFFFFFF  }
0xad: {  	[dreg:$0x0] =	wrdreg $0x60  }
0xae: {  	[dreg:$0x2] =	wrdreg s2  }
0xaf: {  	[dreg:$0x3] =	wrdreg s24  }
0xb0: {  	[dreg:$0x4] =	wrdreg $0xA  }
0xb1: {  	_ =	task.clear_ibuf [dreg:s7], $0x5FFFF;
	_ =	strace $0x90000046  }
0xb2: {  	s29 =	simm.s32 $0xA;
	_ =	strace $0x80000048  }
0xb3: {  	_ =	swait.ge [sflag:s29], $0x1  }
0xb4: {  	[sflag:s29] =	ssyncadd.s32 $0xFFFFFFFF  }
0xb5: {  	_ =	strace $0x90000048  }
0xb6: {  	_ =	sfence  }
0xb7: {  	s30 =	sld [smem:$0x0];
	_ =	sdelay $0x2  }
0xb8: {  	s31 =	sshll.u32 s1, $0xD;
	s1 =	sshrl.u32 s1, $0x2  }
0xb9: {  	s3 =	sand.u32 $0x4000, s31;
	s1 =	sadd.s32 s1, s30  }
0xba: {  	s0 =	sor.u32 s3, s0;
	s1 =	sshll.u32 s1, $0x11  }
0xbb: {  	s0 =	sor.u32 s1, s0  }
0xbc: {  	s0 =	sadd.s32 $0x8F2B, s0  }
0xbd: {  	[sflag:s0] =	ssyncadd.remote.s32 $0x1  }
0xbe: {  	_ =	sfence.sel $0xFFFF  }
0xbf: {  	[dreg:$0x0] =	wrdreg $0xFFFFFFFF;
	(pc) =	sbr.abs _section_cstart, $3  }
0xc0: {  	[dreg:$0x1] =	wrdreg $0xFFFFFFFF  }
0xc1: {  	_ =	task.clear_ibuf [dreg:s7], $0x2FFFF;
	_ =	strace $0x9FFFFFFF  }
0xc2: {  	(tm) =	ssettm $0x7FFFFFFF  }
0xc3: {  	_ =	shalt  }
tec
execute0_lowered:
.L_overlay_start_1:
0x0: {  	(tag) =	ssettag $0x1  }
0x1: {  	s2 =	rddreg [dreg:$0x0]  }
0x2: {  	s0 =	rddreg [dreg:$0x1]  }
0x3: {  	s1 =	srdreg.scid;
	s4 =	stileid.u32  }
0x4: {  	s3 =	simm.s32 $0x0;
	s15 =	simm.s32 $0x80;
	s16 =	simm.s32 $0x5  }
0x5: {  	s17 =	simm.s32 $0x50;
	s19 =	simm.s32 $0x2900;
	s28 =	simm.s32 $0x6900  }
0x6: {  	s29 =	simm.s32 $0x7100;
	s30 =	simm.s32 $0x7980;
	s14 =	simm.s32 $0x1  }
0x7: {  	s31 =	simm.s32 $0x3;
	s1 =	sand.u32 $0x1, s1;
	s4 =	sshll.u32 s4, $0x1  }
0x8: {  	[smem:$0x7FF] =	sst s3;
	s6 =	sadd.s32 $0x9C00, s0;
	s7 =	sor.u32 s1, s4  }
0x9: {  	s8 =	sadd.s32 $0x5CC00, s0;
	s1 =	ssub.s32 $0x2, s1;
	s5 =	smul.u32 $0x1310, s7  }
0xa: {  	_ =	strace $0x80000047;
	s9 =	smul.u32 $0x131000, s7;
	s24 =	sshrl.u32 s1, $0x1  }
0xb: {  	s4 =	sadd.s32 $0xEA00, s0;
	s7 =	sadd.s32 $0x4E00, s0;
	s0 =	ssub.s32 s1, s24  }
0xc: {  	s25 =	sshrl.u32 s5, $0x3;
	s9 =	sshrl.u32 s9, $0x3;
	s11 =	sadd.s32 $0x50, s5  }
0xd: {  	s12 =	sadd.s32 $0xA0, s5;
	s0 =	smax.u32 s0, $0x1;
	s10 =	sadd.s32 s7, s25  }
0xe: {  	s1 =	sadd.s32 s6, s25;
	s26 =	sadd.s32 s8, s9;
	[dreg:$0x6] =	wrdreg s0  }
0xf: {  	v2 =	vlaneseq.u32;
	s25 =	simm.s32 $0x5900;
	s0 =	simm.s32 $0x2;
	[dreg:$0x3] =	wrdreg s10  }
0x10: {  	vm0 =	vmmov $0xffff;
	v1 =	vshrl.u32 v2, $0x3;
	[dreg:$0x4] =	wrdreg s1;
	s1 =	sadd.s32 $0x25800, s26;
	s26 =	simm.s32 $0x6100  }
0x11: {  	v0 =	vand.u32 $0x7, v2;
	v2 =	vor.u32 $0x8, v2;
	v1 =	vmul.u32 $0x8, v1;
	s10 =	simm.s32 $0x0;
	[dreg:$0x5] =	wrdreg s1;
	s1 =	simm.s32 $0xA200  }
.LBB2_1:
0x12: {  	[dreg:$0x7] =	wrdreg s10  }
0x13: {  	s9 =	rddreg [dreg:$0x3]  }
0x14: {  	[tilespmem:s15], [sflag:$0x5] =	stream.linear.gather [hbm4b:s9+s3], $0x50, $0x38;
	[tilespmem:$0xF200] =	vst v63  }
0x15: {  	_ =	swait.ge [sflag:s16], $0x50  }
0x16: {  	[sflag:s16] =	ssyncset.done $0x0  }
0x17: {  	s13 =	rddreg [dreg:$0x4];
	[sflag:s16] =	ssyncadd.s32 $0xFFFFFFB0  }
0x18: {  	[tilespmem:s3], [sflag:$0x5] =	stream.linear.gather [hbm4b:s13+s3], $0x50, $0x38;
	[tilespmem:$0xF200] =	vst v63  }
0x19: {  	_ =	swait.ge [sflag:s16], $0x50  }
0x1a: {  	[sflag:s16] =	ssyncset.done $0x0  }
0x1b: {  	s18 =	simm.s32 $0x100;
	[sflag:s16] =	ssyncadd.s32 $0xFFFFFFB0  }
0x1c: {  	[tilespmem:s18], [sflag:$0x1] =	stream.indirect.gather [hbm4b:s2+s17], $0x80, s15, s17, $0xb8;
	[tilespmem:$0xF200] =	vst v63  }
0x1d: {  	v3 =	vld [tilespmem:$0x0];
	_ =	sdelay $0x4  }
0x1e: {  	v4 =	vshll.u32 v3, $0x1  }
0x1f: {  	v3 =	vand.u32 $0x7, v3;
	v4 =	vand.u32 $0xFFFFFFF0, v4  }
0x20: {  	v3 =	vor.u32 v3, v4  }
0x21: {  	v4 =	vperm.xlane v3, v0;
	_ =	sdelay $0x1  }
0x22: {  	v3 =	vperm.xlane v3, v2;
	v4 =	vadd.s32 v1, v4;
	_ =	sdelay $0x1  }
0x23: {  	v3 =	vadd.s32 v1, v3;
	_ =	sdelay $0x2  }
0x24: {  	[tilespmem:s19], [sflag:$0x1] =	stream.indirect_vreg.gather [hbm4b:s4+s3], $0x80, v4, vm0, $0xb8;
	[tilespmem:$0xF200] =	vst v63  }
0x25: {  	s20 =	simm.s32 $0x3100  }
0x26: {  	[tilespmem:s20], [sflag:$0x1] =	stream.indirect_vreg.gather [hbm4b:s4+s3], $0x80, v3, vm0, $0xb8;
	[tilespmem:$0xF200] =	vst v63  }
0x27: {  	v3 =	vld [tilespmem:$0x10];
	_ =	sdelay $0x4  }
0x28: {  	v60 =	vshll.u32 v3, $0x1  }
0x29: {  	v3 =	vand.u32 $0x7, v3;
	v4 =	vand.u32 $0xFFFFFFF0, v60  }
0x2a: {  	v3 =	vor.u32 v3, v4  }
0x2b: {  	v4 =	vperm.xlane v3, v0;
	_ =	sdelay $0x1  }
0x2c: {  	v3 =	vperm.xlane v3, v2;
	v4 =	vadd.s32 v1, v4;
	_ =	sdelay $0x1  }
0x2d: {  	v3 =	vadd.s32 v1, v3;
	_ =	sdelay $0x1  }
0x2e: {  	s21 =	simm.s32 $0x3900  }
0x2f: {  	[tilespmem:s21], [sflag:$0x1] =	stream.indirect_vreg.gather [hbm4b:s4+s3], $0x80, v4, vm0, $0xb8;
	[tilespmem:$0xF200] =	vst v63  }
0x30: {  	s22 =	simm.s32 $0x4100  }
0x31: {  	[tilespmem:s22], [sflag:$0x1] =	stream.indirect_vreg.gather [hbm4b:s4+s3], $0x80, v3, vm0, $0xb8;
	[tilespmem:$0xF200] =	vst v63  }
0x32: {  	v3 =	vld [tilespmem:$0x20];
	_ =	sdelay $0x4  }
0x33: {  	v61 =	vshll.u32 v3, $0x1  }
0x34: {  	v3 =	vand.u32 $0x7, v3;
	v4 =	vand.u32 $0xFFFFFFF0, v61  }
0x35: {  	v3 =	vor.u32 v3, v4  }
0x36: {  	v4 =	vperm.xlane v3, v0;
	_ =	sdelay $0x1  }
0x37: {  	v3 =	vperm.xlane v3, v2;
	v4 =	vadd.s32 v1, v4;
	_ =	sdelay $0x1  }
0x38: {  	v3 =	vadd.s32 v1, v3;
	_ =	sdelay $0x1  }
0x39: {  	s23 =	simm.s32 $0x4900  }
0x3a: {  	[tilespmem:s23], [sflag:$0x1] =	stream.indirect_vreg.gather [hbm4b:s4+s3], $0x80, v4, vm0, $0xb8;
	[tilespmem:$0xF200] =	vst v63  }
0x3b: {  	s24 =	simm.s32 $0x5100  }
0x3c: {  	[tilespmem:s24], [sflag:$0x1] =	stream.indirect_vreg.gather [hbm4b:s4+s3], $0x80, v3, vm0, $0xb8;
	[tilespmem:$0xF200] =	vst v63  }
0x3d: {  	v3 =	vld [tilespmem:$0x30];
	_ =	sdelay $0x4  }
0x3e: {  	v62 =	vshll.u32 v3, $0x1  }
0x3f: {  	v3 =	vand.u32 $0x7, v3;
	v4 =	vand.u32 $0xFFFFFFF0, v62  }
0x40: {  	v3 =	vor.u32 v3, v4  }
0x41: {  	v4 =	vperm.xlane v3, v0;
	_ =	sdelay $0x1  }
0x42: {  	v3 =	vperm.xlane v3, v2;
	v4 =	vadd.s32 v1, v4;
	_ =	sdelay $0x1  }
0x43: {  	v3 =	vadd.s32 v1, v3;
	_ =	sdelay $0x2  }
0x44: {  	[tilespmem:s25], [sflag:$0x1] =	stream.indirect_vreg.gather [hbm4b:s4+s3], $0x80, v4, vm0, $0xb8;
	[tilespmem:$0xF200] =	vst v63  }
0x45: {  	_ = 	snop  }
0x46: {  	[tilespmem:s26], [sflag:$0x1] =	stream.indirect_vreg.gather [hbm4b:s4+s3], $0x80, v3, vm0, $0xb8;
	[tilespmem:$0xF200] =	vst v63  }
0x47: {  	v3 =	vld [tilespmem:$0x40];
	_ =	sdelay $0x4  }
0x48: {  	v63 =	vshll.u32 v3, $0x1  }
0x49: {  	v3 =	vand.u32 $0x7, v3;
	v4 =	vand.u32 $0xFFFFFFF0, v63  }
0x4a: {  	v3 =	vor.u32 v3, v4  }
0x4b: {  	v4 =	vperm.xlane v3, v0;
	_ =	sdelay $0x1  }
0x4c: {  	v3 =	vperm.xlane v3, v2;
	v4 =	vadd.s32 v1, v4;
	_ =	sdelay $0x1  }
0x4d: {  	v3 =	vadd.s32 v1, v3;
	_ =	sdelay $0x2  }
0x4e: {  	[tilespmem:s28], [sflag:$0x1] =	stream.indirect_vreg.gather [hbm4b:s4+s3], $0x80, v4, vm0, $0xb8;
	[tilespmem:$0xF200] =	vst v63  }
0x4f: {  	s9 =	simm.s32 $0x0  }
0x50: {  	[tilespmem:s29], [sflag:$0x1] =	stream.indirect_vreg.gather [hbm4b:s4+s3], $0x80, v3, vm0, $0xb8;
	[tilespmem:$0xF200] =	vst v63  }
.LBB2_2:
0x51: {  	p0 =	seq.s32 s9, $0x0;
	s13 =	smul.u32 $0xA0, s9  }
0x52: {  	s18 =	simm.s32 @!p0 $0x4  }
0x53: {  	_ =	swait.ge @!p0 [sflag:s18], $0x5000;
	s10 =	sadd.s32 s13, s11  }
0x54: {  	[sflag:s18] =	ssyncset.done @!p0 $0x0;
	s20 =	sshrl.u32 s10, $0x3  }
0x55: {  	[sflag:s18] =	ssyncadd.s32 @!p0 $0xFFFFB000;
	s21 =	sadd.s32 s7, s20;
	s18 =	simm.s32 $0x0  }
0x56: {  	[tilespmem:s30], [sflag:$0x5] =	stream.linear.gather [hbm4b:s21+s18], $0x50, $0x38;
	[tilespmem:$0xF200] =	vst v63  }
0x57: {  	_ =	swait.ge [sflag:s16], $0x50  }
0x58: {  	[sflag:s16] =	ssyncset.done $0x0  }
0x59: {  	s24 =	simm.s32 $0x7900;
	s20 =	sadd.s32 s6, s20;
	[sflag:s16] =	ssyncadd.s32 $0xFFFFFFB0  }
0x5a: {  	[tilespmem:s24], [sflag:$0x5] =	stream.linear.gather [hbm4b:s20+s18], $0x50, $0x38;
	[tilespmem:$0xF200] =	vst v63  }
0x5b: {  	_ =	swait.ge [sflag:s16], $0x50  }
0x5c: {  	[sflag:s16] =	ssyncset.done $0x0  }
0x5d: {  	s22 =	simm.s32 $0x7A00;
	[sflag:s16] =	ssyncadd.s32 $0xFFFFFFB0  }
0x5e: {  	[tilespmem:s22], [sflag:$0x2] =	stream.indirect.gather [hbm4b:s2+s17], $0x80, s30, s17, $0xb8;
	[tilespmem:$0xF200] =	vst v63  }
0x5f: {  	v3 =	vld [tilespmem:$0x7900];
	_ =	sdelay $0x4  }
0x60: {  	v4 =	vshll.u32 v3, $0x1  }
0x61: {  	v3 =	vand.u32 $0x7, v3;
	v4 =	vand.u32 $0xFFFFFFF0, v4  }
0x62: {  	v3 =	vor.u32 v3, v4  }
0x63: {  	v4 =	vperm.xlane v3, v0;
	_ =	sdelay $0x1  }
0x64: {  	v3 =	vperm.xlane v3, v2;
	v4 =	vadd.s32 v1, v4;
	_ =	sdelay $0x1  }
0x65: {  	v3 =	vadd.s32 v1, v3;
	_ =	sdelay $0x2  }
0x66: {  	[tilespmem:s1], [sflag:$0x2] =	stream.indirect_vreg.gather [hbm4b:s4+s18], $0x80, v4, vm0, $0xb8;
	[tilespmem:$0xF200] =	vst v63  }
0x67: {  	s23 =	simm.s32 $0xAA00  }
0x68: {  	[tilespmem:s23], [sflag:$0x2] =	stream.indirect_vreg.gather [hbm4b:s4+s18], $0x80, v3, vm0, $0xb8;
	[tilespmem:$0xF200] =	vst v63  }
0x69: {  	v3 =	vld [tilespmem:$0x7910];
	_ =	sdelay $0x4  }
0x6a: {  	v4 =	vshll.u32 v3, $0x1  }
0x6b: {  	v3 =	vand.u32 $0x7, v3;
	v4 =	vand.u32 $0xFFFFFFF0, v4  }
0x6c: {  	v3 =	vor.u32 v3, v4  }
0x6d: {  	v4 =	vperm.xlane v3, v0;
	_ =	sdelay $0x1  }
0x6e: {  	v3 =	vperm.xlane v3, v2;
	v4 =	vadd.s32 v1, v4;
	_ =	sdelay $0x1  }
0x6f: {  	v3 =	vadd.s32 v1, v3;
	_ =	sdelay $0x1  }
0x70: {  	s24 =	simm.s32 $0xB200  }
0x71: {  	[tilespmem:s24], [sflag:$0x2] =	stream.indirect_vreg.gather [hbm4b:s4+s18], $0x80, v4, vm0, $0xb8;
	[tilespmem:$0xF200] =	vst v63  }
0x72: {  	s21 =	simm.s32 $0xBA00  }
0x73: {  	[tilespmem:s21], [sflag:$0x2] =	stream.indirect_vreg.gather [hbm4b:s4+s18], $0x80, v3, vm0, $0xb8;
	[tilespmem:$0xF200] =	vst v63  }
0x74: {  	v3 =	vld [tilespmem:$0x7920];
	_ =	sdelay $0x4  }
0x75: {  	v4 =	vshll.u32 v3, $0x1  }
0x76: {  	v3 =	vand.u32 $0x7, v3;
	v4 =	vand.u32 $0xFFFFFFF0, v4  }
0x77: {  	v3 =	vor.u32 v3, v4  }
0x78: {  	v4 =	vperm.xlane v3, v0;
	_ =	sdelay $0x1  }
0x79: {  	v3 =	vperm.xlane v3, v2;
	v4 =	vadd.s32 v1, v4;
	_ =	sdelay $0x1  }
0x7a: {  	v3 =	vadd.s32 v1, v3;
	_ =	sdelay $0x1  }
0x7b: {  	s22 =	simm.s32 $0xC200  }
0x7c: {  	[tilespmem:s22], [sflag:$0x2] =	stream.indirect_vreg.gather [hbm4b:s4+s18], $0x80, v4, vm0, $0xb8;
	[tilespmem:$0xF200] =	vst v63  }
0x7d: {  	s23 =	simm.s32 $0xCA00  }
0x7e: {  	[tilespmem:s23], [sflag:$0x2] =	stream.indirect_vreg.gather [hbm4b:s4+s18], $0x80, v3, vm0, $0xb8;
	[tilespmem:$0xF200] =	vst v63  }
0x7f: {  	v3 =	vld [tilespmem:$0x7930];
	_ =	sdelay $0x4  }
0x80: {  	v4 =	vshll.u32 v3, $0x1  }
0x81: {  	v3 =	vand.u32 $0x7, v3;
	v4 =	vand.u32 $0xFFFFFFF0, v4  }
0x82: {  	v3 =	vor.u32 v3, v4  }
0x83: {  	v4 =	vperm.xlane v3, v0;
	_ =	sdelay $0x1  }
0x84: {  	v3 =	vperm.xlane v3, v2;
	v4 =	vadd.s32 v1, v4;
	_ =	sdelay $0x1  }
0x85: {  	v3 =	vadd.s32 v1, v3;
	_ =	sdelay $0x1  }
0x86: {  	s24 =	simm.s32 $0xD200  }
0x87: {  	[tilespmem:s24], [sflag:$0x2] =	stream.indirect_vreg.gather [hbm4b:s4+s18], $0x80, v4, vm0, $0xb8;
	[tilespmem:$0xF200] =	vst v63  }
0x88: {  	s21 =	simm.s32 $0xDA00  }
0x89: {  	[tilespmem:s21], [sflag:$0x2] =	stream.indirect_vreg.gather [hbm4b:s4+s18], $0x80, v3, vm0, $0xb8;
	[tilespmem:$0xF200] =	vst v63  }
0x8a: {  	v3 =	vld [tilespmem:$0x7940];
	_ =	sdelay $0x4  }
0x8b: {  	v4 =	vshll.u32 v3, $0x1  }
0x8c: {  	v3 =	vand.u32 $0x7, v3;
	v4 =	vand.u32 $0xFFFFFFF0, v4  }
0x8d: {  	v3 =	vor.u32 v3, v4  }
0x8e: {  	v4 =	vperm.xlane v3, v0;
	_ =	sdelay $0x1  }
0x8f: {  	v3 =	vperm.xlane v3, v2;
	v4 =	vadd.s32 v1, v4;
	_ =	sdelay $0x1  }
0x90: {  	v3 =	vadd.s32 v1, v3;
	_ =	sdelay $0x1  }
0x91: {  	s22 =	simm.s32 $0xE200  }
0x92: {  	[tilespmem:s22], [sflag:$0x2] =	stream.indirect_vreg.gather [hbm4b:s4+s18], $0x80, v4, vm0, $0xb8;
	[tilespmem:$0xF200] =	vst v63  }
0x93: {  	s23 =	simm.s32 $0xEA00  }
0x94: {  	[tilespmem:s23], [sflag:$0x2] =	stream.indirect_vreg.gather [hbm4b:s4+s18], $0x80, v3, vm0, $0xb8;
	[tilespmem:$0xF200] =	vst v63  }
0x95: {  	_ =	swait.ge [sflag:s14], $0x2800  }
0x96: {  	[sflag:s14] =	ssyncset.done $0x0  }
0x97: {  	[sflag:s14] =	ssyncadd.s32 $0xFFFFD800  }
0x98: {  	_ =	swait.ge [sflag:s14], $0x5000  }
0x99: {  	s24 =	sand.u32 $0x7800, s18;
	s18 =	sand.u32 $0x380, s18;
	[sflag:s14] =	ssyncset.done $0x0  }
0x9a: {  	s20 =	sor.u32 s18, s24;
	[sflag:s14] =	ssyncadd.s32 $0xFFFFB000  }
0x9b: {  	s18 =	simm.s32 $0x140;
	v3 =	vld [tilespmem:s20+$0x2900]  }
0x9c: {  	v4 =	vld [tilespmem:s18+$0xFFFFFFC0];
	_ =	sdelay $0x4  }
0x9d: {  	v3 =	vadd.f32 v4, v3;
	_ =	sdelay $0x1  }
0x9e: {  	[tilespmem:s20+$0x2900] =	vst v3;
	v3 =	vld [tilespmem:s20+$0x2910]  }
0x9f: {  	v4 =	vld [tilespmem:s18+$0xFFFFFFD0];
	_ =	sdelay $0x4  }
0xa0: {  	v3 =	vadd.f32 v4, v3;
	_ =	sdelay $0x1  }
0xa1: {  	[tilespmem:s20+$0x2910] =	vst v3;
	v3 =	vld [tilespmem:s20+$0x2920]  }
0xa2: {  	v4 =	vld [tilespmem:s18+$0xFFFFFFE0];
	_ =	sdelay $0x4  }
0xa3: {  	v3 =	vadd.f32 v4, v3;
	_ =	sdelay $0x1  }
0xa4: {  	[tilespmem:s20+$0x2920] =	vst v3;
	v3 =	vld [tilespmem:s20+$0x2930]  }
0xa5: {  	v4 =	vld [tilespmem:s18+$0xFFFFFFF0];
	_ =	sdelay $0x4  }
0xa6: {  	v3 =	vadd.f32 v4, v3;
	_ =	sdelay $0x1  }
0xa7: {  	[tilespmem:s20+$0x2930] =	vst v3;
	v3 =	vld [tilespmem:s20+$0x2940]  }
0xa8: {  	v4 =	vld [tilespmem:s18+$0x0];
	_ =	sdelay $0x4  }
0xa9: {  	v3 =	vadd.f32 v4, v3;
	_ =	sdelay $0x1  }
0xaa: {  	[tilespmem:s20+$0x2940] =	vst v3;
	v3 =	vld [tilespmem:s20+$0x2950]  }
0xab: {  	v4 =	vld [tilespmem:s18+$0x10];
	_ =	sdelay $0x4  }
0xac: {  	v3 =	vadd.f32 v4, v3;
	_ =	sdelay $0x1  }
0xad: {  	[tilespmem:s20+$0x2950] =	vst v3;
	v3 =	vld [tilespmem:s20+$0x2960]  }
0xae: {  	v4 =	vld [tilespmem:s18+$0x20];
	_ =	sdelay $0x4  }
0xaf: {  	v3 =	vadd.f32 v4, v3;
	_ =	sdelay $0x1  }
0xb0: {  	[tilespmem:s20+$0x2960] =	vst v3;
	v3 =	vld [tilespmem:s20+$0x2970]  }
0xb1: {  	v4 =	vld [tilespmem:s18+$0x30];
	_ =	sdelay $0x3  }
0xb2: {  	s21 =	simm.s32 $0x80;
	s22 =	simm.s32 $0x100  }
0xb3: {  	s22 =	sand.u32 $0x7800, s22;
	s23 =	sand.u32 $0x380, s21;
	v3 =	vadd.f32 v4, v3  }
0xb4: {  	s23 =	sor.u32 s23, s22;
	s22 =	simm.s32 $0x200  }
.LBB2_3:
0xb5: {  	p0 =	sne.s32 s22, $0x4F00;
	v4 =	vld [tilespmem:s23+$0x2900];
	[tilespmem:s20+$0x2970] =	vst v3;
	s18 =	sadd.s32 $0x80, s18;
	s20 =	smov.u32 s23  }
0xb6: {  	v3 =	vld [tilespmem:s18+$0xFFFFFFC0];
	_ =	sdelay $0x4  }
0xb7: {  	v3 =	vadd.f32 v3, v4;
	_ =	sdelay $0x1  }
0xb8: {  	[tilespmem:s20+$0x2900] =	vst v3;
	v3 =	vld [tilespmem:s20+$0x2910]  }
0xb9: {  	v4 =	vld [tilespmem:s18+$0xFFFFFFD0];
	_ =	sdelay $0x4  }
0xba: {  	v3 =	vadd.f32 v4, v3;
	_ =	sdelay $0x1  }
0xbb: {  	[tilespmem:s20+$0x2910] =	vst v3;
	v3 =	vld [tilespmem:s20+$0x2920]  }
0xbc: {  	v4 =	vld [tilespmem:s18+$0xFFFFFFE0];
	_ =	sdelay $0x4  }
0xbd: {  	v3 =	vadd.f32 v4, v3;
	_ =	sdelay $0x1  }
0xbe: {  	[tilespmem:s20+$0x2920] =	vst v3;
	v3 =	vld [tilespmem:s20+$0x2930]  }
0xbf: {  	v4 =	vld [tilespmem:s18+$0xFFFFFFF0];
	_ =	sdelay $0x4  }
0xc0: {  	v3 =	vadd.f32 v4, v3;
	_ =	sdelay $0x1  }
0xc1: {  	[tilespmem:s20+$0x2930] =	vst v3;
	v3 =	vld [tilespmem:s20+$0x2940]  }
0xc2: {  	v4 =	vld [tilespmem:s18+$0x0];
	_ =	sdelay $0x4  }
0xc3: {  	v3 =	vadd.f32 v4, v3;
	_ =	sdelay $0x1  }
0xc4: {  	[tilespmem:s20+$0x2940] =	vst v3;
	v3 =	vld [tilespmem:s20+$0x2950]  }
0xc5: {  	v4 =	vld [tilespmem:s18+$0x10];
	_ =	sdelay $0x4  }
0xc6: {  	v3 =	vadd.f32 v4, v3;
	_ =	sdelay $0x1  }
0xc7: {  	[tilespmem:s20+$0x2950] =	vst v3;
	v3 =	vld [tilespmem:s20+$0x2960]  }
0xc8: {  	v4 =	vld [tilespmem:s18+$0x20];
	_ =	sdelay $0x4  }
0xc9: {  	v3 =	vadd.f32 v4, v3;
	_ =	sdelay $0x1  }
0xca: {  	[tilespmem:s20+$0x2960] =	vst v3;
	v3 =	vld [tilespmem:s20+$0x2970]  }
0xcb: {  	v4 =	vld [tilespmem:s18+$0x30];
	_ =	sdelay $0x1  }
.Ltmp0:
0xcc: {  	(pc) =	sbr.rel @p0 .LBB2_3-.Ltmp0, $4  }
0xcd: {  	_ = 	snop  }
0xce: {  	s21 =	sadd.s32 $0x80, s21  }
0xcf: {  	s23 =	sand.u32 $0x7800, s22;
	s24 =	sand.u32 $0x380, s21;
	v3 =	vadd.f32 v4, v3  }
0xd0: {  	s22 =	sadd.s32 $0x100, s22;
	s23 =	sor.u32 s24, s23  }
0xd1: {  	v4 =	vld [tilespmem:s23+$0x2900];
	[tilespmem:s20+$0x2970] =	vst v3;
	s18 =	sadd.s32 $0x80, s18  }
0xd2: {  	v3 =	vld [tilespmem:s18+$0xFFFFFFC0];
	_ =	sdelay $0x4  }
0xd3: {  	v3 =	vadd.f32 v3, v4;
	_ =	sdelay $0x1  }
0xd4: {  	[tilespmem:s23+$0x2900] =	vst v3;
	v3 =	vld [tilespmem:s23+$0x2910]  }
0xd5: {  	v4 =	vld [tilespmem:s18+$0xFFFFFFD0];
	_ =	sdelay $0x4  }
0xd6: {  	v3 =	vadd.f32 v4, v3;
	_ =	sdelay $0x1  }
0xd7: {  	[tilespmem:s23+$0x2910] =	vst v3;
	v3 =	vld [tilespmem:s23+$0x2920]  }
0xd8: {  	v4 =	vld [tilespmem:s18+$0xFFFFFFE0];
	_ =	sdelay $0x4  }
0xd9: {  	v3 =	vadd.f32 v4, v3;
	_ =	sdelay $0x1  }
0xda: {  	[tilespmem:s23+$0x2920] =	vst v3;
	v3 =	vld [tilespmem:s23+$0x2930]  }
0xdb: {  	v4 =	vld [tilespmem:s18+$0xFFFFFFF0];
	_ =	sdelay $0x4  }
0xdc: {  	v3 =	vadd.f32 v4, v3;
	_ =	sdelay $0x1  }
0xdd: {  	[tilespmem:s23+$0x2930] =	vst v3;
	v3 =	vld [tilespmem:s23+$0x2940]  }
0xde: {  	v4 =	vld [tilespmem:s18+$0x0];
	_ =	sdelay $0x4  }
0xdf: {  	v3 =	vadd.f32 v4, v3;
	_ =	sdelay $0x1  }
0xe0: {  	[tilespmem:s23+$0x2940] =	vst v3;
	v3 =	vld [tilespmem:s23+$0x2950]  }
0xe1: {  	v4 =	vld [tilespmem:s18+$0x10];
	_ =	sdelay $0x4  }
0xe2: {  	v3 =	vadd.f32 v4, v3;
	_ =	sdelay $0x1  }
0xe3: {  	[tilespmem:s23+$0x2950] =	vst v3;
	v3 =	vld [tilespmem:s23+$0x2960]  }
0xe4: {  	v4 =	vld [tilespmem:s18+$0x20];
	_ =	sdelay $0x4  }
0xe5: {  	v3 =	vadd.f32 v4, v3;
	_ =	sdelay $0x1  }
0xe6: {  	[tilespmem:s23+$0x2960] =	vst v3;
	v3 =	vld [tilespmem:s23+$0x2970]  }
0xe7: {  	v4 =	vld [tilespmem:s18+$0x30];
	_ =	sdelay $0x4  }
0xe8: {  	s22 =	sadd.s32 s5, s13;
	v3 =	vadd.f32 v4, v3  }
0xe9: {  	s18 =	sshll.u32 s22, $0x5  }
0xea: {  	s24 =	sadd.s32 s8, s18;
	s18 =	simm.s32 $0x0;
	[tilespmem:s23+$0x2970] =	vst v3  }
0xeb: {  	[hbm4b:s24+s18] =	stream.linear.scatter [tilespmem:s19], [sflag:$0x3], $0x5000, $0x38;
	[tilespmem:$0xF200] =	vst v63  }
0xec: {  	s21 =	sadd.s32 s13, s12;
	_ =	swait.ge [sflag:s31], $0x5000  }
0xed: {  	s13 =	sshrl.u32 s21, $0x3;
	[sflag:s31] =	ssyncset.done $0x0  }
0xee: {  	s22 =	sadd.s32 s7, s13;
	[sflag:s31] =	ssyncadd.s32 $0xFFFFB000  }
0xef: {  	[tilespmem:s15], [sflag:$0x5] =	stream.linear.gather [hbm4b:s22+s18], $0x50, $0x38;
	[tilespmem:$0xF200] =	vst v63  }
0xf0: {  	_ =	swait.ge [sflag:s16], $0x50  }
0xf1: {  	[sflag:s16] =	ssyncset.done $0x0  }
0xf2: {  	s13 =	sadd.s32 s6, s13;
	[sflag:s16] =	ssyncadd.s32 $0xFFFFFFB0  }
0xf3: {  	[tilespmem:s18], [sflag:$0x5] =	stream.linear.gather [hbm4b:s13+s18], $0x50, $0x38;
	[tilespmem:$0xF200] =	vst v63  }
0xf4: {  	_ =	swait.ge [sflag:s16], $0x50  }
0xf5: {  	[sflag:s16] =	ssyncset.done $0x0  }
0xf6: {  	s23 =	simm.s32 $0x100;
	[sflag:s16] =	ssyncadd.s32 $0xFFFFFFB0  }
0xf7: {  	[tilespmem:s23], [sflag:$0x1] =	stream.indirect.gather [hbm4b:s2+s17], $0x80, s15, s17, $0xb8;
	[tilespmem:$0xF200] =	vst v63  }
0xf8: {  	v3 =	vld [tilespmem:$0x0];
	_ =	sdelay $0x4  }
0xf9: {  	v4 =	vshll.u32 v3, $0x1  }
0xfa: {  	v3 =	vand.u32 $0x7, v3;
	v4 =	vand.u32 $0xFFFFFFF0, v4  }
0xfb: {  	v3 =	vor.u32 v3, v4  }
0xfc: {  	v4 =	vperm.xlane v3, v0;
	_ =	sdelay $0x1  }
0xfd: {  	v3 =	vperm.xlane v3, v2;
	v4 =	vadd.s32 v1, v4;
	_ =	sdelay $0x1  }
0xfe: {  	v3 =	vadd.s32 v1, v3;
	_ =	sdelay $0x2  }
0xff: {  	[tilespmem:s19], [sflag:$0x1] =	stream.indirect_vreg.gather [hbm4b:s4+s18], $0x80, v4, vm0, $0xb8;
	[tilespmem:$0xF200] =	vst v63  }
0x100: {  	s24 =	simm.s32 $0x3100  }
0x101: {  	[tilespmem:s24], [sflag:$0x1] =	stream.indirect_vreg.gather [hbm4b:s4+s18], $0x80, v3, vm0, $0xb8;
	[tilespmem:$0xF200] =	vst v63  }
0x102: {  	v3 =	vld [tilespmem:$0x10];
	_ =	sdelay $0x4  }
0x103: {  	v4 =	vshll.u32 v3, $0x1  }
0x104: {  	v3 =	vand.u32 $0x7, v3;
	v4 =	vand.u32 $0xFFFFFFF0, v4  }
0x105: {  	v3 =	vor.u32 v3, v4  }
0x106: {  	v4 =	vperm.xlane v3, v0;
	_ =	sdelay $0x1  }
0x107: {  	v3 =	vperm.xlane v3, v2;
	v4 =	vadd.s32 v1, v4;
	_ =	sdelay $0x1  }
0x108: {  	v3 =	vadd.s32 v1, v3;
	_ =	sdelay $0x1  }
0x109: {  	s20 =	simm.s32 $0x3900  }
0x10a: {  	[tilespmem:s20], [sflag:$0x1] =	stream.indirect_vreg.gather [hbm4b:s4+s18], $0x80, v4, vm0, $0xb8;
	[tilespmem:$0xF200] =	vst v63  }
0x10b: {  	s21 =	simm.s32 $0x4100  }
0x10c: {  	[tilespmem:s21], [sflag:$0x1] =	stream.indirect_vreg.gather [hbm4b:s4+s18], $0x80, v3, vm0, $0xb8;
	[tilespmem:$0xF200] =	vst v63  }
0x10d: {  	v3 =	vld [tilespmem:$0x20];
	_ =	sdelay $0x4  }
0x10e: {  	v4 =	vshll.u32 v3, $0x1  }
0x10f: {  	v3 =	vand.u32 $0x7, v3;
	v4 =	vand.u32 $0xFFFFFFF0, v4  }
0x110: {  	v3 =	vor.u32 v3, v4  }
0x111: {  	v4 =	vperm.xlane v3, v0;
	_ =	sdelay $0x1  }
0x112: {  	v3 =	vperm.xlane v3, v2;
	v4 =	vadd.s32 v1, v4;
	_ =	sdelay $0x1  }
0x113: {  	v3 =	vadd.s32 v1, v3;
	_ =	sdelay $0x1  }
0x114: {  	s22 =	simm.s32 $0x4900  }
0x115: {  	[tilespmem:s22], [sflag:$0x1] =	stream.indirect_vreg.gather [hbm4b:s4+s18], $0x80, v4, vm0, $0xb8;
	[tilespmem:$0xF200] =	vst v63  }
0x116: {  	s23 =	simm.s32 $0x5100  }
0x117: {  	[tilespmem:s23], [sflag:$0x1] =	stream.indirect_vreg.gather [hbm4b:s4+s18], $0x80, v3, vm0, $0xb8;
	[tilespmem:$0xF200] =	vst v63  }
0x118: {  	v3 =	vld [tilespmem:$0x30];
	_ =	sdelay $0x4  }
0x119: {  	v4 =	vshll.u32 v3, $0x1  }
0x11a: {  	v3 =	vand.u32 $0x7, v3;
	v4 =	vand.u32 $0xFFFFFFF0, v4  }
0x11b: {  	v3 =	vor.u32 v3, v4  }
0x11c: {  	v4 =	vperm.xlane v3, v0;
	_ =	sdelay $0x1  }
0x11d: {  	v3 =	vperm.xlane v3, v2;
	v4 =	vadd.s32 v1, v4;
	_ =	sdelay $0x1  }
0x11e: {  	v3 =	vadd.s32 v1, v3;
	_ =	sdelay $0x2  }
0x11f: {  	[tilespmem:s25], [sflag:$0x1] =	stream.indirect_vreg.gather [hbm4b:s4+s18], $0x80, v4, vm0, $0xb8;
	[tilespmem:$0xF200] =	vst v63  }
0x120: {  	_ = 	snop  }
0x121: {  	[tilespmem:s26], [sflag:$0x1] =	stream.indirect_vreg.gather [hbm4b:s4+s18], $0x80, v3, vm0, $0xb8;
	[tilespmem:$0xF200] =	vst v63  }
0x122: {  	v3 =	vld [tilespmem:$0x40];
	_ =	sdelay $0x4  }
0x123: {  	v4 =	vshll.u32 v3, $0x1  }
0x124: {  	v3 =	vand.u32 $0x7, v3;
	v4 =	vand.u32 $0xFFFFFFF0, v4  }
0x125: {  	v3 =	vor.u32 v3, v4  }
0x126: {  	v4 =	vperm.xlane v3, v0;
	_ =	sdelay $0x1  }
0x127: {  	v3 =	vperm.xlane v3, v2;
	v4 =	vadd.s32 v1, v4;
	_ =	sdelay $0x1  }
0x128: {  	v3 =	vadd.s32 v1, v3;
	_ =	sdelay $0x2  }
0x129: {  	[tilespmem:s28], [sflag:$0x1] =	stream.indirect_vreg.gather [hbm4b:s4+s18], $0x80, v4, vm0, $0xb8;
	[tilespmem:$0xF200] =	vst v63  }
0x12a: {  	_ = 	snop  }
0x12b: {  	[tilespmem:s29], [sflag:$0x1] =	stream.indirect_vreg.gather [hbm4b:s4+s18], $0x80, v3, vm0, $0xb8;
	[tilespmem:$0xF200] =	vst v63  }
0x12c: {  	_ =	swait.ge [sflag:s0], $0x2800  }
0x12d: {  	[sflag:s0] =	ssyncset.done $0x0  }
0x12e: {  	[sflag:s0] =	ssyncadd.s32 $0xFFFFD800  }
0x12f: {  	_ =	swait.ge [sflag:s0], $0x5000  }
0x130: {  	s24 =	sand.u32 $0x7800, s18;
	s18 =	sand.u32 $0x380, s18;
	[sflag:s0] =	ssyncset.done $0x0  }
0x131: {  	s18 =	sor.u32 s18, s24;
	[sflag:s0] =	ssyncadd.s32 $0xFFFFB000  }
0x132: {  	s13 =	simm.s32 $0x7A40;
	v3 =	vld [tilespmem:s18+$0xA200]  }
0x133: {  	v4 =	vld [tilespmem:s13+$0xFFFFFFC0];
	_ =	sdelay $0x4  }
0x134: {  	v3 =	vadd.f32 v4, v3;
	_ =	sdelay $0x1  }
0x135: {  	[tilespmem:s18+$0xA200] =	vst v3;
	v3 =	vld [tilespmem:s18+$0xA210]  }
0x136: {  	v4 =	vld [tilespmem:s13+$0xFFFFFFD0];
	_ =	sdelay $0x4  }
0x137: {  	v3 =	vadd.f32 v4, v3;
	_ =	sdelay $0x1  }
0x138: {  	[tilespmem:s18+$0xA210] =	vst v3;
	v3 =	vld [tilespmem:s18+$0xA220]  }
0x139: {  	v4 =	vld [tilespmem:s13+$0xFFFFFFE0];
	_ =	sdelay $0x4  }
0x13a: {  	v3 =	vadd.f32 v4, v3;
	_ =	sdelay $0x1  }
0x13b: {  	[tilespmem:s18+$0xA220] =	vst v3;
	v3 =	vld [tilespmem:s18+$0xA230]  }
0x13c: {  	v4 =	vld [tilespmem:s13+$0xFFFFFFF0];
	_ =	sdelay $0x4  }
0x13d: {  	v3 =	vadd.f32 v4, v3;
	_ =	sdelay $0x1  }
0x13e: {  	[tilespmem:s18+$0xA230] =	vst v3;
	v3 =	vld [tilespmem:s18+$0xA240]  }
0x13f: {  	v4 =	vld [tilespmem:s13+$0x0];
	_ =	sdelay $0x4  }
0x140: {  	v3 =	vadd.f32 v4, v3;
	_ =	sdelay $0x1  }
0x141: {  	[tilespmem:s18+$0xA240] =	vst v3;
	v3 =	vld [tilespmem:s18+$0xA250]  }
0x142: {  	v4 =	vld [tilespmem:s13+$0x10];
	_ =	sdelay $0x4  }
0x143: {  	v3 =	vadd.f32 v4, v3;
	_ =	sdelay $0x1  }
0x144: {  	[tilespmem:s18+$0xA250] =	vst v3;
	v3 =	vld [tilespmem:s18+$0xA260]  }
0x145: {  	v4 =	vld [tilespmem:s13+$0x20];
	_ =	sdelay $0x4  }
0x146: {  	v3 =	vadd.f32 v4, v3;
	_ =	sdelay $0x1  }
0x147: {  	[tilespmem:s18+$0xA260] =	vst v3;
	v3 =	vld [tilespmem:s18+$0xA270]  }
0x148: {  	v4 =	vld [tilespmem:s13+$0x30];
	_ =	sdelay $0x3  }
0x149: {  	s20 =	simm.s32 $0x80;
	s21 =	simm.s32 $0x100  }
0x14a: {  	s21 =	sand.u32 $0x7800, s21;
	s22 =	sand.u32 $0x380, s20;
	v3 =	vadd.f32 v4, v3  }
0x14b: {  	s22 =	sor.u32 s22, s21;
	s21 =	simm.s32 $0x200  }
.LBB2_5:
0x14c: {  	p0 =	sne.s32 s21, $0x4F00;
	v4 =	vld [tilespmem:s22+$0xA200];
	[tilespmem:s18+$0xA270] =	vst v3;
	s13 =	sadd.s32 $0x80, s13;
	s18 =	smov.u32 s22  }
0x14d: {  	v3 =	vld [tilespmem:s13+$0xFFFFFFC0];
	_ =	sdelay $0x4  }
0x14e: {  	v3 =	vadd.f32 v3, v4;
	_ =	sdelay $0x1  }
0x14f: {  	[tilespmem:s18+$0xA200] =	vst v3;
	v3 =	vld [tilespmem:s18+$0xA210]  }
0x150: {  	v4 =	vld [tilespmem:s13+$0xFFFFFFD0];
	_ =	sdelay $0x4  }
0x151: {  	v3 =	vadd.f32 v4, v3;
	_ =	sdelay $0x1  }
0x152: {  	[tilespmem:s18+$0xA210] =	vst v3;
	v3 =	vld [tilespmem:s18+$0xA220]  }
0x153: {  	v4 =	vld [tilespmem:s13+$0xFFFFFFE0];
	_ =	sdelay $0x4  }
0x154: {  	v3 =	vadd.f32 v4, v3;
	_ =	sdelay $0x1  }
0x155: {  	[tilespmem:s18+$0xA220] =	vst v3;
	v3 =	vld [tilespmem:s18+$0xA230]  }
0x156: {  	v4 =	vld [tilespmem:s13+$0xFFFFFFF0];
	_ =	sdelay $0x4  }
0x157: {  	v3 =	vadd.f32 v4, v3;
	_ =	sdelay $0x1  }
0x158: {  	[tilespmem:s18+$0xA230] =	vst v3;
	v3 =	vld [tilespmem:s18+$0xA240]  }
0x159: {  	v4 =	vld [tilespmem:s13+$0x0];
	_ =	sdelay $0x4  }
0x15a: {  	v3 =	vadd.f32 v4, v3;
	_ =	sdelay $0x1  }
0x15b: {  	[tilespmem:s18+$0xA240] =	vst v3;
	v3 =	vld [tilespmem:s18+$0xA250]  }
0x15c: {  	v4 =	vld [tilespmem:s13+$0x10];
	_ =	sdelay $0x4  }
0x15d: {  	v3 =	vadd.f32 v4, v3;
	_ =	sdelay $0x1  }
0x15e: {  	[tilespmem:s18+$0xA250] =	vst v3;
	v3 =	vld [tilespmem:s18+$0xA260]  }
0x15f: {  	v4 =	vld [tilespmem:s13+$0x20];
	_ =	sdelay $0x4  }
0x160: {  	v3 =	vadd.f32 v4, v3;
	_ =	sdelay $0x1  }
0x161: {  	[tilespmem:s18+$0xA260] =	vst v3;
	v3 =	vld [tilespmem:s18+$0xA270]  }
0x162: {  	v4 =	vld [tilespmem:s13+$0x30];
	_ =	sdelay $0x1  }
.Ltmp1:
0x163: {  	(pc) =	sbr.rel @p0 .LBB2_5-.Ltmp1, $4  }
0x164: {  	_ = 	snop  }
0x165: {  	s20 =	sadd.s32 $0x80, s20  }
0x166: {  	s22 =	sand.u32 $0x7800, s21;
	s23 =	sand.u32 $0x380, s20;
	v3 =	vadd.f32 v4, v3  }
0x167: {  	s21 =	sadd.s32 $0x100, s21;
	s22 =	sor.u32 s23, s22  }
0x168: {  	v4 =	vld [tilespmem:s22+$0xA200];
	[tilespmem:s18+$0xA270] =	vst v3;
	s13 =	sadd.s32 $0x80, s13  }
0x169: {  	v3 =	vld [tilespmem:s13+$0xFFFFFFC0];
	_ =	sdelay $0x4  }
0x16a: {  	v3 =	vadd.f32 v3, v4;
	_ =	sdelay $0x1  }
0x16b: {  	[tilespmem:s22+$0xA200] =	vst v3;
	v3 =	vld [tilespmem:s22+$0xA210]  }
0x16c: {  	v57 =	vld [tilespmem:s13+$0xFFFFFFD0];
	_ =	sdelay $0x4  }
0x16d: {  	v3 =	vadd.f32 v57, v3;
	_ =	sdelay $0x1  }
0x16e: {  	[tilespmem:s22+$0xA210] =	vst v3;
	v3 =	vld [tilespmem:s22+$0xA220]  }
0x16f: {  	v58 =	vld [tilespmem:s13+$0xFFFFFFE0];
	_ =	sdelay $0x4  }
0x170: {  	v3 =	vadd.f32 v58, v3;
	_ =	sdelay $0x1  }
0x171: {  	[tilespmem:s22+$0xA220] =	vst v3;
	v3 =	vld [tilespmem:s22+$0xA230]  }
0x172: {  	v59 =	vld [tilespmem:s13+$0xFFFFFFF0];
	_ =	sdelay $0x4  }
0x173: {  	v3 =	vadd.f32 v59, v3;
	_ =	sdelay $0x1  }
0x174: {  	[tilespmem:s22+$0xA230] =	vst v3;
	v3 =	vld [tilespmem:s22+$0xA240]  }
0x175: {  	v60 =	vld [tilespmem:s13+$0x0];
	_ =	sdelay $0x4  }
0x176: {  	v3 =	vadd.f32 v60, v3;
	_ =	sdelay $0x1  }
0x177: {  	[tilespmem:s22+$0xA240] =	vst v3;
	v3 =	vld [tilespmem:s22+$0xA250]  }
0x178: {  	v61 =	vld [tilespmem:s13+$0x10];
	_ =	sdelay $0x4  }
0x179: {  	v3 =	vadd.f32 v61, v3;
	_ =	sdelay $0x1  }
0x17a: {  	[tilespmem:s22+$0xA250] =	vst v3;
	v3 =	vld [tilespmem:s22+$0xA260]  }
0x17b: {  	v62 =	vld [tilespmem:s13+$0x20];
	_ =	sdelay $0x4  }
0x17c: {  	v3 =	vadd.f32 v62, v3;
	_ =	sdelay $0x1  }
0x17d: {  	[tilespmem:s22+$0xA260] =	vst v3;
	v3 =	vld [tilespmem:s22+$0xA270]  }
0x17e: {  	v63 =	vld [tilespmem:s13+$0x30];
	_ =	sdelay $0x1  }
0x17f: {  	s9 =	sadd.s32 $0x1, s9  }
0x180: {  	p0 =	sne.s32 s9, $0x1E  }
.Ltmp2:
0x181: {  	_ = 	snop;
	(pc) =	sbr.rel @p0 .LBB2_2-.Ltmp2, $4  }
0x182: {  	v3 =	vadd.f32 v63, v3  }
0x183: {  	s10 =	sshll.u32 s10, $0x5  }
0x184: {  	s10 =	sadd.s32 s8, s10;
	[tilespmem:s22+$0xA270] =	vst v3  }
0x185: {  	[hbm4b:s10+s3] =	stream.linear.scatter [tilespmem:s1], [sflag:$0x4], $0x5000, $0x38;
	[tilespmem:$0xF200] =	vst v63  }
0x186: {  	s9 =	simm.s32 $0x4  }
0x187: {  	_ =	swait.ge [sflag:s9], $0x5000  }
0x188: {  	[sflag:s9] =	ssyncset.done $0x0  }
0x189: {  	[sflag:s9] =	ssyncadd.s32 $0xFFFFB000  }
0x18a: {  	_ =	swait.ge [sflag:s14], $0x2800  }
0x18b: {  	[sflag:s14] =	ssyncset.done $0x0  }
0x18c: {  	[sflag:s14] =	ssyncadd.s32 $0xFFFFD800  }
0x18d: {  	s24 =	simm.s32 $0x0;
	_ =	swait.ge [sflag:s14], $0x5000  }
0x18e: {  	s10 =	sand.u32 $0x7800, s24;
	s9 =	sand.u32 $0x380, s24;
	[sflag:s14] =	ssyncset.done $0x0  }
0x18f: {  	s10 =	sor.u32 s9, s10;
	[sflag:s14] =	ssyncadd.s32 $0xFFFFB000  }
0x190: {  	s9 =	simm.s32 $0x140;
	v3 =	vld [tilespmem:s10+$0x2900]  }
0x191: {  	v4 =	vld [tilespmem:s9+$0xFFFFFFC0];
	_ =	sdelay $0x4  }
0x192: {  	v3 =	vadd.f32 v4, v3;
	_ =	sdelay $0x1  }
0x193: {  	[tilespmem:s10+$0x2900] =	vst v3;
	v3 =	vld [tilespmem:s10+$0x2910]  }
0x194: {  	v4 =	vld [tilespmem:s9+$0xFFFFFFD0];
	_ =	sdelay $0x4  }
0x195: {  	v3 =	vadd.f32 v4, v3;
	_ =	sdelay $0x1  }
0x196: {  	[tilespmem:s10+$0x2910] =	vst v3;
	v3 =	vld [tilespmem:s10+$0x2920]  }
0x197: {  	v4 =	vld [tilespmem:s9+$0xFFFFFFE0];
	_ =	sdelay $0x4  }
0x198: {  	v3 =	vadd.f32 v4, v3;
	_ =	sdelay $0x1  }
0x199: {  	[tilespmem:s10+$0x2920] =	vst v3;
	v3 =	vld [tilespmem:s10+$0x2930]  }
0x19a: {  	v4 =	vld [tilespmem:s9+$0xFFFFFFF0];
	_ =	sdelay $0x4  }
0x19b: {  	v3 =	vadd.f32 v4, v3;
	_ =	sdelay $0x1  }
0x19c: {  	[tilespmem:s10+$0x2930] =	vst v3;
	v3 =	vld [tilespmem:s10+$0x2940]  }
0x19d: {  	v4 =	vld [tilespmem:s9+$0x0];
	_ =	sdelay $0x4  }
0x19e: {  	v3 =	vadd.f32 v4, v3;
	_ =	sdelay $0x1  }
0x19f: {  	[tilespmem:s10+$0x2940] =	vst v3;
	v3 =	vld [tilespmem:s10+$0x2950]  }
0x1a0: {  	v4 =	vld [tilespmem:s9+$0x10];
	_ =	sdelay $0x4  }
0x1a1: {  	v3 =	vadd.f32 v4, v3;
	_ =	sdelay $0x1  }
0x1a2: {  	[tilespmem:s10+$0x2950] =	vst v3;
	v3 =	vld [tilespmem:s10+$0x2960]  }
0x1a3: {  	v4 =	vld [tilespmem:s9+$0x20];
	_ =	sdelay $0x4  }
0x1a4: {  	v3 =	vadd.f32 v4, v3;
	_ =	sdelay $0x1  }
0x1a5: {  	[tilespmem:s10+$0x2960] =	vst v3;
	v3 =	vld [tilespmem:s10+$0x2970]  }
0x1a6: {  	v4 =	vld [tilespmem:s9+$0x30];
	_ =	sdelay $0x3  }
0x1a7: {  	s18 =	simm.s32 $0x100;
	s13 =	simm.s32 $0x80  }
0x1a8: {  	s18 =	sand.u32 $0x7800, s18;
	s20 =	sand.u32 $0x380, s13;
	v3 =	vadd.f32 v4, v3  }
0x1a9: {  	s20 =	sor.u32 s20, s18;
	s18 =	simm.s32 $0x200  }
.LBB2_8:
0x1aa: {  	p0 =	sne.s32 s18, $0x4F00;
	v4 =	vld [tilespmem:s20+$0x2900];
	[tilespmem:s10+$0x2970] =	vst v3;
	s9 =	sadd.s32 $0x80, s9;
	s10 =	smov.u32 s20  }
0x1ab: {  	v3 =	vld [tilespmem:s9+$0xFFFFFFC0];
	_ =	sdelay $0x4  }
0x1ac: {  	v3 =	vadd.f32 v3, v4;
	_ =	sdelay $0x1  }
0x1ad: {  	[tilespmem:s10+$0x2900] =	vst v3;
	v3 =	vld [tilespmem:s10+$0x2910]  }
0x1ae: {  	v4 =	vld [tilespmem:s9+$0xFFFFFFD0];
	_ =	sdelay $0x4  }
0x1af: {  	v3 =	vadd.f32 v4, v3;
	_ =	sdelay $0x1  }
0x1b0: {  	[tilespmem:s10+$0x2910] =	vst v3;
	v3 =	vld [tilespmem:s10+$0x2920]  }
0x1b1: {  	v4 =	vld [tilespmem:s9+$0xFFFFFFE0];
	_ =	sdelay $0x4  }
0x1b2: {  	v3 =	vadd.f32 v4, v3;
	_ =	sdelay $0x1  }
0x1b3: {  	[tilespmem:s10+$0x2920] =	vst v3;
	v3 =	vld [tilespmem:s10+$0x2930]  }
0x1b4: {  	v4 =	vld [tilespmem:s9+$0xFFFFFFF0];
	_ =	sdelay $0x4  }
0x1b5: {  	v3 =	vadd.f32 v4, v3;
	_ =	sdelay $0x1  }
0x1b6: {  	[tilespmem:s10+$0x2930] =	vst v3;
	v3 =	vld [tilespmem:s10+$0x2940]  }
0x1b7: {  	v4 =	vld [tilespmem:s9+$0x0];
	_ =	sdelay $0x4  }
0x1b8: {  	v3 =	vadd.f32 v4, v3;
	_ =	sdelay $0x1  }
0x1b9: {  	[tilespmem:s10+$0x2940] =	vst v3;
	v3 =	vld [tilespmem:s10+$0x2950]  }
0x1ba: {  	v4 =	vld [tilespmem:s9+$0x10];
	_ =	sdelay $0x4  }
0x1bb: {  	v3 =	vadd.f32 v4, v3;
	_ =	sdelay $0x1  }
0x1bc: {  	[tilespmem:s10+$0x2950] =	vst v3;
	v3 =	vld [tilespmem:s10+$0x2960]  }
0x1bd: {  	v4 =	vld [tilespmem:s9+$0x20];
	_ =	sdelay $0x4  }
0x1be: {  	v3 =	vadd.f32 v4, v3;
	_ =	sdelay $0x1  }
0x1bf: {  	[tilespmem:s10+$0x2960] =	vst v3;
	v3 =	vld [tilespmem:s10+$0x2970]  }
0x1c0: {  	v4 =	vld [tilespmem:s9+$0x30];
	_ =	sdelay $0x1  }
.Ltmp3:
0x1c1: {  	(pc) =	sbr.rel @p0 .LBB2_8-.Ltmp3, $4  }
0x1c2: {  	_ = 	snop  }
0x1c3: {  	s13 =	sadd.s32 $0x80, s13  }
0x1c4: {  	s20 =	sand.u32 $0x7800, s18;
	s21 =	sand.u32 $0x380, s13;
	v3 =	vadd.f32 v4, v3  }
0x1c5: {  	s18 =	sadd.s32 $0x100, s18;
	s20 =	sor.u32 s21, s20  }
0x1c6: {  	v4 =	vld [tilespmem:s20+$0x2900];
	[tilespmem:s10+$0x2970] =	vst v3;
	s9 =	sadd.s32 $0x80, s9  }
0x1c7: {  	v3 =	vld [tilespmem:s9+$0xFFFFFFC0];
	_ =	sdelay $0x4  }
0x1c8: {  	v3 =	vadd.f32 v3, v4;
	_ =	sdelay $0x1  }
0x1c9: {  	[tilespmem:s20+$0x2900] =	vst v3;
	v3 =	vld [tilespmem:s20+$0x2910]  }
0x1ca: {  	v57 =	vld [tilespmem:s9+$0xFFFFFFD0];
	_ =	sdelay $0x4  }
0x1cb: {  	v3 =	vadd.f32 v57, v3;
	_ =	sdelay $0x1  }
0x1cc: {  	[tilespmem:s20+$0x2910] =	vst v3;
	v3 =	vld [tilespmem:s20+$0x2920]  }
0x1cd: {  	v58 =	vld [tilespmem:s9+$0xFFFFFFE0];
	_ =	sdelay $0x4  }
0x1ce: {  	v3 =	vadd.f32 v58, v3;
	_ =	sdelay $0x1  }
0x1cf: {  	[tilespmem:s20+$0x2920] =	vst v3;
	v3 =	vld [tilespmem:s20+$0x2930]  }
0x1d0: {  	v59 =	vld [tilespmem:s9+$0xFFFFFFF0];
	_ =	sdelay $0x4  }
0x1d1: {  	v3 =	vadd.f32 v59, v3;
	_ =	sdelay $0x1  }
0x1d2: {  	[tilespmem:s20+$0x2930] =	vst v3;
	v3 =	vld [tilespmem:s20+$0x2940]  }
0x1d3: {  	v60 =	vld [tilespmem:s9+$0x0];
	_ =	sdelay $0x4  }
0x1d4: {  	v3 =	vadd.f32 v60, v3;
	_ =	sdelay $0x1  }
0x1d5: {  	[tilespmem:s20+$0x2940] =	vst v3;
	v3 =	vld [tilespmem:s20+$0x2950]  }
0x1d6: {  	v61 =	vld [tilespmem:s9+$0x10];
	_ =	sdelay $0x4  }
0x1d7: {  	v3 =	vadd.f32 v61, v3;
	_ =	sdelay $0x1  }
0x1d8: {  	[tilespmem:s20+$0x2950] =	vst v3;
	v3 =	vld [tilespmem:s20+$0x2960]  }
0x1d9: {  	v62 =	vld [tilespmem:s9+$0x20];
	_ =	sdelay $0x4  }
0x1da: {  	v3 =	vadd.f32 v62, v3;
	_ =	sdelay $0x1  }
0x1db: {  	[tilespmem:s20+$0x2960] =	vst v3;
	v3 =	vld [tilespmem:s20+$0x2970]  }
0x1dc: {  	v63 =	vld [tilespmem:s9+$0x30];
	_ =	sdelay $0x4  }
0x1dd: {  	v3 =	vadd.f32 v63, v3;
	_ =	sdelay $0x1  }
0x1de: {  	s22 =	rddreg [dreg:$0x5];
	[tilespmem:s20+$0x2970] =	vst v3  }
0x1df: {  	[hbm4b:s22+s3] =	stream.linear.scatter [tilespmem:s19], [sflag:$0x5], $0x5000, $0x38;
	[tilespmem:$0xF200] =	vst v63  }
0x1e0: {  	_ =	swait.ge [sflag:s16], $0x5000  }
0x1e1: {  	s23 =	rddreg [dreg:$0x7]  }
0x1e2: {  	s24 =	rddreg [dreg:$0x6];
	s10 =	sadd.s32 $0x1, s23  }
0x1e3: {  	p0 =	sne.s32 s10, s24  }
.Ltmp4:
0x1e4: {  	_ = 	snop;
	(pc) =	sbr.rel @p0 .LBB2_1-.Ltmp4, $3  }
0x1e5: {  	_ =	sdelay $0x1  }
0x1e6: {  	[sflag:s16] =	ssyncset.done $0x0  }
0x1e7: {  	[sflag:s16] =	ssyncadd.s32 $0xFFFFB000  }
0x1e8: {  	_ =	sfence.sel $0x180000  }
0x1e9: {  	[bflag:$0x0] =	sbarrier.arrive $0xFFFF  }
0x1ea: {  	_ =	strace $0x90000047  }
0x1eb: {  	s0 =	stileid.u32;
	[bflag:$0x2] =	sbarrier.arrive $0xFFFF  }
0x1ec: {  	p0 =	sne.s32 s0, $0x0;
	s0 =	rddreg [dreg:$0x2]  }
0x1ed: {  	s0 =	sadd.s32 @!p0 $0x100000, s0  }
0x1ee: {  	[sflag:s0] =	ssyncadd.tile.s32 @!p0 $0x1;
	_ =	shalt  }
.Lfunc_end2:
_tile_overlayer_lowered:
.L_overlay_start_2:
0x1ef: {  	(tag) =	ssettag $0x2  }
0x1f0: {  	s0 =	rddreg [dreg:$0x0];
	s2 =	stileid.u32  }
0x1f1: {  	s1 =	rddreg [dreg:$0x1];
	p0 =	sne.s32 s2, $0x0  }
0x1f2: {  	s3 =	rddreg [dreg:$0x2];
	[bflag:$0x3] =	sbarrier.arrive $0xFFFF;
	s2 =	simm.s32 @!p0 $0x1C05  }
0x1f3: {  	[timem:s3], [sflag:s2] =	dma.local @!p0 [hbm:s0], s1  }
0x1f4: {  	s0 =	simm.s32 @!p0 $0x5  }
0x1f5: {  	_ =	swait.ge @!p0 [sflag:s0], s1  }
0x1f6: {  	s1 =	ssub.s32 @!p0 $0x0, s1;
	[sflag:s0] =	ssyncset.done @!p0 $0x0  }
0x1f7: {  	[sflag:s0] =	ssyncadd.s32 @!p0 s1  }
0x1f8: {  	[bflag:$0x3] =	sbarrier.arrive $0xFFFF  }
0x1f9: {  	_ =	shalt  }

// kernel: kernel.16.cloned.1.call-start
scs
__scs_entry_jumppad:
0x0: {  	(pc) =	sbr.rel $0x88, $3  }
0x1: {  	(tag) =	ssettag $0x0;
	lr =	simm.s32 $0x1  }
0x2: {  	[smem:$0x3F8F] =	sst lr;
	_ =	strace $0xD0000000  }
0x3: {  	_ = 	snop  }
0x4: {  	_ = 	snop  }
0x5: {  	_ = 	snop  }
0x6: {  	_ = 	snop  }
0x7: {  	_ = 	snop  }
__scs_overlays_trampoline_lowered:
0x8: {  	[smem:$0x3F9E] =	sst s0  }
0x9: {  	[smem:$0x3F9F] =	sst s1  }
0xa: {  	[smem:$0x3FA0] =	sst s2  }
0xb: {  	[smem:$0x3FA1] =	sst s3  }
0xc: {  	[smem:$0x3FA2] =	sst s4  }
0xd: {  	[smem:$0x3FA3] =	sst s5  }
0xe: {  	[smem:$0x3FA4] =	sst s6  }
0xf: {  	[smem:$0x3FA5] =	sst s7  }
0x10: {  	[smem:$0x3FA6] =	sst s8  }
0x11: {  	[smem:$0x3FA7] =	sst s9;
	s0 =	simm.s32 @!p0 $0x0  }
0x12: {  	s1 =	sld [smem:$0x3F8D];
	s0 =	simm.s32 @p0 $0x1  }
0x13: {  	[smem:$0x3FA8] =	sst s0;
	s0 =	simm.s32 @!p1 $0x0  }
0x14: {  	s2 =	sld [smem:$0x3F8C];
	s0 =	simm.s32 @p1 $0x1  }
0x15: {  	[smem:$0x3FA9] =	sst s0;
	s0 =	simm.s32 @!p2 $0x0  }
0x16: {  	s3 =	sld [smem:$0x3FDB];
	s0 =	simm.s32 @p2 $0x1  }
0x17: {  	s4 =	simm.s32 $0x1BF5;
	[smem:$0x3FAB] =	sst s0  }
0x18: {  	s0 =	sld [smem:$0x3F8E];
	_ =	swait.ge [sflag:s4], $0x0  }
0x19: {  	s7 =	sld [smem:$0x3F8F]  }
0x1a: {  	s8 =	sadd.s32 $0xFFFFE003, lr  }
0x1b: {  	s9 =	sadd.s32 $0xFFFFFEF7, lr;
	s5 =	simm.s32 $0xFFFFFFFF;
	p2 =	slt.u32 s8, $0xFFFFF086  }
0x1c: {  	p1 =	slt.u32 s9, $0xF7A;
	s5 =	simm.s32 @!p2 $0x0  }
0x1d: {  	s5 =	simm.s32 @p1 $0x1;
	p0 =	seq.s32 s7, s2  }
0x1e: {  	s7 =	smul.u32 @!p0 $0xF7A, s2;
	p2 =	seq.s32 @!p0 s5, $0x0  }
0x1f: {  	s9 =	smul.u32 $0xF7A, s1;
	s8 =	simm.s32 @!p0 $0x1BF5;
	p2 =	por !p2, p0  }
0x20: {  	[sflag:s8] =	ssyncset.s32 @!p0 $0xFFFFF086;
	s6 =	sadd.s32 @!p0 s3, s7;
	s7 =	simm.s32 @!p0 $0x108  }
0x21: {  	s3 =	sadd.s32 s3, s9;
	s6 =	sadd.s32 @!p0 $0x88, s6;
	s7 =	simm.s32 @p2 $0x1082  }
0x22: {  	[simem:s7], [sflag:s8] =	dma.local @!p0 [hbm:s6], $0xF7A  }
0x23: {  	s9 =	sor.u32 $0xD0000000, s2;
	s6 =	simm.s32 $0x108;
	_ =	swait.ge @!p0 [sflag:s8], $0x0  }
0x24: {  	s3 =	sadd.s32 $0x88, s3;
	s6 =	simm.s32 @!p1 $0x1082;
	[sflag:s4] =	ssyncset.s32 $0xFFFFF086  }
0x25: {  	[simem:s6], [sflag:s4] =	dma.local [hbm:s3], $0xF7A  }
0x26: {  	[smem:$0x3F8F] =	sst s1;
	(tag) =	ssettag s2;
	_ =	strace s9  }
0x27: {  	s1 =	sld [smem:$0x3F9F]  }
0x28: {  	s2 =	sld [smem:$0x3FA0]  }
0x29: {  	s4 =	sld [smem:$0x3FA2]  }
0x2a: {  	p0 =	seq.s32 s5, $0x0;
	s5 =	sld [smem:$0x3FA3]  }
0x2b: {  	s6 =	sld [smem:$0x3FA4]  }
0x2c: {  	s7 =	sld [smem:$0x3FA5]  }
0x2d: {  	s3 =	simm.s32 $0x108;
	s8 =	sld [smem:$0x3FA6]  }
0x2e: {  	s3 =	simm.s32 @!p0 $0x1082;
	s9 =	sld [smem:$0x3FA7]  }
0x2f: {  	lr =	sadd.s32 s0, s3;
	s0 =	sld [smem:$0x3F9E]  }
0x30: {  	s3 =	sld [smem:$0x3FA1]  }
0x31: {  	[smem:$0x3FAA] =	sst s10  }
0x32: {  	s10 =	sld [smem:$0x3FA8];
	_ =	sdelay $0x3  }
0x33: {  	p0 =	seq.s32 s10, $0x1;
	s10 =	sld [smem:$0x3FAA];
	_ =	sdelay $0x3  }
0x34: {  	[smem:$0x3FAA] =	sst s10  }
0x35: {  	s10 =	sld [smem:$0x3FA9];
	_ =	sdelay $0x3  }
0x36: {  	p1 =	seq.s32 s10, $0x1;
	s10 =	sld [smem:$0x3FAA];
	_ =	sdelay $0x3  }
0x37: {  	[smem:$0x3FAA] =	sst s10  }
0x38: {  	s10 =	sld [smem:$0x3FAB]  }
0x39: {  	_ = 	snop;
	(pc) =	sbr.ind lr, $3  }
0x3a: {  	_ = 	snop  }
0x3b: {  	_ = 	snop  }
0x3c: {  	p2 =	seq.s32 s10, $0x1;
	s10 =	sld [smem:$0x3FAA]  }
0x3d: {  	_ =	shalt  }
0x3e: {  	_ =	shalt  }
0x3f: {  	_ =	shalt  }
0x40: {  	_ =	shalt  }
0x41: {  	_ =	shalt  }
0x42: {  	_ =	shalt  }
0x43: {  	_ =	shalt  }
0x44: {  	_ =	shalt  }
0x45: {  	_ =	shalt  }
0x46: {  	_ =	shalt  }
0x47: {  	_ =	shalt  }
0x48: {  	_ =	shalt  }
0x49: {  	_ =	shalt  }
0x4a: {  	_ =	shalt  }
0x4b: {  	_ =	shalt  }
0x4c: {  	_ =	shalt  }
0x4d: {  	_ =	shalt  }
0x4e: {  	_ =	shalt  }
0x4f: {  	_ =	shalt  }
0x50: {  	_ =	shalt  }
0x51: {  	_ =	shalt  }
0x52: {  	_ =	shalt  }
0x53: {  	_ =	shalt  }
0x54: {  	_ =	shalt  }
0x55: {  	_ =	shalt  }
0x56: {  	_ =	shalt  }
0x57: {  	_ =	shalt  }
0x58: {  	_ =	shalt  }
0x59: {  	_ =	shalt  }
0x5a: {  	_ =	shalt  }
0x5b: {  	_ =	shalt  }
0x5c: {  	_ =	shalt  }
0x5d: {  	_ =	shalt  }
0x5e: {  	_ =	shalt  }
0x5f: {  	_ =	shalt  }
0x60: {  	_ =	shalt  }
0x61: {  	_ =	shalt  }
0x62: {  	_ =	shalt  }
0x63: {  	_ =	shalt  }
0x64: {  	_ =	shalt  }
0x65: {  	_ =	shalt  }
0x66: {  	_ =	shalt  }
0x67: {  	_ =	shalt  }
0x68: {  	_ =	shalt  }
0x69: {  	_ =	shalt  }
0x6a: {  	_ =	shalt  }
0x6b: {  	_ =	shalt  }
0x6c: {  	_ =	shalt  }
0x6d: {  	_ =	shalt  }
0x6e: {  	_ =	shalt  }
0x6f: {  	_ =	shalt  }
0x70: {  	_ =	shalt  }
0x71: {  	_ =	shalt  }
0x72: {  	_ =	shalt  }
0x73: {  	_ =	shalt  }
0x74: {  	_ =	shalt  }
0x75: {  	_ =	shalt  }
0x76: {  	_ =	shalt  }
0x77: {  	_ =	shalt  }
0x78: {  	_ =	shalt  }
0x79: {  	_ =	shalt  }
0x7a: {  	_ =	shalt  }
0x7b: {  	_ =	shalt  }
0x7c: {  	_ =	shalt  }
0x7d: {  	_ =	shalt  }
0x7e: {  	_ =	shalt  }
0x7f: {  	_ =	shalt  }
0x80: {  	_ =	shalt  }
0x81: {  	_ =	shalt  }
0x82: {  	_ =	shalt  }
0x83: {  	_ =	shalt  }
0x84: {  	_ =	shalt  }
0x85: {  	_ =	shalt  }
0x86: {  	_ =	shalt  }
0x87: {  	_ =	shalt  }
.Lfunc_end0:
.L_simem_size_0:
called_computation.2_lowered:
.L_overlay_start_0:
0x88: {  	s2 =	sld [smem:$0x3FD9]  }
0x89: {  	s3 =	sld [smem:$0x3FFE];
	_ =	sdelay $0x1  }
0x8a: {  	s1 =	srdreg.scid  }
0x8b: {  	s0 =	sand.u32 $0x1, s1  }
0x8c: {  	s17 =	sshll.u32 s0, $0xA;
	s2 =	sadd.s32 s3, s2  }
0x8d: {  	s2 =	sadd.s32 s2, s17  }
0x8e: {  	[smem:$0x3FB6] =	sst s2  }
0x8f: {  	_ = 	snop  }
0x90: {  	(tm) =	ssettm $0x1  }
0x91: {  	s18 =	sld [smem:$0x3FFB];
	_ =	sdelay $0x3  }
0x92: {  	_ =	strace s18  }
0x93: {  	s2 =	sld [smem:$0x3FFC];
	_ =	sdelay $0x3  }
0x94: {  	_ =	strace s2  }
0x95: {  	s2 =	sld [smem:$0x3FFD];
	_ =	sdelay $0x3  }
0x96: {  	_ =	strace s2  }
0x97: {  	_ =	strace $0x8FFFFFFF  }
0x98: {  	s19 =	sld [smem:$0x3FDB];
	_ =	sdelay $0x1  }
0x99: {  	s20 =	simm.s32 $_scs_section_size  }
0x9a: {  	s4 =	simm.s32 $_size__tile_overlayer_lowered;
	s5 =	simm.s32 $_tile_overlayer_lowered  }
0x9b: {  	s6 =	simm.s32 $0x1BFF;
	s21 =	sshll.u32 s5, $0x1;
	s3 =	sadd.s32 s20, s19  }
0x9c: {  	s22 =	simm.s32 $0x0;
	s4 =	sshll.u32 s4, $0x1;
	s5 =	sadd.s32 s21, s3  }
0x9d: {  	[timem:s22], [sflag:s6] =	dma.local [hbm:s5], s4  }
0x9e: {  	_ =	swait.ge [sflag:s6], s4  }
0x9f: {  	s4 =	ssub.s32 $0x0, s4;
	[sflag:s6] =	ssyncset.done $0x0  }
0xa0: {  	[sflag:s6] =	ssyncadd.s32 s4;
	_ =	sdelay $0x1  }
0xa1: {  	s23 =	simm.s32 $0x1B8B  }
0xa2: {  	_ =	swait.ge [sflag:s23], $0x1  }
0xa3: {  	[sflag:s23] =	ssyncset.done $0x0  }
0xa4: {  	[sflag:s23] =	ssyncadd.s32 $0xFFFFFFFF  }
0xa5: {  	s4 =	sld [smem:$0x0]  }
0xa6: {  	s5 =	sand.u32 $0xFFFFFFFE, s1  }
0xa7: {  	p0 =	sne.s32 s1, s5  }
0xa8: {  	s5 =	sshll.u32 @p0 s5, $0xE  }
0xa9: {  	s5 =	sadd.s32 @p0 $0x11B8D, s5;
	s6 =	sshll.u32 @p0 s4, $0x11  }
0xaa: {  	s5 =	sor.u32 @p0 s6, s5  }
0xab: {  	[sflag:s5] =	ssyncadd.remote.s32 @p0 $0x1;
	_ =	sdelay $0x1  }
0xac: {  	s5 =	simm.s32 @p0 $0x1B8D  }
0xad: {  	_ =	swait.eq @p0 [sflag:s5], $0x1  }
0xae: {  	[sflag:s5] =	ssyncadd.s32 @p0 $0xFFFFFFFF  }
0xaf: {  	s6 =	sshll.u32 @!p0 s1, $0xE  }
0xb0: {  	s6 =	sor.u32 @!p0 $0x4000, s6;
	s5 =	simm.s32 @!p0 $0x1B8D  }
0xb1: {  	s4 =	sshll.u32 @!p0 s4, $0x11;
	s6 =	sadd.s32 @!p0 $0x11B8D, s6;
	_ =	swait.eq @!p0 [sflag:s5], $0x1  }
0xb2: {  	s4 =	sor.u32 @!p0 s4, s6;
	[sflag:s5] =	ssyncadd.s32 @!p0 $0xFFFFFFFF  }
0xb3: {  	s25 =	simm.s32 $0x1B8E;
	s24 =	sld [smem:$0x3FFE];
	[sflag:s4] =	ssyncadd.remote.s32 @!p0 $0x1  }
0xb4: {  	s26 =	simm.s32 $execute0_lowered;
	[smem:$0x3FD2] =	sst s25  }
0xb5: {  	s5 =	sshll.u32 s26, $0x1;
	_ =	strace $0x8000004F;
	[dreg:$0x1] =	wrdreg $0xFFFFFFFF  }
0xb6: {  	s28 =	simm.s32 $_size_execute0_lowered;
	s3 =	sadd.s32 s3, s5;
	[dreg:$0x0] =	wrdreg $0x0  }
0xb7: {  	s5 =	sshll.u32 s28, $0x1;
	[dreg:$0x2] =	wrdreg s3  }
0xb8: {  	[dreg:$0x3] =	wrdreg s5  }
0xb9: {  	[dreg:$0x4] =	wrdreg $0xC0  }
0xba: {  	_ =	task [dreg:s22], $0x5FFFF  }
0xbb: {  	[dreg:$0x1] =	wrdreg $0xFFFFFFFF  }
0xbc: {  	[dreg:$0x0] =	wrdreg $0x60  }
0xbd: {  	[dreg:$0x2] =	wrdreg s24  }
0xbe: {  	[dreg:$0x3] =	wrdreg $0xA2000  }
0xbf: {  	[dreg:$0x4] =	wrdreg $0x9  }
0xc0: {  	_ =	task.clear_ibuf [dreg:s22], $0x5FFFF;
	_ =	strace $0x9000004F  }
0xc1: {  	s29 =	simm.s32 $0x9;
	_ =	strace $0x80000051  }
0xc2: {  	_ =	swait.ge [sflag:s29], $0x1  }
0xc3: {  	[sflag:s29] =	ssyncadd.s32 $0xFFFFFFFF  }
0xc4: {  	_ =	strace $0x90000051  }
0xc5: {  	_ =	sfence  }
0xc6: {  	s30 =	sld [smem:$0x0];
	_ =	sdelay $0x2  }
0xc7: {  	s31 =	sshll.u32 s1, $0xD;
	s1 =	sshrl.u32 s1, $0x2  }
0xc8: {  	s4 =	sand.u32 $0x4000, s31;
	s1 =	sadd.s32 s1, s30  }
0xc9: {  	s0 =	sor.u32 s4, s0;
	s1 =	sshll.u32 s1, $0x11  }
0xca: {  	s0 =	sor.u32 s1, s0  }
0xcb: {  	s0 =	sadd.s32 $0x8F2B, s0  }
0xcc: {  	[sflag:s0] =	ssyncadd.remote.s32 $0x1  }
0xcd: {  	_ =	sfence.sel $0xFFFF  }
0xce: {  	[dreg:$0x0] =	wrdreg $0xFFFFFFFF;
	(pc) =	sbr.abs _section_cstart, $3  }
0xcf: {  	[dreg:$0x1] =	wrdreg $0xFFFFFFFF  }
0xd0: {  	_ =	task.clear_ibuf [dreg:s22], $0x2FFFF;
	_ =	strace $0x9FFFFFFF  }
0xd1: {  	(tm) =	ssettm $0x7FFFFFFF  }
tec
execute0_lowered:
.L_overlay_start_1:
0x0: {  	(tag) =	ssettag $0x1  }
0x1: {  	s6 =	rddreg [dreg:$0x0];
	s0 =	stileid.u32  }
0x2: {  	s1 =	rddreg [dreg:$0x1];
	s5 =	smul.u32 $0x2780, s0  }
0x3: {  	s3 =	simm.s32 $0x0;
	s4 =	srdreg.scid;
	s8 =	smul.u32 $0x4F000, s0  }
0x4: {  	s20 =	simm.s32 $0x100;
	s21 =	simm.s32 $0x5100;
	s10 =	smul.u32 $0x2800, s0  }
0x5: {  	s22 =	simm.s32 $0x5200;
	[smem:$0x7FF] =	sst s3;
	s23 =	smul.u32 $0x140000, s0  }
0x6: {  	s16 =	sadd.s32 $0xEF0000, s6;
	s7 =	sand.u32 $0x1, s4;
	s25 =	smul.u32 $0x13C00, s0  }
0x7: {  	s15 =	sadd.s32 $0x525C00, s6;
	s11 =	sadd.s32 $0x9C00, s6;
	s31 =	smul.u32 $0x500, s0  }
0x8: {  	s17 =	sadd.s32 $0x128400, s1;
	p0 =	seq.s32 s0, $0xF;
	s13 =	smul.u32 $0x1400000, s7  }
0x9: {  	_ =	strace $0x80000050;
	s4 =	ssub.s32 $0x2, s7;
	s14 =	smul.u32 $0x138800, s7  }
0xa: {  	s17 =	sshrl.u32 @p0 s17, $0x3;
	s5 =	sadd.s32 s5, s6;
	s9 =	sshrl.u32 s4, $0x1  }
0xb: {  	s8 =	sshrl.u32 s8, $0x2;
	s24 =	sshrl.u32 s10, $0x3;
	s6 =	sadd.s32 $0x81C80, s6  }
0xc: {  	s19 =	sadd.s32 $0x2760, s10;
	s12 =	ssub.s32 s4, s9;
	s4 =	sadd.s32 $0x5CC00, s5  }
0xd: {  	s5 =	sadd.s32 s8, s1;
	s18 =	sadd.s32 s23, s13;
	s7 =	sadd.s32 s15, s24  }
0xe: {  	s9 =	sadd.s32 s25, s14;
	s14 =	sshrl.u32 s14, $0x3;
	s28 =	sshll.u32 s19, $0x7  }
0xf: {  	s29 =	sshrl.u32 s19, $0x3;
	s19 =	simm.s32 $0x3;
	s23 =	simm.s32 $0x1  }
0x10: {  	s24 =	simm.s32 $0xA0;
	s25 =	simm.s32 $0x2;
	s26 =	sshrl.u32 s18, $0x3  }
0x11: {  	s9 =	sshrl.u32 s9, $0x3;
	s14 =	sadd.s32 s11, s14;
	s13 =	sadd.s32 s13, s28  }
0x12: {  	s30 =	sor.u32 $0xA000, s18;
	s18 =	sor.u32 $0x5000, s18;
	s8 =	sadd.s32 s16, s26  }
0x13: {  	s9 =	sadd.s32 s11, s9;
	s10 =	sadd.s32 $0x25080, s14;
	s11 =	smax.u32 s12, $0x1  }
0x14: {  	s13 =	sshrl.u32 s13, $0x3;
	s12 =	sadd.s32 s15, s29;
	s14 =	sshrl.u32 s30, $0x3  }
0x15: {  	s15 =	sadd.s32 s31, s15;
	s18 =	sshrl.u32 s18, $0x3;
	s13 =	sadd.s32 s16, s13  }
0x16: {  	s14 =	sadd.s32 s14, s16;
	s16 =	sadd.s32 s18, s16;
	s18 =	sshll.u32 @!p0 s0, $0x6  }
0x17: {  	s26 =	simm.s32 $0x0;
	s15 =	sadd.s32 $0x28, s15;
	s18 =	sor.u32 @!p0 $0x1C03, s18  }
.LBB2_1:
0x18: {  	s28 =	simm.s32 @p0 $0x1FC3  }
0x19: {  	[spmem:s17], [sflag:s28] =	dma.local @p0 [hbm:s6], $0x2080  }
0x1a: {  	s28 =	simm.s32 @p0 $0x3  }
0x1b: {  	_ =	swait.ge @p0 [sflag:s28], $0x2080  }
0x1c: {  	[sflag:s28] =	ssyncset.done @p0 $0x0  }
0x1d: {  	s29 =	simm.s32 @!p0 $0x3;
	[sflag:s28] =	ssyncadd.s32 @p0 $0xFFFFDF80;
	s28 =	sshrl.u32 @!p0 s5, $0x3  }
0x1e: {  	[spmem:s28], [sflag:s18] =	dma.local @!p0 [hbm:s4], $0x2780  }
0x1f: {  	_ =	swait.ge @!p0 [sflag:s29], $0x2780  }
0x20: {  	[sflag:s29] =	ssyncset.done @!p0 $0x0  }
0x21: {  	[sflag:s29] =	ssyncadd.s32 @!p0 $0xFFFFD880  }
0x22: {  	[bflag:$0x0] =	sbarrier.arrive $0xFFFF  }
0x23: {  	[tilespmem:s3], [sflag:$0x3] =	stream.linear.gather [hbm4b:s7+s3], $0xA0, $0x38;
	[tilespmem:$0x1DA80] =	vst v63  }
0x24: {  	_ =	swait.ge [sflag:s19], $0xA0  }
0x25: {  	[sflag:s19] =	ssyncset.done $0x0  }
0x26: {  	[sflag:s19] =	ssyncadd.s32 $0xFFFFFF60  }
0x27: {  	[tilespmem:s20], [sflag:$0x1] =	stream.linear.gather [hbm4b:s8+s3], $0x5000, $0x38;
	[tilespmem:$0x1DA80] =	vst v63  }
0x28: {  	s29 =	sadd.s32 $0xFFFFFFEC, s15  }
0x29: {  	[tilespmem:s21], [sflag:$0x3] =	stream.linear.gather [hbm4b:s29+s3], $0xA0, $0x38;
	[tilespmem:$0x1DA80] =	vst v63  }
0x2a: {  	_ =	swait.ge [sflag:s19], $0xA0  }
0x2b: {  	[sflag:s19] =	ssyncset.done $0x0  }
0x2c: {  	s29 =	sadd.s32 $0x0, s16;
	[sflag:s19] =	ssyncadd.s32 $0xFFFFFF60  }
0x2d: {  	[tilespmem:s22], [sflag:$0x2] =	stream.linear.gather [hbm4b:s29+s3], $0x5000, $0x38;
	[tilespmem:$0x1DA80] =	vst v63  }
0x2e: {  	_ =	swait.ge [sflag:s23], $0x5000  }
0x2f: {  	[sflag:s23] =	ssyncset.done $0x0  }
0x30: {  	[sflag:s23] =	ssyncadd.s32 $0xFFFFB000  }
0x31: {  	[spmem:s1] =	stream.indirect.scatter.add.f32 [tilespmem:s20], [sflag:$0x3], $0x80, s3, s24, $0xb8;
	[tilespmem:$0x1DA80] =	vst v63  }
0x32: {  	_ =	swait.ge [sflag:s19], $0x5000  }
0x33: {  	[sflag:s19] =	ssyncset.done $0x0  }
0x34: {  	[sflag:s19] =	ssyncadd.s32 $0xFFFFB000  }
0x35: {  	[tilespmem:s3], [sflag:$0x3] =	stream.linear.gather [hbm4b:s15+s3], $0xA0, $0x38;
	[tilespmem:$0x1DA80] =	vst v63  }
0x36: {  	_ =	swait.ge [sflag:s19], $0xA0  }
0x37: {  	[sflag:s19] =	ssyncset.done $0x0  }
0x38: {  	s29 =	sadd.s32 $0x0, s14;
	[sflag:s19] =	ssyncadd.s32 $0xFFFFFF60  }
0x39: {  	[tilespmem:s20], [sflag:$0x1] =	stream.linear.gather [hbm4b:s29+s3], $0x5000, $0x38;
	[tilespmem:$0x1DA80] =	vst v63  }
0x3a: {  	_ =	swait.ge [sflag:s25], $0x5000  }
0x3b: {  	[sflag:s25] =	ssyncset.done $0x0  }
0x3c: {  	[sflag:s25] =	ssyncadd.s32 $0xFFFFB000  }
0x3d: {  	[spmem:s1] =	stream.indirect.scatter.add.f32 [tilespmem:s22], [sflag:$0x3], $0x80, s21, s24, $0xb8;
	[tilespmem:$0x1DA80] =	vst v63  }
0x3e: {  	s31 =	simm.s32 $0x2800;
	_ =	swait.ge [sflag:s19], $0x5000  }
0x3f: {  	s30 =	sadd.s32 $0x28, s15;
	s29 =	simm.s32 $0x1400;
	[sflag:s19] =	ssyncset.done $0x0  }
.LBB2_2:
0x40: {  	p1 =	sne.s32 s31, $0x25800;
	s0 =	sadd.s32 $0xFFFFFFEC, s30;
	[sflag:s19] =	ssyncadd.s32 $0xFFFFB000  }
0x41: {  	[tilespmem:s21], [sflag:$0x3] =	stream.linear.gather [hbm4b:s0+s3], $0xA0, $0x38;
	[tilespmem:$0x1DA80] =	vst v63  }
0x42: {  	s0 =	smov.u32 s31;
	s31 =	sadd.s32 $0x1400, s31;
	_ =	swait.ge [sflag:s19], $0xA0  }
0x43: {  	[sflag:s19] =	ssyncset.done $0x0  }
0x44: {  	s2 =	sadd.s32 s29, s16;
	[sflag:s19] =	ssyncadd.s32 $0xFFFFFF60  }
0x45: {  	[tilespmem:s22], [sflag:$0x2] =	stream.linear.gather [hbm4b:s2+s3], $0x5000, $0x38;
	[tilespmem:$0x1DA80] =	vst v63  }
0x46: {  	_ =	swait.ge [sflag:s23], $0x5000  }
0x47: {  	[sflag:s23] =	ssyncset.done $0x0  }
0x48: {  	[sflag:s23] =	ssyncadd.s32 $0xFFFFB000  }
0x49: {  	[spmem:s1] =	stream.indirect.scatter.add.f32 [tilespmem:s20], [sflag:$0x3], $0x80, s3, s24, $0xb8;
	[tilespmem:$0x1DA80] =	vst v63  }
0x4a: {  	_ =	swait.ge [sflag:s19], $0x5000  }
0x4b: {  	[sflag:s19] =	ssyncset.done $0x0  }
0x4c: {  	[sflag:s19] =	ssyncadd.s32 $0xFFFFB000  }
0x4d: {  	[tilespmem:s3], [sflag:$0x3] =	stream.linear.gather [hbm4b:s30+s3], $0xA0, $0x38;
	[tilespmem:$0x1DA80] =	vst v63  }
0x4e: {  	_ =	swait.ge [sflag:s19], $0xA0  }
0x4f: {  	[sflag:s19] =	ssyncset.done $0x0  }
0x50: {  	s2 =	sadd.s32 s29, s14;
	s29 =	smov.u32 s0;
	[sflag:s19] =	ssyncadd.s32 $0xFFFFFF60  }
0x51: {  	[tilespmem:s20], [sflag:$0x1] =	stream.linear.gather [hbm4b:s2+s3], $0x5000, $0x38;
	[tilespmem:$0x1DA80] =	vst v63  }
0x52: {  	_ =	swait.ge [sflag:s25], $0x5000  }
.Ltmp0:
0x53: {  	[sflag:s25] =	ssyncset.done $0x0;
	(pc) =	sbr.rel @p1 .LBB2_2-.Ltmp0, $4  }
0x54: {  	[sflag:s25] =	ssyncadd.s32 $0xFFFFB000  }
0x55: {  	[spmem:s1] =	stream.indirect.scatter.add.f32 [tilespmem:s22], [sflag:$0x3], $0x80, s21, s24, $0xb8;
	[tilespmem:$0x1DA80] =	vst v63  }
0x56: {  	_ =	swait.ge [sflag:s19], $0x5000  }
0x57: {  	s30 =	sadd.s32 $0x28, s30;
	[sflag:s19] =	ssyncset.done $0x0  }
0x58: {  	s0 =	sadd.s32 $0xFFFFFFEC, s30;
	[sflag:s19] =	ssyncadd.s32 $0xFFFFB000  }
0x59: {  	[tilespmem:s21], [sflag:$0x3] =	stream.linear.gather [hbm4b:s0+s3], $0xA0, $0x38;
	[tilespmem:$0x1DA80] =	vst v63  }
0x5a: {  	_ =	swait.ge [sflag:s19], $0xA0  }
0x5b: {  	[sflag:s19] =	ssyncset.done $0x0  }
0x5c: {  	s2 =	sadd.s32 s29, s16;
	[sflag:s19] =	ssyncadd.s32 $0xFFFFFF60  }
0x5d: {  	[tilespmem:s22], [sflag:$0x2] =	stream.linear.gather [hbm4b:s2+s3], $0x5000, $0x38;
	[tilespmem:$0x1DA80] =	vst v63  }
0x5e: {  	_ =	swait.ge [sflag:s23], $0x5000  }
0x5f: {  	[sflag:s23] =	ssyncset.done $0x0  }
0x60: {  	[sflag:s23] =	ssyncadd.s32 $0xFFFFB000  }
0x61: {  	[spmem:s1] =	stream.indirect.scatter.add.f32 [tilespmem:s20], [sflag:$0x3], $0x80, s3, s24, $0xb8;
	[tilespmem:$0x1DA80] =	vst v63  }
0x62: {  	_ =	swait.ge [sflag:s19], $0x5000  }
0x63: {  	[sflag:s19] =	ssyncset.done $0x0  }
0x64: {  	[sflag:s19] =	ssyncadd.s32 $0xFFFFB000  }
0x65: {  	[tilespmem:s3], [sflag:$0x3] =	stream.linear.gather [hbm4b:s30+s3], $0xA0, $0x38;
	[tilespmem:$0x1DA80] =	vst v63  }
0x66: {  	_ =	swait.ge [sflag:s19], $0xA0  }
0x67: {  	[sflag:s19] =	ssyncset.done $0x0  }
0x68: {  	s31 =	sadd.s32 s29, s14;
	[sflag:s19] =	ssyncadd.s32 $0xFFFFFF60  }
0x69: {  	[tilespmem:s20], [sflag:$0x1] =	stream.linear.gather [hbm4b:s31+s3], $0x5000, $0x38;
	[tilespmem:$0x1DA80] =	vst v63  }
0x6a: {  	_ =	swait.ge [sflag:s25], $0x5000  }
0x6b: {  	[sflag:s25] =	ssyncset.done $0x0  }
0x6c: {  	[sflag:s25] =	ssyncadd.s32 $0xFFFFB000  }
0x6d: {  	[spmem:s1] =	stream.indirect.scatter.add.f32 [tilespmem:s22], [sflag:$0x3], $0x80, s21, s24, $0xb8;
	[tilespmem:$0x1DA80] =	vst v63  }
0x6e: {  	_ =	swait.ge [sflag:s19], $0x5000  }
0x6f: {  	[sflag:s19] =	ssyncset.done $0x0  }
0x70: {  	[sflag:s19] =	ssyncadd.s32 $0xFFFFB000  }
0x71: {  	[tilespmem:s21], [sflag:$0x3] =	stream.linear.gather [hbm4b:s12+s3], $0xA0, $0x38;
	[tilespmem:$0x1DA80] =	vst v63  }
0x72: {  	_ =	swait.ge [sflag:s19], $0xA0  }
0x73: {  	[sflag:s19] =	ssyncset.done $0x0  }
0x74: {  	[sflag:s19] =	ssyncadd.s32 $0xFFFFFF60  }
0x75: {  	[tilespmem:s22], [sflag:$0x2] =	stream.linear.gather [hbm4b:s13+s3], $0x5000, $0x38;
	[tilespmem:$0x1DA80] =	vst v63  }
0x76: {  	_ =	swait.ge [sflag:s23], $0x5000  }
0x77: {  	[sflag:s23] =	ssyncset.done $0x0  }
0x78: {  	[sflag:s23] =	ssyncadd.s32 $0xFFFFB000  }
0x79: {  	[spmem:s1] =	stream.indirect.scatter.add.f32 [tilespmem:s20], [sflag:$0x3], $0x80, s3, s24, $0xb8;
	[tilespmem:$0x1DA80] =	vst v63  }
0x7a: {  	_ =	swait.ge [sflag:s19], $0x5000  }
0x7b: {  	[sflag:s19] =	ssyncset.done $0x0  }
0x7c: {  	[sflag:s19] =	ssyncadd.s32 $0xFFFFB000  }
0x7d: {  	_ =	swait.ge [sflag:s25], $0x5000  }
0x7e: {  	[sflag:s25] =	ssyncset.done $0x0  }
0x7f: {  	[sflag:s25] =	ssyncadd.s32 $0xFFFFB000  }
0x80: {  	[spmem:s1] =	stream.indirect.scatter.add.f32 [tilespmem:s22], [sflag:$0x3], $0x80, s21, s24, $0xb8;
	[tilespmem:$0x1DA80] =	vst v63  }
0x81: {  	_ =	swait.ge [sflag:s19], $0x5000  }
0x82: {  	[sflag:s19] =	ssyncset.done $0x0  }
0x83: {  	[sflag:s19] =	ssyncadd.s32 $0xFFFFB000  }
0x84: {  	s0 =	simm.s32 @p0 $0x1FC3;
	[bflag:$0x0] =	sbarrier.arrive $0xFFFF  }
0x85: {  	[hbm:s10], [sflag:s0] =	dma.local @p0 [spmem:s17], $0x2080  }
0x86: {  	s0 =	simm.s32 @p0 $0x3  }
0x87: {  	s26 =	sadd.s32 $0x1, s26;
	_ =	swait.ge @p0 [sflag:s0], $0x2080  }
0x88: {  	p1 =	sne.s32 s26, s11;
	[sflag:s0] =	ssyncset.done @p0 $0x0  }
.Ltmp1:
0x89: {  	[sflag:s0] =	ssyncadd.s32 @p0 $0xFFFFDF80;
	s0 =	simm.s32 @!p0 $0x3;
	(pc) =	sbr.rel @p1 .LBB2_1-.Ltmp1, $4  }
0x8a: {  	[hbm:s9], [sflag:s18] =	dma.local @!p0 [spmem:s28], $0x2780  }
0x8b: {  	_ =	swait.ge @!p0 [sflag:s0], $0x2780  }
0x8c: {  	[sflag:s0] =	ssyncset.done @!p0 $0x0  }
0x8d: {  	[sflag:s0] =	ssyncadd.s32 @!p0 $0xFFFFD880  }
0x8e: {  	_ =	sfence.sel $0x180000  }
0x8f: {  	[bflag:$0x0] =	sbarrier.arrive $0xFFFF  }
0x90: {  	_ =	strace $0x90000050  }
0x91: {  	s0 =	stileid.u32;
	[bflag:$0x2] =	sbarrier.arrive $0xFFFF  }
0x92: {  	p0 =	sne.s32 s0, $0x0;
	s0 =	rddreg [dreg:$0x2]  }
0x93: {  	s0 =	sadd.s32 @!p0 $0x100000, s0  }
0x94: {  	[sflag:s0] =	ssyncadd.tile.s32 @!p0 $0x1;
	_ =	shalt  }
.Lfunc_end2:
_tile_overlayer_lowered:
.L_overlay_start_2:
0x95: {  	(tag) =	ssettag $0x2  }
0x96: {  	s0 =	rddreg [dreg:$0x0];
	s2 =	stileid.u32  }
0x97: {  	s1 =	rddreg [dreg:$0x1];
	p0 =	sne.s32 s2, $0x0  }
0x98: {  	s3 =	rddreg [dreg:$0x2];
	[bflag:$0x3] =	sbarrier.arrive $0xFFFF;
	s2 =	simm.s32 @!p0 $0x1C03  }
0x99: {  	[timem:s3], [sflag:s2] =	dma.local @!p0 [hbm:s0], s1  }
0x9a: {  	s0 =	simm.s32 @!p0 $0x3  }
0x9b: {  	_ =	swait.ge @!p0 [sflag:s0], s1  }
0x9c: {  	s1 =	ssub.s32 @!p0 $0x0, s1;
	[sflag:s0] =	ssyncset.done @!p0 $0x0  }
0x9d: {  	[sflag:s0] =	ssyncadd.s32 @!p0 s1  }
0x9e: {  	[bflag:$0x3] =	sbarrier.arrive $0xFFFF  }
0x9f: {  	_ =	shalt  }

// kernel: kernel.19.cloned.1.call-start
scs
__scs_entry_jumppad:
0x0: {  	(pc) =	sbr.rel $0x88, $3  }
0x1: {  	(tag) =	ssettag $0x0;
	lr =	simm.s32 $0x1  }
0x2: {  	[smem:$0x3F8F] =	sst lr;
	_ =	strace $0xD0000000  }
0x3: {  	_ = 	snop  }
0x4: {  	_ = 	snop  }
0x5: {  	_ = 	snop  }
0x6: {  	_ = 	snop  }
0x7: {  	_ = 	snop  }
__scs_overlays_trampoline_lowered:
0x8: {  	[smem:$0x3F9E] =	sst s0  }
0x9: {  	[smem:$0x3F9F] =	sst s1  }
0xa: {  	[smem:$0x3FA0] =	sst s2  }
0xb: {  	[smem:$0x3FA1] =	sst s3  }
0xc: {  	[smem:$0x3FA2] =	sst s4  }
0xd: {  	[smem:$0x3FA3] =	sst s5  }
0xe: {  	[smem:$0x3FA4] =	sst s6  }
0xf: {  	[smem:$0x3FA5] =	sst s7  }
0x10: {  	[smem:$0x3FA6] =	sst s8  }
0x11: {  	[smem:$0x3FA7] =	sst s9;
	s0 =	simm.s32 @!p0 $0x0  }
0x12: {  	s1 =	sld [smem:$0x3F8D];
	s0 =	simm.s32 @p0 $0x1  }
0x13: {  	[smem:$0x3FA8] =	sst s0;
	s0 =	simm.s32 @!p1 $0x0  }
0x14: {  	s2 =	sld [smem:$0x3F8C];
	s0 =	simm.s32 @p1 $0x1  }
0x15: {  	[smem:$0x3FA9] =	sst s0;
	s0 =	simm.s32 @!p2 $0x0  }
0x16: {  	s3 =	sld [smem:$0x3FDB];
	s0 =	simm.s32 @p2 $0x1  }
0x17: {  	s4 =	simm.s32 $0x1BF5;
	[smem:$0x3FAB] =	sst s0  }
0x18: {  	s0 =	sld [smem:$0x3F8E];
	_ =	swait.ge [sflag:s4], $0x0  }
0x19: {  	s7 =	sld [smem:$0x3F8F]  }
0x1a: {  	s8 =	sadd.s32 $0xFFFFE003, lr  }
0x1b: {  	s9 =	sadd.s32 $0xFFFFFEF7, lr;
	s5 =	simm.s32 $0xFFFFFFFF;
	p2 =	slt.u32 s8, $0xFFFFF086  }
0x1c: {  	p1 =	slt.u32 s9, $0xF7A;
	s5 =	simm.s32 @!p2 $0x0  }
0x1d: {  	s5 =	simm.s32 @p1 $0x1;
	p0 =	seq.s32 s7, s2  }
0x1e: {  	s7 =	smul.u32 @!p0 $0xF7A, s2;
	p2 =	seq.s32 @!p0 s5, $0x0  }
0x1f: {  	s9 =	smul.u32 $0xF7A, s1;
	s8 =	simm.s32 @!p0 $0x1BF5;
	p2 =	por !p2, p0  }
0x20: {  	[sflag:s8] =	ssyncset.s32 @!p0 $0xFFFFF086;
	s6 =	sadd.s32 @!p0 s3, s7;
	s7 =	simm.s32 @!p0 $0x108  }
0x21: {  	s3 =	sadd.s32 s3, s9;
	s6 =	sadd.s32 @!p0 $0x88, s6;
	s7 =	simm.s32 @p2 $0x1082  }
0x22: {  	[simem:s7], [sflag:s8] =	dma.local @!p0 [hbm:s6], $0xF7A  }
0x23: {  	s9 =	sor.u32 $0xD0000000, s2;
	s6 =	simm.s32 $0x108;
	_ =	swait.ge @!p0 [sflag:s8], $0x0  }
0x24: {  	s3 =	sadd.s32 $0x88, s3;
	s6 =	simm.s32 @!p1 $0x1082;
	[sflag:s4] =	ssyncset.s32 $0xFFFFF086  }
0x25: {  	[simem:s6], [sflag:s4] =	dma.local [hbm:s3], $0xF7A  }
0x26: {  	[smem:$0x3F8F] =	sst s1;
	(tag) =	ssettag s2;
	_ =	strace s9  }
0x27: {  	s1 =	sld [smem:$0x3F9F]  }
0x28: {  	s2 =	sld [smem:$0x3FA0]  }
0x29: {  	s4 =	sld [smem:$0x3FA2]  }
0x2a: {  	p0 =	seq.s32 s5, $0x0;
	s5 =	sld [smem:$0x3FA3]  }
0x2b: {  	s6 =	sld [smem:$0x3FA4]  }
0x2c: {  	s7 =	sld [smem:$0x3FA5]  }
0x2d: {  	s3 =	simm.s32 $0x108;
	s8 =	sld [smem:$0x3FA6]  }
0x2e: {  	s3 =	simm.s32 @!p0 $0x1082;
	s9 =	sld [smem:$0x3FA7]  }
0x2f: {  	lr =	sadd.s32 s0, s3;
	s0 =	sld [smem:$0x3F9E]  }
0x30: {  	s3 =	sld [smem:$0x3FA1]  }
0x31: {  	[smem:$0x3FAA] =	sst s10  }
0x32: {  	s10 =	sld [smem:$0x3FA8];
	_ =	sdelay $0x3  }
0x33: {  	p0 =	seq.s32 s10, $0x1;
	s10 =	sld [smem:$0x3FAA];
	_ =	sdelay $0x3  }
0x34: {  	[smem:$0x3FAA] =	sst s10  }
0x35: {  	s10 =	sld [smem:$0x3FA9];
	_ =	sdelay $0x3  }
0x36: {  	p1 =	seq.s32 s10, $0x1;
	s10 =	sld [smem:$0x3FAA];
	_ =	sdelay $0x3  }
0x37: {  	[smem:$0x3FAA] =	sst s10  }
0x38: {  	s10 =	sld [smem:$0x3FAB]  }
0x39: {  	_ = 	snop;
	(pc) =	sbr.ind lr, $3  }
0x3a: {  	_ = 	snop  }
0x3b: {  	_ = 	snop  }
0x3c: {  	p2 =	seq.s32 s10, $0x1;
	s10 =	sld [smem:$0x3FAA]  }
0x3d: {  	_ =	shalt  }
0x3e: {  	_ =	shalt  }
0x3f: {  	_ =	shalt  }
0x40: {  	_ =	shalt  }
0x41: {  	_ =	shalt  }
0x42: {  	_ =	shalt  }
0x43: {  	_ =	shalt  }
0x44: {  	_ =	shalt  }
0x45: {  	_ =	shalt  }
0x46: {  	_ =	shalt  }
0x47: {  	_ =	shalt  }
0x48: {  	_ =	shalt  }
0x49: {  	_ =	shalt  }
0x4a: {  	_ =	shalt  }
0x4b: {  	_ =	shalt  }
0x4c: {  	_ =	shalt  }
0x4d: {  	_ =	shalt  }
0x4e: {  	_ =	shalt  }
0x4f: {  	_ =	shalt  }
0x50: {  	_ =	shalt  }
0x51: {  	_ =	shalt  }
0x52: {  	_ =	shalt  }
0x53: {  	_ =	shalt  }
0x54: {  	_ =	shalt  }
0x55: {  	_ =	shalt  }
0x56: {  	_ =	shalt  }
0x57: {  	_ =	shalt  }
0x58: {  	_ =	shalt  }
0x59: {  	_ =	shalt  }
0x5a: {  	_ =	shalt  }
0x5b: {  	_ =	shalt  }
0x5c: {  	_ =	shalt  }
0x5d: {  	_ =	shalt  }
0x5e: {  	_ =	shalt  }
0x5f: {  	_ =	shalt  }
0x60: {  	_ =	shalt  }
0x61: {  	_ =	shalt  }
0x62: {  	_ =	shalt  }
0x63: {  	_ =	shalt  }
0x64: {  	_ =	shalt  }
0x65: {  	_ =	shalt  }
0x66: {  	_ =	shalt  }
0x67: {  	_ =	shalt  }
0x68: {  	_ =	shalt  }
0x69: {  	_ =	shalt  }
0x6a: {  	_ =	shalt  }
0x6b: {  	_ =	shalt  }
0x6c: {  	_ =	shalt  }
0x6d: {  	_ =	shalt  }
0x6e: {  	_ =	shalt  }
0x6f: {  	_ =	shalt  }
0x70: {  	_ =	shalt  }
0x71: {  	_ =	shalt  }
0x72: {  	_ =	shalt  }
0x73: {  	_ =	shalt  }
0x74: {  	_ =	shalt  }
0x75: {  	_ =	shalt  }
0x76: {  	_ =	shalt  }
0x77: {  	_ =	shalt  }
0x78: {  	_ =	shalt  }
0x79: {  	_ =	shalt  }
0x7a: {  	_ =	shalt  }
0x7b: {  	_ =	shalt  }
0x7c: {  	_ =	shalt  }
0x7d: {  	_ =	shalt  }
0x7e: {  	_ =	shalt  }
0x7f: {  	_ =	shalt  }
0x80: {  	_ =	shalt  }
0x81: {  	_ =	shalt  }
0x82: {  	_ =	shalt  }
0x83: {  	_ =	shalt  }
0x84: {  	_ =	shalt  }
0x85: {  	_ =	shalt  }
0x86: {  	_ =	shalt  }
0x87: {  	_ =	shalt  }
.Lfunc_end0:
.L_simem_size_0:
called_computation.3_lowered:
.L_overlay_start_0:
0x88: {  	s2 =	sld [smem:$0x3FD9]  }
0x89: {  	s3 =	sld [smem:$0x3FFE];
	_ =	sdelay $0x1  }
0x8a: {  	s1 =	srdreg.scid  }
0x8b: {  	s0 =	sand.u32 $0x1, s1  }
0x8c: {  	s17 =	sshll.u32 s0, $0xA;
	s2 =	sadd.s32 s3, s2  }
0x8d: {  	s2 =	sadd.s32 s2, s17  }
0x8e: {  	[smem:$0x3FB6] =	sst s2  }
0x8f: {  	_ = 	snop  }
0x90: {  	(tm) =	ssettm $0x1  }
0x91: {  	s18 =	sld [smem:$0x3FFB];
	_ =	sdelay $0x3  }
0x92: {  	_ =	strace s18  }
0x93: {  	s2 =	sld [smem:$0x3FFC];
	_ =	sdelay $0x3  }
0x94: {  	_ =	strace s2  }
0x95: {  	s2 =	sld [smem:$0x3FFD];
	_ =	sdelay $0x3  }
0x96: {  	_ =	strace s2  }
0x97: {  	_ =	strace $0x8FFFFFFF  }
0x98: {  	s19 =	sld [smem:$0x3FDB];
	_ =	sdelay $0x1  }
0x99: {  	s20 =	simm.s32 $_scs_section_size  }
0x9a: {  	s4 =	simm.s32 $_size__tile_overlayer_lowered;
	s5 =	simm.s32 $_tile_overlayer_lowered  }
0x9b: {  	s6 =	simm.s32 $0x1BFF;
	s21 =	sshll.u32 s5, $0x1;
	s3 =	sadd.s32 s20, s19  }
0x9c: {  	s22 =	simm.s32 $0x0;
	s4 =	sshll.u32 s4, $0x1;
	s5 =	sadd.s32 s21, s3  }
0x9d: {  	[timem:s22], [sflag:s6] =	dma.local [hbm:s5], s4  }
0x9e: {  	_ =	swait.ge [sflag:s6], s4  }
0x9f: {  	s4 =	ssub.s32 $0x0, s4;
	[sflag:s6] =	ssyncset.done $0x0  }
0xa0: {  	[sflag:s6] =	ssyncadd.s32 s4;
	_ =	sdelay $0x1  }
0xa1: {  	s23 =	simm.s32 $0x1B8B  }
0xa2: {  	_ =	swait.ge [sflag:s23], $0x1  }
0xa3: {  	[sflag:s23] =	ssyncset.done $0x0  }
0xa4: {  	[sflag:s23] =	ssyncadd.s32 $0xFFFFFFFF  }
0xa5: {  	s4 =	sld [smem:$0x0]  }
0xa6: {  	s5 =	sand.u32 $0xFFFFFFFE, s1  }
0xa7: {  	p0 =	sne.s32 s1, s5  }
0xa8: {  	s5 =	sshll.u32 @p0 s5, $0xE  }
0xa9: {  	s5 =	sadd.s32 @p0 $0x11B8D, s5;
	s6 =	sshll.u32 @p0 s4, $0x11  }
0xaa: {  	s5 =	sor.u32 @p0 s6, s5  }
0xab: {  	[sflag:s5] =	ssyncadd.remote.s32 @p0 $0x1;
	_ =	sdelay $0x1  }
0xac: {  	s5 =	simm.s32 @p0 $0x1B8D  }
0xad: {  	_ =	swait.eq @p0 [sflag:s5], $0x1  }
0xae: {  	[sflag:s5] =	ssyncadd.s32 @p0 $0xFFFFFFFF  }
0xaf: {  	s6 =	sshll.u32 @!p0 s1, $0xE  }
0xb0: {  	s6 =	sor.u32 @!p0 $0x4000, s6;
	s5 =	simm.s32 @!p0 $0x1B8D  }
0xb1: {  	s4 =	sshll.u32 @!p0 s4, $0x11;
	s6 =	sadd.s32 @!p0 $0x11B8D, s6;
	_ =	swait.eq @!p0 [sflag:s5], $0x1  }
0xb2: {  	s4 =	sor.u32 @!p0 s4, s6;
	[sflag:s5] =	ssyncadd.s32 @!p0 $0xFFFFFFFF  }
0xb3: {  	s25 =	simm.s32 $0x1B8E;
	s24 =	sld [smem:$0x3FFE];
	[sflag:s4] =	ssyncadd.remote.s32 @!p0 $0x1  }
0xb4: {  	s26 =	simm.s32 $execute0_lowered;
	[smem:$0x3FD2] =	sst s25  }
0xb5: {  	s5 =	sshll.u32 s26, $0x1;
	_ =	strace $0x8000004C;
	[dreg:$0x1] =	wrdreg $0xFFFFFFFF  }
0xb6: {  	s28 =	simm.s32 $_size_execute0_lowered;
	s3 =	sadd.s32 s3, s5;
	[dreg:$0x0] =	wrdreg $0x0  }
0xb7: {  	s5 =	sshll.u32 s28, $0x1;
	[dreg:$0x2] =	wrdreg s3  }
0xb8: {  	[dreg:$0x3] =	wrdreg s5  }
0xb9: {  	[dreg:$0x4] =	wrdreg $0xC0  }
0xba: {  	_ =	task [dreg:s22], $0x5FFFF  }
0xbb: {  	[dreg:$0x1] =	wrdreg $0xFFFFFFFF  }
0xbc: {  	[dreg:$0x0] =	wrdreg $0x60  }
0xbd: {  	[dreg:$0x2] =	wrdreg s24  }
0xbe: {  	[dreg:$0x3] =	wrdreg $0xA2000  }
0xbf: {  	[dreg:$0x4] =	wrdreg $0xA  }
0xc0: {  	_ =	task.clear_ibuf [dreg:s22], $0x5FFFF;
	_ =	strace $0x9000004C  }
0xc1: {  	s29 =	simm.s32 $0xA;
	_ =	strace $0x8000004E  }
0xc2: {  	_ =	swait.ge [sflag:s29], $0x1  }
0xc3: {  	[sflag:s29] =	ssyncadd.s32 $0xFFFFFFFF  }
0xc4: {  	_ =	strace $0x9000004E  }
0xc5: {  	_ =	sfence  }
0xc6: {  	s30 =	sld [smem:$0x0];
	_ =	sdelay $0x2  }
0xc7: {  	s31 =	sshll.u32 s1, $0xD;
	s1 =	sshrl.u32 s1, $0x2  }
0xc8: {  	s4 =	sand.u32 $0x4000, s31;
	s1 =	sadd.s32 s1, s30  }
0xc9: {  	s0 =	sor.u32 s4, s0;
	s1 =	sshll.u32 s1, $0x11  }
0xca: {  	s0 =	sor.u32 s1, s0  }
0xcb: {  	s0 =	sadd.s32 $0x8F2B, s0  }
0xcc: {  	[sflag:s0] =	ssyncadd.remote.s32 $0x1  }
0xcd: {  	_ =	sfence.sel $0xFFFF  }
0xce: {  	[dreg:$0x0] =	wrdreg $0xFFFFFFFF;
	(pc) =	sbr.abs _section_cstart, $3  }
0xcf: {  	[dreg:$0x1] =	wrdreg $0xFFFFFFFF  }
0xd0: {  	_ =	task.clear_ibuf [dreg:s22], $0x2FFFF;
	_ =	strace $0x9FFFFFFF  }
0xd1: {  	(tm) =	ssettm $0x7FFFFFFF  }
tec
execute0_lowered:
.L_overlay_start_1:
0x0: {  	(tag) =	ssettag $0x1  }
0x1: {  	s6 =	rddreg [dreg:$0x0];
	s1 =	stileid.u32  }
0x2: {  	s2 =	rddreg [dreg:$0x1];
	s3 =	simm.s32 $0x0;
	s5 =	smul.u32 $0x2780, s1  }
0x3: {  	s7 =	srdreg.scid;
	s19 =	simm.s32 $0x100;
	s8 =	smul.u32 $0x4F000, s1  }
0x4: {  	s20 =	simm.s32 $0x5100;
	s21 =	simm.s32 $0x5200;
	s9 =	smul.u32 $0x2620, s1  }
0x5: {  	[smem:$0x7FF] =	sst s3;
	s4 =	sadd.s32 $0xA2C000, s6;
	s15 =	smul.u32 $0x131000, s1  }
0x6: {  	s13 =	sadd.s32 $0x4E00, s6;
	s7 =	sand.u32 $0x1, s7;
	s23 =	smul.u32 $0x13C00, s1  }
0x7: {  	s10 =	sadd.s32 $0x83E00, s6;
	s16 =	sadd.s32 $0x128400, s2;
	s30 =	smul.u32 $0x4C4, s1  }
0x8: {  	p0 =	seq.s32 s1, $0xF;
	_ =	strace $0x8000004D;
	s12 =	smul.u32 $0x1310000, s7  }
0x9: {  	s11 =	ssub.s32 $0x2, s7;
	s22 =	smul.u32 $0x138800, s7;
	s18 =	sshll.u32 @!p0 s1, $0x6  }
0xa: {  	s5 =	sadd.s32 s5, s6;
	s14 =	sshrl.u32 s11, $0x1;
	s8 =	sshrl.u32 s8, $0x2  }
0xb: {  	s6 =	sadd.s32 $0x81C80, s6;
	s24 =	sshrl.u32 s9, $0x3;
	s11 =	ssub.s32 s11, s14  }
0xc: {  	s17 =	sadd.s32 s8, s2;
	s5 =	sadd.s32 $0x5CC00, s5;
	s15 =	sadd.s32 s15, s12  }
0xd: {  	s7 =	sadd.s32 s13, s24;
	s26 =	sadd.s32 s23, s22;
	s29 =	sshrl.u32 s22, $0x3  }
0xe: {  	s13 =	sadd.s32 s30, s13;
	s22 =	simm.s32 $0x1;
	s23 =	simm.s32 $0xA0  }
0xf: {  	s24 =	simm.s32 $0x2;
	s25 =	sshrl.u32 s15, $0x3;
	s28 =	sshrl.u32 s26, $0x3  }
0x10: {  	s11 =	smax.u32 s11, $0x1;
	s12 =	sadd.s32 $0xA000, s15;
	s31 =	sadd.s32 $0x5000, s15  }
0x11: {  	s13 =	sadd.s32 $0x28, s13;
	s15 =	sshrl.u32 @p0 s16, $0x3;
	s16 =	sor.u32 @!p0 $0x1C03, s18  }
0x12: {  	s17 =	sshrl.u32 @!p0 s17, $0x3;
	s18 =	simm.s32 $0x3;
	s8 =	sadd.s32 s4, s25  }
0x13: {  	s9 =	sadd.s32 s10, s28;
	s10 =	sadd.s32 s10, s29;
	s14 =	sshrl.u32 s31, $0x3  }
0x14: {  	s25 =	simm.s32 $0x0;
	s10 =	sadd.s32 $0x25080, s10;
	s14 =	sadd.s32 s14, s4  }
.LBB2_1:
0x15: {  	s26 =	simm.s32 @p0 $0x1FC3  }
0x16: {  	[spmem:s15], [sflag:s26] =	dma.local @p0 [hbm:s6], $0x2080  }
0x17: {  	s26 =	simm.s32 @p0 $0x3  }
0x18: {  	_ =	swait.ge @p0 [sflag:s26], $0x2080  }
0x19: {  	[sflag:s26] =	ssyncset.done @p0 $0x0  }
0x1a: {  	[sflag:s26] =	ssyncadd.s32 @p0 $0xFFFFDF80;
	s26 =	simm.s32 @!p0 $0x3  }
0x1b: {  	[spmem:s17], [sflag:s16] =	dma.local @!p0 [hbm:s5], $0x2780  }
0x1c: {  	_ =	swait.ge @!p0 [sflag:s26], $0x2780  }
0x1d: {  	[sflag:s26] =	ssyncset.done @!p0 $0x0  }
0x1e: {  	[sflag:s26] =	ssyncadd.s32 @!p0 $0xFFFFD880  }
0x1f: {  	[bflag:$0x0] =	sbarrier.arrive $0xFFFF  }
0x20: {  	[tilespmem:s3], [sflag:$0x3] =	stream.linear.gather [hbm4b:s7+s3], $0xA0, $0x38;
	[tilespmem:$0x1DA80] =	vst v63  }
0x21: {  	_ =	swait.ge [sflag:s18], $0xA0  }
0x22: {  	[sflag:s18] =	ssyncset.done $0x0  }
0x23: {  	[sflag:s18] =	ssyncadd.s32 $0xFFFFFF60  }
0x24: {  	[tilespmem:s19], [sflag:$0x1] =	stream.linear.gather [hbm4b:s8+s3], $0x5000, $0x38;
	[tilespmem:$0x1DA80] =	vst v63  }
0x25: {  	s31 =	sadd.s32 $0xFFFFFFEC, s13  }
0x26: {  	[tilespmem:s20], [sflag:$0x3] =	stream.linear.gather [hbm4b:s31+s3], $0xA0, $0x38;
	[tilespmem:$0x1DA80] =	vst v63  }
0x27: {  	_ =	swait.ge [sflag:s18], $0xA0  }
0x28: {  	[sflag:s18] =	ssyncset.done $0x0  }
0x29: {  	s0 =	sadd.s32 $0x0, s14;
	[sflag:s18] =	ssyncadd.s32 $0xFFFFFF60  }
0x2a: {  	[tilespmem:s21], [sflag:$0x2] =	stream.linear.gather [hbm4b:s0+s3], $0x5000, $0x38;
	[tilespmem:$0x1DA80] =	vst v63  }
0x2b: {  	_ =	swait.ge [sflag:s22], $0x5000  }
0x2c: {  	[sflag:s22] =	ssyncset.done $0x0  }
0x2d: {  	[sflag:s22] =	ssyncadd.s32 $0xFFFFB000  }
0x2e: {  	[spmem:s2] =	stream.indirect.scatter.add.f32 [tilespmem:s19], [sflag:$0x3], $0x80, s3, s23, $0xb8;
	[tilespmem:$0x1DA80] =	vst v63  }
0x2f: {  	_ =	swait.ge [sflag:s18], $0x5000  }
0x30: {  	[sflag:s18] =	ssyncset.done $0x0  }
0x31: {  	[sflag:s18] =	ssyncadd.s32 $0xFFFFB000  }
0x32: {  	[tilespmem:s3], [sflag:$0x3] =	stream.linear.gather [hbm4b:s13+s3], $0xA0, $0x38;
	[tilespmem:$0x1DA80] =	vst v63  }
0x33: {  	_ =	swait.ge [sflag:s18], $0xA0  }
0x34: {  	s31 =	sshrl.u32 s12, $0x3;
	[sflag:s18] =	ssyncset.done $0x0  }
0x35: {  	s26 =	sadd.s32 s4, s31;
	[sflag:s18] =	ssyncadd.s32 $0xFFFFFF60  }
0x36: {  	[tilespmem:s19], [sflag:$0x1] =	stream.linear.gather [hbm4b:s26+s3], $0x5000, $0x38;
	[tilespmem:$0x1DA80] =	vst v63  }
0x37: {  	_ =	swait.ge [sflag:s24], $0x5000  }
0x38: {  	[sflag:s24] =	ssyncset.done $0x0  }
0x39: {  	[sflag:s24] =	ssyncadd.s32 $0xFFFFB000  }
0x3a: {  	[spmem:s2] =	stream.indirect.scatter.add.f32 [tilespmem:s21], [sflag:$0x3], $0x80, s20, s23, $0xb8;
	[tilespmem:$0x1DA80] =	vst v63  }
0x3b: {  	s29 =	simm.s32 $0x1400;
	s30 =	simm.s32 $0x2800;
	_ =	swait.ge [sflag:s18], $0x5000  }
0x3c: {  	s28 =	smov.u32 s12;
	s26 =	sadd.s32 $0x28, s13;
	[sflag:s18] =	ssyncset.done $0x0  }
.LBB2_2:
0x3d: {  	s31 =	sadd.s32 $0xFFFFFFEC, s26  }
0x3e: {  	[sflag:s18] =	ssyncadd.s32 $0xFFFFB000;
	s28 =	sadd.s32 $0xA000, s28;
	s0 =	smov.u32 s30  }
0x3f: {  	[tilespmem:s20], [sflag:$0x3] =	stream.linear.gather [hbm4b:s31+s3], $0xA0, $0x38;
	[tilespmem:$0x1DA80] =	vst v63  }
0x40: {  	p1 =	sne.s32 s30, $0x24400;
	s30 =	sadd.s32 $0x1400, s30;
	_ =	swait.ge [sflag:s18], $0xA0  }
0x41: {  	[sflag:s18] =	ssyncset.done $0x0  }
0x42: {  	s31 =	sadd.s32 s29, s14;
	s29 =	smov.u32 s0;
	[sflag:s18] =	ssyncadd.s32 $0xFFFFFF60  }
0x43: {  	[tilespmem:s21], [sflag:$0x2] =	stream.linear.gather [hbm4b:s31+s3], $0x5000, $0x38;
	[tilespmem:$0x1DA80] =	vst v63  }
0x44: {  	_ =	swait.ge [sflag:s22], $0x5000  }
0x45: {  	[sflag:s22] =	ssyncset.done $0x0  }
0x46: {  	[sflag:s22] =	ssyncadd.s32 $0xFFFFB000  }
0x47: {  	[spmem:s2] =	stream.indirect.scatter.add.f32 [tilespmem:s19], [sflag:$0x3], $0x80, s3, s23, $0xb8;
	[tilespmem:$0x1DA80] =	vst v63  }
0x48: {  	_ =	swait.ge [sflag:s18], $0x5000  }
0x49: {  	[sflag:s18] =	ssyncset.done $0x0  }
0x4a: {  	[sflag:s18] =	ssyncadd.s32 $0xFFFFB000  }
0x4b: {  	[tilespmem:s3], [sflag:$0x3] =	stream.linear.gather [hbm4b:s26+s3], $0xA0, $0x38;
	[tilespmem:$0x1DA80] =	vst v63  }
0x4c: {  	_ =	swait.ge [sflag:s18], $0xA0  }
0x4d: {  	s0 =	sshrl.u32 s28, $0x3;
	[sflag:s18] =	ssyncset.done $0x0  }
0x4e: {  	s0 =	sadd.s32 s4, s0;
	[sflag:s18] =	ssyncadd.s32 $0xFFFFFF60  }
0x4f: {  	[tilespmem:s19], [sflag:$0x1] =	stream.linear.gather [hbm4b:s0+s3], $0x5000, $0x38;
	[tilespmem:$0x1DA80] =	vst v63  }
0x50: {  	_ =	swait.ge [sflag:s24], $0x5000  }
.Ltmp0:
0x51: {  	[sflag:s24] =	ssyncset.done $0x0;
	(pc) =	sbr.rel @p1 .LBB2_2-.Ltmp0, $4  }
0x52: {  	[sflag:s24] =	ssyncadd.s32 $0xFFFFB000  }
0x53: {  	[spmem:s2] =	stream.indirect.scatter.add.f32 [tilespmem:s21], [sflag:$0x3], $0x80, s20, s23, $0xb8;
	[tilespmem:$0x1DA80] =	vst v63  }
0x54: {  	_ =	swait.ge [sflag:s18], $0x5000  }
0x55: {  	s26 =	sadd.s32 $0x28, s26;
	[sflag:s18] =	ssyncset.done $0x0  }
0x56: {  	s0 =	sadd.s32 $0xFFFFFFEC, s26;
	[sflag:s18] =	ssyncadd.s32 $0xFFFFB000  }
0x57: {  	[tilespmem:s20], [sflag:$0x3] =	stream.linear.gather [hbm4b:s0+s3], $0xA0, $0x38;
	[tilespmem:$0x1DA80] =	vst v63  }
0x58: {  	_ =	swait.ge [sflag:s18], $0xA0  }
0x59: {  	[sflag:s18] =	ssyncset.done $0x0  }
0x5a: {  	s30 =	sadd.s32 s29, s14;
	[sflag:s18] =	ssyncadd.s32 $0xFFFFFF60  }
0x5b: {  	[tilespmem:s21], [sflag:$0x2] =	stream.linear.gather [hbm4b:s30+s3], $0x5000, $0x38;
	[tilespmem:$0x1DA80] =	vst v63  }
0x5c: {  	_ =	swait.ge [sflag:s22], $0x5000  }
0x5d: {  	[sflag:s22] =	ssyncset.done $0x0  }
0x5e: {  	[sflag:s22] =	ssyncadd.s32 $0xFFFFB000  }
0x5f: {  	[spmem:s2] =	stream.indirect.scatter.add.f32 [tilespmem:s19], [sflag:$0x3], $0x80, s3, s23, $0xb8;
	[tilespmem:$0x1DA80] =	vst v63  }
0x60: {  	_ =	swait.ge [sflag:s18], $0x5000  }
0x61: {  	[sflag:s18] =	ssyncset.done $0x0  }
0x62: {  	[sflag:s18] =	ssyncadd.s32 $0xFFFFB000  }
0x63: {  	[tilespmem:s3], [sflag:$0x3] =	stream.linear.gather [hbm4b:s26+s3], $0xA0, $0x38;
	[tilespmem:$0x1DA80] =	vst v63  }
0x64: {  	s31 =	sadd.s32 $0xA000, s28;
	_ =	swait.ge [sflag:s18], $0xA0  }
0x65: {  	s0 =	sshrl.u32 s31, $0x3;
	[sflag:s18] =	ssyncset.done $0x0  }
0x66: {  	s0 =	sadd.s32 s4, s0;
	[sflag:s18] =	ssyncadd.s32 $0xFFFFFF60  }
0x67: {  	[tilespmem:s19], [sflag:$0x1] =	stream.linear.gather [hbm4b:s0+s3], $0x5000, $0x38;
	[tilespmem:$0x1DA80] =	vst v63  }
0x68: {  	_ =	swait.ge [sflag:s24], $0x5000  }
0x69: {  	[sflag:s24] =	ssyncset.done $0x0  }
0x6a: {  	[sflag:s24] =	ssyncadd.s32 $0xFFFFB000  }
0x6b: {  	[spmem:s2] =	stream.indirect.scatter.add.f32 [tilespmem:s21], [sflag:$0x3], $0x80, s20, s23, $0xb8;
	[tilespmem:$0x1DA80] =	vst v63  }
0x6c: {  	_ =	swait.ge [sflag:s18], $0x5000  }
0x6d: {  	[sflag:s18] =	ssyncset.done $0x0  }
0x6e: {  	[sflag:s18] =	ssyncadd.s32 $0xFFFFB000  }
0x6f: {  	_ =	swait.ge [sflag:s22], $0x5000  }
0x70: {  	[sflag:s22] =	ssyncset.done $0x0  }
0x71: {  	[sflag:s22] =	ssyncadd.s32 $0xFFFFB000  }
0x72: {  	[spmem:s2] =	stream.indirect.scatter.add.f32 [tilespmem:s19], [sflag:$0x3], $0x80, s3, s23, $0xb8;
	[tilespmem:$0x1DA80] =	vst v63  }
0x73: {  	_ =	swait.ge [sflag:s18], $0x5000  }
0x74: {  	[sflag:s18] =	ssyncset.done $0x0  }
0x75: {  	[sflag:s18] =	ssyncadd.s32 $0xFFFFB000  }
0x76: {  	s0 =	simm.s32 @p0 $0x1FC3;
	[bflag:$0x0] =	sbarrier.arrive $0xFFFF  }
0x77: {  	[hbm:s10], [sflag:s0] =	dma.local @p0 [spmem:s15], $0x2080  }
0x78: {  	s0 =	simm.s32 @p0 $0x3  }
0x79: {  	s25 =	sadd.s32 $0x1, s25;
	_ =	swait.ge @p0 [sflag:s0], $0x2080  }
0x7a: {  	p1 =	sne.s32 s25, s11;
	[sflag:s0] =	ssyncset.done @p0 $0x0  }
.Ltmp1:
0x7b: {  	[sflag:s0] =	ssyncadd.s32 @p0 $0xFFFFDF80;
	s0 =	simm.s32 @!p0 $0x3;
	(pc) =	sbr.rel @p1 .LBB2_1-.Ltmp1, $4  }
0x7c: {  	[hbm:s9], [sflag:s16] =	dma.local @!p0 [spmem:s17], $0x2780  }
0x7d: {  	_ =	swait.ge @!p0 [sflag:s0], $0x2780  }
0x7e: {  	[sflag:s0] =	ssyncset.done @!p0 $0x0  }
0x7f: {  	[sflag:s0] =	ssyncadd.s32 @!p0 $0xFFFFD880  }
0x80: {  	_ =	sfence.sel $0x180000  }
0x81: {  	[bflag:$0x0] =	sbarrier.arrive $0xFFFF  }
0x82: {  	_ =	strace $0x9000004D  }
0x83: {  	[bflag:$0x2] =	sbarrier.arrive $0xFFFF  }
0x84: {  	p0 =	sne.s32 s1, $0x0;
	s0 =	rddreg [dreg:$0x2]  }
0x85: {  	s0 =	sadd.s32 @!p0 $0x100000, s0  }
0x86: {  	[sflag:s0] =	ssyncadd.tile.s32 @!p0 $0x1;
	_ =	shalt  }
.Lfunc_end2:
_tile_overlayer_lowered:
.L_overlay_start_2:
0x87: {  	(tag) =	ssettag $0x2  }
0x88: {  	s0 =	rddreg [dreg:$0x0];
	s2 =	stileid.u32  }
0x89: {  	s1 =	rddreg [dreg:$0x1];
	p0 =	sne.s32 s2, $0x0  }
0x8a: {  	s3 =	rddreg [dreg:$0x2];
	[bflag:$0x3] =	sbarrier.arrive $0xFFFF;
	s2 =	simm.s32 @!p0 $0x1C03  }
0x8b: {  	[timem:s3], [sflag:s2] =	dma.local @!p0 [hbm:s0], s1  }
0x8c: {  	s0 =	simm.s32 @!p0 $0x3  }
0x8d: {  	_ =	swait.ge @!p0 [sflag:s0], s1  }
0x8e: {  	s1 =	ssub.s32 @!p0 $0x0, s1;
	[sflag:s0] =	ssyncset.done @!p0 $0x0  }
0x8f: {  	[sflag:s0] =	ssyncadd.s32 @!p0 s1  }
0x90: {  	[bflag:$0x3] =	sbarrier.arrive $0xFFFF  }
0x91: {  	_ =	shalt  }

</sc_bundles>
